<compile_context>
chip_gen: v7x
topology: tpu7x:2x2x1
jax: 0.10.2.dev20260603
libtpu: 0.0.44.dev20260713+nightly
codegen_flags: <defaults>
</compile_context>

<pallas_src>
import jax
import jax.numpy as jnp
from jax import lax
from jax.experimental import pallas as pl
from jax.experimental.pallas import tpu as pltpu
from jax.experimental.pallas import tpu_sc as plsc

N_NODES = 10000
N_EDGES = 320000
D = 128
R = 8

NC = 1
NS = 16
NW = NC * NS

CHUNK = 80
RB = 50
NBLK = N_EDGES // (CHUNK * RB * NW)
N_PAD = 10240
NODES_PER_TILE = N_PAD // NS
NODES_LAST = N_NODES - (NS - 1) * NODES_PER_TILE
NBUF = 3


def _mm_body(feat_ref, w_ref, out_ref):
    out_ref[0] = jnp.dot(feat_ref[...], w_ref[0],
                         preferred_element_type=jnp.float32)


def _typed_transform(feat, W):
    BN = 1000
    NB = N_NODES // BN
    return pl.pallas_call(
        _mm_body,
        grid=(NB, R),
        in_specs=[
            pl.BlockSpec((BN, D), lambda n, r: (n, 0)),
            pl.BlockSpec((1, D, D), lambda n, r: (r, 0, 0)),
        ],
        out_specs=pl.BlockSpec((1, BN, D), lambda n, r: (r, n, 0)),
        out_shape=jax.ShapeDtypeStruct((R, N_NODES, D), jnp.float32),
    )(feat, W)


def _sc_body(table, feat, gidx4, dst4, out, gidx_v, dst_v,
             rows_a, rows_b, rows_c, shared_acc,
             gsem_a, gsem_b, gsem_c, ssem_a, ssem_b, ssem_c):
    s = lax.axis_index("s")
    base = s * NODES_PER_TILE
    bufs = (rows_a, rows_b, rows_c)
    gsems = (gsem_a, gsem_b, gsem_c)
    ssems = (ssem_a, ssem_b, ssem_c)

    @pl.when(s < NS - 1)
    def _():
        pltpu.sync_copy(feat.at[pl.ds(base, NODES_PER_TILE)],
                        shared_acc.at[pl.ds(base, NODES_PER_TILE)])

    @pl.when(s == NS - 1)
    def _():
        pltpu.sync_copy(feat.at[pl.ds(base, NODES_LAST)],
                        shared_acc.at[pl.ds(base, NODES_LAST)])

    plsc.subcore_barrier()

    def _block(b, _):
        pltpu.sync_copy(gidx4.at[s, b], gidx_v)
        pltpu.sync_copy(dst4.at[s, b], dst_v)

        g = [None] * RB
        sc = [None] * RB
        for r in range(RB):
            if r >= NBUF:
                sc[r - NBUF].wait()
            g[r] = pltpu.async_copy(table.at[gidx_v.at[r]],
                                    bufs[r % NBUF], gsems[r % NBUF])
            if r >= 1:
                g[r - 1].wait()
                sc[r - 1] = pltpu.async_copy(
                    bufs[(r - 1) % NBUF],
                    shared_acc.at[dst_v.at[r - 1]],
                    ssems[(r - 1) % NBUF], add=True)
        g[RB - 1].wait()
        sc[RB - 1] = pltpu.async_copy(
            bufs[(RB - 1) % NBUF],
            shared_acc.at[dst_v.at[RB - 1]],
            ssems[(RB - 1) % NBUF], add=True)
        for r in range(RB - NBUF, RB):
            sc[r].wait()
        return 0
    lax.fori_loop(0, NBLK, _block, 0)

    plsc.subcore_barrier()

    @pl.when(s < NS - 1)
    def _():
        pltpu.sync_copy(shared_acc.at[pl.ds(base, NODES_PER_TILE)],
                        out.at[pl.ds(base, NODES_PER_TILE)])

    @pl.when(s == NS - 1)
    def _():
        pltpu.sync_copy(shared_acc.at[pl.ds(base, NODES_LAST)],
                        out.at[pl.ds(base, NODES_LAST)])


def _sc_scatter(table2d, feat, gidx4, dst4):
    mesh = plsc.VectorSubcoreMesh(core_axis_name="c", subcore_axis_name="s",
                                  num_cores=NC)
    return pl.kernel(
        _sc_body,
        out_type=jax.ShapeDtypeStruct((N_NODES, D), jnp.float32),
        mesh=mesh,
        scratch_types=[
            pltpu.VMEM((RB, CHUNK), jnp.int32),
            pltpu.VMEM((RB, CHUNK), jnp.int32),
            pltpu.VMEM((CHUNK, D), jnp.float32),
            pltpu.VMEM((CHUNK, D), jnp.float32),
            pltpu.VMEM((CHUNK, D), jnp.float32),
            pltpu.VMEM_SHARED((N_PAD, D), jnp.float32),
            pltpu.SemaphoreType.DMA,
            pltpu.SemaphoreType.DMA,
            pltpu.SemaphoreType.DMA,
            pltpu.SemaphoreType.DMA,
            pltpu.SemaphoreType.DMA,
            pltpu.SemaphoreType.DMA,
        ],
    )(table2d, feat, gidx4, dst4)


@jax.jit
def kernel(feat, edge_index, etypes, W):
    table = _typed_transform(feat, W).reshape(R * N_NODES, D)
    gidx4 = (etypes.astype(jnp.int32) * N_NODES
             + edge_index[0]).reshape(NW, NBLK, RB, CHUNK)
    dst4 = edge_index[1].reshape(NW, NBLK, RB, CHUNK)
    return _sc_scatter(table, feat, gidx4, dst4)

# --- scband reference (transcript-rebuilt; emitter-appended) ---
"""Pipeline reference for scband-rginconv-54400055771236 (READ-ONLY COPY).

The authoritative reference and input builder live on the scoring server;
editing this copy changes nothing except your own understanding.
"""

import jax, jax.numpy as jnp
import numpy as np

N_NODES = 10000
N_EDGES = 320000
D_FEAT = 128
NUM_RELS = 8
EPS = 0.0  # init_eps=0, learn_eps=False (buffer, not a parameter)


def setup_inputs(seed: int = 0) -> dict:
    key = jax.random.key(seed)
    k1, k2, k3, k4 = jax.random.split(key, 4)
    feat = jax.random.normal(k1, (N_NODES, D_FEAT), dtype=jnp.float32)
    edge_index = jax.random.randint(k2, (2, N_EDGES), 0, N_NODES)
    etypes = jax.random.randint(k3, (N_EDGES,), 0, NUM_RELS)
    # TypedLinear(in_feat, in_feat, num_rels) with no regularizer:
    # per-relation weight W[num_rels, in_feat, in_feat]
    W = jax.random.normal(k4, (NUM_RELS, D_FEAT, D_FEAT), dtype=jnp.float32) * 0.05
    return {"feat": feat, "edge_index": edge_index, "etypes": etypes, "W": W}


def reference(feat, edge_index, etypes, W):
    src = edge_index[0]
    dst = edge_index[1]
    # TypedLinear: relation-typed linear transform of source features.
    # Compute per-node transform under every relation, then select per-edge
    # (mathematically identical to W[etypes[e]] @ h_src[e] per edge).
    transformed = jnp.einsum("ni,rio->nro", feat, W)  # [N, R, D]
    m = transformed[src, etypes]  # [E, D] gather: per-edge typed message
    # sum aggregation over destination nodes
    neigh = jax.ops.segment_sum(m, dst, num_segments=feat.shape[0])
    # GIN update: (1 + eps) * h_dst + aggregated neighbors
    rst = (1.0 + EPS) * feat + neigh
    # apply_func=None, activation=None
    return rst

if __name__ == "__main__":
    import jax
    _d = setup_inputs()
    print(jax.jit(kernel)(*tuple(_d.values())))

</pallas_src>

<mosaic_0001>
#map = affine_map<(d0, d1) -> (0, 0)>
#map1 = affine_map<(d0, d1) -> (0, 0, 0, 0)>
module attributes {stable_mosaic.version = 14 : i64} {
  func.func @_sc_body(%arg0: i32, %arg1: i32, %arg2: memref<80000x128xf32, #tpu.memory_space<hbm>>, %arg3: memref<10000x128xf32, #tpu.memory_space<hbm>>, %arg4: memref<16x5x50x80xi32, #tpu.memory_space<hbm>>, %arg5: memref<16x5x50x80xi32, #tpu.memory_space<hbm>>, %arg6: memref<10000x128xf32, #tpu.memory_space<hbm>>, %arg7: memref<50x80xi32, #tpu.memory_space<vmem>>, %arg8: memref<50x80xi32, #tpu.memory_space<vmem>>, %arg9: memref<80x128xf32, #tpu.memory_space<vmem>>, %arg10: memref<80x128xf32, #tpu.memory_space<vmem>>, %arg11: memref<80x128xf32, #tpu.memory_space<vmem>>, %arg12: memref<10240x128xf32, #tpu.memory_space<vmem_shared>>, %arg13: memref<!tpu.dma_semaphore, #tpu.memory_space<semaphore_mem>>, %arg14: memref<!tpu.dma_semaphore, #tpu.memory_space<semaphore_mem>>, %arg15: memref<!tpu.dma_semaphore, #tpu.memory_space<semaphore_mem>>, %arg16: memref<!tpu.dma_semaphore, #tpu.memory_space<semaphore_mem>>, %arg17: memref<!tpu.dma_semaphore, #tpu.memory_space<semaphore_mem>>, %arg18: memref<!tpu.dma_semaphore, #tpu.memory_space<semaphore_mem>>) attributes {dimension_semantics = [#tpu.dimension_semantics<core_parallel>, #tpu.dimension_semantics<subcore_parallel>], iteration_bounds = array<i64: 1, 16>, scalar_prefetch = 0 : i64, scratch_operands = 12 : i64, tpu.core_type = #tpu.core_type<sc_vector_subcore>, window_params = [{transform_indices = #map}, {transform_indices = #map}, {transform_indices = #map1}, {transform_indices = #map1}, {transform_indices = #map}]} {
    %mul3A = arith.constant 640 : i32
    %mul3A_0 = arith.muli %arg1, %mul3A : i32
    %lt3A = arith.constant 15 : i32
    %lt3A_1 = arith.cmpi slt, %arg1, %lt3A : i32
    %convert_element_type3A = arith.extui %lt3A_1 : i1 to i32
    %cond3A = arith.constant 0 : i32
    %cond3A_2 = arith.cmpi ne, %convert_element_type3A, %cond3A : i32
    scf.if %cond3A_2 {
      "tpu.region"() ({
        %run_scoped3A = tpu.sem_alloc : memref<!tpu.dma_semaphore, #tpu.memory_space<semaphore_mem>>
        %dma_start3A = arith.constant 0 : i32
        %dma_start3A_24 = tpu.memref_slice %arg12[%mul3A_0, %dma_start3A] : memref<10240x128xf32, #tpu.memory_space<vmem_shared>> -> memref<640x128xf32, #tpu.memory_space<vmem_shared>>
        %dma_start3A_25 = arith.constant 0 : i32
        %dma_start3A_26 = tpu.memref_slice %arg3[%mul3A_0, %dma_start3A_25] : memref<10000x128xf32, #tpu.memory_space<hbm>> -> memref<640x128xf32, #tpu.memory_space<hbm>>
        tpu.enqueue_dma source(%dma_start3A_26 : memref<640x128xf32, #tpu.memory_space<hbm>>) target(%dma_start3A_24 : memref<640x128xf32, #tpu.memory_space<vmem_shared>>) target_semaphore(%run_scoped3A : memref<!tpu.dma_semaphore, #tpu.memory_space<semaphore_mem>>)
        %dma_wait3A = arith.constant 0 : i32
        %dma_wait3A_27 = tpu.memref_slice %arg12[%mul3A_0, %dma_wait3A] : memref<10240x128xf32, #tpu.memory_space<vmem_shared>> -> memref<640x128xf32, #tpu.memory_space<vmem_shared>>
        %dma_wait3A_28 = arith.constant 0 : i32
        %dma_wait3A_29 = tpu.memref_slice %arg3[%mul3A_0, %dma_wait3A_28] : memref<10000x128xf32, #tpu.memory_space<hbm>> -> memref<640x128xf32, #tpu.memory_space<hbm>>
        tpu.wait_dma2 semaphore(%run_scoped3A : memref<!tpu.dma_semaphore, #tpu.memory_space<semaphore_mem>>) src(%dma_wait3A_29 : memref<640x128xf32, #tpu.memory_space<hbm>>) dst(%dma_wait3A_27 : memref<640x128xf32, #tpu.memory_space<vmem_shared>>)
        tpu.yield
      }) : () -> ()
    } else {
    }
    %eq3A = arith.constant 15 : i32
    %eq3A_3 = arith.cmpi eq, %arg1, %eq3A : i32
    %convert_element_type3A_4 = arith.extui %eq3A_3 : i1 to i32
    %cond3A_5 = arith.constant 0 : i32
    %cond3A_6 = arith.cmpi ne, %convert_element_type3A_4, %cond3A_5 : i32
    scf.if %cond3A_6 {
      "tpu.region"() ({
        %run_scoped3A = tpu.sem_alloc : memref<!tpu.dma_semaphore, #tpu.memory_space<semaphore_mem>>
        %dma_start3A = arith.constant 0 : i32
        %dma_start3A_24 = tpu.memref_slice %arg12[%mul3A_0, %dma_start3A] : memref<10240x128xf32, #tpu.memory_space<vmem_shared>> -> memref<400x128xf32, #tpu.memory_space<vmem_shared>>
        %dma_start3A_25 = arith.constant 0 : i32
        %dma_start3A_26 = tpu.memref_slice %arg3[%mul3A_0, %dma_start3A_25] : memref<10000x128xf32, #tpu.memory_space<hbm>> -> memref<400x128xf32, #tpu.memory_space<hbm>>
        tpu.enqueue_dma source(%dma_start3A_26 : memref<400x128xf32, #tpu.memory_space<hbm>>) target(%dma_start3A_24 : memref<400x128xf32, #tpu.memory_space<vmem_shared>>) target_semaphore(%run_scoped3A : memref<!tpu.dma_semaphore, #tpu.memory_space<semaphore_mem>>)
        %dma_wait3A = arith.constant 0 : i32
        %dma_wait3A_27 = tpu.memref_slice %arg12[%mul3A_0, %dma_wait3A] : memref<10240x128xf32, #tpu.memory_space<vmem_shared>> -> memref<400x128xf32, #tpu.memory_space<vmem_shared>>
        %dma_wait3A_28 = arith.constant 0 : i32
        %dma_wait3A_29 = tpu.memref_slice %arg3[%mul3A_0, %dma_wait3A_28] : memref<10000x128xf32, #tpu.memory_space<hbm>> -> memref<400x128xf32, #tpu.memory_space<hbm>>
        tpu.wait_dma2 semaphore(%run_scoped3A : memref<!tpu.dma_semaphore, #tpu.memory_space<semaphore_mem>>) src(%dma_wait3A_29 : memref<400x128xf32, #tpu.memory_space<hbm>>) dst(%dma_wait3A_27 : memref<400x128xf32, #tpu.memory_space<vmem_shared>>)
        tpu.yield
      }) : () -> ()
    } else {
    }
    %barrier3A = arith.constant 0 : index
    tpu.barrier barrier_id(%barrier3A)
    %scan3A = arith.constant 0 : i32
    %scan3A_7 = arith.constant 0 : i32
    %scan3A_8 = arith.constant 5 : i32
    %scan3A_9 = arith.addi %scan3A_7, %scan3A_8 : i32
    %scan3A_10 = arith.constant 1 : i32
    %scan3A_11 = scf.for %scan3A_24 = %scan3A_7 to %scan3A_9 step %scan3A_10 iter_args(%scan3A_25 = %scan3A) -> (i32)  : i32 {
      "tpu.region"() ({
        %run_scoped3A = tpu.sem_alloc : memref<!tpu.dma_semaphore, #tpu.memory_space<semaphore_mem>>
        %dma_start3A_1425 = arith.constant 0 : i32
        %dma_start3A_1426 = arith.constant 0 : i32
        %dma_start3A_1427 = tpu.memref_slice %arg4[%arg1, %scan3A_24, %dma_start3A_1425, %dma_start3A_1426] : memref<16x5x50x80xi32, #tpu.memory_space<hbm>> -> memref<1x1x50x80xi32, #tpu.memory_space<hbm>>
        %dma_start3A_1428 = tpu.memref_squeeze %dma_start3A_1427 : memref<1x1x50x80xi32, #tpu.memory_space<hbm>> -> memref<50x80xi32, #tpu.memory_space<hbm>>
        %dma_start3A_1429 = arith.constant 0 : i32
        %dma_start3A_1430 = arith.constant 0 : i32
        %dma_start3A_1431 = tpu.memref_slice %arg4[%arg1, %scan3A_24, %dma_start3A_1429, %dma_start3A_1430] : memref<16x5x50x80xi32, #tpu.memory_space<hbm>> -> memref<1x1x50x80xi32, #tpu.memory_space<hbm>>
        %dma_start3A_1432 = tpu.memref_squeeze %dma_start3A_1431 : memref<1x1x50x80xi32, #tpu.memory_space<hbm>> -> memref<50x80xi32, #tpu.memory_space<hbm>>
        tpu.enqueue_dma source(%dma_start3A_1432 : memref<50x80xi32, #tpu.memory_space<hbm>>) target(%arg7 : memref<50x80xi32, #tpu.memory_space<vmem>>) target_semaphore(%run_scoped3A : memref<!tpu.dma_semaphore, #tpu.memory_space<semaphore_mem>>)
        %dma_wait3A_1433 = arith.constant 0 : i32
        %dma_wait3A_1434 = arith.constant 0 : i32
        %dma_wait3A_1435 = tpu.memref_slice %arg4[%arg1, %scan3A_24, %dma_wait3A_1433, %dma_wait3A_1434] : memref<16x5x50x80xi32, #tpu.memory_space<hbm>> -> memref<1x1x50x80xi32, #tpu.memory_space<hbm>>
        %dma_wait3A_1436 = tpu.memref_squeeze %dma_wait3A_1435 : memref<1x1x50x80xi32, #tpu.memory_space<hbm>> -> memref<50x80xi32, #tpu.memory_space<hbm>>
        %dma_wait3A_1437 = arith.constant 0 : i32
        %dma_wait3A_1438 = arith.constant 0 : i32
        %dma_wait3A_1439 = tpu.memref_slice %arg4[%arg1, %scan3A_24, %dma_wait3A_1437, %dma_wait3A_1438] : memref<16x5x50x80xi32, #tpu.memory_space<hbm>> -> memref<1x1x50x80xi32, #tpu.memory_space<hbm>>
        %dma_wait3A_1440 = tpu.memref_squeeze %dma_wait3A_1439 : memref<1x1x50x80xi32, #tpu.memory_space<hbm>> -> memref<50x80xi32, #tpu.memory_space<hbm>>
        tpu.wait_dma2 semaphore(%run_scoped3A : memref<!tpu.dma_semaphore, #tpu.memory_space<semaphore_mem>>) src(%dma_wait3A_1440 : memref<50x80xi32, #tpu.memory_space<hbm>>) dst(%arg7 : memref<50x80xi32, #tpu.memory_space<vmem>>)
        tpu.yield
      }) : () -> ()
      "tpu.region"() ({
        %run_scoped3A = tpu.sem_alloc : memref<!tpu.dma_semaphore, #tpu.memory_space<semaphore_mem>>
        %dma_start3A_1425 = arith.constant 0 : i32
        %dma_start3A_1426 = arith.constant 0 : i32
        %dma_start3A_1427 = tpu.memref_slice %arg5[%arg1, %scan3A_24, %dma_start3A_1425, %dma_start3A_1426] : memref<16x5x50x80xi32, #tpu.memory_space<hbm>> -> memref<1x1x50x80xi32, #tpu.memory_space<hbm>>
        %dma_start3A_1428 = tpu.memref_squeeze %dma_start3A_1427 : memref<1x1x50x80xi32, #tpu.memory_space<hbm>> -> memref<50x80xi32, #tpu.memory_space<hbm>>
        %dma_start3A_1429 = arith.constant 0 : i32
        %dma_start3A_1430 = arith.constant 0 : i32
        %dma_start3A_1431 = tpu.memref_slice %arg5[%arg1, %scan3A_24, %dma_start3A_1429, %dma_start3A_1430] : memref<16x5x50x80xi32, #tpu.memory_space<hbm>> -> memref<1x1x50x80xi32, #tpu.memory_space<hbm>>
        %dma_start3A_1432 = tpu.memref_squeeze %dma_start3A_1431 : memref<1x1x50x80xi32, #tpu.memory_space<hbm>> -> memref<50x80xi32, #tpu.memory_space<hbm>>
        tpu.enqueue_dma source(%dma_start3A_1432 : memref<50x80xi32, #tpu.memory_space<hbm>>) target(%arg8 : memref<50x80xi32, #tpu.memory_space<vmem>>) target_semaphore(%run_scoped3A : memref<!tpu.dma_semaphore, #tpu.memory_space<semaphore_mem>>)
        %dma_wait3A_1433 = arith.constant 0 : i32
        %dma_wait3A_1434 = arith.constant 0 : i32
        %dma_wait3A_1435 = tpu.memref_slice %arg5[%arg1, %scan3A_24, %dma_wait3A_1433, %dma_wait3A_1434] : memref<16x5x50x80xi32, #tpu.memory_space<hbm>> -> memref<1x1x50x80xi32, #tpu.memory_space<hbm>>
        %dma_wait3A_1436 = tpu.memref_squeeze %dma_wait3A_1435 : memref<1x1x50x80xi32, #tpu.memory_space<hbm>> -> memref<50x80xi32, #tpu.memory_space<hbm>>
        %dma_wait3A_1437 = arith.constant 0 : i32
        %dma_wait3A_1438 = arith.constant 0 : i32
        %dma_wait3A_1439 = tpu.memref_slice %arg5[%arg1, %scan3A_24, %dma_wait3A_1437, %dma_wait3A_1438] : memref<16x5x50x80xi32, #tpu.memory_space<hbm>> -> memref<1x1x50x80xi32, #tpu.memory_space<hbm>>
        %dma_wait3A_1440 = tpu.memref_squeeze %dma_wait3A_1439 : memref<1x1x50x80xi32, #tpu.memory_space<hbm>> -> memref<50x80xi32, #tpu.memory_space<hbm>>
        tpu.wait_dma2 semaphore(%run_scoped3A : memref<!tpu.dma_semaphore, #tpu.memory_space<semaphore_mem>>) src(%dma_wait3A_1440 : memref<50x80xi32, #tpu.memory_space<hbm>>) dst(%arg8 : memref<50x80xi32, #tpu.memory_space<vmem>>)
        tpu.yield
      }) : () -> ()
      %dma_start3A = arith.constant 0 : i32
      %dma_start3A_26 = arith.constant 0 : i32
      %dma_start3A_27 = tpu.memref_slice %arg7[%dma_start3A, %dma_start3A_26] : memref<50x80xi32, #tpu.memory_space<vmem>> -> memref<1x80xi32, #tpu.memory_space<vmem>>
      %dma_start3A_28 = tpu.memref_squeeze %dma_start3A_27 : memref<1x80xi32, #tpu.memory_space<vmem>> -> memref<80xi32, #tpu.memory_space<vmem>>
      %dma_start3A_29 = arith.constant 0 : i32
      %dma_start3A_30 = arith.constant 0 : i32
      %dma_start3A_31 = tpu.memref_slice %arg2[%dma_start3A_29, %dma_start3A_30] : memref<80000x128xf32, #tpu.memory_space<hbm>> -> memref<80000x128xf32, #tpu.memory_space<hbm>>
      tpu.enqueue_indirect_dma source(%dma_start3A_31 : memref<80000x128xf32, #tpu.memory_space<hbm>>) target(%arg9 : memref<80x128xf32, #tpu.memory_space<vmem>>) offsets(%dma_start3A_28 : memref<80xi32, #tpu.memory_space<vmem>>) semaphore(%arg13 : memref<!tpu.dma_semaphore, #tpu.memory_space<semaphore_mem>>)
      %dma_start3A_32 = arith.constant 1 : i32
      %dma_start3A_33 = arith.constant 0 : i32
      %dma_start3A_34 = tpu.memref_slice %arg7[%dma_start3A_32, %dma_start3A_33] : memref<50x80xi32, #tpu.memory_space<vmem>> -> memref<1x80xi32, #tpu.memory_space<vmem>>
      %dma_start3A_35 = tpu.memref_squeeze %dma_start3A_34 : memref<1x80xi32, #tpu.memory_space<vmem>> -> memref<80xi32, #tpu.memory_space<vmem>>
      %dma_start3A_36 = arith.constant 0 : i32
      %dma_start3A_37 = arith.constant 0 : i32
      %dma_start3A_38 = tpu.memref_slice %arg2[%dma_start3A_36, %dma_start3A_37] : memref<80000x128xf32, #tpu.memory_space<hbm>> -> memref<80000x128xf32, #tpu.memory_space<hbm>>
      tpu.enqueue_indirect_dma source(%dma_start3A_38 : memref<80000x128xf32, #tpu.memory_space<hbm>>) target(%arg10 : memref<80x128xf32, #tpu.memory_space<vmem>>) offsets(%dma_start3A_35 : memref<80xi32, #tpu.memory_space<vmem>>) semaphore(%arg14 : memref<!tpu.dma_semaphore, #tpu.memory_space<semaphore_mem>>)
      %dma_wait3A = arith.constant 0 : i32
      %dma_wait3A_39 = arith.constant 0 : i32
      %dma_wait3A_40 = tpu.memref_slice %arg7[%dma_wait3A, %dma_wait3A_39] : memref<50x80xi32, #tpu.memory_space<vmem>> -> memref<1x80xi32, #tpu.memory_space<vmem>>
      %dma_wait3A_41 = tpu.memref_squeeze %dma_wait3A_40 : memref<1x80xi32, #tpu.memory_space<vmem>> -> memref<80xi32, #tpu.memory_space<vmem>>
      %dma_wait3A_42 = arith.constant 0 : i32
      %dma_wait3A_43 = arith.constant 0 : i32
      %dma_wait3A_44 = tpu.memref_slice %arg2[%dma_wait3A_42, %dma_wait3A_43] : memref<80000x128xf32, #tpu.memory_space<hbm>> -> memref<80000x128xf32, #tpu.memory_space<hbm>>
      tpu.wait_indirect_dma semaphore(%arg13 : memref<!tpu.dma_semaphore, #tpu.memory_space<semaphore_mem>>) src(%dma_wait3A_44 : memref<80000x128xf32, #tpu.memory_space<hbm>>) dst(%arg9 : memref<80x128xf32, #tpu.memory_space<vmem>>)
      %dma_start3A_45 = arith.constant 0 : i32
      %dma_start3A_46 = arith.constant 0 : i32
      %dma_start3A_47 = tpu.memref_slice %arg8[%dma_start3A_45, %dma_start3A_46] : memref<50x80xi32, #tpu.memory_space<vmem>> -> memref<1x80xi32, #tpu.memory_space<vmem>>
      %dma_start3A_48 = tpu.memref_squeeze %dma_start3A_47 : memref<1x80xi32, #tpu.memory_space<vmem>> -> memref<80xi32, #tpu.memory_space<vmem>>
      %dma_start3A_49 = arith.constant 0 : i32
      %dma_start3A_50 = arith.constant 0 : i32
      %dma_start3A_51 = tpu.memref_slice %arg12[%dma_start3A_49, %dma_start3A_50] : memref<10240x128xf32, #tpu.memory_space<vmem_shared>> -> memref<10240x128xf32, #tpu.memory_space<vmem_shared>>
      tpu.enqueue_indirect_dma source(%arg9 : memref<80x128xf32, #tpu.memory_space<vmem>>) target(%dma_start3A_51 : memref<10240x128xf32, #tpu.memory_space<vmem_shared>>) offsets(%dma_start3A_48 : memref<80xi32, #tpu.memory_space<vmem>>) semaphore(%arg16 : memref<!tpu.dma_semaphore, #tpu.memory_space<semaphore_mem>>) {add = true}
      %dma_start3A_52 = arith.constant 2 : i32
      %dma_start3A_53 = arith.constant 0 : i32
      %dma_start3A_54 = tpu.memref_slice %arg7[%dma_start3A_52, %dma_start3A_53] : memref<50x80xi32, #tpu.memory_space<vmem>> -> memref<1x80xi32, #tpu.memory_space<vmem>>
      %dma_start3A_55 = tpu.memref_squeeze %dma_start3A_54 : memref<1x80xi32, #tpu.memory_space<vmem>> -> memref<80xi32, #tpu.memory_space<vmem>>
      %dma_start3A_56 = arith.constant 0 : i32
      %dma_start3A_57 = arith.constant 0 : i32
      %dma_start3A_58 = tpu.memref_slice %arg2[%dma_start3A_56, %dma_start3A_57] : memref<80000x128xf32, #tpu.memory_space<hbm>> -> memref<80000x128xf32, #tpu.memory_space<hbm>>
      tpu.enqueue_indirect_dma source(%dma_start3A_58 : memref<80000x128xf32, #tpu.memory_space<hbm>>) target(%arg11 : memref<80x128xf32, #tpu.memory_space<vmem>>) offsets(%dma_start3A_55 : memref<80xi32, #tpu.memory_space<vmem>>) semaphore(%arg15 : memref<!tpu.dma_semaphore, #tpu.memory_space<semaphore_mem>>)
      %dma_wait3A_59 = arith.constant 1 : i32
      %dma_wait3A_60 = arith.constant 0 : i32
      %dma_wait3A_61 = tpu.memref_slice %arg7[%dma_wait3A_59, %dma_wait3A_60] : memref<50x80xi32, #tpu.memory_space<vmem>> -> memref<1x80xi32, #tpu.memory_space<vmem>>
      %dma_wait3A_62 = tpu.memref_squeeze %dma_wait3A_61 : memref<1x80xi32, #tpu.memory_space<vmem>> -> memref<80xi32, #tpu.memory_space<vmem>>
      %dma_wait3A_63 = arith.constant 0 : i32
      %dma_wait3A_64 = arith.constant 0 : i32
      %dma_wait3A_65 = tpu.memref_slice %arg2[%dma_wait3A_63, %dma_wait3A_64] : memref<80000x128xf32, #tpu.memory_space<hbm>> -> memref<80000x128xf32, #tpu.memory_space<hbm>>
      tpu.wait_indirect_dma semaphore(%arg14 : memref<!tpu.dma_semaphore, #tpu.memory_space<semaphore_mem>>) src(%dma_wait3A_65 : memref<80000x128xf32, #tpu.memory_space<hbm>>) dst(%arg10 : memref<80x128xf32, #tpu.memory_space<vmem>>)
      %dma_start3A_66 = arith.constant 1 : i32
      %dma_start3A_67 = arith.constant 0 : i32
      %dma_start3A_68 = tpu.memref_slice %arg8[%dma_start3A_66, %dma_start3A_67] : memref<50x80xi32, #tpu.memory_space<vmem>> -> memref<1x80xi32, #tpu.memory_space<vmem>>
      %dma_start3A_69 = tpu.memref_squeeze %dma_start3A_68 : memref<1x80xi32, #tpu.memory_space<vmem>> -> memref<80xi32, #tpu.memory_space<vmem>>
      %dma_start3A_70 = arith.constant 0 : i32
      %dma_start3A_71 = arith.constant 0 : i32
      %dma_start3A_72 = tpu.memref_slice %arg12[%dma_start3A_70, %dma_start3A_71] : memref<10240x128xf32, #tpu.memory_space<vmem_shared>> -> memref<10240x128xf32, #tpu.memory_space<vmem_shared>>
      tpu.enqueue_indirect_dma source(%arg10 : memref<80x128xf32, #tpu.memory_space<vmem>>) target(%dma_start3A_72 : memref<10240x128xf32, #tpu.memory_space<vmem_shared>>) offsets(%dma_start3A_69 : memref<80xi32, #tpu.memory_space<vmem>>) semaphore(%arg17 : memref<!tpu.dma_semaphore, #tpu.memory_space<semaphore_mem>>) {add = true}
      %dma_wait3A_73 = arith.constant 0 : i32
      %dma_wait3A_74 = arith.constant 0 : i32
      %dma_wait3A_75 = tpu.memref_slice %arg8[%dma_wait3A_73, %dma_wait3A_74] : memref<50x80xi32, #tpu.memory_space<vmem>> -> memref<1x80xi32, #tpu.memory_space<vmem>>
      %dma_wait3A_76 = tpu.memref_squeeze %dma_wait3A_75 : memref<1x80xi32, #tpu.memory_space<vmem>> -> memref<80xi32, #tpu.memory_space<vmem>>
      %dma_wait3A_77 = arith.constant 0 : i32
      %dma_wait3A_78 = arith.constant 0 : i32
      %dma_wait3A_79 = tpu.memref_slice %arg12[%dma_wait3A_77, %dma_wait3A_78] : memref<10240x128xf32, #tpu.memory_space<vmem_shared>> -> memref<10240x128xf32, #tpu.memory_space<vmem_shared>>
      tpu.wait_indirect_dma semaphore(%arg16 : memref<!tpu.dma_semaphore, #tpu.memory_space<semaphore_mem>>) src(%arg9 : memref<80x128xf32, #tpu.memory_space<vmem>>) dst(%dma_wait3A_79 : memref<10240x128xf32, #tpu.memory_space<vmem_shared>>)
      %dma_start3A_80 = arith.constant 3 : i32
      %dma_start3A_81 = arith.constant 0 : i32
      %dma_start3A_82 = tpu.memref_slice %arg7[%dma_start3A_80, %dma_start3A_81] : memref<50x80xi32, #tpu.memory_space<vmem>> -> memref<1x80xi32, #tpu.memory_space<vmem>>
      %dma_start3A_83 = tpu.memref_squeeze %dma_start3A_82 : memref<1x80xi32, #tpu.memory_space<vmem>> -> memref<80xi32, #tpu.memory_space<vmem>>
      %dma_start3A_84 = arith.constant 0 : i32
      %dma_start3A_85 = arith.constant 0 : i32
      %dma_start3A_86 = tpu.memref_slice %arg2[%dma_start3A_84, %dma_start3A_85] : memref<80000x128xf32, #tpu.memory_space<hbm>> -> memref<80000x128xf32, #tpu.memory_space<hbm>>
      tpu.enqueue_indirect_dma source(%dma_start3A_86 : memref<80000x128xf32, #tpu.memory_space<hbm>>) target(%arg9 : memref<80x128xf32, #tpu.memory_space<vmem>>) offsets(%dma_start3A_83 : memref<80xi32, #tpu.memory_space<vmem>>) semaphore(%arg13 : memref<!tpu.dma_semaphore, #tpu.memory_space<semaphore_mem>>)
      %dma_wait3A_87 = arith.constant 2 : i32
      %dma_wait3A_88 = arith.constant 0 : i32
      %dma_wait3A_89 = tpu.memref_slice %arg7[%dma_wait3A_87, %dma_wait3A_88] : memref<50x80xi32, #tpu.memory_space<vmem>> -> memref<1x80xi32, #tpu.memory_space<vmem>>
      %dma_wait3A_90 = tpu.memref_squeeze %dma_wait3A_89 : memref<1x80xi32, #tpu.memory_space<vmem>> -> memref<80xi32, #tpu.memory_space<vmem>>
      %dma_wait3A_91 = arith.constant 0 : i32
      %dma_wait3A_92 = arith.constant 0 : i32
      %dma_wait3A_93 = tpu.memref_slice %arg2[%dma_wait3A_91, %dma_wait3A_92] : memref<80000x128xf32, #tpu.memory_space<hbm>> -> memref<80000x128xf32, #tpu.memory_space<hbm>>
      tpu.wait_indirect_dma semaphore(%arg15 : memref<!tpu.dma_semaphore, #tpu.memory_space<semaphore_mem>>) src(%dma_wait3A_93 : memref<80000x128xf32, #tpu.memory_space<hbm>>) dst(%arg11 : memref<80x128xf32, #tpu.memory_space<vmem>>)
      %dma_start3A_94 = arith.constant 2 : i32
      %dma_start3A_95 = arith.constant 0 : i32
      %dma_start3A_96 = tpu.memref_slice %arg8[%dma_start3A_94, %dma_start3A_95] : memref<50x80xi32, #tpu.memory_space<vmem>> -> memref<1x80xi32, #tpu.memory_space<vmem>>
      %dma_start3A_97 = tpu.memref_squeeze %dma_start3A_96 : memref<1x80xi32, #tpu.memory_space<vmem>> -> memref<80xi32, #tpu.memory_space<vmem>>
      %dma_start3A_98 = arith.constant 0 : i32
      %dma_start3A_99 = arith.constant 0 : i32
      %dma_start3A_100 = tpu.memref_slice %arg12[%dma_start3A_98, %dma_start3A_99] : memref<10240x128xf32, #tpu.memory_space<vmem_shared>> -> memref<10240x128xf32, #tpu.memory_space<vmem_shared>>
      tpu.enqueue_indirect_dma source(%arg11 : memref<80x128xf32, #tpu.memory_space<vmem>>) target(%dma_start3A_100 : memref<10240x128xf32, #tpu.memory_space<vmem_shared>>) offsets(%dma_start3A_97 : memref<80xi32, #tpu.memory_space<vmem>>) semaphore(%arg18 : memref<!tpu.dma_semaphore, #tpu.memory_space<semaphore_mem>>) {add = true}
      %dma_wait3A_101 = arith.constant 1 : i32
      %dma_wait3A_102 = arith.constant 0 : i32
      %dma_wait3A_103 = tpu.memref_slice %arg8[%dma_wait3A_101, %dma_wait3A_102] : memref<50x80xi32, #tpu.memory_space<vmem>> -> memref<1x80xi32, #tpu.memory_space<vmem>>
      %dma_wait3A_104 = tpu.memref_squeeze %dma_wait3A_103 : memref<1x80xi32, #tpu.memory_space<vmem>> -> memref<80xi32, #tpu.memory_space<vmem>>
      %dma_wait3A_105 = arith.constant 0 : i32
      %dma_wait3A_106 = arith.constant 0 : i32
      %dma_wait3A_107 = tpu.memref_slice %arg12[%dma_wait3A_105, %dma_wait3A_106] : memref<10240x128xf32, #tpu.memory_space<vmem_shared>> -> memref<10240x128xf32, #tpu.memory_space<vmem_shared>>
      tpu.wait_indirect_dma semaphore(%arg17 : memref<!tpu.dma_semaphore, #tpu.memory_space<semaphore_mem>>) src(%arg10 : memref<80x128xf32, #tpu.memory_space<vmem>>) dst(%dma_wait3A_107 : memref<10240x128xf32, #tpu.memory_space<vmem_shared>>)
      %dma_start3A_108 = arith.constant 4 : i32
      %dma_start3A_109 = arith.constant 0 : i32
      %dma_start3A_110 = tpu.memref_slice %arg7[%dma_start3A_108, %dma_start3A_109] : memref<50x80xi32, #tpu.memory_space<vmem>> -> memref<1x80xi32, #tpu.memory_space<vmem>>
      %dma_start3A_111 = tpu.memref_squeeze %dma_start3A_110 : memref<1x80xi32, #tpu.memory_space<vmem>> -> memref<80xi32, #tpu.memory_space<vmem>>
      %dma_start3A_112 = arith.constant 0 : i32
      %dma_start3A_113 = arith.constant 0 : i32
      %dma_start3A_114 = tpu.memref_slice %arg2[%dma_start3A_112, %dma_start3A_113] : memref<80000x128xf32, #tpu.memory_space<hbm>> -> memref<80000x128xf32, #tpu.memory_space<hbm>>
      tpu.enqueue_indirect_dma source(%dma_start3A_114 : memref<80000x128xf32, #tpu.memory_space<hbm>>) target(%arg10 : memref<80x128xf32, #tpu.memory_space<vmem>>) offsets(%dma_start3A_111 : memref<80xi32, #tpu.memory_space<vmem>>) semaphore(%arg14 : memref<!tpu.dma_semaphore, #tpu.memory_space<semaphore_mem>>)
      %dma_wait3A_115 = arith.constant 3 : i32
      %dma_wait3A_116 = arith.constant 0 : i32
      %dma_wait3A_117 = tpu.memref_slice %arg7[%dma_wait3A_115, %dma_wait3A_116] : memref<50x80xi32, #tpu.memory_space<vmem>> -> memref<1x80xi32, #tpu.memory_space<vmem>>
      %dma_wait3A_118 = tpu.memref_squeeze %dma_wait3A_117 : memref<1x80xi32, #tpu.memory_space<vmem>> -> memref<80xi32, #tpu.memory_space<vmem>>
      %dma_wait3A_119 = arith.constant 0 : i32
      %dma_wait3A_120 = arith.constant 0 : i32
      %dma_wait3A_121 = tpu.memref_slice %arg2[%dma_wait3A_119, %dma_wait3A_120] : memref<80000x128xf32, #tpu.memory_space<hbm>> -> memref<80000x128xf32, #tpu.memory_space<hbm>>
      tpu.wait_indirect_dma semaphore(%arg13 : memref<!tpu.dma_semaphore, #tpu.memory_space<semaphore_mem>>) src(%dma_wait3A_121 : memref<80000x128xf32, #tpu.memory_space<hbm>>) dst(%arg9 : memref<80x128xf32, #tpu.memory_space<vmem>>)
      %dma_start3A_122 = arith.constant 3 : i32
      %dma_start3A_123 = arith.constant 0 : i32
      %dma_start3A_124 = tpu.memref_slice %arg8[%dma_start3A_122, %dma_start3A_123] : memref<50x80xi32, #tpu.memory_space<vmem>> -> memref<1x80xi32, #tpu.memory_space<vmem>>
      %dma_start3A_125 = tpu.memref_squeeze %dma_start3A_124 : memref<1x80xi32, #tpu.memory_space<vmem>> -> memref<80xi32, #tpu.memory_space<vmem>>
      %dma_start3A_126 = arith.constant 0 : i32
      %dma_start3A_127 = arith.constant 0 : i32
      %dma_start3A_128 = tpu.memref_slice %arg12[%dma_start3A_126, %dma_start3A_127] : memref<10240x128xf32, #tpu.memory_space<vmem_shared>> -> memref<10240x128xf32, #tpu.memory_space<vmem_shared>>
      tpu.enqueue_indirect_dma source(%arg9 : memref<80x128xf32, #tpu.memory_space<vmem>>) target(%dma_start3A_128 : memref<10240x128xf32, #tpu.memory_space<vmem_shared>>) offsets(%dma_start3A_125 : memref<80xi32, #tpu.memory_space<vmem>>) semaphore(%arg16 : memref<!tpu.dma_semaphore, #tpu.memory_space<semaphore_mem>>) {add = true}
      %dma_wait3A_129 = arith.constant 2 : i32
      %dma_wait3A_130 = arith.constant 0 : i32
      %dma_wait3A_131 = tpu.memref_slice %arg8[%dma_wait3A_129, %dma_wait3A_130] : memref<50x80xi32, #tpu.memory_space<vmem>> -> memref<1x80xi32, #tpu.memory_space<vmem>>
      %dma_wait3A_132 = tpu.memref_squeeze %dma_wait3A_131 : memref<1x80xi32, #tpu.memory_space<vmem>> -> memref<80xi32, #tpu.memory_space<vmem>>
      %dma_wait3A_133 = arith.constant 0 : i32
      %dma_wait3A_134 = arith.constant 0 : i32
      %dma_wait3A_135 = tpu.memref_slice %arg12[%dma_wait3A_133, %dma_wait3A_134] : memref<10240x128xf32, #tpu.memory_space<vmem_shared>> -> memref<10240x128xf32, #tpu.memory_space<vmem_shared>>
      tpu.wait_indirect_dma semaphore(%arg18 : memref<!tpu.dma_semaphore, #tpu.memory_space<semaphore_mem>>) src(%arg11 : memref<80x128xf32, #tpu.memory_space<vmem>>) dst(%dma_wait3A_135 : memref<10240x128xf32, #tpu.memory_space<vmem_shared>>)
      %dma_start3A_136 = arith.constant 5 : i32
      %dma_start3A_137 = arith.constant 0 : i32
      %dma_start3A_138 = tpu.memref_slice %arg7[%dma_start3A_136, %dma_start3A_137] : memref<50x80xi32, #tpu.memory_space<vmem>> -> memref<1x80xi32, #tpu.memory_space<vmem>>
      %dma_start3A_139 = tpu.memref_squeeze %dma_start3A_138 : memref<1x80xi32, #tpu.memory_space<vmem>> -> memref<80xi32, #tpu.memory_space<vmem>>
      %dma_start3A_140 = arith.constant 0 : i32
      %dma_start3A_141 = arith.constant 0 : i32
      %dma_start3A_142 = tpu.memref_slice %arg2[%dma_start3A_140, %dma_start3A_141] : memref<80000x128xf32, #tpu.memory_space<hbm>> -> memref<80000x128xf32, #tpu.memory_space<hbm>>
      tpu.enqueue_indirect_dma source(%dma_start3A_142 : memref<80000x128xf32, #tpu.memory_space<hbm>>) target(%arg11 : memref<80x128xf32, #tpu.memory_space<vmem>>) offsets(%dma_start3A_139 : memref<80xi32, #tpu.memory_space<vmem>>) semaphore(%arg15 : memref<!tpu.dma_semaphore, #tpu.memory_space<semaphore_mem>>)
      %dma_wait3A_143 = arith.constant 4 : i32
      %dma_wait3A_144 = arith.constant 0 : i32
      %dma_wait3A_145 = tpu.memref_slice %arg7[%dma_wait3A_143, %dma_wait3A_144] : memref<50x80xi32, #tpu.memory_space<vmem>> -> memref<1x80xi32, #tpu.memory_space<vmem>>
      %dma_wait3A_146 = tpu.memref_squeeze %dma_wait3A_145 : memref<1x80xi32, #tpu.memory_space<vmem>> -> memref<80xi32, #tpu.memory_space<vmem>>
      %dma_wait3A_147 = arith.constant 0 : i32
      %dma_wait3A_148 = arith.constant 0 : i32
      %dma_wait3A_149 = tpu.memref_slice %arg2[%dma_wait3A_147, %dma_wait3A_148] : memref<80000x128xf32, #tpu.memory_space<hbm>> -> memref<80000x128xf32, #tpu.memory_space<hbm>>
      tpu.wait_indirect_dma semaphore(%arg14 : memref<!tpu.dma_semaphore, #tpu.memory_space<semaphore_mem>>) src(%dma_wait3A_149 : memref<80000x128xf32, #tpu.memory_space<hbm>>) dst(%arg10 : memref<80x128xf32, #tpu.memory_space<vmem>>)
      %dma_start3A_150 = arith.constant 4 : i32
      %dma_start3A_151 = arith.constant 0 : i32
      %dma_start3A_152 = tpu.memref_slice %arg8[%dma_start3A_150, %dma_start3A_151] : memref<50x80xi32, #tpu.memory_space<vmem>> -> memref<1x80xi32, #tpu.memory_space<vmem>>
      %dma_start3A_153 = tpu.memref_squeeze %dma_start3A_152 : memref<1x80xi32, #tpu.memory_space<vmem>> -> memref<80xi32, #tpu.memory_space<vmem>>
      %dma_start3A_154 = arith.constant 0 : i32
      %dma_start3A_155 = arith.constant 0 : i32
      %dma_start3A_156 = tpu.memref_slice %arg12[%dma_start3A_154, %dma_start3A_155] : memref<10240x128xf32, #tpu.memory_space<vmem_shared>> -> memref<10240x128xf32, #tpu.memory_space<vmem_shared>>
      tpu.enqueue_indirect_dma source(%arg10 : memref<80x128xf32, #tpu.memory_space<vmem>>) target(%dma_start3A_156 : memref<10240x128xf32, #tpu.memory_space<vmem_shared>>) offsets(%dma_start3A_153 : memref<80xi32, #tpu.memory_space<vmem>>) semaphore(%arg17 : memref<!tpu.dma_semaphore, #tpu.memory_space<semaphore_mem>>) {add = true}
      %dma_wait3A_157 = arith.constant 3 : i32
      %dma_wait3A_158 = arith.constant 0 : i32
      %dma_wait3A_159 = tpu.memref_slice %arg8[%dma_wait3A_157, %dma_wait3A_158] : memref<50x80xi32, #tpu.memory_space<vmem>> -> memref<1x80xi32, #tpu.memory_space<vmem>>
      %dma_wait3A_160 = tpu.memref_squeeze %dma_wait3A_159 : memref<1x80xi32, #tpu.memory_space<vmem>> -> memref<80xi32, #tpu.memory_space<vmem>>
      %dma_wait3A_161 = arith.constant 0 : i32
      %dma_wait3A_162 = arith.constant 0 : i32
      %dma_wait3A_163 = tpu.memref_slice %arg12[%dma_wait3A_161, %dma_wait3A_162] : memref<10240x128xf32, #tpu.memory_space<vmem_shared>> -> memref<10240x128xf32, #tpu.memory_space<vmem_shared>>
      tpu.wait_indirect_dma semaphore(%arg16 : memref<!tpu.dma_semaphore, #tpu.memory_space<semaphore_mem>>) src(%arg9 : memref<80x128xf32, #tpu.memory_space<vmem>>) dst(%dma_wait3A_163 : memref<10240x128xf32, #tpu.memory_space<vmem_shared>>)
      %dma_start3A_164 = arith.constant 6 : i32
      %dma_start3A_165 = arith.constant 0 : i32
      %dma_start3A_166 = tpu.memref_slice %arg7[%dma_start3A_164, %dma_start3A_165] : memref<50x80xi32, #tpu.memory_space<vmem>> -> memref<1x80xi32, #tpu.memory_space<vmem>>
      %dma_start3A_167 = tpu.memref_squeeze %dma_start3A_166 : memref<1x80xi32, #tpu.memory_space<vmem>> -> memref<80xi32, #tpu.memory_space<vmem>>
      %dma_start3A_168 = arith.constant 0 : i32
      %dma_start3A_169 = arith.constant 0 : i32
      %dma_start3A_170 = tpu.memref_slice %arg2[%dma_start3A_168, %dma_start3A_169] : memref<80000x128xf32, #tpu.memory_space<hbm>> -> memref<80000x128xf32, #tpu.memory_space<hbm>>
      tpu.enqueue_indirect_dma source(%dma_start3A_170 : memref<80000x128xf32, #tpu.memory_space<hbm>>) target(%arg9 : memref<80x128xf32, #tpu.memory_space<vmem>>) offsets(%dma_start3A_167 : memref<80xi32, #tpu.memory_space<vmem>>) semaphore(%arg13 : memref<!tpu.dma_semaphore, #tpu.memory_space<semaphore_mem>>)
      %dma_wait3A_171 = arith.constant 5 : i32
      %dma_wait3A_172 = arith.constant 0 : i32
      %dma_wait3A_173 = tpu.memref_slice %arg7[%dma_wait3A_171, %dma_wait3A_172] : memref<50x80xi32, #tpu.memory_space<vmem>> -> memref<1x80xi32, #tpu.memory_space<vmem>>
      %dma_wait3A_174 = tpu.memref_squeeze %dma_wait3A_173 : memref<1x80xi32, #tpu.memory_space<vmem>> -> memref<80xi32, #tpu.memory_space<vmem>>
      %dma_wait3A_175 = arith.constant 0 : i32
      %dma_wait3A_176 = arith.constant 0 : i32
      %dma_wait3A_177 = tpu.memref_slice %arg2[%dma_wait3A_175, %dma_wait3A_176] : memref<80000x128xf32, #tpu.memory_space<hbm>> -> memref<80000x128xf32, #tpu.memory_space<hbm>>
      tpu.wait_indirect_dma semaphore(%arg15 : memref<!tpu.dma_semaphore, #tpu.memory_space<semaphore_mem>>) src(%dma_wait3A_177 : memref<80000x128xf32, #tpu.memory_space<hbm>>) dst(%arg11 : memref<80x128xf32, #tpu.memory_space<vmem>>)
      %dma_start3A_178 = arith.constant 5 : i32
      %dma_start3A_179 = arith.constant 0 : i32
      %dma_start3A_180 = tpu.memref_slice %arg8[%dma_start3A_178, %dma_start3A_179] : memref<50x80xi32, #tpu.memory_space<vmem>> -> memref<1x80xi32, #tpu.memory_space<vmem>>
      %dma_start3A_181 = tpu.memref_squeeze %dma_start3A_180 : memref<1x80xi32, #tpu.memory_space<vmem>> -> memref<80xi32, #tpu.memory_space<vmem>>
      %dma_start3A_182 = arith.constant 0 : i32
      %dma_start3A_183 = arith.constant 0 : i32
      %dma_start3A_184 = tpu.memref_slice %arg12[%dma_start3A_182, %dma_start3A_183] : memref<10240x128xf32, #tpu.memory_space<vmem_shared>> -> memref<10240x128xf32, #tpu.memory_space<vmem_shared>>
      tpu.enqueue_indirect_dma source(%arg11 : memref<80x128xf32, #tpu.memory_space<vmem>>) target(%dma_start3A_184 : memref<10240x128xf32, #tpu.memory_space<vmem_shared>>) offsets(%dma_start3A_181 : memref<80xi32, #tpu.memory_space<vmem>>) semaphore(%arg18 : memref<!tpu.dma_semaphore, #tpu.memory_space<semaphore_mem>>) {add = true}
      %dma_wait3A_185 = arith.constant 4 : i32
      %dma_wait3A_186 = arith.constant 0 : i32
      %dma_wait3A_187 = tpu.memref_slice %arg8[%dma_wait3A_185, %dma_wait3A_186] : memref<50x80xi32, #tpu.memory_space<vmem>> -> memref<1x80xi32, #tpu.memory_space<vmem>>
      %dma_wait3A_188 = tpu.memref_squeeze %dma_wait3A_187 : memref<1x80xi32, #tpu.memory_space<vmem>> -> memref<80xi32, #tpu.memory_space<vmem>>
      %dma_wait3A_189 = arith.constant 0 : i32
      %dma_wait3A_190 = arith.constant 0 : i32
      %dma_wait3A_191 = tpu.memref_slice %arg12[%dma_wait3A_189, %dma_wait3A_190] : memref<10240x128xf32, #tpu.memory_space<vmem_shared>> -> memref<10240x128xf32, #tpu.memory_space<vmem_shared>>
      tpu.wait_indirect_dma semaphore(%arg17 : memref<!tpu.dma_semaphore, #tpu.memory_space<semaphore_mem>>) src(%arg10 : memref<80x128xf32, #tpu.memory_space<vmem>>) dst(%dma_wait3A_191 : memref<10240x128xf32, #tpu.memory_space<vmem_shared>>)
      %dma_start3A_192 = arith.constant 7 : i32
      %dma_start3A_193 = arith.constant 0 : i32
      %dma_start3A_194 = tpu.memref_slice %arg7[%dma_start3A_192, %dma_start3A_193] : memref<50x80xi32, #tpu.memory_space<vmem>> -> memref<1x80xi32, #tpu.memory_space<vmem>>
      %dma_start3A_195 = tpu.memref_squeeze %dma_start3A_194 : memref<1x80xi32, #tpu.memory_space<vmem>> -> memref<80xi32, #tpu.memory_space<vmem>>
      %dma_start3A_196 = arith.constant 0 : i32
      %dma_start3A_197 = arith.constant 0 : i32
      %dma_start3A_198 = tpu.memref_slice %arg2[%dma_start3A_196, %dma_start3A_197] : memref<80000x128xf32, #tpu.memory_space<hbm>> -> memref<80000x128xf32, #tpu.memory_space<hbm>>
      tpu.enqueue_indirect_dma source(%dma_start3A_198 : memref<80000x128xf32, #tpu.memory_space<hbm>>) target(%arg10 : memref<80x128xf32, #tpu.memory_space<vmem>>) offsets(%dma_start3A_195 : memref<80xi32, #tpu.memory_space<vmem>>) semaphore(%arg14 : memref<!tpu.dma_semaphore, #tpu.memory_space<semaphore_mem>>)
      %dma_wait3A_199 = arith.constant 6 : i32
      %dma_wait3A_200 = arith.constant 0 : i32
      %dma_wait3A_201 = tpu.memref_slice %arg7[%dma_wait3A_199, %dma_wait3A_200] : memref<50x80xi32, #tpu.memory_space<vmem>> -> memref<1x80xi32, #tpu.memory_space<vmem>>
      %dma_wait3A_202 = tpu.memref_squeeze %dma_wait3A_201 : memref<1x80xi32, #tpu.memory_space<vmem>> -> memref<80xi32, #tpu.memory_space<vmem>>
      %dma_wait3A_203 = arith.constant 0 : i32
      %dma_wait3A_204 = arith.constant 0 : i32
      %dma_wait3A_205 = tpu.memref_slice %arg2[%dma_wait3A_203, %dma_wait3A_204] : memref<80000x128xf32, #tpu.memory_space<hbm>> -> memref<80000x128xf32, #tpu.memory_space<hbm>>
      tpu.wait_indirect_dma semaphore(%arg13 : memref<!tpu.dma_semaphore, #tpu.memory_space<semaphore_mem>>) src(%dma_wait3A_205 : memref<80000x128xf32, #tpu.memory_space<hbm>>) dst(%arg9 : memref<80x128xf32, #tpu.memory_space<vmem>>)
      %dma_start3A_206 = arith.constant 6 : i32
      %dma_start3A_207 = arith.constant 0 : i32
      %dma_start3A_208 = tpu.memref_slice %arg8[%dma_start3A_206, %dma_start3A_207] : memref<50x80xi32, #tpu.memory_space<vmem>> -> memref<1x80xi32, #tpu.memory_space<vmem>>
      %dma_start3A_209 = tpu.memref_squeeze %dma_start3A_208 : memref<1x80xi32, #tpu.memory_space<vmem>> -> memref<80xi32, #tpu.memory_space<vmem>>
      %dma_start3A_210 = arith.constant 0 : i32
      %dma_start3A_211 = arith.constant 0 : i32
      %dma_start3A_212 = tpu.memref_slice %arg12[%dma_start3A_210, %dma_start3A_211] : memref<10240x128xf32, #tpu.memory_space<vmem_shared>> -> memref<10240x128xf32, #tpu.memory_space<vmem_shared>>
      tpu.enqueue_indirect_dma source(%arg9 : memref<80x128xf32, #tpu.memory_space<vmem>>) target(%dma_start3A_212 : memref<10240x128xf32, #tpu.memory_space<vmem_shared>>) offsets(%dma_start3A_209 : memref<80xi32, #tpu.memory_space<vmem>>) semaphore(%arg16 : memref<!tpu.dma_semaphore, #tpu.memory_space<semaphore_mem>>) {add = true}
      %dma_wait3A_213 = arith.constant 5 : i32
      %dma_wait3A_214 = arith.constant 0 : i32
      %dma_wait3A_215 = tpu.memref_slice %arg8[%dma_wait3A_213, %dma_wait3A_214] : memref<50x80xi32, #tpu.memory_space<vmem>> -> memref<1x80xi32, #tpu.memory_space<vmem>>
      %dma_wait3A_216 = tpu.memref_squeeze %dma_wait3A_215 : memref<1x80xi32, #tpu.memory_space<vmem>> -> memref<80xi32, #tpu.memory_space<vmem>>
      %dma_wait3A_217 = arith.constant 0 : i32
      %dma_wait3A_218 = arith.constant 0 : i32
      %dma_wait3A_219 = tpu.memref_slice %arg12[%dma_wait3A_217, %dma_wait3A_218] : memref<10240x128xf32, #tpu.memory_space<vmem_shared>> -> memref<10240x128xf32, #tpu.memory_space<vmem_shared>>
      tpu.wait_indirect_dma semaphore(%arg18 : memref<!tpu.dma_semaphore, #tpu.memory_space<semaphore_mem>>) src(%arg11 : memref<80x128xf32, #tpu.memory_space<vmem>>) dst(%dma_wait3A_219 : memref<10240x128xf32, #tpu.memory_space<vmem_shared>>)
      %dma_start3A_220 = arith.constant 8 : i32
      %dma_start3A_221 = arith.constant 0 : i32
      %dma_start3A_222 = tpu.memref_slice %arg7[%dma_start3A_220, %dma_start3A_221] : memref<50x80xi32, #tpu.memory_space<vmem>> -> memref<1x80xi32, #tpu.memory_space<vmem>>
      %dma_start3A_223 = tpu.memref_squeeze %dma_start3A_222 : memref<1x80xi32, #tpu.memory_space<vmem>> -> memref<80xi32, #tpu.memory_space<vmem>>
      %dma_start3A_224 = arith.constant 0 : i32
      %dma_start3A_225 = arith.constant 0 : i32
      %dma_start3A_226 = tpu.memref_slice %arg2[%dma_start3A_224, %dma_start3A_225] : memref<80000x128xf32, #tpu.memory_space<hbm>> -> memref<80000x128xf32, #tpu.memory_space<hbm>>
      tpu.enqueue_indirect_dma source(%dma_start3A_226 : memref<80000x128xf32, #tpu.memory_space<hbm>>) target(%arg11 : memref<80x128xf32, #tpu.memory_space<vmem>>) offsets(%dma_start3A_223 : memref<80xi32, #tpu.memory_space<vmem>>) semaphore(%arg15 : memref<!tpu.dma_semaphore, #tpu.memory_space<semaphore_mem>>)
      %dma_wait3A_227 = arith.constant 7 : i32
      %dma_wait3A_228 = arith.constant 0 : i32
      %dma_wait3A_229 = tpu.memref_slice %arg7[%dma_wait3A_227, %dma_wait3A_228] : memref<50x80xi32, #tpu.memory_space<vmem>> -> memref<1x80xi32, #tpu.memory_space<vmem>>
      %dma_wait3A_230 = tpu.memref_squeeze %dma_wait3A_229 : memref<1x80xi32, #tpu.memory_space<vmem>> -> memref<80xi32, #tpu.memory_space<vmem>>
      %dma_wait3A_231 = arith.constant 0 : i32
      %dma_wait3A_232 = arith.constant 0 : i32
      %dma_wait3A_233 = tpu.memref_slice %arg2[%dma_wait3A_231, %dma_wait3A_232] : memref<80000x128xf32, #tpu.memory_space<hbm>> -> memref<80000x128xf32, #tpu.memory_space<hbm>>
      tpu.wait_indirect_dma semaphore(%arg14 : memref<!tpu.dma_semaphore, #tpu.memory_space<semaphore_mem>>) src(%dma_wait3A_233 : memref<80000x128xf32, #tpu.memory_space<hbm>>) dst(%arg10 : memref<80x128xf32, #tpu.memory_space<vmem>>)
      %dma_start3A_234 = arith.constant 7 : i32
      %dma_start3A_235 = arith.constant 0 : i32
      %dma_start3A_236 = tpu.memref_slice %arg8[%dma_start3A_234, %dma_start3A_235] : memref<50x80xi32, #tpu.memory_space<vmem>> -> memref<1x80xi32, #tpu.memory_space<vmem>>
      %dma_start3A_237 = tpu.memref_squeeze %dma_start3A_236 : memref<1x80xi32, #tpu.memory_space<vmem>> -> memref<80xi32, #tpu.memory_space<vmem>>
      %dma_start3A_238 = arith.constant 0 : i32
      %dma_start3A_239 = arith.constant 0 : i32
      %dma_start3A_240 = tpu.memref_slice %arg12[%dma_start3A_238, %dma_start3A_239] : memref<10240x128xf32, #tpu.memory_space<vmem_shared>> -> memref<10240x128xf32, #tpu.memory_space<vmem_shared>>
      tpu.enqueue_indirect_dma source(%arg10 : memref<80x128xf32, #tpu.memory_space<vmem>>) target(%dma_start3A_240 : memref<10240x128xf32, #tpu.memory_space<vmem_shared>>) offsets(%dma_start3A_237 : memref<80xi32, #tpu.memory_space<vmem>>) semaphore(%arg17 : memref<!tpu.dma_semaphore, #tpu.memory_space<semaphore_mem>>) {add = true}
      %dma_wait3A_241 = arith.constant 6 : i32
      %dma_wait3A_242 = arith.constant 0 : i32
      %dma_wait3A_243 = tpu.memref_slice %arg8[%dma_wait3A_241, %dma_wait3A_242] : memref<50x80xi32, #tpu.memory_space<vmem>> -> memref<1x80xi32, #tpu.memory_space<vmem>>
      %dma_wait3A_244 = tpu.memref_squeeze %dma_wait3A_243 : memref<1x80xi32, #tpu.memory_space<vmem>> -> memref<80xi32, #tpu.memory_space<vmem>>
      %dma_wait3A_245 = arith.constant 0 : i32
      %dma_wait3A_246 = arith.constant 0 : i32
      %dma_wait3A_247 = tpu.memref_slice %arg12[%dma_wait3A_245, %dma_wait3A_246] : memref<10240x128xf32, #tpu.memory_space<vmem_shared>> -> memref<10240x128xf32, #tpu.memory_space<vmem_shared>>
      tpu.wait_indirect_dma semaphore(%arg16 : memref<!tpu.dma_semaphore, #tpu.memory_space<semaphore_mem>>) src(%arg9 : memref<80x128xf32, #tpu.memory_space<vmem>>) dst(%dma_wait3A_247 : memref<10240x128xf32, #tpu.memory_space<vmem_shared>>)
      %dma_start3A_248 = arith.constant 9 : i32
      %dma_start3A_249 = arith.constant 0 : i32
      %dma_start3A_250 = tpu.memref_slice %arg7[%dma_start3A_248, %dma_start3A_249] : memref<50x80xi32, #tpu.memory_space<vmem>> -> memref<1x80xi32, #tpu.memory_space<vmem>>
      %dma_start3A_251 = tpu.memref_squeeze %dma_start3A_250 : memref<1x80xi32, #tpu.memory_space<vmem>> -> memref<80xi32, #tpu.memory_space<vmem>>
      %dma_start3A_252 = arith.constant 0 : i32
      %dma_start3A_253 = arith.constant 0 : i32
      %dma_start3A_254 = tpu.memref_slice %arg2[%dma_start3A_252, %dma_start3A_253] : memref<80000x128xf32, #tpu.memory_space<hbm>> -> memref<80000x128xf32, #tpu.memory_space<hbm>>
      tpu.enqueue_indirect_dma source(%dma_start3A_254 : memref<80000x128xf32, #tpu.memory_space<hbm>>) target(%arg9 : memref<80x128xf32, #tpu.memory_space<vmem>>) offsets(%dma_start3A_251 : memref<80xi32, #tpu.memory_space<vmem>>) semaphore(%arg13 : memref<!tpu.dma_semaphore, #tpu.memory_space<semaphore_mem>>)
      %dma_wait3A_255 = arith.constant 8 : i32
      %dma_wait3A_256 = arith.constant 0 : i32
      %dma_wait3A_257 = tpu.memref_slice %arg7[%dma_wait3A_255, %dma_wait3A_256] : memref<50x80xi32, #tpu.memory_space<vmem>> -> memref<1x80xi32, #tpu.memory_space<vmem>>
      %dma_wait3A_258 = tpu.memref_squeeze %dma_wait3A_257 : memref<1x80xi32, #tpu.memory_space<vmem>> -> memref<80xi32, #tpu.memory_space<vmem>>
      %dma_wait3A_259 = arith.constant 0 : i32
      %dma_wait3A_260 = arith.constant 0 : i32
      %dma_wait3A_261 = tpu.memref_slice %arg2[%dma_wait3A_259, %dma_wait3A_260] : memref<80000x128xf32, #tpu.memory_space<hbm>> -> memref<80000x128xf32, #tpu.memory_space<hbm>>
      tpu.wait_indirect_dma semaphore(%arg15 : memref<!tpu.dma_semaphore, #tpu.memory_space<semaphore_mem>>) src(%dma_wait3A_261 : memref<80000x128xf32, #tpu.memory_space<hbm>>) dst(%arg11 : memref<80x128xf32, #tpu.memory_space<vmem>>)
      %dma_start3A_262 = arith.constant 8 : i32
      %dma_start3A_263 = arith.constant 0 : i32
      %dma_start3A_264 = tpu.memref_slice %arg8[%dma_start3A_262, %dma_start3A_263] : memref<50x80xi32, #tpu.memory_space<vmem>> -> memref<1x80xi32, #tpu.memory_space<vmem>>
      %dma_start3A_265 = tpu.memref_squeeze %dma_start3A_264 : memref<1x80xi32, #tpu.memory_space<vmem>> -> memref<80xi32, #tpu.memory_space<vmem>>
      %dma_start3A_266 = arith.constant 0 : i32
      %dma_start3A_267 = arith.constant 0 : i32
      %dma_start3A_268 = tpu.memref_slice %arg12[%dma_start3A_266, %dma_start3A_267] : memref<10240x128xf32, #tpu.memory_space<vmem_shared>> -> memref<10240x128xf32, #tpu.memory_space<vmem_shared>>
      tpu.enqueue_indirect_dma source(%arg11 : memref<80x128xf32, #tpu.memory_space<vmem>>) target(%dma_start3A_268 : memref<10240x128xf32, #tpu.memory_space<vmem_shared>>) offsets(%dma_start3A_265 : memref<80xi32, #tpu.memory_space<vmem>>) semaphore(%arg18 : memref<!tpu.dma_semaphore, #tpu.memory_space<semaphore_mem>>) {add = true}
      %dma_wait3A_269 = arith.constant 7 : i32
      %dma_wait3A_270 = arith.constant 0 : i32
      %dma_wait3A_271 = tpu.memref_slice %arg8[%dma_wait3A_269, %dma_wait3A_270] : memref<50x80xi32, #tpu.memory_space<vmem>> -> memref<1x80xi32, #tpu.memory_space<vmem>>
      %dma_wait3A_272 = tpu.memref_squeeze %dma_wait3A_271 : memref<1x80xi32, #tpu.memory_space<vmem>> -> memref<80xi32, #tpu.memory_space<vmem>>
      %dma_wait3A_273 = arith.constant 0 : i32
      %dma_wait3A_274 = arith.constant 0 : i32
      %dma_wait3A_275 = tpu.memref_slice %arg12[%dma_wait3A_273, %dma_wait3A_274] : memref<10240x128xf32, #tpu.memory_space<vmem_shared>> -> memref<10240x128xf32, #tpu.memory_space<vmem_shared>>
      tpu.wait_indirect_dma semaphore(%arg17 : memref<!tpu.dma_semaphore, #tpu.memory_space<semaphore_mem>>) src(%arg10 : memref<80x128xf32, #tpu.memory_space<vmem>>) dst(%dma_wait3A_275 : memref<10240x128xf32, #tpu.memory_space<vmem_shared>>)
      %dma_start3A_276 = arith.constant 10 : i32
      %dma_start3A_277 = arith.constant 0 : i32
      %dma_start3A_278 = tpu.memref_slice %arg7[%dma_start3A_276, %dma_start3A_277] : memref<50x80xi32, #tpu.memory_space<vmem>> -> memref<1x80xi32, #tpu.memory_space<vmem>>
      %dma_start3A_279 = tpu.memref_squeeze %dma_start3A_278 : memref<1x80xi32, #tpu.memory_space<vmem>> -> memref<80xi32, #tpu.memory_space<vmem>>
      %dma_start3A_280 = arith.constant 0 : i32
      %dma_start3A_281 = arith.constant 0 : i32
      %dma_start3A_282 = tpu.memref_slice %arg2[%dma_start3A_280, %dma_start3A_281] : memref<80000x128xf32, #tpu.memory_space<hbm>> -> memref<80000x128xf32, #tpu.memory_space<hbm>>
      tpu.enqueue_indirect_dma source(%dma_start3A_282 : memref<80000x128xf32, #tpu.memory_space<hbm>>) target(%arg10 : memref<80x128xf32, #tpu.memory_space<vmem>>) offsets(%dma_start3A_279 : memref<80xi32, #tpu.memory_space<vmem>>) semaphore(%arg14 : memref<!tpu.dma_semaphore, #tpu.memory_space<semaphore_mem>>)
      %dma_wait3A_283 = arith.constant 9 : i32
      %dma_wait3A_284 = arith.constant 0 : i32
      %dma_wait3A_285 = tpu.memref_slice %arg7[%dma_wait3A_283, %dma_wait3A_284] : memref<50x80xi32, #tpu.memory_space<vmem>> -> memref<1x80xi32, #tpu.memory_space<vmem>>
      %dma_wait3A_286 = tpu.memref_squeeze %dma_wait3A_285 : memref<1x80xi32, #tpu.memory_space<vmem>> -> memref<80xi32, #tpu.memory_space<vmem>>
      %dma_wait3A_287 = arith.constant 0 : i32
      %dma_wait3A_288 = arith.constant 0 : i32
      %dma_wait3A_289 = tpu.memref_slice %arg2[%dma_wait3A_287, %dma_wait3A_288] : memref<80000x128xf32, #tpu.memory_space<hbm>> -> memref<80000x128xf32, #tpu.memory_space<hbm>>
      tpu.wait_indirect_dma semaphore(%arg13 : memref<!tpu.dma_semaphore, #tpu.memory_space<semaphore_mem>>) src(%dma_wait3A_289 : memref<80000x128xf32, #tpu.memory_space<hbm>>) dst(%arg9 : memref<80x128xf32, #tpu.memory_space<vmem>>)
      %dma_start3A_290 = arith.constant 9 : i32
      %dma_start3A_291 = arith.constant 0 : i32
      %dma_start3A_292 = tpu.memref_slice %arg8[%dma_start3A_290, %dma_start3A_291] : memref<50x80xi32, #tpu.memory_space<vmem>> -> memref<1x80xi32, #tpu.memory_space<vmem>>
      %dma_start3A_293 = tpu.memref_squeeze %dma_start3A_292 : memref<1x80xi32, #tpu.memory_space<vmem>> -> memref<80xi32, #tpu.memory_space<vmem>>
      %dma_start3A_294 = arith.constant 0 : i32
      %dma_start3A_295 = arith.constant 0 : i32
      %dma_start3A_296 = tpu.memref_slice %arg12[%dma_start3A_294, %dma_start3A_295] : memref<10240x128xf32, #tpu.memory_space<vmem_shared>> -> memref<10240x128xf32, #tpu.memory_space<vmem_shared>>
      tpu.enqueue_indirect_dma source(%arg9 : memref<80x128xf32, #tpu.memory_space<vmem>>) target(%dma_start3A_296 : memref<10240x128xf32, #tpu.memory_space<vmem_shared>>) offsets(%dma_start3A_293 : memref<80xi32, #tpu.memory_space<vmem>>) semaphore(%arg16 : memref<!tpu.dma_semaphore, #tpu.memory_space<semaphore_mem>>) {add = true}
      %dma_wait3A_297 = arith.constant 8 : i32
      %dma_wait3A_298 = arith.constant 0 : i32
      %dma_wait3A_299 = tpu.memref_slice %arg8[%dma_wait3A_297, %dma_wait3A_298] : memref<50x80xi32, #tpu.memory_space<vmem>> -> memref<1x80xi32, #tpu.memory_space<vmem>>
      %dma_wait3A_300 = tpu.memref_squeeze %dma_wait3A_299 : memref<1x80xi32, #tpu.memory_space<vmem>> -> memref<80xi32, #tpu.memory_space<vmem>>
      %dma_wait3A_301 = arith.constant 0 : i32
      %dma_wait3A_302 = arith.constant 0 : i32
      %dma_wait3A_303 = tpu.memref_slice %arg12[%dma_wait3A_301, %dma_wait3A_302] : memref<10240x128xf32, #tpu.memory_space<vmem_shared>> -> memref<10240x128xf32, #tpu.memory_space<vmem_shared>>
      tpu.wait_indirect_dma semaphore(%arg18 : memref<!tpu.dma_semaphore, #tpu.memory_space<semaphore_mem>>) src(%arg11 : memref<80x128xf32, #tpu.memory_space<vmem>>) dst(%dma_wait3A_303 : memref<10240x128xf32, #tpu.memory_space<vmem_shared>>)
      %dma_start3A_304 = arith.constant 11 : i32
      %dma_start3A_305 = arith.constant 0 : i32
      %dma_start3A_306 = tpu.memref_slice %arg7[%dma_start3A_304, %dma_start3A_305] : memref<50x80xi32, #tpu.memory_space<vmem>> -> memref<1x80xi32, #tpu.memory_space<vmem>>
      %dma_start3A_307 = tpu.memref_squeeze %dma_start3A_306 : memref<1x80xi32, #tpu.memory_space<vmem>> -> memref<80xi32, #tpu.memory_space<vmem>>
      %dma_start3A_308 = arith.constant 0 : i32
      %dma_start3A_309 = arith.constant 0 : i32
      %dma_start3A_310 = tpu.memref_slice %arg2[%dma_start3A_308, %dma_start3A_309] : memref<80000x128xf32, #tpu.memory_space<hbm>> -> memref<80000x128xf32, #tpu.memory_space<hbm>>
      tpu.enqueue_indirect_dma source(%dma_start3A_310 : memref<80000x128xf32, #tpu.memory_space<hbm>>) target(%arg11 : memref<80x128xf32, #tpu.memory_space<vmem>>) offsets(%dma_start3A_307 : memref<80xi32, #tpu.memory_space<vmem>>) semaphore(%arg15 : memref<!tpu.dma_semaphore, #tpu.memory_space<semaphore_mem>>)
      %dma_wait3A_311 = arith.constant 10 : i32
      %dma_wait3A_312 = arith.constant 0 : i32
      %dma_wait3A_313 = tpu.memref_slice %arg7[%dma_wait3A_311, %dma_wait3A_312] : memref<50x80xi32, #tpu.memory_space<vmem>> -> memref<1x80xi32, #tpu.memory_space<vmem>>
      %dma_wait3A_314 = tpu.memref_squeeze %dma_wait3A_313 : memref<1x80xi32, #tpu.memory_space<vmem>> -> memref<80xi32, #tpu.memory_space<vmem>>
      %dma_wait3A_315 = arith.constant 0 : i32
      %dma_wait3A_316 = arith.constant 0 : i32
      %dma_wait3A_317 = tpu.memref_slice %arg2[%dma_wait3A_315, %dma_wait3A_316] : memref<80000x128xf32, #tpu.memory_space<hbm>> -> memref<80000x128xf32, #tpu.memory_space<hbm>>
      tpu.wait_indirect_dma semaphore(%arg14 : memref<!tpu.dma_semaphore, #tpu.memory_space<semaphore_mem>>) src(%dma_wait3A_317 : memref<80000x128xf32, #tpu.memory_space<hbm>>) dst(%arg10 : memref<80x128xf32, #tpu.memory_space<vmem>>)
      %dma_start3A_318 = arith.constant 10 : i32
      %dma_start3A_319 = arith.constant 0 : i32
      %dma_start3A_320 = tpu.memref_slice %arg8[%dma_start3A_318, %dma_start3A_319] : memref<50x80xi32, #tpu.memory_space<vmem>> -> memref<1x80xi32, #tpu.memory_space<vmem>>
      %dma_start3A_321 = tpu.memref_squeeze %dma_start3A_320 : memref<1x80xi32, #tpu.memory_space<vmem>> -> memref<80xi32, #tpu.memory_space<vmem>>
      %dma_start3A_322 = arith.constant 0 : i32
      %dma_start3A_323 = arith.constant 0 : i32
      %dma_start3A_324 = tpu.memref_slice %arg12[%dma_start3A_322, %dma_start3A_323] : memref<10240x128xf32, #tpu.memory_space<vmem_shared>> -> memref<10240x128xf32, #tpu.memory_space<vmem_shared>>
      tpu.enqueue_indirect_dma source(%arg10 : memref<80x128xf32, #tpu.memory_space<vmem>>) target(%dma_start3A_324 : memref<10240x128xf32, #tpu.memory_space<vmem_shared>>) offsets(%dma_start3A_321 : memref<80xi32, #tpu.memory_space<vmem>>) semaphore(%arg17 : memref<!tpu.dma_semaphore, #tpu.memory_space<semaphore_mem>>) {add = true}
      %dma_wait3A_325 = arith.constant 9 : i32
      %dma_wait3A_326 = arith.constant 0 : i32
      %dma_wait3A_327 = tpu.memref_slice %arg8[%dma_wait3A_325, %dma_wait3A_326] : memref<50x80xi32, #tpu.memory_space<vmem>> -> memref<1x80xi32, #tpu.memory_space<vmem>>
      %dma_wait3A_328 = tpu.memref_squeeze %dma_wait3A_327 : memref<1x80xi32, #tpu.memory_space<vmem>> -> memref<80xi32, #tpu.memory_space<vmem>>
      %dma_wait3A_329 = arith.constant 0 : i32
      %dma_wait3A_330 = arith.constant 0 : i32
      %dma_wait3A_331 = tpu.memref_slice %arg12[%dma_wait3A_329, %dma_wait3A_330] : memref<10240x128xf32, #tpu.memory_space<vmem_shared>> -> memref<10240x128xf32, #tpu.memory_space<vmem_shared>>
      tpu.wait_indirect_dma semaphore(%arg16 : memref<!tpu.dma_semaphore, #tpu.memory_space<semaphore_mem>>) src(%arg9 : memref<80x128xf32, #tpu.memory_space<vmem>>) dst(%dma_wait3A_331 : memref<10240x128xf32, #tpu.memory_space<vmem_shared>>)
      %dma_start3A_332 = arith.constant 12 : i32
      %dma_start3A_333 = arith.constant 0 : i32
      %dma_start3A_334 = tpu.memref_slice %arg7[%dma_start3A_332, %dma_start3A_333] : memref<50x80xi32, #tpu.memory_space<vmem>> -> memref<1x80xi32, #tpu.memory_space<vmem>>
      %dma_start3A_335 = tpu.memref_squeeze %dma_start3A_334 : memref<1x80xi32, #tpu.memory_space<vmem>> -> memref<80xi32, #tpu.memory_space<vmem>>
      %dma_start3A_336 = arith.constant 0 : i32
      %dma_start3A_337 = arith.constant 0 : i32
      %dma_start3A_338 = tpu.memref_slice %arg2[%dma_start3A_336, %dma_start3A_337] : memref<80000x128xf32, #tpu.memory_space<hbm>> -> memref<80000x128xf32, #tpu.memory_space<hbm>>
      tpu.enqueue_indirect_dma source(%dma_start3A_338 : memref<80000x128xf32, #tpu.memory_space<hbm>>) target(%arg9 : memref<80x128xf32, #tpu.memory_space<vmem>>) offsets(%dma_start3A_335 : memref<80xi32, #tpu.memory_space<vmem>>) semaphore(%arg13 : memref<!tpu.dma_semaphore, #tpu.memory_space<semaphore_mem>>)
      %dma_wait3A_339 = arith.constant 11 : i32
      %dma_wait3A_340 = arith.constant 0 : i32
      %dma_wait3A_341 = tpu.memref_slice %arg7[%dma_wait3A_339, %dma_wait3A_340] : memref<50x80xi32, #tpu.memory_space<vmem>> -> memref<1x80xi32, #tpu.memory_space<vmem>>
      %dma_wait3A_342 = tpu.memref_squeeze %dma_wait3A_341 : memref<1x80xi32, #tpu.memory_space<vmem>> -> memref<80xi32, #tpu.memory_space<vmem>>
      %dma_wait3A_343 = arith.constant 0 : i32
      %dma_wait3A_344 = arith.constant 0 : i32
      %dma_wait3A_345 = tpu.memref_slice %arg2[%dma_wait3A_343, %dma_wait3A_344] : memref<80000x128xf32, #tpu.memory_space<hbm>> -> memref<80000x128xf32, #tpu.memory_space<hbm>>
      tpu.wait_indirect_dma semaphore(%arg15 : memref<!tpu.dma_semaphore, #tpu.memory_space<semaphore_mem>>) src(%dma_wait3A_345 : memref<80000x128xf32, #tpu.memory_space<hbm>>) dst(%arg11 : memref<80x128xf32, #tpu.memory_space<vmem>>)
      %dma_start3A_346 = arith.constant 11 : i32
      %dma_start3A_347 = arith.constant 0 : i32
      %dma_start3A_348 = tpu.memref_slice %arg8[%dma_start3A_346, %dma_start3A_347] : memref<50x80xi32, #tpu.memory_space<vmem>> -> memref<1x80xi32, #tpu.memory_space<vmem>>
      %dma_start3A_349 = tpu.memref_squeeze %dma_start3A_348 : memref<1x80xi32, #tpu.memory_space<vmem>> -> memref<80xi32, #tpu.memory_space<vmem>>
      %dma_start3A_350 = arith.constant 0 : i32
      %dma_start3A_351 = arith.constant 0 : i32
      %dma_start3A_352 = tpu.memref_slice %arg12[%dma_start3A_350, %dma_start3A_351] : memref<10240x128xf32, #tpu.memory_space<vmem_shared>> -> memref<10240x128xf32, #tpu.memory_space<vmem_shared>>
      tpu.enqueue_indirect_dma source(%arg11 : memref<80x128xf32, #tpu.memory_space<vmem>>) target(%dma_start3A_352 : memref<10240x128xf32, #tpu.memory_space<vmem_shared>>) offsets(%dma_start3A_349 : memref<80xi32, #tpu.memory_space<vmem>>) semaphore(%arg18 : memref<!tpu.dma_semaphore, #tpu.memory_space<semaphore_mem>>) {add = true}
      %dma_wait3A_353 = arith.constant 10 : i32
      %dma_wait3A_354 = arith.constant 0 : i32
      %dma_wait3A_355 = tpu.memref_slice %arg8[%dma_wait3A_353, %dma_wait3A_354] : memref<50x80xi32, #tpu.memory_space<vmem>> -> memref<1x80xi32, #tpu.memory_space<vmem>>
      %dma_wait3A_356 = tpu.memref_squeeze %dma_wait3A_355 : memref<1x80xi32, #tpu.memory_space<vmem>> -> memref<80xi32, #tpu.memory_space<vmem>>
      %dma_wait3A_357 = arith.constant 0 : i32
      %dma_wait3A_358 = arith.constant 0 : i32
      %dma_wait3A_359 = tpu.memref_slice %arg12[%dma_wait3A_357, %dma_wait3A_358] : memref<10240x128xf32, #tpu.memory_space<vmem_shared>> -> memref<10240x128xf32, #tpu.memory_space<vmem_shared>>
      tpu.wait_indirect_dma semaphore(%arg17 : memref<!tpu.dma_semaphore, #tpu.memory_space<semaphore_mem>>) src(%arg10 : memref<80x128xf32, #tpu.memory_space<vmem>>) dst(%dma_wait3A_359 : memref<10240x128xf32, #tpu.memory_space<vmem_shared>>)
      %dma_start3A_360 = arith.constant 13 : i32
      %dma_start3A_361 = arith.constant 0 : i32
      %dma_start3A_362 = tpu.memref_slice %arg7[%dma_start3A_360, %dma_start3A_361] : memref<50x80xi32, #tpu.memory_space<vmem>> -> memref<1x80xi32, #tpu.memory_space<vmem>>
      %dma_start3A_363 = tpu.memref_squeeze %dma_start3A_362 : memref<1x80xi32, #tpu.memory_space<vmem>> -> memref<80xi32, #tpu.memory_space<vmem>>
      %dma_start3A_364 = arith.constant 0 : i32
      %dma_start3A_365 = arith.constant 0 : i32
      %dma_start3A_366 = tpu.memref_slice %arg2[%dma_start3A_364, %dma_start3A_365] : memref<80000x128xf32, #tpu.memory_space<hbm>> -> memref<80000x128xf32, #tpu.memory_space<hbm>>
      tpu.enqueue_indirect_dma source(%dma_start3A_366 : memref<80000x128xf32, #tpu.memory_space<hbm>>) target(%arg10 : memref<80x128xf32, #tpu.memory_space<vmem>>) offsets(%dma_start3A_363 : memref<80xi32, #tpu.memory_space<vmem>>) semaphore(%arg14 : memref<!tpu.dma_semaphore, #tpu.memory_space<semaphore_mem>>)
      %dma_wait3A_367 = arith.constant 12 : i32
      %dma_wait3A_368 = arith.constant 0 : i32
      %dma_wait3A_369 = tpu.memref_slice %arg7[%dma_wait3A_367, %dma_wait3A_368] : memref<50x80xi32, #tpu.memory_space<vmem>> -> memref<1x80xi32, #tpu.memory_space<vmem>>
      %dma_wait3A_370 = tpu.memref_squeeze %dma_wait3A_369 : memref<1x80xi32, #tpu.memory_space<vmem>> -> memref<80xi32, #tpu.memory_space<vmem>>
      %dma_wait3A_371 = arith.constant 0 : i32
      %dma_wait3A_372 = arith.constant 0 : i32
      %dma_wait3A_373 = tpu.memref_slice %arg2[%dma_wait3A_371, %dma_wait3A_372] : memref<80000x128xf32, #tpu.memory_space<hbm>> -> memref<80000x128xf32, #tpu.memory_space<hbm>>
      tpu.wait_indirect_dma semaphore(%arg13 : memref<!tpu.dma_semaphore, #tpu.memory_space<semaphore_mem>>) src(%dma_wait3A_373 : memref<80000x128xf32, #tpu.memory_space<hbm>>) dst(%arg9 : memref<80x128xf32, #tpu.memory_space<vmem>>)
      %dma_start3A_374 = arith.constant 12 : i32
      %dma_start3A_375 = arith.constant 0 : i32
      %dma_start3A_376 = tpu.memref_slice %arg8[%dma_start3A_374, %dma_start3A_375] : memref<50x80xi32, #tpu.memory_space<vmem>> -> memref<1x80xi32, #tpu.memory_space<vmem>>
      %dma_start3A_377 = tpu.memref_squeeze %dma_start3A_376 : memref<1x80xi32, #tpu.memory_space<vmem>> -> memref<80xi32, #tpu.memory_space<vmem>>
      %dma_start3A_378 = arith.constant 0 : i32
      %dma_start3A_379 = arith.constant 0 : i32
      %dma_start3A_380 = tpu.memref_slice %arg12[%dma_start3A_378, %dma_start3A_379] : memref<10240x128xf32, #tpu.memory_space<vmem_shared>> -> memref<10240x128xf32, #tpu.memory_space<vmem_shared>>
      tpu.enqueue_indirect_dma source(%arg9 : memref<80x128xf32, #tpu.memory_space<vmem>>) target(%dma_start3A_380 : memref<10240x128xf32, #tpu.memory_space<vmem_shared>>) offsets(%dma_start3A_377 : memref<80xi32, #tpu.memory_space<vmem>>) semaphore(%arg16 : memref<!tpu.dma_semaphore, #tpu.memory_space<semaphore_mem>>) {add = true}
      %dma_wait3A_381 = arith.constant 11 : i32
      %dma_wait3A_382 = arith.constant 0 : i32
      %dma_wait3A_383 = tpu.memref_slice %arg8[%dma_wait3A_381, %dma_wait3A_382] : memref<50x80xi32, #tpu.memory_space<vmem>> -> memref<1x80xi32, #tpu.memory_space<vmem>>
      %dma_wait3A_384 = tpu.memref_squeeze %dma_wait3A_383 : memref<1x80xi32, #tpu.memory_space<vmem>> -> memref<80xi32, #tpu.memory_space<vmem>>
      %dma_wait3A_385 = arith.constant 0 : i32
      %dma_wait3A_386 = arith.constant 0 : i32
      %dma_wait3A_387 = tpu.memref_slice %arg12[%dma_wait3A_385, %dma_wait3A_386] : memref<10240x128xf32, #tpu.memory_space<vmem_shared>> -> memref<10240x128xf32, #tpu.memory_space<vmem_shared>>
      tpu.wait_indirect_dma semaphore(%arg18 : memref<!tpu.dma_semaphore, #tpu.memory_space<semaphore_mem>>) src(%arg11 : memref<80x128xf32, #tpu.memory_space<vmem>>) dst(%dma_wait3A_387 : memref<10240x128xf32, #tpu.memory_space<vmem_shared>>)
      %dma_start3A_388 = arith.constant 14 : i32
      %dma_start3A_389 = arith.constant 0 : i32
      %dma_start3A_390 = tpu.memref_slice %arg7[%dma_start3A_388, %dma_start3A_389] : memref<50x80xi32, #tpu.memory_space<vmem>> -> memref<1x80xi32, #tpu.memory_space<vmem>>
      %dma_start3A_391 = tpu.memref_squeeze %dma_start3A_390 : memref<1x80xi32, #tpu.memory_space<vmem>> -> memref<80xi32, #tpu.memory_space<vmem>>
      %dma_start3A_392 = arith.constant 0 : i32
      %dma_start3A_393 = arith.constant 0 : i32
      %dma_start3A_394 = tpu.memref_slice %arg2[%dma_start3A_392, %dma_start3A_393] : memref<80000x128xf32, #tpu.memory_space<hbm>> -> memref<80000x128xf32, #tpu.memory_space<hbm>>
      tpu.enqueue_indirect_dma source(%dma_start3A_394 : memref<80000x128xf32, #tpu.memory_space<hbm>>) target(%arg11 : memref<80x128xf32, #tpu.memory_space<vmem>>) offsets(%dma_start3A_391 : memref<80xi32, #tpu.memory_space<vmem>>) semaphore(%arg15 : memref<!tpu.dma_semaphore, #tpu.memory_space<semaphore_mem>>)
      %dma_wait3A_395 = arith.constant 13 : i32
      %dma_wait3A_396 = arith.constant 0 : i32
      %dma_wait3A_397 = tpu.memref_slice %arg7[%dma_wait3A_395, %dma_wait3A_396] : memref<50x80xi32, #tpu.memory_space<vmem>> -> memref<1x80xi32, #tpu.memory_space<vmem>>
      %dma_wait3A_398 = tpu.memref_squeeze %dma_wait3A_397 : memref<1x80xi32, #tpu.memory_space<vmem>> -> memref<80xi32, #tpu.memory_space<vmem>>
      %dma_wait3A_399 = arith.constant 0 : i32
      %dma_wait3A_400 = arith.constant 0 : i32
      %dma_wait3A_401 = tpu.memref_slice %arg2[%dma_wait3A_399, %dma_wait3A_400] : memref<80000x128xf32, #tpu.memory_space<hbm>> -> memref<80000x128xf32, #tpu.memory_space<hbm>>
      tpu.wait_indirect_dma semaphore(%arg14 : memref<!tpu.dma_semaphore, #tpu.memory_space<semaphore_mem>>) src(%dma_wait3A_401 : memref<80000x128xf32, #tpu.memory_space<hbm>>) dst(%arg10 : memref<80x128xf32, #tpu.memory_space<vmem>>)
      %dma_start3A_402 = arith.constant 13 : i32
      %dma_start3A_403 = arith.constant 0 : i32
      %dma_start3A_404 = tpu.memref_slice %arg8[%dma_start3A_402, %dma_start3A_403] : memref<50x80xi32, #tpu.memory_space<vmem>> -> memref<1x80xi32, #tpu.memory_space<vmem>>
      %dma_start3A_405 = tpu.memref_squeeze %dma_start3A_404 : memref<1x80xi32, #tpu.memory_space<vmem>> -> memref<80xi32, #tpu.memory_space<vmem>>
      %dma_start3A_406 = arith.constant 0 : i32
      %dma_start3A_407 = arith.constant 0 : i32
      %dma_start3A_408 = tpu.memref_slice %arg12[%dma_start3A_406, %dma_start3A_407] : memref<10240x128xf32, #tpu.memory_space<vmem_shared>> -> memref<10240x128xf32, #tpu.memory_space<vmem_shared>>
      tpu.enqueue_indirect_dma source(%arg10 : memref<80x128xf32, #tpu.memory_space<vmem>>) target(%dma_start3A_408 : memref<10240x128xf32, #tpu.memory_space<vmem_shared>>) offsets(%dma_start3A_405 : memref<80xi32, #tpu.memory_space<vmem>>) semaphore(%arg17 : memref<!tpu.dma_semaphore, #tpu.memory_space<semaphore_mem>>) {add = true}
      %dma_wait3A_409 = arith.constant 12 : i32
      %dma_wait3A_410 = arith.constant 0 : i32
      %dma_wait3A_411 = tpu.memref_slice %arg8[%dma_wait3A_409, %dma_wait3A_410] : memref<50x80xi32, #tpu.memory_space<vmem>> -> memref<1x80xi32, #tpu.memory_space<vmem>>
      %dma_wait3A_412 = tpu.memref_squeeze %dma_wait3A_411 : memref<1x80xi32, #tpu.memory_space<vmem>> -> memref<80xi32, #tpu.memory_space<vmem>>
      %dma_wait3A_413 = arith.constant 0 : i32
      %dma_wait3A_414 = arith.constant 0 : i32
      %dma_wait3A_415 = tpu.memref_slice %arg12[%dma_wait3A_413, %dma_wait3A_414] : memref<10240x128xf32, #tpu.memory_space<vmem_shared>> -> memref<10240x128xf32, #tpu.memory_space<vmem_shared>>
      tpu.wait_indirect_dma semaphore(%arg16 : memref<!tpu.dma_semaphore, #tpu.memory_space<semaphore_mem>>) src(%arg9 : memref<80x128xf32, #tpu.memory_space<vmem>>) dst(%dma_wait3A_415 : memref<10240x128xf32, #tpu.memory_space<vmem_shared>>)
      %dma_start3A_416 = arith.constant 15 : i32
      %dma_start3A_417 = arith.constant 0 : i32
      %dma_start3A_418 = tpu.memref_slice %arg7[%dma_start3A_416, %dma_start3A_417] : memref<50x80xi32, #tpu.memory_space<vmem>> -> memref<1x80xi32, #tpu.memory_space<vmem>>
      %dma_start3A_419 = tpu.memref_squeeze %dma_start3A_418 : memref<1x80xi32, #tpu.memory_space<vmem>> -> memref<80xi32, #tpu.memory_space<vmem>>
      %dma_start3A_420 = arith.constant 0 : i32
      %dma_start3A_421 = arith.constant 0 : i32
      %dma_start3A_422 = tpu.memref_slice %arg2[%dma_start3A_420, %dma_start3A_421] : memref<80000x128xf32, #tpu.memory_space<hbm>> -> memref<80000x128xf32, #tpu.memory_space<hbm>>
      tpu.enqueue_indirect_dma source(%dma_start3A_422 : memref<80000x128xf32, #tpu.memory_space<hbm>>) target(%arg9 : memref<80x128xf32, #tpu.memory_space<vmem>>) offsets(%dma_start3A_419 : memref<80xi32, #tpu.memory_space<vmem>>) semaphore(%arg13 : memref<!tpu.dma_semaphore, #tpu.memory_space<semaphore_mem>>)
      %dma_wait3A_423 = arith.constant 14 : i32
      %dma_wait3A_424 = arith.constant 0 : i32
      %dma_wait3A_425 = tpu.memref_slice %arg7[%dma_wait3A_423, %dma_wait3A_424] : memref<50x80xi32, #tpu.memory_space<vmem>> -> memref<1x80xi32, #tpu.memory_space<vmem>>
      %dma_wait3A_426 = tpu.memref_squeeze %dma_wait3A_425 : memref<1x80xi32, #tpu.memory_space<vmem>> -> memref<80xi32, #tpu.memory_space<vmem>>
      %dma_wait3A_427 = arith.constant 0 : i32
      %dma_wait3A_428 = arith.constant 0 : i32
      %dma_wait3A_429 = tpu.memref_slice %arg2[%dma_wait3A_427, %dma_wait3A_428] : memref<80000x128xf32, #tpu.memory_space<hbm>> -> memref<80000x128xf32, #tpu.memory_space<hbm>>
      tpu.wait_indirect_dma semaphore(%arg15 : memref<!tpu.dma_semaphore, #tpu.memory_space<semaphore_mem>>) src(%dma_wait3A_429 : memref<80000x128xf32, #tpu.memory_space<hbm>>) dst(%arg11 : memref<80x128xf32, #tpu.memory_space<vmem>>)
      %dma_start3A_430 = arith.constant 14 : i32
      %dma_start3A_431 = arith.constant 0 : i32
      %dma_start3A_432 = tpu.memref_slice %arg8[%dma_start3A_430, %dma_start3A_431] : memref<50x80xi32, #tpu.memory_space<vmem>> -> memref<1x80xi32, #tpu.memory_space<vmem>>
      %dma_start3A_433 = tpu.memref_squeeze %dma_start3A_432 : memref<1x80xi32, #tpu.memory_space<vmem>> -> memref<80xi32, #tpu.memory_space<vmem>>
      %dma_start3A_434 = arith.constant 0 : i32
      %dma_start3A_435 = arith.constant 0 : i32
      %dma_start3A_436 = tpu.memref_slice %arg12[%dma_start3A_434, %dma_start3A_435] : memref<10240x128xf32, #tpu.memory_space<vmem_shared>> -> memref<10240x128xf32, #tpu.memory_space<vmem_shared>>
      tpu.enqueue_indirect_dma source(%arg11 : memref<80x128xf32, #tpu.memory_space<vmem>>) target(%dma_start3A_436 : memref<10240x128xf32, #tpu.memory_space<vmem_shared>>) offsets(%dma_start3A_433 : memref<80xi32, #tpu.memory_space<vmem>>) semaphore(%arg18 : memref<!tpu.dma_semaphore, #tpu.memory_space<semaphore_mem>>) {add = true}
      %dma_wait3A_437 = arith.constant 13 : i32
      %dma_wait3A_438 = arith.constant 0 : i32
      %dma_wait3A_439 = tpu.memref_slice %arg8[%dma_wait3A_437, %dma_wait3A_438] : memref<50x80xi32, #tpu.memory_space<vmem>> -> memref<1x80xi32, #tpu.memory_space<vmem>>
      %dma_wait3A_440 = tpu.memref_squeeze %dma_wait3A_439 : memref<1x80xi32, #tpu.memory_space<vmem>> -> memref<80xi32, #tpu.memory_space<vmem>>
      %dma_wait3A_441 = arith.constant 0 : i32
      %dma_wait3A_442 = arith.constant 0 : i32
      %dma_wait3A_443 = tpu.memref_slice %arg12[%dma_wait3A_441, %dma_wait3A_442] : memref<10240x128xf32, #tpu.memory_space<vmem_shared>> -> memref<10240x128xf32, #tpu.memory_space<vmem_shared>>
      tpu.wait_indirect_dma semaphore(%arg17 : memref<!tpu.dma_semaphore, #tpu.memory_space<semaphore_mem>>) src(%arg10 : memref<80x128xf32, #tpu.memory_space<vmem>>) dst(%dma_wait3A_443 : memref<10240x128xf32, #tpu.memory_space<vmem_shared>>)
      %dma_start3A_444 = arith.constant 16 : i32
      %dma_start3A_445 = arith.constant 0 : i32
      %dma_start3A_446 = tpu.memref_slice %arg7[%dma_start3A_444, %dma_start3A_445] : memref<50x80xi32, #tpu.memory_space<vmem>> -> memref<1x80xi32, #tpu.memory_space<vmem>>
      %dma_start3A_447 = tpu.memref_squeeze %dma_start3A_446 : memref<1x80xi32, #tpu.memory_space<vmem>> -> memref<80xi32, #tpu.memory_space<vmem>>
      %dma_start3A_448 = arith.constant 0 : i32
      %dma_start3A_449 = arith.constant 0 : i32
      %dma_start3A_450 = tpu.memref_slice %arg2[%dma_start3A_448, %dma_start3A_449] : memref<80000x128xf32, #tpu.memory_space<hbm>> -> memref<80000x128xf32, #tpu.memory_space<hbm>>
      tpu.enqueue_indirect_dma source(%dma_start3A_450 : memref<80000x128xf32, #tpu.memory_space<hbm>>) target(%arg10 : memref<80x128xf32, #tpu.memory_space<vmem>>) offsets(%dma_start3A_447 : memref<80xi32, #tpu.memory_space<vmem>>) semaphore(%arg14 : memref<!tpu.dma_semaphore, #tpu.memory_space<semaphore_mem>>)
      %dma_wait3A_451 = arith.constant 15 : i32
      %dma_wait3A_452 = arith.constant 0 : i32
      %dma_wait3A_453 = tpu.memref_slice %arg7[%dma_wait3A_451, %dma_wait3A_452] : memref<50x80xi32, #tpu.memory_space<vmem>> -> memref<1x80xi32, #tpu.memory_space<vmem>>
      %dma_wait3A_454 = tpu.memref_squeeze %dma_wait3A_453 : memref<1x80xi32, #tpu.memory_space<vmem>> -> memref<80xi32, #tpu.memory_space<vmem>>
      %dma_wait3A_455 = arith.constant 0 : i32
      %dma_wait3A_456 = arith.constant 0 : i32
      %dma_wait3A_457 = tpu.memref_slice %arg2[%dma_wait3A_455, %dma_wait3A_456] : memref<80000x128xf32, #tpu.memory_space<hbm>> -> memref<80000x128xf32, #tpu.memory_space<hbm>>
      tpu.wait_indirect_dma semaphore(%arg13 : memref<!tpu.dma_semaphore, #tpu.memory_space<semaphore_mem>>) src(%dma_wait3A_457 : memref<80000x128xf32, #tpu.memory_space<hbm>>) dst(%arg9 : memref<80x128xf32, #tpu.memory_space<vmem>>)
      %dma_start3A_458 = arith.constant 15 : i32
      %dma_start3A_459 = arith.constant 0 : i32
      %dma_start3A_460 = tpu.memref_slice %arg8[%dma_start3A_458, %dma_start3A_459] : memref<50x80xi32, #tpu.memory_space<vmem>> -> memref<1x80xi32, #tpu.memory_space<vmem>>
      %dma_start3A_461 = tpu.memref_squeeze %dma_start3A_460 : memref<1x80xi32, #tpu.memory_space<vmem>> -> memref<80xi32, #tpu.memory_space<vmem>>
      %dma_start3A_462 = arith.constant 0 : i32
      %dma_start3A_463 = arith.constant 0 : i32
      %dma_start3A_464 = tpu.memref_slice %arg12[%dma_start3A_462, %dma_start3A_463] : memref<10240x128xf32, #tpu.memory_space<vmem_shared>> -> memref<10240x128xf32, #tpu.memory_space<vmem_shared>>
      tpu.enqueue_indirect_dma source(%arg9 : memref<80x128xf32, #tpu.memory_space<vmem>>) target(%dma_start3A_464 : memref<10240x128xf32, #tpu.memory_space<vmem_shared>>) offsets(%dma_start3A_461 : memref<80xi32, #tpu.memory_space<vmem>>) semaphore(%arg16 : memref<!tpu.dma_semaphore, #tpu.memory_space<semaphore_mem>>) {add = true}
      %dma_wait3A_465 = arith.constant 14 : i32
      %dma_wait3A_466 = arith.constant 0 : i32
      %dma_wait3A_467 = tpu.memref_slice %arg8[%dma_wait3A_465, %dma_wait3A_466] : memref<50x80xi32, #tpu.memory_space<vmem>> -> memref<1x80xi32, #tpu.memory_space<vmem>>
      %dma_wait3A_468 = tpu.memref_squeeze %dma_wait3A_467 : memref<1x80xi32, #tpu.memory_space<vmem>> -> memref<80xi32, #tpu.memory_space<vmem>>
      %dma_wait3A_469 = arith.constant 0 : i32
      %dma_wait3A_470 = arith.constant 0 : i32
      %dma_wait3A_471 = tpu.memref_slice %arg12[%dma_wait3A_469, %dma_wait3A_470] : memref<10240x128xf32, #tpu.memory_space<vmem_shared>> -> memref<10240x128xf32, #tpu.memory_space<vmem_shared>>
      tpu.wait_indirect_dma semaphore(%arg18 : memref<!tpu.dma_semaphore, #tpu.memory_space<semaphore_mem>>) src(%arg11 : memref<80x128xf32, #tpu.memory_space<vmem>>) dst(%dma_wait3A_471 : memref<10240x128xf32, #tpu.memory_space<vmem_shared>>)
      %dma_start3A_472 = arith.constant 17 : i32
      %dma_start3A_473 = arith.constant 0 : i32
      %dma_start3A_474 = tpu.memref_slice %arg7[%dma_start3A_472, %dma_start3A_473] : memref<50x80xi32, #tpu.memory_space<vmem>> -> memref<1x80xi32, #tpu.memory_space<vmem>>
      %dma_start3A_475 = tpu.memref_squeeze %dma_start3A_474 : memref<1x80xi32, #tpu.memory_space<vmem>> -> memref<80xi32, #tpu.memory_space<vmem>>
      %dma_start3A_476 = arith.constant 0 : i32
      %dma_start3A_477 = arith.constant 0 : i32
      %dma_start3A_478 = tpu.memref_slice %arg2[%dma_start3A_476, %dma_start3A_477] : memref<80000x128xf32, #tpu.memory_space<hbm>> -> memref<80000x128xf32, #tpu.memory_space<hbm>>
      tpu.enqueue_indirect_dma source(%dma_start3A_478 : memref<80000x128xf32, #tpu.memory_space<hbm>>) target(%arg11 : memref<80x128xf32, #tpu.memory_space<vmem>>) offsets(%dma_start3A_475 : memref<80xi32, #tpu.memory_space<vmem>>) semaphore(%arg15 : memref<!tpu.dma_semaphore, #tpu.memory_space<semaphore_mem>>)
      %dma_wait3A_479 = arith.constant 16 : i32
      %dma_wait3A_480 = arith.constant 0 : i32
      %dma_wait3A_481 = tpu.memref_slice %arg7[%dma_wait3A_479, %dma_wait3A_480] : memref<50x80xi32, #tpu.memory_space<vmem>> -> memref<1x80xi32, #tpu.memory_space<vmem>>
      %dma_wait3A_482 = tpu.memref_squeeze %dma_wait3A_481 : memref<1x80xi32, #tpu.memory_space<vmem>> -> memref<80xi32, #tpu.memory_space<vmem>>
      %dma_wait3A_483 = arith.constant 0 : i32
      %dma_wait3A_484 = arith.constant 0 : i32
      %dma_wait3A_485 = tpu.memref_slice %arg2[%dma_wait3A_483, %dma_wait3A_484] : memref<80000x128xf32, #tpu.memory_space<hbm>> -> memref<80000x128xf32, #tpu.memory_space<hbm>>
      tpu.wait_indirect_dma semaphore(%arg14 : memref<!tpu.dma_semaphore, #tpu.memory_space<semaphore_mem>>) src(%dma_wait3A_485 : memref<80000x128xf32, #tpu.memory_space<hbm>>) dst(%arg10 : memref<80x128xf32, #tpu.memory_space<vmem>>)
      %dma_start3A_486 = arith.constant 16 : i32
      %dma_start3A_487 = arith.constant 0 : i32
      %dma_start3A_488 = tpu.memref_slice %arg8[%dma_start3A_486, %dma_start3A_487] : memref<50x80xi32, #tpu.memory_space<vmem>> -> memref<1x80xi32, #tpu.memory_space<vmem>>
      %dma_start3A_489 = tpu.memref_squeeze %dma_start3A_488 : memref<1x80xi32, #tpu.memory_space<vmem>> -> memref<80xi32, #tpu.memory_space<vmem>>
      %dma_start3A_490 = arith.constant 0 : i32
      %dma_start3A_491 = arith.constant 0 : i32
      %dma_start3A_492 = tpu.memref_slice %arg12[%dma_start3A_490, %dma_start3A_491] : memref<10240x128xf32, #tpu.memory_space<vmem_shared>> -> memref<10240x128xf32, #tpu.memory_space<vmem_shared>>
      tpu.enqueue_indirect_dma source(%arg10 : memref<80x128xf32, #tpu.memory_space<vmem>>) target(%dma_start3A_492 : memref<10240x128xf32, #tpu.memory_space<vmem_shared>>) offsets(%dma_start3A_489 : memref<80xi32, #tpu.memory_space<vmem>>) semaphore(%arg17 : memref<!tpu.dma_semaphore, #tpu.memory_space<semaphore_mem>>) {add = true}
      %dma_wait3A_493 = arith.constant 15 : i32
      %dma_wait3A_494 = arith.constant 0 : i32
      %dma_wait3A_495 = tpu.memref_slice %arg8[%dma_wait3A_493, %dma_wait3A_494] : memref<50x80xi32, #tpu.memory_space<vmem>> -> memref<1x80xi32, #tpu.memory_space<vmem>>
      %dma_wait3A_496 = tpu.memref_squeeze %dma_wait3A_495 : memref<1x80xi32, #tpu.memory_space<vmem>> -> memref<80xi32, #tpu.memory_space<vmem>>
      %dma_wait3A_497 = arith.constant 0 : i32
      %dma_wait3A_498 = arith.constant 0 : i32
      %dma_wait3A_499 = tpu.memref_slice %arg12[%dma_wait3A_497, %dma_wait3A_498] : memref<10240x128xf32, #tpu.memory_space<vmem_shared>> -> memref<10240x128xf32, #tpu.memory_space<vmem_shared>>
      tpu.wait_indirect_dma semaphore(%arg16 : memref<!tpu.dma_semaphore, #tpu.memory_space<semaphore_mem>>) src(%arg9 : memref<80x128xf32, #tpu.memory_space<vmem>>) dst(%dma_wait3A_499 : memref<10240x128xf32, #tpu.memory_space<vmem_shared>>)
      %dma_start3A_500 = arith.constant 18 : i32
      %dma_start3A_501 = arith.constant 0 : i32
      %dma_start3A_502 = tpu.memref_slice %arg7[%dma_start3A_500, %dma_start3A_501] : memref<50x80xi32, #tpu.memory_space<vmem>> -> memref<1x80xi32, #tpu.memory_space<vmem>>
      %dma_start3A_503 = tpu.memref_squeeze %dma_start3A_502 : memref<1x80xi32, #tpu.memory_space<vmem>> -> memref<80xi32, #tpu.memory_space<vmem>>
      %dma_start3A_504 = arith.constant 0 : i32
      %dma_start3A_505 = arith.constant 0 : i32
      %dma_start3A_506 = tpu.memref_slice %arg2[%dma_start3A_504, %dma_start3A_505] : memref<80000x128xf32, #tpu.memory_space<hbm>> -> memref<80000x128xf32, #tpu.memory_space<hbm>>
      tpu.enqueue_indirect_dma source(%dma_start3A_506 : memref<80000x128xf32, #tpu.memory_space<hbm>>) target(%arg9 : memref<80x128xf32, #tpu.memory_space<vmem>>) offsets(%dma_start3A_503 : memref<80xi32, #tpu.memory_space<vmem>>) semaphore(%arg13 : memref<!tpu.dma_semaphore, #tpu.memory_space<semaphore_mem>>)
      %dma_wait3A_507 = arith.constant 17 : i32
      %dma_wait3A_508 = arith.constant 0 : i32
      %dma_wait3A_509 = tpu.memref_slice %arg7[%dma_wait3A_507, %dma_wait3A_508] : memref<50x80xi32, #tpu.memory_space<vmem>> -> memref<1x80xi32, #tpu.memory_space<vmem>>
      %dma_wait3A_510 = tpu.memref_squeeze %dma_wait3A_509 : memref<1x80xi32, #tpu.memory_space<vmem>> -> memref<80xi32, #tpu.memory_space<vmem>>
      %dma_wait3A_511 = arith.constant 0 : i32
      %dma_wait3A_512 = arith.constant 0 : i32
      %dma_wait3A_513 = tpu.memref_slice %arg2[%dma_wait3A_511, %dma_wait3A_512] : memref<80000x128xf32, #tpu.memory_space<hbm>> -> memref<80000x128xf32, #tpu.memory_space<hbm>>
      tpu.wait_indirect_dma semaphore(%arg15 : memref<!tpu.dma_semaphore, #tpu.memory_space<semaphore_mem>>) src(%dma_wait3A_513 : memref<80000x128xf32, #tpu.memory_space<hbm>>) dst(%arg11 : memref<80x128xf32, #tpu.memory_space<vmem>>)
      %dma_start3A_514 = arith.constant 17 : i32
      %dma_start3A_515 = arith.constant 0 : i32
      %dma_start3A_516 = tpu.memref_slice %arg8[%dma_start3A_514, %dma_start3A_515] : memref<50x80xi32, #tpu.memory_space<vmem>> -> memref<1x80xi32, #tpu.memory_space<vmem>>
      %dma_start3A_517 = tpu.memref_squeeze %dma_start3A_516 : memref<1x80xi32, #tpu.memory_space<vmem>> -> memref<80xi32, #tpu.memory_space<vmem>>
      %dma_start3A_518 = arith.constant 0 : i32
      %dma_start3A_519 = arith.constant 0 : i32
      %dma_start3A_520 = tpu.memref_slice %arg12[%dma_start3A_518, %dma_start3A_519] : memref<10240x128xf32, #tpu.memory_space<vmem_shared>> -> memref<10240x128xf32, #tpu.memory_space<vmem_shared>>
      tpu.enqueue_indirect_dma source(%arg11 : memref<80x128xf32, #tpu.memory_space<vmem>>) target(%dma_start3A_520 : memref<10240x128xf32, #tpu.memory_space<vmem_shared>>) offsets(%dma_start3A_517 : memref<80xi32, #tpu.memory_space<vmem>>) semaphore(%arg18 : memref<!tpu.dma_semaphore, #tpu.memory_space<semaphore_mem>>) {add = true}
      %dma_wait3A_521 = arith.constant 16 : i32
      %dma_wait3A_522 = arith.constant 0 : i32
      %dma_wait3A_523 = tpu.memref_slice %arg8[%dma_wait3A_521, %dma_wait3A_522] : memref<50x80xi32, #tpu.memory_space<vmem>> -> memref<1x80xi32, #tpu.memory_space<vmem>>
      %dma_wait3A_524 = tpu.memref_squeeze %dma_wait3A_523 : memref<1x80xi32, #tpu.memory_space<vmem>> -> memref<80xi32, #tpu.memory_space<vmem>>
      %dma_wait3A_525 = arith.constant 0 : i32
      %dma_wait3A_526 = arith.constant 0 : i32
      %dma_wait3A_527 = tpu.memref_slice %arg12[%dma_wait3A_525, %dma_wait3A_526] : memref<10240x128xf32, #tpu.memory_space<vmem_shared>> -> memref<10240x128xf32, #tpu.memory_space<vmem_shared>>
      tpu.wait_indirect_dma semaphore(%arg17 : memref<!tpu.dma_semaphore, #tpu.memory_space<semaphore_mem>>) src(%arg10 : memref<80x128xf32, #tpu.memory_space<vmem>>) dst(%dma_wait3A_527 : memref<10240x128xf32, #tpu.memory_space<vmem_shared>>)
      %dma_start3A_528 = arith.constant 19 : i32
      %dma_start3A_529 = arith.constant 0 : i32
      %dma_start3A_530 = tpu.memref_slice %arg7[%dma_start3A_528, %dma_start3A_529] : memref<50x80xi32, #tpu.memory_space<vmem>> -> memref<1x80xi32, #tpu.memory_space<vmem>>
      %dma_start3A_531 = tpu.memref_squeeze %dma_start3A_530 : memref<1x80xi32, #tpu.memory_space<vmem>> -> memref<80xi32, #tpu.memory_space<vmem>>
      %dma_start3A_532 = arith.constant 0 : i32
      %dma_start3A_533 = arith.constant 0 : i32
      %dma_start3A_534 = tpu.memref_slice %arg2[%dma_start3A_532, %dma_start3A_533] : memref<80000x128xf32, #tpu.memory_space<hbm>> -> memref<80000x128xf32, #tpu.memory_space<hbm>>
      tpu.enqueue_indirect_dma source(%dma_start3A_534 : memref<80000x128xf32, #tpu.memory_space<hbm>>) target(%arg10 : memref<80x128xf32, #tpu.memory_space<vmem>>) offsets(%dma_start3A_531 : memref<80xi32, #tpu.memory_space<vmem>>) semaphore(%arg14 : memref<!tpu.dma_semaphore, #tpu.memory_space<semaphore_mem>>)
      %dma_wait3A_535 = arith.constant 18 : i32
      %dma_wait3A_536 = arith.constant 0 : i32
      %dma_wait3A_537 = tpu.memref_slice %arg7[%dma_wait3A_535, %dma_wait3A_536] : memref<50x80xi32, #tpu.memory_space<vmem>> -> memref<1x80xi32, #tpu.memory_space<vmem>>
      %dma_wait3A_538 = tpu.memref_squeeze %dma_wait3A_537 : memref<1x80xi32, #tpu.memory_space<vmem>> -> memref<80xi32, #tpu.memory_space<vmem>>
      %dma_wait3A_539 = arith.constant 0 : i32
      %dma_wait3A_540 = arith.constant 0 : i32
      %dma_wait3A_541 = tpu.memref_slice %arg2[%dma_wait3A_539, %dma_wait3A_540] : memref<80000x128xf32, #tpu.memory_space<hbm>> -> memref<80000x128xf32, #tpu.memory_space<hbm>>
      tpu.wait_indirect_dma semaphore(%arg13 : memref<!tpu.dma_semaphore, #tpu.memory_space<semaphore_mem>>) src(%dma_wait3A_541 : memref<80000x128xf32, #tpu.memory_space<hbm>>) dst(%arg9 : memref<80x128xf32, #tpu.memory_space<vmem>>)
      %dma_start3A_542 = arith.constant 18 : i32
      %dma_start3A_543 = arith.constant 0 : i32
      %dma_start3A_544 = tpu.memref_slice %arg8[%dma_start3A_542, %dma_start3A_543] : memref<50x80xi32, #tpu.memory_space<vmem>> -> memref<1x80xi32, #tpu.memory_space<vmem>>
      %dma_start3A_545 = tpu.memref_squeeze %dma_start3A_544 : memref<1x80xi32, #tpu.memory_space<vmem>> -> memref<80xi32, #tpu.memory_space<vmem>>
      %dma_start3A_546 = arith.constant 0 : i32
      %dma_start3A_547 = arith.constant 0 : i32
      %dma_start3A_548 = tpu.memref_slice %arg12[%dma_start3A_546, %dma_start3A_547] : memref<10240x128xf32, #tpu.memory_space<vmem_shared>> -> memref<10240x128xf32, #tpu.memory_space<vmem_shared>>
      tpu.enqueue_indirect_dma source(%arg9 : memref<80x128xf32, #tpu.memory_space<vmem>>) target(%dma_start3A_548 : memref<10240x128xf32, #tpu.memory_space<vmem_shared>>) offsets(%dma_start3A_545 : memref<80xi32, #tpu.memory_space<vmem>>) semaphore(%arg16 : memref<!tpu.dma_semaphore, #tpu.memory_space<semaphore_mem>>) {add = true}
      %dma_wait3A_549 = arith.constant 17 : i32
      %dma_wait3A_550 = arith.constant 0 : i32
      %dma_wait3A_551 = tpu.memref_slice %arg8[%dma_wait3A_549, %dma_wait3A_550] : memref<50x80xi32, #tpu.memory_space<vmem>> -> memref<1x80xi32, #tpu.memory_space<vmem>>
      %dma_wait3A_552 = tpu.memref_squeeze %dma_wait3A_551 : memref<1x80xi32, #tpu.memory_space<vmem>> -> memref<80xi32, #tpu.memory_space<vmem>>
      %dma_wait3A_553 = arith.constant 0 : i32
      %dma_wait3A_554 = arith.constant 0 : i32
      %dma_wait3A_555 = tpu.memref_slice %arg12[%dma_wait3A_553, %dma_wait3A_554] : memref<10240x128xf32, #tpu.memory_space<vmem_shared>> -> memref<10240x128xf32, #tpu.memory_space<vmem_shared>>
      tpu.wait_indirect_dma semaphore(%arg18 : memref<!tpu.dma_semaphore, #tpu.memory_space<semaphore_mem>>) src(%arg11 : memref<80x128xf32, #tpu.memory_space<vmem>>) dst(%dma_wait3A_555 : memref<10240x128xf32, #tpu.memory_space<vmem_shared>>)
      %dma_start3A_556 = arith.constant 20 : i32
      %dma_start3A_557 = arith.constant 0 : i32
      %dma_start3A_558 = tpu.memref_slice %arg7[%dma_start3A_556, %dma_start3A_557] : memref<50x80xi32, #tpu.memory_space<vmem>> -> memref<1x80xi32, #tpu.memory_space<vmem>>
      %dma_start3A_559 = tpu.memref_squeeze %dma_start3A_558 : memref<1x80xi32, #tpu.memory_space<vmem>> -> memref<80xi32, #tpu.memory_space<vmem>>
      %dma_start3A_560 = arith.constant 0 : i32
      %dma_start3A_561 = arith.constant 0 : i32
      %dma_start3A_562 = tpu.memref_slice %arg2[%dma_start3A_560, %dma_start3A_561] : memref<80000x128xf32, #tpu.memory_space<hbm>> -> memref<80000x128xf32, #tpu.memory_space<hbm>>
      tpu.enqueue_indirect_dma source(%dma_start3A_562 : memref<80000x128xf32, #tpu.memory_space<hbm>>) target(%arg11 : memref<80x128xf32, #tpu.memory_space<vmem>>) offsets(%dma_start3A_559 : memref<80xi32, #tpu.memory_space<vmem>>) semaphore(%arg15 : memref<!tpu.dma_semaphore, #tpu.memory_space<semaphore_mem>>)
      %dma_wait3A_563 = arith.constant 19 : i32
      %dma_wait3A_564 = arith.constant 0 : i32
      %dma_wait3A_565 = tpu.memref_slice %arg7[%dma_wait3A_563, %dma_wait3A_564] : memref<50x80xi32, #tpu.memory_space<vmem>> -> memref<1x80xi32, #tpu.memory_space<vmem>>
      %dma_wait3A_566 = tpu.memref_squeeze %dma_wait3A_565 : memref<1x80xi32, #tpu.memory_space<vmem>> -> memref<80xi32, #tpu.memory_space<vmem>>
      %dma_wait3A_567 = arith.constant 0 : i32
      %dma_wait3A_568 = arith.constant 0 : i32
      %dma_wait3A_569 = tpu.memref_slice %arg2[%dma_wait3A_567, %dma_wait3A_568] : memref<80000x128xf32, #tpu.memory_space<hbm>> -> memref<80000x128xf32, #tpu.memory_space<hbm>>
      tpu.wait_indirect_dma semaphore(%arg14 : memref<!tpu.dma_semaphore, #tpu.memory_space<semaphore_mem>>) src(%dma_wait3A_569 : memref<80000x128xf32, #tpu.memory_space<hbm>>) dst(%arg10 : memref<80x128xf32, #tpu.memory_space<vmem>>)
      %dma_start3A_570 = arith.constant 19 : i32
      %dma_start3A_571 = arith.constant 0 : i32
      %dma_start3A_572 = tpu.memref_slice %arg8[%dma_start3A_570, %dma_start3A_571] : memref<50x80xi32, #tpu.memory_space<vmem>> -> memref<1x80xi32, #tpu.memory_space<vmem>>
      %dma_start3A_573 = tpu.memref_squeeze %dma_start3A_572 : memref<1x80xi32, #tpu.memory_space<vmem>> -> memref<80xi32, #tpu.memory_space<vmem>>
      %dma_start3A_574 = arith.constant 0 : i32
      %dma_start3A_575 = arith.constant 0 : i32
      %dma_start3A_576 = tpu.memref_slice %arg12[%dma_start3A_574, %dma_start3A_575] : memref<10240x128xf32, #tpu.memory_space<vmem_shared>> -> memref<10240x128xf32, #tpu.memory_space<vmem_shared>>
      tpu.enqueue_indirect_dma source(%arg10 : memref<80x128xf32, #tpu.memory_space<vmem>>) target(%dma_start3A_576 : memref<10240x128xf32, #tpu.memory_space<vmem_shared>>) offsets(%dma_start3A_573 : memref<80xi32, #tpu.memory_space<vmem>>) semaphore(%arg17 : memref<!tpu.dma_semaphore, #tpu.memory_space<semaphore_mem>>) {add = true}
      %dma_wait3A_577 = arith.constant 18 : i32
      %dma_wait3A_578 = arith.constant 0 : i32
      %dma_wait3A_579 = tpu.memref_slice %arg8[%dma_wait3A_577, %dma_wait3A_578] : memref<50x80xi32, #tpu.memory_space<vmem>> -> memref<1x80xi32, #tpu.memory_space<vmem>>
      %dma_wait3A_580 = tpu.memref_squeeze %dma_wait3A_579 : memref<1x80xi32, #tpu.memory_space<vmem>> -> memref<80xi32, #tpu.memory_space<vmem>>
      %dma_wait3A_581 = arith.constant 0 : i32
      %dma_wait3A_582 = arith.constant 0 : i32
      %dma_wait3A_583 = tpu.memref_slice %arg12[%dma_wait3A_581, %dma_wait3A_582] : memref<10240x128xf32, #tpu.memory_space<vmem_shared>> -> memref<10240x128xf32, #tpu.memory_space<vmem_shared>>
      tpu.wait_indirect_dma semaphore(%arg16 : memref<!tpu.dma_semaphore, #tpu.memory_space<semaphore_mem>>) src(%arg9 : memref<80x128xf32, #tpu.memory_space<vmem>>) dst(%dma_wait3A_583 : memref<10240x128xf32, #tpu.memory_space<vmem_shared>>)
      %dma_start3A_584 = arith.constant 21 : i32
      %dma_start3A_585 = arith.constant 0 : i32
      %dma_start3A_586 = tpu.memref_slice %arg7[%dma_start3A_584, %dma_start3A_585] : memref<50x80xi32, #tpu.memory_space<vmem>> -> memref<1x80xi32, #tpu.memory_space<vmem>>
      %dma_start3A_587 = tpu.memref_squeeze %dma_start3A_586 : memref<1x80xi32, #tpu.memory_space<vmem>> -> memref<80xi32, #tpu.memory_space<vmem>>
      %dma_start3A_588 = arith.constant 0 : i32
      %dma_start3A_589 = arith.constant 0 : i32
      %dma_start3A_590 = tpu.memref_slice %arg2[%dma_start3A_588, %dma_start3A_589] : memref<80000x128xf32, #tpu.memory_space<hbm>> -> memref<80000x128xf32, #tpu.memory_space<hbm>>
      tpu.enqueue_indirect_dma source(%dma_start3A_590 : memref<80000x128xf32, #tpu.memory_space<hbm>>) target(%arg9 : memref<80x128xf32, #tpu.memory_space<vmem>>) offsets(%dma_start3A_587 : memref<80xi32, #tpu.memory_space<vmem>>) semaphore(%arg13 : memref<!tpu.dma_semaphore, #tpu.memory_space<semaphore_mem>>)
      %dma_wait3A_591 = arith.constant 20 : i32
      %dma_wait3A_592 = arith.constant 0 : i32
      %dma_wait3A_593 = tpu.memref_slice %arg7[%dma_wait3A_591, %dma_wait3A_592] : memref<50x80xi32, #tpu.memory_space<vmem>> -> memref<1x80xi32, #tpu.memory_space<vmem>>
      %dma_wait3A_594 = tpu.memref_squeeze %dma_wait3A_593 : memref<1x80xi32, #tpu.memory_space<vmem>> -> memref<80xi32, #tpu.memory_space<vmem>>
      %dma_wait3A_595 = arith.constant 0 : i32
      %dma_wait3A_596 = arith.constant 0 : i32
      %dma_wait3A_597 = tpu.memref_slice %arg2[%dma_wait3A_595, %dma_wait3A_596] : memref<80000x128xf32, #tpu.memory_space<hbm>> -> memref<80000x128xf32, #tpu.memory_space<hbm>>
      tpu.wait_indirect_dma semaphore(%arg15 : memref<!tpu.dma_semaphore, #tpu.memory_space<semaphore_mem>>) src(%dma_wait3A_597 : memref<80000x128xf32, #tpu.memory_space<hbm>>) dst(%arg11 : memref<80x128xf32, #tpu.memory_space<vmem>>)
      %dma_start3A_598 = arith.constant 20 : i32
      %dma_start3A_599 = arith.constant 0 : i32
      %dma_start3A_600 = tpu.memref_slice %arg8[%dma_start3A_598, %dma_start3A_599] : memref<50x80xi32, #tpu.memory_space<vmem>> -> memref<1x80xi32, #tpu.memory_space<vmem>>
      %dma_start3A_601 = tpu.memref_squeeze %dma_start3A_600 : memref<1x80xi32, #tpu.memory_space<vmem>> -> memref<80xi32, #tpu.memory_space<vmem>>
      %dma_start3A_602 = arith.constant 0 : i32
      %dma_start3A_603 = arith.constant 0 : i32
      %dma_start3A_604 = tpu.memref_slice %arg12[%dma_start3A_602, %dma_start3A_603] : memref<10240x128xf32, #tpu.memory_space<vmem_shared>> -> memref<10240x128xf32, #tpu.memory_space<vmem_shared>>
      tpu.enqueue_indirect_dma source(%arg11 : memref<80x128xf32, #tpu.memory_space<vmem>>) target(%dma_start3A_604 : memref<10240x128xf32, #tpu.memory_space<vmem_shared>>) offsets(%dma_start3A_601 : memref<80xi32, #tpu.memory_space<vmem>>) semaphore(%arg18 : memref<!tpu.dma_semaphore, #tpu.memory_space<semaphore_mem>>) {add = true}
      %dma_wait3A_605 = arith.constant 19 : i32
      %dma_wait3A_606 = arith.constant 0 : i32
      %dma_wait3A_607 = tpu.memref_slice %arg8[%dma_wait3A_605, %dma_wait3A_606] : memref<50x80xi32, #tpu.memory_space<vmem>> -> memref<1x80xi32, #tpu.memory_space<vmem>>
      %dma_wait3A_608 = tpu.memref_squeeze %dma_wait3A_607 : memref<1x80xi32, #tpu.memory_space<vmem>> -> memref<80xi32, #tpu.memory_space<vmem>>
      %dma_wait3A_609 = arith.constant 0 : i32
      %dma_wait3A_610 = arith.constant 0 : i32
      %dma_wait3A_611 = tpu.memref_slice %arg12[%dma_wait3A_609, %dma_wait3A_610] : memref<10240x128xf32, #tpu.memory_space<vmem_shared>> -> memref<10240x128xf32, #tpu.memory_space<vmem_shared>>
      tpu.wait_indirect_dma semaphore(%arg17 : memref<!tpu.dma_semaphore, #tpu.memory_space<semaphore_mem>>) src(%arg10 : memref<80x128xf32, #tpu.memory_space<vmem>>) dst(%dma_wait3A_611 : memref<10240x128xf32, #tpu.memory_space<vmem_shared>>)
      %dma_start3A_612 = arith.constant 22 : i32
      %dma_start3A_613 = arith.constant 0 : i32
      %dma_start3A_614 = tpu.memref_slice %arg7[%dma_start3A_612, %dma_start3A_613] : memref<50x80xi32, #tpu.memory_space<vmem>> -> memref<1x80xi32, #tpu.memory_space<vmem>>
      %dma_start3A_615 = tpu.memref_squeeze %dma_start3A_614 : memref<1x80xi32, #tpu.memory_space<vmem>> -> memref<80xi32, #tpu.memory_space<vmem>>
      %dma_start3A_616 = arith.constant 0 : i32
      %dma_start3A_617 = arith.constant 0 : i32
      %dma_start3A_618 = tpu.memref_slice %arg2[%dma_start3A_616, %dma_start3A_617] : memref<80000x128xf32, #tpu.memory_space<hbm>> -> memref<80000x128xf32, #tpu.memory_space<hbm>>
      tpu.enqueue_indirect_dma source(%dma_start3A_618 : memref<80000x128xf32, #tpu.memory_space<hbm>>) target(%arg10 : memref<80x128xf32, #tpu.memory_space<vmem>>) offsets(%dma_start3A_615 : memref<80xi32, #tpu.memory_space<vmem>>) semaphore(%arg14 : memref<!tpu.dma_semaphore, #tpu.memory_space<semaphore_mem>>)
      %dma_wait3A_619 = arith.constant 21 : i32
      %dma_wait3A_620 = arith.constant 0 : i32
      %dma_wait3A_621 = tpu.memref_slice %arg7[%dma_wait3A_619, %dma_wait3A_620] : memref<50x80xi32, #tpu.memory_space<vmem>> -> memref<1x80xi32, #tpu.memory_space<vmem>>
      %dma_wait3A_622 = tpu.memref_squeeze %dma_wait3A_621 : memref<1x80xi32, #tpu.memory_space<vmem>> -> memref<80xi32, #tpu.memory_space<vmem>>
      %dma_wait3A_623 = arith.constant 0 : i32
      %dma_wait3A_624 = arith.constant 0 : i32
      %dma_wait3A_625 = tpu.memref_slice %arg2[%dma_wait3A_623, %dma_wait3A_624] : memref<80000x128xf32, #tpu.memory_space<hbm>> -> memref<80000x128xf32, #tpu.memory_space<hbm>>
      tpu.wait_indirect_dma semaphore(%arg13 : memref<!tpu.dma_semaphore, #tpu.memory_space<semaphore_mem>>) src(%dma_wait3A_625 : memref<80000x128xf32, #tpu.memory_space<hbm>>) dst(%arg9 : memref<80x128xf32, #tpu.memory_space<vmem>>)
      %dma_start3A_626 = arith.constant 21 : i32
      %dma_start3A_627 = arith.constant 0 : i32
      %dma_start3A_628 = tpu.memref_slice %arg8[%dma_start3A_626, %dma_start3A_627] : memref<50x80xi32, #tpu.memory_space<vmem>> -> memref<1x80xi32, #tpu.memory_space<vmem>>
      %dma_start3A_629 = tpu.memref_squeeze %dma_start3A_628 : memref<1x80xi32, #tpu.memory_space<vmem>> -> memref<80xi32, #tpu.memory_space<vmem>>
      %dma_start3A_630 = arith.constant 0 : i32
      %dma_start3A_631 = arith.constant 0 : i32
      %dma_start3A_632 = tpu.memref_slice %arg12[%dma_start3A_630, %dma_start3A_631] : memref<10240x128xf32, #tpu.memory_space<vmem_shared>> -> memref<10240x128xf32, #tpu.memory_space<vmem_shared>>
      tpu.enqueue_indirect_dma source(%arg9 : memref<80x128xf32, #tpu.memory_space<vmem>>) target(%dma_start3A_632 : memref<10240x128xf32, #tpu.memory_space<vmem_shared>>) offsets(%dma_start3A_629 : memref<80xi32, #tpu.memory_space<vmem>>) semaphore(%arg16 : memref<!tpu.dma_semaphore, #tpu.memory_space<semaphore_mem>>) {add = true}
      %dma_wait3A_633 = arith.constant 20 : i32
      %dma_wait3A_634 = arith.constant 0 : i32
      %dma_wait3A_635 = tpu.memref_slice %arg8[%dma_wait3A_633, %dma_wait3A_634] : memref<50x80xi32, #tpu.memory_space<vmem>> -> memref<1x80xi32, #tpu.memory_space<vmem>>
      %dma_wait3A_636 = tpu.memref_squeeze %dma_wait3A_635 : memref<1x80xi32, #tpu.memory_space<vmem>> -> memref<80xi32, #tpu.memory_space<vmem>>
      %dma_wait3A_637 = arith.constant 0 : i32
      %dma_wait3A_638 = arith.constant 0 : i32
      %dma_wait3A_639 = tpu.memref_slice %arg12[%dma_wait3A_637, %dma_wait3A_638] : memref<10240x128xf32, #tpu.memory_space<vmem_shared>> -> memref<10240x128xf32, #tpu.memory_space<vmem_shared>>
      tpu.wait_indirect_dma semaphore(%arg18 : memref<!tpu.dma_semaphore, #tpu.memory_space<semaphore_mem>>) src(%arg11 : memref<80x128xf32, #tpu.memory_space<vmem>>) dst(%dma_wait3A_639 : memref<10240x128xf32, #tpu.memory_space<vmem_shared>>)
      %dma_start3A_640 = arith.constant 23 : i32
      %dma_start3A_641 = arith.constant 0 : i32
      %dma_start3A_642 = tpu.memref_slice %arg7[%dma_start3A_640, %dma_start3A_641] : memref<50x80xi32, #tpu.memory_space<vmem>> -> memref<1x80xi32, #tpu.memory_space<vmem>>
      %dma_start3A_643 = tpu.memref_squeeze %dma_start3A_642 : memref<1x80xi32, #tpu.memory_space<vmem>> -> memref<80xi32, #tpu.memory_space<vmem>>
      %dma_start3A_644 = arith.constant 0 : i32
      %dma_start3A_645 = arith.constant 0 : i32
      %dma_start3A_646 = tpu.memref_slice %arg2[%dma_start3A_644, %dma_start3A_645] : memref<80000x128xf32, #tpu.memory_space<hbm>> -> memref<80000x128xf32, #tpu.memory_space<hbm>>
      tpu.enqueue_indirect_dma source(%dma_start3A_646 : memref<80000x128xf32, #tpu.memory_space<hbm>>) target(%arg11 : memref<80x128xf32, #tpu.memory_space<vmem>>) offsets(%dma_start3A_643 : memref<80xi32, #tpu.memory_space<vmem>>) semaphore(%arg15 : memref<!tpu.dma_semaphore, #tpu.memory_space<semaphore_mem>>)
      %dma_wait3A_647 = arith.constant 22 : i32
      %dma_wait3A_648 = arith.constant 0 : i32
      %dma_wait3A_649 = tpu.memref_slice %arg7[%dma_wait3A_647, %dma_wait3A_648] : memref<50x80xi32, #tpu.memory_space<vmem>> -> memref<1x80xi32, #tpu.memory_space<vmem>>
      %dma_wait3A_650 = tpu.memref_squeeze %dma_wait3A_649 : memref<1x80xi32, #tpu.memory_space<vmem>> -> memref<80xi32, #tpu.memory_space<vmem>>
      %dma_wait3A_651 = arith.constant 0 : i32
      %dma_wait3A_652 = arith.constant 0 : i32
      %dma_wait3A_653 = tpu.memref_slice %arg2[%dma_wait3A_651, %dma_wait3A_652] : memref<80000x128xf32, #tpu.memory_space<hbm>> -> memref<80000x128xf32, #tpu.memory_space<hbm>>
      tpu.wait_indirect_dma semaphore(%arg14 : memref<!tpu.dma_semaphore, #tpu.memory_space<semaphore_mem>>) src(%dma_wait3A_653 : memref<80000x128xf32, #tpu.memory_space<hbm>>) dst(%arg10 : memref<80x128xf32, #tpu.memory_space<vmem>>)
      %dma_start3A_654 = arith.constant 22 : i32
      %dma_start3A_655 = arith.constant 0 : i32
      %dma_start3A_656 = tpu.memref_slice %arg8[%dma_start3A_654, %dma_start3A_655] : memref<50x80xi32, #tpu.memory_space<vmem>> -> memref<1x80xi32, #tpu.memory_space<vmem>>
      %dma_start3A_657 = tpu.memref_squeeze %dma_start3A_656 : memref<1x80xi32, #tpu.memory_space<vmem>> -> memref<80xi32, #tpu.memory_space<vmem>>
      %dma_start3A_658 = arith.constant 0 : i32
      %dma_start3A_659 = arith.constant 0 : i32
      %dma_start3A_660 = tpu.memref_slice %arg12[%dma_start3A_658, %dma_start3A_659] : memref<10240x128xf32, #tpu.memory_space<vmem_shared>> -> memref<10240x128xf32, #tpu.memory_space<vmem_shared>>
      tpu.enqueue_indirect_dma source(%arg10 : memref<80x128xf32, #tpu.memory_space<vmem>>) target(%dma_start3A_660 : memref<10240x128xf32, #tpu.memory_space<vmem_shared>>) offsets(%dma_start3A_657 : memref<80xi32, #tpu.memory_space<vmem>>) semaphore(%arg17 : memref<!tpu.dma_semaphore, #tpu.memory_space<semaphore_mem>>) {add = true}
      %dma_wait3A_661 = arith.constant 21 : i32
      %dma_wait3A_662 = arith.constant 0 : i32
      %dma_wait3A_663 = tpu.memref_slice %arg8[%dma_wait3A_661, %dma_wait3A_662] : memref<50x80xi32, #tpu.memory_space<vmem>> -> memref<1x80xi32, #tpu.memory_space<vmem>>
      %dma_wait3A_664 = tpu.memref_squeeze %dma_wait3A_663 : memref<1x80xi32, #tpu.memory_space<vmem>> -> memref<80xi32, #tpu.memory_space<vmem>>
      %dma_wait3A_665 = arith.constant 0 : i32
      %dma_wait3A_666 = arith.constant 0 : i32
      %dma_wait3A_667 = tpu.memref_slice %arg12[%dma_wait3A_665, %dma_wait3A_666] : memref<10240x128xf32, #tpu.memory_space<vmem_shared>> -> memref<10240x128xf32, #tpu.memory_space<vmem_shared>>
      tpu.wait_indirect_dma semaphore(%arg16 : memref<!tpu.dma_semaphore, #tpu.memory_space<semaphore_mem>>) src(%arg9 : memref<80x128xf32, #tpu.memory_space<vmem>>) dst(%dma_wait3A_667 : memref<10240x128xf32, #tpu.memory_space<vmem_shared>>)
      %dma_start3A_668 = arith.constant 24 : i32
      %dma_start3A_669 = arith.constant 0 : i32
      %dma_start3A_670 = tpu.memref_slice %arg7[%dma_start3A_668, %dma_start3A_669] : memref<50x80xi32, #tpu.memory_space<vmem>> -> memref<1x80xi32, #tpu.memory_space<vmem>>
      %dma_start3A_671 = tpu.memref_squeeze %dma_start3A_670 : memref<1x80xi32, #tpu.memory_space<vmem>> -> memref<80xi32, #tpu.memory_space<vmem>>
      %dma_start3A_672 = arith.constant 0 : i32
      %dma_start3A_673 = arith.constant 0 : i32
      %dma_start3A_674 = tpu.memref_slice %arg2[%dma_start3A_672, %dma_start3A_673] : memref<80000x128xf32, #tpu.memory_space<hbm>> -> memref<80000x128xf32, #tpu.memory_space<hbm>>
      tpu.enqueue_indirect_dma source(%dma_start3A_674 : memref<80000x128xf32, #tpu.memory_space<hbm>>) target(%arg9 : memref<80x128xf32, #tpu.memory_space<vmem>>) offsets(%dma_start3A_671 : memref<80xi32, #tpu.memory_space<vmem>>) semaphore(%arg13 : memref<!tpu.dma_semaphore, #tpu.memory_space<semaphore_mem>>)
      %dma_wait3A_675 = arith.constant 23 : i32
      %dma_wait3A_676 = arith.constant 0 : i32
      %dma_wait3A_677 = tpu.memref_slice %arg7[%dma_wait3A_675, %dma_wait3A_676] : memref<50x80xi32, #tpu.memory_space<vmem>> -> memref<1x80xi32, #tpu.memory_space<vmem>>
      %dma_wait3A_678 = tpu.memref_squeeze %dma_wait3A_677 : memref<1x80xi32, #tpu.memory_space<vmem>> -> memref<80xi32, #tpu.memory_space<vmem>>
      %dma_wait3A_679 = arith.constant 0 : i32
      %dma_wait3A_680 = arith.constant 0 : i32
      %dma_wait3A_681 = tpu.memref_slice %arg2[%dma_wait3A_679, %dma_wait3A_680] : memref<80000x128xf32, #tpu.memory_space<hbm>> -> memref<80000x128xf32, #tpu.memory_space<hbm>>
      tpu.wait_indirect_dma semaphore(%arg15 : memref<!tpu.dma_semaphore, #tpu.memory_space<semaphore_mem>>) src(%dma_wait3A_681 : memref<80000x128xf32, #tpu.memory_space<hbm>>) dst(%arg11 : memref<80x128xf32, #tpu.memory_space<vmem>>)
      %dma_start3A_682 = arith.constant 23 : i32
      %dma_start3A_683 = arith.constant 0 : i32
      %dma_start3A_684 = tpu.memref_slice %arg8[%dma_start3A_682, %dma_start3A_683] : memref<50x80xi32, #tpu.memory_space<vmem>> -> memref<1x80xi32, #tpu.memory_space<vmem>>
      %dma_start3A_685 = tpu.memref_squeeze %dma_start3A_684 : memref<1x80xi32, #tpu.memory_space<vmem>> -> memref<80xi32, #tpu.memory_space<vmem>>
      %dma_start3A_686 = arith.constant 0 : i32
      %dma_start3A_687 = arith.constant 0 : i32
      %dma_start3A_688 = tpu.memref_slice %arg12[%dma_start3A_686, %dma_start3A_687] : memref<10240x128xf32, #tpu.memory_space<vmem_shared>> -> memref<10240x128xf32, #tpu.memory_space<vmem_shared>>
      tpu.enqueue_indirect_dma source(%arg11 : memref<80x128xf32, #tpu.memory_space<vmem>>) target(%dma_start3A_688 : memref<10240x128xf32, #tpu.memory_space<vmem_shared>>) offsets(%dma_start3A_685 : memref<80xi32, #tpu.memory_space<vmem>>) semaphore(%arg18 : memref<!tpu.dma_semaphore, #tpu.memory_space<semaphore_mem>>) {add = true}
      %dma_wait3A_689 = arith.constant 22 : i32
      %dma_wait3A_690 = arith.constant 0 : i32
      %dma_wait3A_691 = tpu.memref_slice %arg8[%dma_wait3A_689, %dma_wait3A_690] : memref<50x80xi32, #tpu.memory_space<vmem>> -> memref<1x80xi32, #tpu.memory_space<vmem>>
      %dma_wait3A_692 = tpu.memref_squeeze %dma_wait3A_691 : memref<1x80xi32, #tpu.memory_space<vmem>> -> memref<80xi32, #tpu.memory_space<vmem>>
      %dma_wait3A_693 = arith.constant 0 : i32
      %dma_wait3A_694 = arith.constant 0 : i32
      %dma_wait3A_695 = tpu.memref_slice %arg12[%dma_wait3A_693, %dma_wait3A_694] : memref<10240x128xf32, #tpu.memory_space<vmem_shared>> -> memref<10240x128xf32, #tpu.memory_space<vmem_shared>>
      tpu.wait_indirect_dma semaphore(%arg17 : memref<!tpu.dma_semaphore, #tpu.memory_space<semaphore_mem>>) src(%arg10 : memref<80x128xf32, #tpu.memory_space<vmem>>) dst(%dma_wait3A_695 : memref<10240x128xf32, #tpu.memory_space<vmem_shared>>)
      %dma_start3A_696 = arith.constant 25 : i32
      %dma_start3A_697 = arith.constant 0 : i32
      %dma_start3A_698 = tpu.memref_slice %arg7[%dma_start3A_696, %dma_start3A_697] : memref<50x80xi32, #tpu.memory_space<vmem>> -> memref<1x80xi32, #tpu.memory_space<vmem>>
      %dma_start3A_699 = tpu.memref_squeeze %dma_start3A_698 : memref<1x80xi32, #tpu.memory_space<vmem>> -> memref<80xi32, #tpu.memory_space<vmem>>
      %dma_start3A_700 = arith.constant 0 : i32
      %dma_start3A_701 = arith.constant 0 : i32
      %dma_start3A_702 = tpu.memref_slice %arg2[%dma_start3A_700, %dma_start3A_701] : memref<80000x128xf32, #tpu.memory_space<hbm>> -> memref<80000x128xf32, #tpu.memory_space<hbm>>
      tpu.enqueue_indirect_dma source(%dma_start3A_702 : memref<80000x128xf32, #tpu.memory_space<hbm>>) target(%arg10 : memref<80x128xf32, #tpu.memory_space<vmem>>) offsets(%dma_start3A_699 : memref<80xi32, #tpu.memory_space<vmem>>) semaphore(%arg14 : memref<!tpu.dma_semaphore, #tpu.memory_space<semaphore_mem>>)
      %dma_wait3A_703 = arith.constant 24 : i32
      %dma_wait3A_704 = arith.constant 0 : i32
      %dma_wait3A_705 = tpu.memref_slice %arg7[%dma_wait3A_703, %dma_wait3A_704] : memref<50x80xi32, #tpu.memory_space<vmem>> -> memref<1x80xi32, #tpu.memory_space<vmem>>
      %dma_wait3A_706 = tpu.memref_squeeze %dma_wait3A_705 : memref<1x80xi32, #tpu.memory_space<vmem>> -> memref<80xi32, #tpu.memory_space<vmem>>
      %dma_wait3A_707 = arith.constant 0 : i32
      %dma_wait3A_708 = arith.constant 0 : i32
      %dma_wait3A_709 = tpu.memref_slice %arg2[%dma_wait3A_707, %dma_wait3A_708] : memref<80000x128xf32, #tpu.memory_space<hbm>> -> memref<80000x128xf32, #tpu.memory_space<hbm>>
      tpu.wait_indirect_dma semaphore(%arg13 : memref<!tpu.dma_semaphore, #tpu.memory_space<semaphore_mem>>) src(%dma_wait3A_709 : memref<80000x128xf32, #tpu.memory_space<hbm>>) dst(%arg9 : memref<80x128xf32, #tpu.memory_space<vmem>>)
      %dma_start3A_710 = arith.constant 24 : i32
      %dma_start3A_711 = arith.constant 0 : i32
      %dma_start3A_712 = tpu.memref_slice %arg8[%dma_start3A_710, %dma_start3A_711] : memref<50x80xi32, #tpu.memory_space<vmem>> -> memref<1x80xi32, #tpu.memory_space<vmem>>
      %dma_start3A_713 = tpu.memref_squeeze %dma_start3A_712 : memref<1x80xi32, #tpu.memory_space<vmem>> -> memref<80xi32, #tpu.memory_space<vmem>>
      %dma_start3A_714 = arith.constant 0 : i32
      %dma_start3A_715 = arith.constant 0 : i32
      %dma_start3A_716 = tpu.memref_slice %arg12[%dma_start3A_714, %dma_start3A_715] : memref<10240x128xf32, #tpu.memory_space<vmem_shared>> -> memref<10240x128xf32, #tpu.memory_space<vmem_shared>>
      tpu.enqueue_indirect_dma source(%arg9 : memref<80x128xf32, #tpu.memory_space<vmem>>) target(%dma_start3A_716 : memref<10240x128xf32, #tpu.memory_space<vmem_shared>>) offsets(%dma_start3A_713 : memref<80xi32, #tpu.memory_space<vmem>>) semaphore(%arg16 : memref<!tpu.dma_semaphore, #tpu.memory_space<semaphore_mem>>) {add = true}
      %dma_wait3A_717 = arith.constant 23 : i32
      %dma_wait3A_718 = arith.constant 0 : i32
      %dma_wait3A_719 = tpu.memref_slice %arg8[%dma_wait3A_717, %dma_wait3A_718] : memref<50x80xi32, #tpu.memory_space<vmem>> -> memref<1x80xi32, #tpu.memory_space<vmem>>
      %dma_wait3A_720 = tpu.memref_squeeze %dma_wait3A_719 : memref<1x80xi32, #tpu.memory_space<vmem>> -> memref<80xi32, #tpu.memory_space<vmem>>
      %dma_wait3A_721 = arith.constant 0 : i32
      %dma_wait3A_722 = arith.constant 0 : i32
      %dma_wait3A_723 = tpu.memref_slice %arg12[%dma_wait3A_721, %dma_wait3A_722] : memref<10240x128xf32, #tpu.memory_space<vmem_shared>> -> memref<10240x128xf32, #tpu.memory_space<vmem_shared>>
      tpu.wait_indirect_dma semaphore(%arg18 : memref<!tpu.dma_semaphore, #tpu.memory_space<semaphore_mem>>) src(%arg11 : memref<80x128xf32, #tpu.memory_space<vmem>>) dst(%dma_wait3A_723 : memref<10240x128xf32, #tpu.memory_space<vmem_shared>>)
      %dma_start3A_724 = arith.constant 26 : i32
      %dma_start3A_725 = arith.constant 0 : i32
      %dma_start3A_726 = tpu.memref_slice %arg7[%dma_start3A_724, %dma_start3A_725] : memref<50x80xi32, #tpu.memory_space<vmem>> -> memref<1x80xi32, #tpu.memory_space<vmem>>
      %dma_start3A_727 = tpu.memref_squeeze %dma_start3A_726 : memref<1x80xi32, #tpu.memory_space<vmem>> -> memref<80xi32, #tpu.memory_space<vmem>>
      %dma_start3A_728 = arith.constant 0 : i32
      %dma_start3A_729 = arith.constant 0 : i32
      %dma_start3A_730 = tpu.memref_slice %arg2[%dma_start3A_728, %dma_start3A_729] : memref<80000x128xf32, #tpu.memory_space<hbm>> -> memref<80000x128xf32, #tpu.memory_space<hbm>>
      tpu.enqueue_indirect_dma source(%dma_start3A_730 : memref<80000x128xf32, #tpu.memory_space<hbm>>) target(%arg11 : memref<80x128xf32, #tpu.memory_space<vmem>>) offsets(%dma_start3A_727 : memref<80xi32, #tpu.memory_space<vmem>>) semaphore(%arg15 : memref<!tpu.dma_semaphore, #tpu.memory_space<semaphore_mem>>)
      %dma_wait3A_731 = arith.constant 25 : i32
      %dma_wait3A_732 = arith.constant 0 : i32
      %dma_wait3A_733 = tpu.memref_slice %arg7[%dma_wait3A_731, %dma_wait3A_732] : memref<50x80xi32, #tpu.memory_space<vmem>> -> memref<1x80xi32, #tpu.memory_space<vmem>>
      %dma_wait3A_734 = tpu.memref_squeeze %dma_wait3A_733 : memref<1x80xi32, #tpu.memory_space<vmem>> -> memref<80xi32, #tpu.memory_space<vmem>>
      %dma_wait3A_735 = arith.constant 0 : i32
      %dma_wait3A_736 = arith.constant 0 : i32
      %dma_wait3A_737 = tpu.memref_slice %arg2[%dma_wait3A_735, %dma_wait3A_736] : memref<80000x128xf32, #tpu.memory_space<hbm>> -> memref<80000x128xf32, #tpu.memory_space<hbm>>
      tpu.wait_indirect_dma semaphore(%arg14 : memref<!tpu.dma_semaphore, #tpu.memory_space<semaphore_mem>>) src(%dma_wait3A_737 : memref<80000x128xf32, #tpu.memory_space<hbm>>) dst(%arg10 : memref<80x128xf32, #tpu.memory_space<vmem>>)
      %dma_start3A_738 = arith.constant 25 : i32
      %dma_start3A_739 = arith.constant 0 : i32
      %dma_start3A_740 = tpu.memref_slice %arg8[%dma_start3A_738, %dma_start3A_739] : memref<50x80xi32, #tpu.memory_space<vmem>> -> memref<1x80xi32, #tpu.memory_space<vmem>>
      %dma_start3A_741 = tpu.memref_squeeze %dma_start3A_740 : memref<1x80xi32, #tpu.memory_space<vmem>> -> memref<80xi32, #tpu.memory_space<vmem>>
      %dma_start3A_742 = arith.constant 0 : i32
      %dma_start3A_743 = arith.constant 0 : i32
      %dma_start3A_744 = tpu.memref_slice %arg12[%dma_start3A_742, %dma_start3A_743] : memref<10240x128xf32, #tpu.memory_space<vmem_shared>> -> memref<10240x128xf32, #tpu.memory_space<vmem_shared>>
      tpu.enqueue_indirect_dma source(%arg10 : memref<80x128xf32, #tpu.memory_space<vmem>>) target(%dma_start3A_744 : memref<10240x128xf32, #tpu.memory_space<vmem_shared>>) offsets(%dma_start3A_741 : memref<80xi32, #tpu.memory_space<vmem>>) semaphore(%arg17 : memref<!tpu.dma_semaphore, #tpu.memory_space<semaphore_mem>>) {add = true}
      %dma_wait3A_745 = arith.constant 24 : i32
      %dma_wait3A_746 = arith.constant 0 : i32
      %dma_wait3A_747 = tpu.memref_slice %arg8[%dma_wait3A_745, %dma_wait3A_746] : memref<50x80xi32, #tpu.memory_space<vmem>> -> memref<1x80xi32, #tpu.memory_space<vmem>>
      %dma_wait3A_748 = tpu.memref_squeeze %dma_wait3A_747 : memref<1x80xi32, #tpu.memory_space<vmem>> -> memref<80xi32, #tpu.memory_space<vmem>>
      %dma_wait3A_749 = arith.constant 0 : i32
      %dma_wait3A_750 = arith.constant 0 : i32
      %dma_wait3A_751 = tpu.memref_slice %arg12[%dma_wait3A_749, %dma_wait3A_750] : memref<10240x128xf32, #tpu.memory_space<vmem_shared>> -> memref<10240x128xf32, #tpu.memory_space<vmem_shared>>
      tpu.wait_indirect_dma semaphore(%arg16 : memref<!tpu.dma_semaphore, #tpu.memory_space<semaphore_mem>>) src(%arg9 : memref<80x128xf32, #tpu.memory_space<vmem>>) dst(%dma_wait3A_751 : memref<10240x128xf32, #tpu.memory_space<vmem_shared>>)
      %dma_start3A_752 = arith.constant 27 : i32
      %dma_start3A_753 = arith.constant 0 : i32
      %dma_start3A_754 = tpu.memref_slice %arg7[%dma_start3A_752, %dma_start3A_753] : memref<50x80xi32, #tpu.memory_space<vmem>> -> memref<1x80xi32, #tpu.memory_space<vmem>>
      %dma_start3A_755 = tpu.memref_squeeze %dma_start3A_754 : memref<1x80xi32, #tpu.memory_space<vmem>> -> memref<80xi32, #tpu.memory_space<vmem>>
      %dma_start3A_756 = arith.constant 0 : i32
      %dma_start3A_757 = arith.constant 0 : i32
      %dma_start3A_758 = tpu.memref_slice %arg2[%dma_start3A_756, %dma_start3A_757] : memref<80000x128xf32, #tpu.memory_space<hbm>> -> memref<80000x128xf32, #tpu.memory_space<hbm>>
      tpu.enqueue_indirect_dma source(%dma_start3A_758 : memref<80000x128xf32, #tpu.memory_space<hbm>>) target(%arg9 : memref<80x128xf32, #tpu.memory_space<vmem>>) offsets(%dma_start3A_755 : memref<80xi32, #tpu.memory_space<vmem>>) semaphore(%arg13 : memref<!tpu.dma_semaphore, #tpu.memory_space<semaphore_mem>>)
      %dma_wait3A_759 = arith.constant 26 : i32
      %dma_wait3A_760 = arith.constant 0 : i32
      %dma_wait3A_761 = tpu.memref_slice %arg7[%dma_wait3A_759, %dma_wait3A_760] : memref<50x80xi32, #tpu.memory_space<vmem>> -> memref<1x80xi32, #tpu.memory_space<vmem>>
      %dma_wait3A_762 = tpu.memref_squeeze %dma_wait3A_761 : memref<1x80xi32, #tpu.memory_space<vmem>> -> memref<80xi32, #tpu.memory_space<vmem>>
      %dma_wait3A_763 = arith.constant 0 : i32
      %dma_wait3A_764 = arith.constant 0 : i32
      %dma_wait3A_765 = tpu.memref_slice %arg2[%dma_wait3A_763, %dma_wait3A_764] : memref<80000x128xf32, #tpu.memory_space<hbm>> -> memref<80000x128xf32, #tpu.memory_space<hbm>>
      tpu.wait_indirect_dma semaphore(%arg15 : memref<!tpu.dma_semaphore, #tpu.memory_space<semaphore_mem>>) src(%dma_wait3A_765 : memref<80000x128xf32, #tpu.memory_space<hbm>>) dst(%arg11 : memref<80x128xf32, #tpu.memory_space<vmem>>)
      %dma_start3A_766 = arith.constant 26 : i32
      %dma_start3A_767 = arith.constant 0 : i32
      %dma_start3A_768 = tpu.memref_slice %arg8[%dma_start3A_766, %dma_start3A_767] : memref<50x80xi32, #tpu.memory_space<vmem>> -> memref<1x80xi32, #tpu.memory_space<vmem>>
      %dma_start3A_769 = tpu.memref_squeeze %dma_start3A_768 : memref<1x80xi32, #tpu.memory_space<vmem>> -> memref<80xi32, #tpu.memory_space<vmem>>
      %dma_start3A_770 = arith.constant 0 : i32
      %dma_start3A_771 = arith.constant 0 : i32
      %dma_start3A_772 = tpu.memref_slice %arg12[%dma_start3A_770, %dma_start3A_771] : memref<10240x128xf32, #tpu.memory_space<vmem_shared>> -> memref<10240x128xf32, #tpu.memory_space<vmem_shared>>
      tpu.enqueue_indirect_dma source(%arg11 : memref<80x128xf32, #tpu.memory_space<vmem>>) target(%dma_start3A_772 : memref<10240x128xf32, #tpu.memory_space<vmem_shared>>) offsets(%dma_start3A_769 : memref<80xi32, #tpu.memory_space<vmem>>) semaphore(%arg18 : memref<!tpu.dma_semaphore, #tpu.memory_space<semaphore_mem>>) {add = true}
      %dma_wait3A_773 = arith.constant 25 : i32
      %dma_wait3A_774 = arith.constant 0 : i32
      %dma_wait3A_775 = tpu.memref_slice %arg8[%dma_wait3A_773, %dma_wait3A_774] : memref<50x80xi32, #tpu.memory_space<vmem>> -> memref<1x80xi32, #tpu.memory_space<vmem>>
      %dma_wait3A_776 = tpu.memref_squeeze %dma_wait3A_775 : memref<1x80xi32, #tpu.memory_space<vmem>> -> memref<80xi32, #tpu.memory_space<vmem>>
      %dma_wait3A_777 = arith.constant 0 : i32
      %dma_wait3A_778 = arith.constant 0 : i32
      %dma_wait3A_779 = tpu.memref_slice %arg12[%dma_wait3A_777, %dma_wait3A_778] : memref<10240x128xf32, #tpu.memory_space<vmem_shared>> -> memref<10240x128xf32, #tpu.memory_space<vmem_shared>>
      tpu.wait_indirect_dma semaphore(%arg17 : memref<!tpu.dma_semaphore, #tpu.memory_space<semaphore_mem>>) src(%arg10 : memref<80x128xf32, #tpu.memory_space<vmem>>) dst(%dma_wait3A_779 : memref<10240x128xf32, #tpu.memory_space<vmem_shared>>)
      %dma_start3A_780 = arith.constant 28 : i32
      %dma_start3A_781 = arith.constant 0 : i32
      %dma_start3A_782 = tpu.memref_slice %arg7[%dma_start3A_780, %dma_start3A_781] : memref<50x80xi32, #tpu.memory_space<vmem>> -> memref<1x80xi32, #tpu.memory_space<vmem>>
      %dma_start3A_783 = tpu.memref_squeeze %dma_start3A_782 : memref<1x80xi32, #tpu.memory_space<vmem>> -> memref<80xi32, #tpu.memory_space<vmem>>
      %dma_start3A_784 = arith.constant 0 : i32
      %dma_start3A_785 = arith.constant 0 : i32
      %dma_start3A_786 = tpu.memref_slice %arg2[%dma_start3A_784, %dma_start3A_785] : memref<80000x128xf32, #tpu.memory_space<hbm>> -> memref<80000x128xf32, #tpu.memory_space<hbm>>
      tpu.enqueue_indirect_dma source(%dma_start3A_786 : memref<80000x128xf32, #tpu.memory_space<hbm>>) target(%arg10 : memref<80x128xf32, #tpu.memory_space<vmem>>) offsets(%dma_start3A_783 : memref<80xi32, #tpu.memory_space<vmem>>) semaphore(%arg14 : memref<!tpu.dma_semaphore, #tpu.memory_space<semaphore_mem>>)
      %dma_wait3A_787 = arith.constant 27 : i32
      %dma_wait3A_788 = arith.constant 0 : i32
      %dma_wait3A_789 = tpu.memref_slice %arg7[%dma_wait3A_787, %dma_wait3A_788] : memref<50x80xi32, #tpu.memory_space<vmem>> -> memref<1x80xi32, #tpu.memory_space<vmem>>
      %dma_wait3A_790 = tpu.memref_squeeze %dma_wait3A_789 : memref<1x80xi32, #tpu.memory_space<vmem>> -> memref<80xi32, #tpu.memory_space<vmem>>
      %dma_wait3A_791 = arith.constant 0 : i32
      %dma_wait3A_792 = arith.constant 0 : i32
      %dma_wait3A_793 = tpu.memref_slice %arg2[%dma_wait3A_791, %dma_wait3A_792] : memref<80000x128xf32, #tpu.memory_space<hbm>> -> memref<80000x128xf32, #tpu.memory_space<hbm>>
      tpu.wait_indirect_dma semaphore(%arg13 : memref<!tpu.dma_semaphore, #tpu.memory_space<semaphore_mem>>) src(%dma_wait3A_793 : memref<80000x128xf32, #tpu.memory_space<hbm>>) dst(%arg9 : memref<80x128xf32, #tpu.memory_space<vmem>>)
      %dma_start3A_794 = arith.constant 27 : i32
      %dma_start3A_795 = arith.constant 0 : i32
      %dma_start3A_796 = tpu.memref_slice %arg8[%dma_start3A_794, %dma_start3A_795] : memref<50x80xi32, #tpu.memory_space<vmem>> -> memref<1x80xi32, #tpu.memory_space<vmem>>
      %dma_start3A_797 = tpu.memref_squeeze %dma_start3A_796 : memref<1x80xi32, #tpu.memory_space<vmem>> -> memref<80xi32, #tpu.memory_space<vmem>>
      %dma_start3A_798 = arith.constant 0 : i32
      %dma_start3A_799 = arith.constant 0 : i32
      %dma_start3A_800 = tpu.memref_slice %arg12[%dma_start3A_798, %dma_start3A_799] : memref<10240x128xf32, #tpu.memory_space<vmem_shared>> -> memref<10240x128xf32, #tpu.memory_space<vmem_shared>>
      tpu.enqueue_indirect_dma source(%arg9 : memref<80x128xf32, #tpu.memory_space<vmem>>) target(%dma_start3A_800 : memref<10240x128xf32, #tpu.memory_space<vmem_shared>>) offsets(%dma_start3A_797 : memref<80xi32, #tpu.memory_space<vmem>>) semaphore(%arg16 : memref<!tpu.dma_semaphore, #tpu.memory_space<semaphore_mem>>) {add = true}
      %dma_wait3A_801 = arith.constant 26 : i32
      %dma_wait3A_802 = arith.constant 0 : i32
      %dma_wait3A_803 = tpu.memref_slice %arg8[%dma_wait3A_801, %dma_wait3A_802] : memref<50x80xi32, #tpu.memory_space<vmem>> -> memref<1x80xi32, #tpu.memory_space<vmem>>
      %dma_wait3A_804 = tpu.memref_squeeze %dma_wait3A_803 : memref<1x80xi32, #tpu.memory_space<vmem>> -> memref<80xi32, #tpu.memory_space<vmem>>
      %dma_wait3A_805 = arith.constant 0 : i32
      %dma_wait3A_806 = arith.constant 0 : i32
      %dma_wait3A_807 = tpu.memref_slice %arg12[%dma_wait3A_805, %dma_wait3A_806] : memref<10240x128xf32, #tpu.memory_space<vmem_shared>> -> memref<10240x128xf32, #tpu.memory_space<vmem_shared>>
      tpu.wait_indirect_dma semaphore(%arg18 : memref<!tpu.dma_semaphore, #tpu.memory_space<semaphore_mem>>) src(%arg11 : memref<80x128xf32, #tpu.memory_space<vmem>>) dst(%dma_wait3A_807 : memref<10240x128xf32, #tpu.memory_space<vmem_shared>>)
      %dma_start3A_808 = arith.constant 29 : i32
      %dma_start3A_809 = arith.constant 0 : i32
      %dma_start3A_810 = tpu.memref_slice %arg7[%dma_start3A_808, %dma_start3A_809] : memref<50x80xi32, #tpu.memory_space<vmem>> -> memref<1x80xi32, #tpu.memory_space<vmem>>
      %dma_start3A_811 = tpu.memref_squeeze %dma_start3A_810 : memref<1x80xi32, #tpu.memory_space<vmem>> -> memref<80xi32, #tpu.memory_space<vmem>>
      %dma_start3A_812 = arith.constant 0 : i32
      %dma_start3A_813 = arith.constant 0 : i32
      %dma_start3A_814 = tpu.memref_slice %arg2[%dma_start3A_812, %dma_start3A_813] : memref<80000x128xf32, #tpu.memory_space<hbm>> -> memref<80000x128xf32, #tpu.memory_space<hbm>>
      tpu.enqueue_indirect_dma source(%dma_start3A_814 : memref<80000x128xf32, #tpu.memory_space<hbm>>) target(%arg11 : memref<80x128xf32, #tpu.memory_space<vmem>>) offsets(%dma_start3A_811 : memref<80xi32, #tpu.memory_space<vmem>>) semaphore(%arg15 : memref<!tpu.dma_semaphore, #tpu.memory_space<semaphore_mem>>)
      %dma_wait3A_815 = arith.constant 28 : i32
      %dma_wait3A_816 = arith.constant 0 : i32
      %dma_wait3A_817 = tpu.memref_slice %arg7[%dma_wait3A_815, %dma_wait3A_816] : memref<50x80xi32, #tpu.memory_space<vmem>> -> memref<1x80xi32, #tpu.memory_space<vmem>>
      %dma_wait3A_818 = tpu.memref_squeeze %dma_wait3A_817 : memref<1x80xi32, #tpu.memory_space<vmem>> -> memref<80xi32, #tpu.memory_space<vmem>>
      %dma_wait3A_819 = arith.constant 0 : i32
      %dma_wait3A_820 = arith.constant 0 : i32
      %dma_wait3A_821 = tpu.memref_slice %arg2[%dma_wait3A_819, %dma_wait3A_820] : memref<80000x128xf32, #tpu.memory_space<hbm>> -> memref<80000x128xf32, #tpu.memory_space<hbm>>
      tpu.wait_indirect_dma semaphore(%arg14 : memref<!tpu.dma_semaphore, #tpu.memory_space<semaphore_mem>>) src(%dma_wait3A_821 : memref<80000x128xf32, #tpu.memory_space<hbm>>) dst(%arg10 : memref<80x128xf32, #tpu.memory_space<vmem>>)
      %dma_start3A_822 = arith.constant 28 : i32
      %dma_start3A_823 = arith.constant 0 : i32
      %dma_start3A_824 = tpu.memref_slice %arg8[%dma_start3A_822, %dma_start3A_823] : memref<50x80xi32, #tpu.memory_space<vmem>> -> memref<1x80xi32, #tpu.memory_space<vmem>>
      %dma_start3A_825 = tpu.memref_squeeze %dma_start3A_824 : memref<1x80xi32, #tpu.memory_space<vmem>> -> memref<80xi32, #tpu.memory_space<vmem>>
      %dma_start3A_826 = arith.constant 0 : i32
      %dma_start3A_827 = arith.constant 0 : i32
      %dma_start3A_828 = tpu.memref_slice %arg12[%dma_start3A_826, %dma_start3A_827] : memref<10240x128xf32, #tpu.memory_space<vmem_shared>> -> memref<10240x128xf32, #tpu.memory_space<vmem_shared>>
      tpu.enqueue_indirect_dma source(%arg10 : memref<80x128xf32, #tpu.memory_space<vmem>>) target(%dma_start3A_828 : memref<10240x128xf32, #tpu.memory_space<vmem_shared>>) offsets(%dma_start3A_825 : memref<80xi32, #tpu.memory_space<vmem>>) semaphore(%arg17 : memref<!tpu.dma_semaphore, #tpu.memory_space<semaphore_mem>>) {add = true}
      %dma_wait3A_829 = arith.constant 27 : i32
      %dma_wait3A_830 = arith.constant 0 : i32
      %dma_wait3A_831 = tpu.memref_slice %arg8[%dma_wait3A_829, %dma_wait3A_830] : memref<50x80xi32, #tpu.memory_space<vmem>> -> memref<1x80xi32, #tpu.memory_space<vmem>>
      %dma_wait3A_832 = tpu.memref_squeeze %dma_wait3A_831 : memref<1x80xi32, #tpu.memory_space<vmem>> -> memref<80xi32, #tpu.memory_space<vmem>>
      %dma_wait3A_833 = arith.constant 0 : i32
      %dma_wait3A_834 = arith.constant 0 : i32
      %dma_wait3A_835 = tpu.memref_slice %arg12[%dma_wait3A_833, %dma_wait3A_834] : memref<10240x128xf32, #tpu.memory_space<vmem_shared>> -> memref<10240x128xf32, #tpu.memory_space<vmem_shared>>
      tpu.wait_indirect_dma semaphore(%arg16 : memref<!tpu.dma_semaphore, #tpu.memory_space<semaphore_mem>>) src(%arg9 : memref<80x128xf32, #tpu.memory_space<vmem>>) dst(%dma_wait3A_835 : memref<10240x128xf32, #tpu.memory_space<vmem_shared>>)
      %dma_start3A_836 = arith.constant 30 : i32
      %dma_start3A_837 = arith.constant 0 : i32
      %dma_start3A_838 = tpu.memref_slice %arg7[%dma_start3A_836, %dma_start3A_837] : memref<50x80xi32, #tpu.memory_space<vmem>> -> memref<1x80xi32, #tpu.memory_space<vmem>>
      %dma_start3A_839 = tpu.memref_squeeze %dma_start3A_838 : memref<1x80xi32, #tpu.memory_space<vmem>> -> memref<80xi32, #tpu.memory_space<vmem>>
      %dma_start3A_840 = arith.constant 0 : i32
      %dma_start3A_841 = arith.constant 0 : i32
      %dma_start3A_842 = tpu.memref_slice %arg2[%dma_start3A_840, %dma_start3A_841] : memref<80000x128xf32, #tpu.memory_space<hbm>> -> memref<80000x128xf32, #tpu.memory_space<hbm>>
      tpu.enqueue_indirect_dma source(%dma_start3A_842 : memref<80000x128xf32, #tpu.memory_space<hbm>>) target(%arg9 : memref<80x128xf32, #tpu.memory_space<vmem>>) offsets(%dma_start3A_839 : memref<80xi32, #tpu.memory_space<vmem>>) semaphore(%arg13 : memref<!tpu.dma_semaphore, #tpu.memory_space<semaphore_mem>>)
      %dma_wait3A_843 = arith.constant 29 : i32
      %dma_wait3A_844 = arith.constant 0 : i32
      %dma_wait3A_845 = tpu.memref_slice %arg7[%dma_wait3A_843, %dma_wait3A_844] : memref<50x80xi32, #tpu.memory_space<vmem>> -> memref<1x80xi32, #tpu.memory_space<vmem>>
      %dma_wait3A_846 = tpu.memref_squeeze %dma_wait3A_845 : memref<1x80xi32, #tpu.memory_space<vmem>> -> memref<80xi32, #tpu.memory_space<vmem>>
      %dma_wait3A_847 = arith.constant 0 : i32
      %dma_wait3A_848 = arith.constant 0 : i32
      %dma_wait3A_849 = tpu.memref_slice %arg2[%dma_wait3A_847, %dma_wait3A_848] : memref<80000x128xf32, #tpu.memory_space<hbm>> -> memref<80000x128xf32, #tpu.memory_space<hbm>>
      tpu.wait_indirect_dma semaphore(%arg15 : memref<!tpu.dma_semaphore, #tpu.memory_space<semaphore_mem>>) src(%dma_wait3A_849 : memref<80000x128xf32, #tpu.memory_space<hbm>>) dst(%arg11 : memref<80x128xf32, #tpu.memory_space<vmem>>)
      %dma_start3A_850 = arith.constant 29 : i32
      %dma_start3A_851 = arith.constant 0 : i32
      %dma_start3A_852 = tpu.memref_slice %arg8[%dma_start3A_850, %dma_start3A_851] : memref<50x80xi32, #tpu.memory_space<vmem>> -> memref<1x80xi32, #tpu.memory_space<vmem>>
      %dma_start3A_853 = tpu.memref_squeeze %dma_start3A_852 : memref<1x80xi32, #tpu.memory_space<vmem>> -> memref<80xi32, #tpu.memory_space<vmem>>
      %dma_start3A_854 = arith.constant 0 : i32
      %dma_start3A_855 = arith.constant 0 : i32
      %dma_start3A_856 = tpu.memref_slice %arg12[%dma_start3A_854, %dma_start3A_855] : memref<10240x128xf32, #tpu.memory_space<vmem_shared>> -> memref<10240x128xf32, #tpu.memory_space<vmem_shared>>
      tpu.enqueue_indirect_dma source(%arg11 : memref<80x128xf32, #tpu.memory_space<vmem>>) target(%dma_start3A_856 : memref<10240x128xf32, #tpu.memory_space<vmem_shared>>) offsets(%dma_start3A_853 : memref<80xi32, #tpu.memory_space<vmem>>) semaphore(%arg18 : memref<!tpu.dma_semaphore, #tpu.memory_space<semaphore_mem>>) {add = true}
      %dma_wait3A_857 = arith.constant 28 : i32
      %dma_wait3A_858 = arith.constant 0 : i32
      %dma_wait3A_859 = tpu.memref_slice %arg8[%dma_wait3A_857, %dma_wait3A_858] : memref<50x80xi32, #tpu.memory_space<vmem>> -> memref<1x80xi32, #tpu.memory_space<vmem>>
      %dma_wait3A_860 = tpu.memref_squeeze %dma_wait3A_859 : memref<1x80xi32, #tpu.memory_space<vmem>> -> memref<80xi32, #tpu.memory_space<vmem>>
      %dma_wait3A_861 = arith.constant 0 : i32
      %dma_wait3A_862 = arith.constant 0 : i32
      %dma_wait3A_863 = tpu.memref_slice %arg12[%dma_wait3A_861, %dma_wait3A_862] : memref<10240x128xf32, #tpu.memory_space<vmem_shared>> -> memref<10240x128xf32, #tpu.memory_space<vmem_shared>>
      tpu.wait_indirect_dma semaphore(%arg17 : memref<!tpu.dma_semaphore, #tpu.memory_space<semaphore_mem>>) src(%arg10 : memref<80x128xf32, #tpu.memory_space<vmem>>) dst(%dma_wait3A_863 : memref<10240x128xf32, #tpu.memory_space<vmem_shared>>)
      %dma_start3A_864 = arith.constant 31 : i32
      %dma_start3A_865 = arith.constant 0 : i32
      %dma_start3A_866 = tpu.memref_slice %arg7[%dma_start3A_864, %dma_start3A_865] : memref<50x80xi32, #tpu.memory_space<vmem>> -> memref<1x80xi32, #tpu.memory_space<vmem>>
      %dma_start3A_867 = tpu.memref_squeeze %dma_start3A_866 : memref<1x80xi32, #tpu.memory_space<vmem>> -> memref<80xi32, #tpu.memory_space<vmem>>
      %dma_start3A_868 = arith.constant 0 : i32
      %dma_start3A_869 = arith.constant 0 : i32
      %dma_start3A_870 = tpu.memref_slice %arg2[%dma_start3A_868, %dma_start3A_869] : memref<80000x128xf32, #tpu.memory_space<hbm>> -> memref<80000x128xf32, #tpu.memory_space<hbm>>
      tpu.enqueue_indirect_dma source(%dma_start3A_870 : memref<80000x128xf32, #tpu.memory_space<hbm>>) target(%arg10 : memref<80x128xf32, #tpu.memory_space<vmem>>) offsets(%dma_start3A_867 : memref<80xi32, #tpu.memory_space<vmem>>) semaphore(%arg14 : memref<!tpu.dma_semaphore, #tpu.memory_space<semaphore_mem>>)
      %dma_wait3A_871 = arith.constant 30 : i32
      %dma_wait3A_872 = arith.constant 0 : i32
      %dma_wait3A_873 = tpu.memref_slice %arg7[%dma_wait3A_871, %dma_wait3A_872] : memref<50x80xi32, #tpu.memory_space<vmem>> -> memref<1x80xi32, #tpu.memory_space<vmem>>
      %dma_wait3A_874 = tpu.memref_squeeze %dma_wait3A_873 : memref<1x80xi32, #tpu.memory_space<vmem>> -> memref<80xi32, #tpu.memory_space<vmem>>
      %dma_wait3A_875 = arith.constant 0 : i32
      %dma_wait3A_876 = arith.constant 0 : i32
      %dma_wait3A_877 = tpu.memref_slice %arg2[%dma_wait3A_875, %dma_wait3A_876] : memref<80000x128xf32, #tpu.memory_space<hbm>> -> memref<80000x128xf32, #tpu.memory_space<hbm>>
      tpu.wait_indirect_dma semaphore(%arg13 : memref<!tpu.dma_semaphore, #tpu.memory_space<semaphore_mem>>) src(%dma_wait3A_877 : memref<80000x128xf32, #tpu.memory_space<hbm>>) dst(%arg9 : memref<80x128xf32, #tpu.memory_space<vmem>>)
      %dma_start3A_878 = arith.constant 30 : i32
      %dma_start3A_879 = arith.constant 0 : i32
      %dma_start3A_880 = tpu.memref_slice %arg8[%dma_start3A_878, %dma_start3A_879] : memref<50x80xi32, #tpu.memory_space<vmem>> -> memref<1x80xi32, #tpu.memory_space<vmem>>
      %dma_start3A_881 = tpu.memref_squeeze %dma_start3A_880 : memref<1x80xi32, #tpu.memory_space<vmem>> -> memref<80xi32, #tpu.memory_space<vmem>>
      %dma_start3A_882 = arith.constant 0 : i32
      %dma_start3A_883 = arith.constant 0 : i32
      %dma_start3A_884 = tpu.memref_slice %arg12[%dma_start3A_882, %dma_start3A_883] : memref<10240x128xf32, #tpu.memory_space<vmem_shared>> -> memref<10240x128xf32, #tpu.memory_space<vmem_shared>>
      tpu.enqueue_indirect_dma source(%arg9 : memref<80x128xf32, #tpu.memory_space<vmem>>) target(%dma_start3A_884 : memref<10240x128xf32, #tpu.memory_space<vmem_shared>>) offsets(%dma_start3A_881 : memref<80xi32, #tpu.memory_space<vmem>>) semaphore(%arg16 : memref<!tpu.dma_semaphore, #tpu.memory_space<semaphore_mem>>) {add = true}
      %dma_wait3A_885 = arith.constant 29 : i32
      %dma_wait3A_886 = arith.constant 0 : i32
      %dma_wait3A_887 = tpu.memref_slice %arg8[%dma_wait3A_885, %dma_wait3A_886] : memref<50x80xi32, #tpu.memory_space<vmem>> -> memref<1x80xi32, #tpu.memory_space<vmem>>
      %dma_wait3A_888 = tpu.memref_squeeze %dma_wait3A_887 : memref<1x80xi32, #tpu.memory_space<vmem>> -> memref<80xi32, #tpu.memory_space<vmem>>
      %dma_wait3A_889 = arith.constant 0 : i32
      %dma_wait3A_890 = arith.constant 0 : i32
      %dma_wait3A_891 = tpu.memref_slice %arg12[%dma_wait3A_889, %dma_wait3A_890] : memref<10240x128xf32, #tpu.memory_space<vmem_shared>> -> memref<10240x128xf32, #tpu.memory_space<vmem_shared>>
      tpu.wait_indirect_dma semaphore(%arg18 : memref<!tpu.dma_semaphore, #tpu.memory_space<semaphore_mem>>) src(%arg11 : memref<80x128xf32, #tpu.memory_space<vmem>>) dst(%dma_wait3A_891 : memref<10240x128xf32, #tpu.memory_space<vmem_shared>>)
      %dma_start3A_892 = arith.constant 32 : i32
      %dma_start3A_893 = arith.constant 0 : i32
      %dma_start3A_894 = tpu.memref_slice %arg7[%dma_start3A_892, %dma_start3A_893] : memref<50x80xi32, #tpu.memory_space<vmem>> -> memref<1x80xi32, #tpu.memory_space<vmem>>
      %dma_start3A_895 = tpu.memref_squeeze %dma_start3A_894 : memref<1x80xi32, #tpu.memory_space<vmem>> -> memref<80xi32, #tpu.memory_space<vmem>>
      %dma_start3A_896 = arith.constant 0 : i32
      %dma_start3A_897 = arith.constant 0 : i32
      %dma_start3A_898 = tpu.memref_slice %arg2[%dma_start3A_896, %dma_start3A_897] : memref<80000x128xf32, #tpu.memory_space<hbm>> -> memref<80000x128xf32, #tpu.memory_space<hbm>>
      tpu.enqueue_indirect_dma source(%dma_start3A_898 : memref<80000x128xf32, #tpu.memory_space<hbm>>) target(%arg11 : memref<80x128xf32, #tpu.memory_space<vmem>>) offsets(%dma_start3A_895 : memref<80xi32, #tpu.memory_space<vmem>>) semaphore(%arg15 : memref<!tpu.dma_semaphore, #tpu.memory_space<semaphore_mem>>)
      %dma_wait3A_899 = arith.constant 31 : i32
      %dma_wait3A_900 = arith.constant 0 : i32
      %dma_wait3A_901 = tpu.memref_slice %arg7[%dma_wait3A_899, %dma_wait3A_900] : memref<50x80xi32, #tpu.memory_space<vmem>> -> memref<1x80xi32, #tpu.memory_space<vmem>>
      %dma_wait3A_902 = tpu.memref_squeeze %dma_wait3A_901 : memref<1x80xi32, #tpu.memory_space<vmem>> -> memref<80xi32, #tpu.memory_space<vmem>>
      %dma_wait3A_903 = arith.constant 0 : i32
      %dma_wait3A_904 = arith.constant 0 : i32
      %dma_wait3A_905 = tpu.memref_slice %arg2[%dma_wait3A_903, %dma_wait3A_904] : memref<80000x128xf32, #tpu.memory_space<hbm>> -> memref<80000x128xf32, #tpu.memory_space<hbm>>
      tpu.wait_indirect_dma semaphore(%arg14 : memref<!tpu.dma_semaphore, #tpu.memory_space<semaphore_mem>>) src(%dma_wait3A_905 : memref<80000x128xf32, #tpu.memory_space<hbm>>) dst(%arg10 : memref<80x128xf32, #tpu.memory_space<vmem>>)
      %dma_start3A_906 = arith.constant 31 : i32
      %dma_start3A_907 = arith.constant 0 : i32
      %dma_start3A_908 = tpu.memref_slice %arg8[%dma_start3A_906, %dma_start3A_907] : memref<50x80xi32, #tpu.memory_space<vmem>> -> memref<1x80xi32, #tpu.memory_space<vmem>>
      %dma_start3A_909 = tpu.memref_squeeze %dma_start3A_908 : memref<1x80xi32, #tpu.memory_space<vmem>> -> memref<80xi32, #tpu.memory_space<vmem>>
      %dma_start3A_910 = arith.constant 0 : i32
      %dma_start3A_911 = arith.constant 0 : i32
      %dma_start3A_912 = tpu.memref_slice %arg12[%dma_start3A_910, %dma_start3A_911] : memref<10240x128xf32, #tpu.memory_space<vmem_shared>> -> memref<10240x128xf32, #tpu.memory_space<vmem_shared>>
      tpu.enqueue_indirect_dma source(%arg10 : memref<80x128xf32, #tpu.memory_space<vmem>>) target(%dma_start3A_912 : memref<10240x128xf32, #tpu.memory_space<vmem_shared>>) offsets(%dma_start3A_909 : memref<80xi32, #tpu.memory_space<vmem>>) semaphore(%arg17 : memref<!tpu.dma_semaphore, #tpu.memory_space<semaphore_mem>>) {add = true}
      %dma_wait3A_913 = arith.constant 30 : i32
      %dma_wait3A_914 = arith.constant 0 : i32
      %dma_wait3A_915 = tpu.memref_slice %arg8[%dma_wait3A_913, %dma_wait3A_914] : memref<50x80xi32, #tpu.memory_space<vmem>> -> memref<1x80xi32, #tpu.memory_space<vmem>>
      %dma_wait3A_916 = tpu.memref_squeeze %dma_wait3A_915 : memref<1x80xi32, #tpu.memory_space<vmem>> -> memref<80xi32, #tpu.memory_space<vmem>>
      %dma_wait3A_917 = arith.constant 0 : i32
      %dma_wait3A_918 = arith.constant 0 : i32
      %dma_wait3A_919 = tpu.memref_slice %arg12[%dma_wait3A_917, %dma_wait3A_918] : memref<10240x128xf32, #tpu.memory_space<vmem_shared>> -> memref<10240x128xf32, #tpu.memory_space<vmem_shared>>
      tpu.wait_indirect_dma semaphore(%arg16 : memref<!tpu.dma_semaphore, #tpu.memory_space<semaphore_mem>>) src(%arg9 : memref<80x128xf32, #tpu.memory_space<vmem>>) dst(%dma_wait3A_919 : memref<10240x128xf32, #tpu.memory_space<vmem_shared>>)
      %dma_start3A_920 = arith.constant 33 : i32
      %dma_start3A_921 = arith.constant 0 : i32
      %dma_start3A_922 = tpu.memref_slice %arg7[%dma_start3A_920, %dma_start3A_921] : memref<50x80xi32, #tpu.memory_space<vmem>> -> memref<1x80xi32, #tpu.memory_space<vmem>>
      %dma_start3A_923 = tpu.memref_squeeze %dma_start3A_922 : memref<1x80xi32, #tpu.memory_space<vmem>> -> memref<80xi32, #tpu.memory_space<vmem>>
      %dma_start3A_924 = arith.constant 0 : i32
      %dma_start3A_925 = arith.constant 0 : i32
      %dma_start3A_926 = tpu.memref_slice %arg2[%dma_start3A_924, %dma_start3A_925] : memref<80000x128xf32, #tpu.memory_space<hbm>> -> memref<80000x128xf32, #tpu.memory_space<hbm>>
      tpu.enqueue_indirect_dma source(%dma_start3A_926 : memref<80000x128xf32, #tpu.memory_space<hbm>>) target(%arg9 : memref<80x128xf32, #tpu.memory_space<vmem>>) offsets(%dma_start3A_923 : memref<80xi32, #tpu.memory_space<vmem>>) semaphore(%arg13 : memref<!tpu.dma_semaphore, #tpu.memory_space<semaphore_mem>>)
      %dma_wait3A_927 = arith.constant 32 : i32
      %dma_wait3A_928 = arith.constant 0 : i32
      %dma_wait3A_929 = tpu.memref_slice %arg7[%dma_wait3A_927, %dma_wait3A_928] : memref<50x80xi32, #tpu.memory_space<vmem>> -> memref<1x80xi32, #tpu.memory_space<vmem>>
      %dma_wait3A_930 = tpu.memref_squeeze %dma_wait3A_929 : memref<1x80xi32, #tpu.memory_space<vmem>> -> memref<80xi32, #tpu.memory_space<vmem>>
      %dma_wait3A_931 = arith.constant 0 : i32
      %dma_wait3A_932 = arith.constant 0 : i32
      %dma_wait3A_933 = tpu.memref_slice %arg2[%dma_wait3A_931, %dma_wait3A_932] : memref<80000x128xf32, #tpu.memory_space<hbm>> -> memref<80000x128xf32, #tpu.memory_space<hbm>>
      tpu.wait_indirect_dma semaphore(%arg15 : memref<!tpu.dma_semaphore, #tpu.memory_space<semaphore_mem>>) src(%dma_wait3A_933 : memref<80000x128xf32, #tpu.memory_space<hbm>>) dst(%arg11 : memref<80x128xf32, #tpu.memory_space<vmem>>)
      %dma_start3A_934 = arith.constant 32 : i32
      %dma_start3A_935 = arith.constant 0 : i32
      %dma_start3A_936 = tpu.memref_slice %arg8[%dma_start3A_934, %dma_start3A_935] : memref<50x80xi32, #tpu.memory_space<vmem>> -> memref<1x80xi32, #tpu.memory_space<vmem>>
      %dma_start3A_937 = tpu.memref_squeeze %dma_start3A_936 : memref<1x80xi32, #tpu.memory_space<vmem>> -> memref<80xi32, #tpu.memory_space<vmem>>
      %dma_start3A_938 = arith.constant 0 : i32
      %dma_start3A_939 = arith.constant 0 : i32
      %dma_start3A_940 = tpu.memref_slice %arg12[%dma_start3A_938, %dma_start3A_939] : memref<10240x128xf32, #tpu.memory_space<vmem_shared>> -> memref<10240x128xf32, #tpu.memory_space<vmem_shared>>
      tpu.enqueue_indirect_dma source(%arg11 : memref<80x128xf32, #tpu.memory_space<vmem>>) target(%dma_start3A_940 : memref<10240x128xf32, #tpu.memory_space<vmem_shared>>) offsets(%dma_start3A_937 : memref<80xi32, #tpu.memory_space<vmem>>) semaphore(%arg18 : memref<!tpu.dma_semaphore, #tpu.memory_space<semaphore_mem>>) {add = true}
      %dma_wait3A_941 = arith.constant 31 : i32
      %dma_wait3A_942 = arith.constant 0 : i32
      %dma_wait3A_943 = tpu.memref_slice %arg8[%dma_wait3A_941, %dma_wait3A_942] : memref<50x80xi32, #tpu.memory_space<vmem>> -> memref<1x80xi32, #tpu.memory_space<vmem>>
      %dma_wait3A_944 = tpu.memref_squeeze %dma_wait3A_943 : memref<1x80xi32, #tpu.memory_space<vmem>> -> memref<80xi32, #tpu.memory_space<vmem>>
      %dma_wait3A_945 = arith.constant 0 : i32
      %dma_wait3A_946 = arith.constant 0 : i32
      %dma_wait3A_947 = tpu.memref_slice %arg12[%dma_wait3A_945, %dma_wait3A_946] : memref<10240x128xf32, #tpu.memory_space<vmem_shared>> -> memref<10240x128xf32, #tpu.memory_space<vmem_shared>>
      tpu.wait_indirect_dma semaphore(%arg17 : memref<!tpu.dma_semaphore, #tpu.memory_space<semaphore_mem>>) src(%arg10 : memref<80x128xf32, #tpu.memory_space<vmem>>) dst(%dma_wait3A_947 : memref<10240x128xf32, #tpu.memory_space<vmem_shared>>)
      %dma_start3A_948 = arith.constant 34 : i32
      %dma_start3A_949 = arith.constant 0 : i32
      %dma_start3A_950 = tpu.memref_slice %arg7[%dma_start3A_948, %dma_start3A_949] : memref<50x80xi32, #tpu.memory_space<vmem>> -> memref<1x80xi32, #tpu.memory_space<vmem>>
      %dma_start3A_951 = tpu.memref_squeeze %dma_start3A_950 : memref<1x80xi32, #tpu.memory_space<vmem>> -> memref<80xi32, #tpu.memory_space<vmem>>
      %dma_start3A_952 = arith.constant 0 : i32
      %dma_start3A_953 = arith.constant 0 : i32
      %dma_start3A_954 = tpu.memref_slice %arg2[%dma_start3A_952, %dma_start3A_953] : memref<80000x128xf32, #tpu.memory_space<hbm>> -> memref<80000x128xf32, #tpu.memory_space<hbm>>
      tpu.enqueue_indirect_dma source(%dma_start3A_954 : memref<80000x128xf32, #tpu.memory_space<hbm>>) target(%arg10 : memref<80x128xf32, #tpu.memory_space<vmem>>) offsets(%dma_start3A_951 : memref<80xi32, #tpu.memory_space<vmem>>) semaphore(%arg14 : memref<!tpu.dma_semaphore, #tpu.memory_space<semaphore_mem>>)
      %dma_wait3A_955 = arith.constant 33 : i32
      %dma_wait3A_956 = arith.constant 0 : i32
      %dma_wait3A_957 = tpu.memref_slice %arg7[%dma_wait3A_955, %dma_wait3A_956] : memref<50x80xi32, #tpu.memory_space<vmem>> -> memref<1x80xi32, #tpu.memory_space<vmem>>
      %dma_wait3A_958 = tpu.memref_squeeze %dma_wait3A_957 : memref<1x80xi32, #tpu.memory_space<vmem>> -> memref<80xi32, #tpu.memory_space<vmem>>
      %dma_wait3A_959 = arith.constant 0 : i32
      %dma_wait3A_960 = arith.constant 0 : i32
      %dma_wait3A_961 = tpu.memref_slice %arg2[%dma_wait3A_959, %dma_wait3A_960] : memref<80000x128xf32, #tpu.memory_space<hbm>> -> memref<80000x128xf32, #tpu.memory_space<hbm>>
      tpu.wait_indirect_dma semaphore(%arg13 : memref<!tpu.dma_semaphore, #tpu.memory_space<semaphore_mem>>) src(%dma_wait3A_961 : memref<80000x128xf32, #tpu.memory_space<hbm>>) dst(%arg9 : memref<80x128xf32, #tpu.memory_space<vmem>>)
      %dma_start3A_962 = arith.constant 33 : i32
      %dma_start3A_963 = arith.constant 0 : i32
      %dma_start3A_964 = tpu.memref_slice %arg8[%dma_start3A_962, %dma_start3A_963] : memref<50x80xi32, #tpu.memory_space<vmem>> -> memref<1x80xi32, #tpu.memory_space<vmem>>
      %dma_start3A_965 = tpu.memref_squeeze %dma_start3A_964 : memref<1x80xi32, #tpu.memory_space<vmem>> -> memref<80xi32, #tpu.memory_space<vmem>>
      %dma_start3A_966 = arith.constant 0 : i32
      %dma_start3A_967 = arith.constant 0 : i32
      %dma_start3A_968 = tpu.memref_slice %arg12[%dma_start3A_966, %dma_start3A_967] : memref<10240x128xf32, #tpu.memory_space<vmem_shared>> -> memref<10240x128xf32, #tpu.memory_space<vmem_shared>>
      tpu.enqueue_indirect_dma source(%arg9 : memref<80x128xf32, #tpu.memory_space<vmem>>) target(%dma_start3A_968 : memref<10240x128xf32, #tpu.memory_space<vmem_shared>>) offsets(%dma_start3A_965 : memref<80xi32, #tpu.memory_space<vmem>>) semaphore(%arg16 : memref<!tpu.dma_semaphore, #tpu.memory_space<semaphore_mem>>) {add = true}
      %dma_wait3A_969 = arith.constant 32 : i32
      %dma_wait3A_970 = arith.constant 0 : i32
      %dma_wait3A_971 = tpu.memref_slice %arg8[%dma_wait3A_969, %dma_wait3A_970] : memref<50x80xi32, #tpu.memory_space<vmem>> -> memref<1x80xi32, #tpu.memory_space<vmem>>
      %dma_wait3A_972 = tpu.memref_squeeze %dma_wait3A_971 : memref<1x80xi32, #tpu.memory_space<vmem>> -> memref<80xi32, #tpu.memory_space<vmem>>
      %dma_wait3A_973 = arith.constant 0 : i32
      %dma_wait3A_974 = arith.constant 0 : i32
      %dma_wait3A_975 = tpu.memref_slice %arg12[%dma_wait3A_973, %dma_wait3A_974] : memref<10240x128xf32, #tpu.memory_space<vmem_shared>> -> memref<10240x128xf32, #tpu.memory_space<vmem_shared>>
      tpu.wait_indirect_dma semaphore(%arg18 : memref<!tpu.dma_semaphore, #tpu.memory_space<semaphore_mem>>) src(%arg11 : memref<80x128xf32, #tpu.memory_space<vmem>>) dst(%dma_wait3A_975 : memref<10240x128xf32, #tpu.memory_space<vmem_shared>>)
      %dma_start3A_976 = arith.constant 35 : i32
      %dma_start3A_977 = arith.constant 0 : i32
      %dma_start3A_978 = tpu.memref_slice %arg7[%dma_start3A_976, %dma_start3A_977] : memref<50x80xi32, #tpu.memory_space<vmem>> -> memref<1x80xi32, #tpu.memory_space<vmem>>
      %dma_start3A_979 = tpu.memref_squeeze %dma_start3A_978 : memref<1x80xi32, #tpu.memory_space<vmem>> -> memref<80xi32, #tpu.memory_space<vmem>>
      %dma_start3A_980 = arith.constant 0 : i32
      %dma_start3A_981 = arith.constant 0 : i32
      %dma_start3A_982 = tpu.memref_slice %arg2[%dma_start3A_980, %dma_start3A_981] : memref<80000x128xf32, #tpu.memory_space<hbm>> -> memref<80000x128xf32, #tpu.memory_space<hbm>>
      tpu.enqueue_indirect_dma source(%dma_start3A_982 : memref<80000x128xf32, #tpu.memory_space<hbm>>) target(%arg11 : memref<80x128xf32, #tpu.memory_space<vmem>>) offsets(%dma_start3A_979 : memref<80xi32, #tpu.memory_space<vmem>>) semaphore(%arg15 : memref<!tpu.dma_semaphore, #tpu.memory_space<semaphore_mem>>)
      %dma_wait3A_983 = arith.constant 34 : i32
      %dma_wait3A_984 = arith.constant 0 : i32
      %dma_wait3A_985 = tpu.memref_slice %arg7[%dma_wait3A_983, %dma_wait3A_984] : memref<50x80xi32, #tpu.memory_space<vmem>> -> memref<1x80xi32, #tpu.memory_space<vmem>>
      %dma_wait3A_986 = tpu.memref_squeeze %dma_wait3A_985 : memref<1x80xi32, #tpu.memory_space<vmem>> -> memref<80xi32, #tpu.memory_space<vmem>>
      %dma_wait3A_987 = arith.constant 0 : i32
      %dma_wait3A_988 = arith.constant 0 : i32
      %dma_wait3A_989 = tpu.memref_slice %arg2[%dma_wait3A_987, %dma_wait3A_988] : memref<80000x128xf32, #tpu.memory_space<hbm>> -> memref<80000x128xf32, #tpu.memory_space<hbm>>
      tpu.wait_indirect_dma semaphore(%arg14 : memref<!tpu.dma_semaphore, #tpu.memory_space<semaphore_mem>>) src(%dma_wait3A_989 : memref<80000x128xf32, #tpu.memory_space<hbm>>) dst(%arg10 : memref<80x128xf32, #tpu.memory_space<vmem>>)
      %dma_start3A_990 = arith.constant 34 : i32
      %dma_start3A_991 = arith.constant 0 : i32
      %dma_start3A_992 = tpu.memref_slice %arg8[%dma_start3A_990, %dma_start3A_991] : memref<50x80xi32, #tpu.memory_space<vmem>> -> memref<1x80xi32, #tpu.memory_space<vmem>>
      %dma_start3A_993 = tpu.memref_squeeze %dma_start3A_992 : memref<1x80xi32, #tpu.memory_space<vmem>> -> memref<80xi32, #tpu.memory_space<vmem>>
      %dma_start3A_994 = arith.constant 0 : i32
      %dma_start3A_995 = arith.constant 0 : i32
      %dma_start3A_996 = tpu.memref_slice %arg12[%dma_start3A_994, %dma_start3A_995] : memref<10240x128xf32, #tpu.memory_space<vmem_shared>> -> memref<10240x128xf32, #tpu.memory_space<vmem_shared>>
      tpu.enqueue_indirect_dma source(%arg10 : memref<80x128xf32, #tpu.memory_space<vmem>>) target(%dma_start3A_996 : memref<10240x128xf32, #tpu.memory_space<vmem_shared>>) offsets(%dma_start3A_993 : memref<80xi32, #tpu.memory_space<vmem>>) semaphore(%arg17 : memref<!tpu.dma_semaphore, #tpu.memory_space<semaphore_mem>>) {add = true}
      %dma_wait3A_997 = arith.constant 33 : i32
      %dma_wait3A_998 = arith.constant 0 : i32
      %dma_wait3A_999 = tpu.memref_slice %arg8[%dma_wait3A_997, %dma_wait3A_998] : memref<50x80xi32, #tpu.memory_space<vmem>> -> memref<1x80xi32, #tpu.memory_space<vmem>>
      %dma_wait3A_1000 = tpu.memref_squeeze %dma_wait3A_999 : memref<1x80xi32, #tpu.memory_space<vmem>> -> memref<80xi32, #tpu.memory_space<vmem>>
      %dma_wait3A_1001 = arith.constant 0 : i32
      %dma_wait3A_1002 = arith.constant 0 : i32
      %dma_wait3A_1003 = tpu.memref_slice %arg12[%dma_wait3A_1001, %dma_wait3A_1002] : memref<10240x128xf32, #tpu.memory_space<vmem_shared>> -> memref<10240x128xf32, #tpu.memory_space<vmem_shared>>
      tpu.wait_indirect_dma semaphore(%arg16 : memref<!tpu.dma_semaphore, #tpu.memory_space<semaphore_mem>>) src(%arg9 : memref<80x128xf32, #tpu.memory_space<vmem>>) dst(%dma_wait3A_1003 : memref<10240x128xf32, #tpu.memory_space<vmem_shared>>)
      %dma_start3A_1004 = arith.constant 36 : i32
      %dma_start3A_1005 = arith.constant 0 : i32
      %dma_start3A_1006 = tpu.memref_slice %arg7[%dma_start3A_1004, %dma_start3A_1005] : memref<50x80xi32, #tpu.memory_space<vmem>> -> memref<1x80xi32, #tpu.memory_space<vmem>>
      %dma_start3A_1007 = tpu.memref_squeeze %dma_start3A_1006 : memref<1x80xi32, #tpu.memory_space<vmem>> -> memref<80xi32, #tpu.memory_space<vmem>>
      %dma_start3A_1008 = arith.constant 0 : i32
      %dma_start3A_1009 = arith.constant 0 : i32
      %dma_start3A_1010 = tpu.memref_slice %arg2[%dma_start3A_1008, %dma_start3A_1009] : memref<80000x128xf32, #tpu.memory_space<hbm>> -> memref<80000x128xf32, #tpu.memory_space<hbm>>
      tpu.enqueue_indirect_dma source(%dma_start3A_1010 : memref<80000x128xf32, #tpu.memory_space<hbm>>) target(%arg9 : memref<80x128xf32, #tpu.memory_space<vmem>>) offsets(%dma_start3A_1007 : memref<80xi32, #tpu.memory_space<vmem>>) semaphore(%arg13 : memref<!tpu.dma_semaphore, #tpu.memory_space<semaphore_mem>>)
      %dma_wait3A_1011 = arith.constant 35 : i32
      %dma_wait3A_1012 = arith.constant 0 : i32
      %dma_wait3A_1013 = tpu.memref_slice %arg7[%dma_wait3A_1011, %dma_wait3A_1012] : memref<50x80xi32, #tpu.memory_space<vmem>> -> memref<1x80xi32, #tpu.memory_space<vmem>>
      %dma_wait3A_1014 = tpu.memref_squeeze %dma_wait3A_1013 : memref<1x80xi32, #tpu.memory_space<vmem>> -> memref<80xi32, #tpu.memory_space<vmem>>
      %dma_wait3A_1015 = arith.constant 0 : i32
      %dma_wait3A_1016 = arith.constant 0 : i32
      %dma_wait3A_1017 = tpu.memref_slice %arg2[%dma_wait3A_1015, %dma_wait3A_1016] : memref<80000x128xf32, #tpu.memory_space<hbm>> -> memref<80000x128xf32, #tpu.memory_space<hbm>>
      tpu.wait_indirect_dma semaphore(%arg15 : memref<!tpu.dma_semaphore, #tpu.memory_space<semaphore_mem>>) src(%dma_wait3A_1017 : memref<80000x128xf32, #tpu.memory_space<hbm>>) dst(%arg11 : memref<80x128xf32, #tpu.memory_space<vmem>>)
      %dma_start3A_1018 = arith.constant 35 : i32
      %dma_start3A_1019 = arith.constant 0 : i32
      %dma_start3A_1020 = tpu.memref_slice %arg8[%dma_start3A_1018, %dma_start3A_1019] : memref<50x80xi32, #tpu.memory_space<vmem>> -> memref<1x80xi32, #tpu.memory_space<vmem>>
      %dma_start3A_1021 = tpu.memref_squeeze %dma_start3A_1020 : memref<1x80xi32, #tpu.memory_space<vmem>> -> memref<80xi32, #tpu.memory_space<vmem>>
      %dma_start3A_1022 = arith.constant 0 : i32
      %dma_start3A_1023 = arith.constant 0 : i32
      %dma_start3A_1024 = tpu.memref_slice %arg12[%dma_start3A_1022, %dma_start3A_1023] : memref<10240x128xf32, #tpu.memory_space<vmem_shared>> -> memref<10240x128xf32, #tpu.memory_space<vmem_shared>>
      tpu.enqueue_indirect_dma source(%arg11 : memref<80x128xf32, #tpu.memory_space<vmem>>) target(%dma_start3A_1024 : memref<10240x128xf32, #tpu.memory_space<vmem_shared>>) offsets(%dma_start3A_1021 : memref<80xi32, #tpu.memory_space<vmem>>) semaphore(%arg18 : memref<!tpu.dma_semaphore, #tpu.memory_space<semaphore_mem>>) {add = true}
      %dma_wait3A_1025 = arith.constant 34 : i32
      %dma_wait3A_1026 = arith.constant 0 : i32
      %dma_wait3A_1027 = tpu.memref_slice %arg8[%dma_wait3A_1025, %dma_wait3A_1026] : memref<50x80xi32, #tpu.memory_space<vmem>> -> memref<1x80xi32, #tpu.memory_space<vmem>>
      %dma_wait3A_1028 = tpu.memref_squeeze %dma_wait3A_1027 : memref<1x80xi32, #tpu.memory_space<vmem>> -> memref<80xi32, #tpu.memory_space<vmem>>
      %dma_wait3A_1029 = arith.constant 0 : i32
      %dma_wait3A_1030 = arith.constant 0 : i32
      %dma_wait3A_1031 = tpu.memref_slice %arg12[%dma_wait3A_1029, %dma_wait3A_1030] : memref<10240x128xf32, #tpu.memory_space<vmem_shared>> -> memref<10240x128xf32, #tpu.memory_space<vmem_shared>>
      tpu.wait_indirect_dma semaphore(%arg17 : memref<!tpu.dma_semaphore, #tpu.memory_space<semaphore_mem>>) src(%arg10 : memref<80x128xf32, #tpu.memory_space<vmem>>) dst(%dma_wait3A_1031 : memref<10240x128xf32, #tpu.memory_space<vmem_shared>>)
      %dma_start3A_1032 = arith.constant 37 : i32
      %dma_start3A_1033 = arith.constant 0 : i32
      %dma_start3A_1034 = tpu.memref_slice %arg7[%dma_start3A_1032, %dma_start3A_1033] : memref<50x80xi32, #tpu.memory_space<vmem>> -> memref<1x80xi32, #tpu.memory_space<vmem>>
      %dma_start3A_1035 = tpu.memref_squeeze %dma_start3A_1034 : memref<1x80xi32, #tpu.memory_space<vmem>> -> memref<80xi32, #tpu.memory_space<vmem>>
      %dma_start3A_1036 = arith.constant 0 : i32
      %dma_start3A_1037 = arith.constant 0 : i32
      %dma_start3A_1038 = tpu.memref_slice %arg2[%dma_start3A_1036, %dma_start3A_1037] : memref<80000x128xf32, #tpu.memory_space<hbm>> -> memref<80000x128xf32, #tpu.memory_space<hbm>>
      tpu.enqueue_indirect_dma source(%dma_start3A_1038 : memref<80000x128xf32, #tpu.memory_space<hbm>>) target(%arg10 : memref<80x128xf32, #tpu.memory_space<vmem>>) offsets(%dma_start3A_1035 : memref<80xi32, #tpu.memory_space<vmem>>) semaphore(%arg14 : memref<!tpu.dma_semaphore, #tpu.memory_space<semaphore_mem>>)
      %dma_wait3A_1039 = arith.constant 36 : i32
      %dma_wait3A_1040 = arith.constant 0 : i32
      %dma_wait3A_1041 = tpu.memref_slice %arg7[%dma_wait3A_1039, %dma_wait3A_1040] : memref<50x80xi32, #tpu.memory_space<vmem>> -> memref<1x80xi32, #tpu.memory_space<vmem>>
      %dma_wait3A_1042 = tpu.memref_squeeze %dma_wait3A_1041 : memref<1x80xi32, #tpu.memory_space<vmem>> -> memref<80xi32, #tpu.memory_space<vmem>>
      %dma_wait3A_1043 = arith.constant 0 : i32
      %dma_wait3A_1044 = arith.constant 0 : i32
      %dma_wait3A_1045 = tpu.memref_slice %arg2[%dma_wait3A_1043, %dma_wait3A_1044] : memref<80000x128xf32, #tpu.memory_space<hbm>> -> memref<80000x128xf32, #tpu.memory_space<hbm>>
      tpu.wait_indirect_dma semaphore(%arg13 : memref<!tpu.dma_semaphore, #tpu.memory_space<semaphore_mem>>) src(%dma_wait3A_1045 : memref<80000x128xf32, #tpu.memory_space<hbm>>) dst(%arg9 : memref<80x128xf32, #tpu.memory_space<vmem>>)
      %dma_start3A_1046 = arith.constant 36 : i32
      %dma_start3A_1047 = arith.constant 0 : i32
      %dma_start3A_1048 = tpu.memref_slice %arg8[%dma_start3A_1046, %dma_start3A_1047] : memref<50x80xi32, #tpu.memory_space<vmem>> -> memref<1x80xi32, #tpu.memory_space<vmem>>
      %dma_start3A_1049 = tpu.memref_squeeze %dma_start3A_1048 : memref<1x80xi32, #tpu.memory_space<vmem>> -> memref<80xi32, #tpu.memory_space<vmem>>
      %dma_start3A_1050 = arith.constant 0 : i32
      %dma_start3A_1051 = arith.constant 0 : i32
      %dma_start3A_1052 = tpu.memref_slice %arg12[%dma_start3A_1050, %dma_start3A_1051] : memref<10240x128xf32, #tpu.memory_space<vmem_shared>> -> memref<10240x128xf32, #tpu.memory_space<vmem_shared>>
      tpu.enqueue_indirect_dma source(%arg9 : memref<80x128xf32, #tpu.memory_space<vmem>>) target(%dma_start3A_1052 : memref<10240x128xf32, #tpu.memory_space<vmem_shared>>) offsets(%dma_start3A_1049 : memref<80xi32, #tpu.memory_space<vmem>>) semaphore(%arg16 : memref<!tpu.dma_semaphore, #tpu.memory_space<semaphore_mem>>) {add = true}
      %dma_wait3A_1053 = arith.constant 35 : i32
      %dma_wait3A_1054 = arith.constant 0 : i32
      %dma_wait3A_1055 = tpu.memref_slice %arg8[%dma_wait3A_1053, %dma_wait3A_1054] : memref<50x80xi32, #tpu.memory_space<vmem>> -> memref<1x80xi32, #tpu.memory_space<vmem>>
      %dma_wait3A_1056 = tpu.memref_squeeze %dma_wait3A_1055 : memref<1x80xi32, #tpu.memory_space<vmem>> -> memref<80xi32, #tpu.memory_space<vmem>>
      %dma_wait3A_1057 = arith.constant 0 : i32
      %dma_wait3A_1058 = arith.constant 0 : i32
      %dma_wait3A_1059 = tpu.memref_slice %arg12[%dma_wait3A_1057, %dma_wait3A_1058] : memref<10240x128xf32, #tpu.memory_space<vmem_shared>> -> memref<10240x128xf32, #tpu.memory_space<vmem_shared>>
      tpu.wait_indirect_dma semaphore(%arg18 : memref<!tpu.dma_semaphore, #tpu.memory_space<semaphore_mem>>) src(%arg11 : memref<80x128xf32, #tpu.memory_space<vmem>>) dst(%dma_wait3A_1059 : memref<10240x128xf32, #tpu.memory_space<vmem_shared>>)
      %dma_start3A_1060 = arith.constant 38 : i32
      %dma_start3A_1061 = arith.constant 0 : i32
      %dma_start3A_1062 = tpu.memref_slice %arg7[%dma_start3A_1060, %dma_start3A_1061] : memref<50x80xi32, #tpu.memory_space<vmem>> -> memref<1x80xi32, #tpu.memory_space<vmem>>
      %dma_start3A_1063 = tpu.memref_squeeze %dma_start3A_1062 : memref<1x80xi32, #tpu.memory_space<vmem>> -> memref<80xi32, #tpu.memory_space<vmem>>
      %dma_start3A_1064 = arith.constant 0 : i32
      %dma_start3A_1065 = arith.constant 0 : i32
      %dma_start3A_1066 = tpu.memref_slice %arg2[%dma_start3A_1064, %dma_start3A_1065] : memref<80000x128xf32, #tpu.memory_space<hbm>> -> memref<80000x128xf32, #tpu.memory_space<hbm>>
      tpu.enqueue_indirect_dma source(%dma_start3A_1066 : memref<80000x128xf32, #tpu.memory_space<hbm>>) target(%arg11 : memref<80x128xf32, #tpu.memory_space<vmem>>) offsets(%dma_start3A_1063 : memref<80xi32, #tpu.memory_space<vmem>>) semaphore(%arg15 : memref<!tpu.dma_semaphore, #tpu.memory_space<semaphore_mem>>)
      %dma_wait3A_1067 = arith.constant 37 : i32
      %dma_wait3A_1068 = arith.constant 0 : i32
      %dma_wait3A_1069 = tpu.memref_slice %arg7[%dma_wait3A_1067, %dma_wait3A_1068] : memref<50x80xi32, #tpu.memory_space<vmem>> -> memref<1x80xi32, #tpu.memory_space<vmem>>
      %dma_wait3A_1070 = tpu.memref_squeeze %dma_wait3A_1069 : memref<1x80xi32, #tpu.memory_space<vmem>> -> memref<80xi32, #tpu.memory_space<vmem>>
      %dma_wait3A_1071 = arith.constant 0 : i32
      %dma_wait3A_1072 = arith.constant 0 : i32
      %dma_wait3A_1073 = tpu.memref_slice %arg2[%dma_wait3A_1071, %dma_wait3A_1072] : memref<80000x128xf32, #tpu.memory_space<hbm>> -> memref<80000x128xf32, #tpu.memory_space<hbm>>
      tpu.wait_indirect_dma semaphore(%arg14 : memref<!tpu.dma_semaphore, #tpu.memory_space<semaphore_mem>>) src(%dma_wait3A_1073 : memref<80000x128xf32, #tpu.memory_space<hbm>>) dst(%arg10 : memref<80x128xf32, #tpu.memory_space<vmem>>)
      %dma_start3A_1074 = arith.constant 37 : i32
      %dma_start3A_1075 = arith.constant 0 : i32
      %dma_start3A_1076 = tpu.memref_slice %arg8[%dma_start3A_1074, %dma_start3A_1075] : memref<50x80xi32, #tpu.memory_space<vmem>> -> memref<1x80xi32, #tpu.memory_space<vmem>>
      %dma_start3A_1077 = tpu.memref_squeeze %dma_start3A_1076 : memref<1x80xi32, #tpu.memory_space<vmem>> -> memref<80xi32, #tpu.memory_space<vmem>>
      %dma_start3A_1078 = arith.constant 0 : i32
      %dma_start3A_1079 = arith.constant 0 : i32
      %dma_start3A_1080 = tpu.memref_slice %arg12[%dma_start3A_1078, %dma_start3A_1079] : memref<10240x128xf32, #tpu.memory_space<vmem_shared>> -> memref<10240x128xf32, #tpu.memory_space<vmem_shared>>
      tpu.enqueue_indirect_dma source(%arg10 : memref<80x128xf32, #tpu.memory_space<vmem>>) target(%dma_start3A_1080 : memref<10240x128xf32, #tpu.memory_space<vmem_shared>>) offsets(%dma_start3A_1077 : memref<80xi32, #tpu.memory_space<vmem>>) semaphore(%arg17 : memref<!tpu.dma_semaphore, #tpu.memory_space<semaphore_mem>>) {add = true}
      %dma_wait3A_1081 = arith.constant 36 : i32
      %dma_wait3A_1082 = arith.constant 0 : i32
      %dma_wait3A_1083 = tpu.memref_slice %arg8[%dma_wait3A_1081, %dma_wait3A_1082] : memref<50x80xi32, #tpu.memory_space<vmem>> -> memref<1x80xi32, #tpu.memory_space<vmem>>
      %dma_wait3A_1084 = tpu.memref_squeeze %dma_wait3A_1083 : memref<1x80xi32, #tpu.memory_space<vmem>> -> memref<80xi32, #tpu.memory_space<vmem>>
      %dma_wait3A_1085 = arith.constant 0 : i32
      %dma_wait3A_1086 = arith.constant 0 : i32
      %dma_wait3A_1087 = tpu.memref_slice %arg12[%dma_wait3A_1085, %dma_wait3A_1086] : memref<10240x128xf32, #tpu.memory_space<vmem_shared>> -> memref<10240x128xf32, #tpu.memory_space<vmem_shared>>
      tpu.wait_indirect_dma semaphore(%arg16 : memref<!tpu.dma_semaphore, #tpu.memory_space<semaphore_mem>>) src(%arg9 : memref<80x128xf32, #tpu.memory_space<vmem>>) dst(%dma_wait3A_1087 : memref<10240x128xf32, #tpu.memory_space<vmem_shared>>)
      %dma_start3A_1088 = arith.constant 39 : i32
      %dma_start3A_1089 = arith.constant 0 : i32
      %dma_start3A_1090 = tpu.memref_slice %arg7[%dma_start3A_1088, %dma_start3A_1089] : memref<50x80xi32, #tpu.memory_space<vmem>> -> memref<1x80xi32, #tpu.memory_space<vmem>>
      %dma_start3A_1091 = tpu.memref_squeeze %dma_start3A_1090 : memref<1x80xi32, #tpu.memory_space<vmem>> -> memref<80xi32, #tpu.memory_space<vmem>>
      %dma_start3A_1092 = arith.constant 0 : i32
      %dma_start3A_1093 = arith.constant 0 : i32
      %dma_start3A_1094 = tpu.memref_slice %arg2[%dma_start3A_1092, %dma_start3A_1093] : memref<80000x128xf32, #tpu.memory_space<hbm>> -> memref<80000x128xf32, #tpu.memory_space<hbm>>
      tpu.enqueue_indirect_dma source(%dma_start3A_1094 : memref<80000x128xf32, #tpu.memory_space<hbm>>) target(%arg9 : memref<80x128xf32, #tpu.memory_space<vmem>>) offsets(%dma_start3A_1091 : memref<80xi32, #tpu.memory_space<vmem>>) semaphore(%arg13 : memref<!tpu.dma_semaphore, #tpu.memory_space<semaphore_mem>>)
      %dma_wait3A_1095 = arith.constant 38 : i32
      %dma_wait3A_1096 = arith.constant 0 : i32
      %dma_wait3A_1097 = tpu.memref_slice %arg7[%dma_wait3A_1095, %dma_wait3A_1096] : memref<50x80xi32, #tpu.memory_space<vmem>> -> memref<1x80xi32, #tpu.memory_space<vmem>>
      %dma_wait3A_1098 = tpu.memref_squeeze %dma_wait3A_1097 : memref<1x80xi32, #tpu.memory_space<vmem>> -> memref<80xi32, #tpu.memory_space<vmem>>
      %dma_wait3A_1099 = arith.constant 0 : i32
      %dma_wait3A_1100 = arith.constant 0 : i32
      %dma_wait3A_1101 = tpu.memref_slice %arg2[%dma_wait3A_1099, %dma_wait3A_1100] : memref<80000x128xf32, #tpu.memory_space<hbm>> -> memref<80000x128xf32, #tpu.memory_space<hbm>>
      tpu.wait_indirect_dma semaphore(%arg15 : memref<!tpu.dma_semaphore, #tpu.memory_space<semaphore_mem>>) src(%dma_wait3A_1101 : memref<80000x128xf32, #tpu.memory_space<hbm>>) dst(%arg11 : memref<80x128xf32, #tpu.memory_space<vmem>>)
      %dma_start3A_1102 = arith.constant 38 : i32
      %dma_start3A_1103 = arith.constant 0 : i32
      %dma_start3A_1104 = tpu.memref_slice %arg8[%dma_start3A_1102, %dma_start3A_1103] : memref<50x80xi32, #tpu.memory_space<vmem>> -> memref<1x80xi32, #tpu.memory_space<vmem>>
      %dma_start3A_1105 = tpu.memref_squeeze %dma_start3A_1104 : memref<1x80xi32, #tpu.memory_space<vmem>> -> memref<80xi32, #tpu.memory_space<vmem>>
      %dma_start3A_1106 = arith.constant 0 : i32
      %dma_start3A_1107 = arith.constant 0 : i32
      %dma_start3A_1108 = tpu.memref_slice %arg12[%dma_start3A_1106, %dma_start3A_1107] : memref<10240x128xf32, #tpu.memory_space<vmem_shared>> -> memref<10240x128xf32, #tpu.memory_space<vmem_shared>>
      tpu.enqueue_indirect_dma source(%arg11 : memref<80x128xf32, #tpu.memory_space<vmem>>) target(%dma_start3A_1108 : memref<10240x128xf32, #tpu.memory_space<vmem_shared>>) offsets(%dma_start3A_1105 : memref<80xi32, #tpu.memory_space<vmem>>) semaphore(%arg18 : memref<!tpu.dma_semaphore, #tpu.memory_space<semaphore_mem>>) {add = true}
      %dma_wait3A_1109 = arith.constant 37 : i32
      %dma_wait3A_1110 = arith.constant 0 : i32
      %dma_wait3A_1111 = tpu.memref_slice %arg8[%dma_wait3A_1109, %dma_wait3A_1110] : memref<50x80xi32, #tpu.memory_space<vmem>> -> memref<1x80xi32, #tpu.memory_space<vmem>>
      %dma_wait3A_1112 = tpu.memref_squeeze %dma_wait3A_1111 : memref<1x80xi32, #tpu.memory_space<vmem>> -> memref<80xi32, #tpu.memory_space<vmem>>
      %dma_wait3A_1113 = arith.constant 0 : i32
      %dma_wait3A_1114 = arith.constant 0 : i32
      %dma_wait3A_1115 = tpu.memref_slice %arg12[%dma_wait3A_1113, %dma_wait3A_1114] : memref<10240x128xf32, #tpu.memory_space<vmem_shared>> -> memref<10240x128xf32, #tpu.memory_space<vmem_shared>>
      tpu.wait_indirect_dma semaphore(%arg17 : memref<!tpu.dma_semaphore, #tpu.memory_space<semaphore_mem>>) src(%arg10 : memref<80x128xf32, #tpu.memory_space<vmem>>) dst(%dma_wait3A_1115 : memref<10240x128xf32, #tpu.memory_space<vmem_shared>>)
      %dma_start3A_1116 = arith.constant 40 : i32
      %dma_start3A_1117 = arith.constant 0 : i32
      %dma_start3A_1118 = tpu.memref_slice %arg7[%dma_start3A_1116, %dma_start3A_1117] : memref<50x80xi32, #tpu.memory_space<vmem>> -> memref<1x80xi32, #tpu.memory_space<vmem>>
      %dma_start3A_1119 = tpu.memref_squeeze %dma_start3A_1118 : memref<1x80xi32, #tpu.memory_space<vmem>> -> memref<80xi32, #tpu.memory_space<vmem>>
      %dma_start3A_1120 = arith.constant 0 : i32
      %dma_start3A_1121 = arith.constant 0 : i32
      %dma_start3A_1122 = tpu.memref_slice %arg2[%dma_start3A_1120, %dma_start3A_1121] : memref<80000x128xf32, #tpu.memory_space<hbm>> -> memref<80000x128xf32, #tpu.memory_space<hbm>>
      tpu.enqueue_indirect_dma source(%dma_start3A_1122 : memref<80000x128xf32, #tpu.memory_space<hbm>>) target(%arg10 : memref<80x128xf32, #tpu.memory_space<vmem>>) offsets(%dma_start3A_1119 : memref<80xi32, #tpu.memory_space<vmem>>) semaphore(%arg14 : memref<!tpu.dma_semaphore, #tpu.memory_space<semaphore_mem>>)
      %dma_wait3A_1123 = arith.constant 39 : i32
      %dma_wait3A_1124 = arith.constant 0 : i32
      %dma_wait3A_1125 = tpu.memref_slice %arg7[%dma_wait3A_1123, %dma_wait3A_1124] : memref<50x80xi32, #tpu.memory_space<vmem>> -> memref<1x80xi32, #tpu.memory_space<vmem>>
      %dma_wait3A_1126 = tpu.memref_squeeze %dma_wait3A_1125 : memref<1x80xi32, #tpu.memory_space<vmem>> -> memref<80xi32, #tpu.memory_space<vmem>>
      %dma_wait3A_1127 = arith.constant 0 : i32
      %dma_wait3A_1128 = arith.constant 0 : i32
      %dma_wait3A_1129 = tpu.memref_slice %arg2[%dma_wait3A_1127, %dma_wait3A_1128] : memref<80000x128xf32, #tpu.memory_space<hbm>> -> memref<80000x128xf32, #tpu.memory_space<hbm>>
      tpu.wait_indirect_dma semaphore(%arg13 : memref<!tpu.dma_semaphore, #tpu.memory_space<semaphore_mem>>) src(%dma_wait3A_1129 : memref<80000x128xf32, #tpu.memory_space<hbm>>) dst(%arg9 : memref<80x128xf32, #tpu.memory_space<vmem>>)
      %dma_start3A_1130 = arith.constant 39 : i32
      %dma_start3A_1131 = arith.constant 0 : i32
      %dma_start3A_1132 = tpu.memref_slice %arg8[%dma_start3A_1130, %dma_start3A_1131] : memref<50x80xi32, #tpu.memory_space<vmem>> -> memref<1x80xi32, #tpu.memory_space<vmem>>
      %dma_start3A_1133 = tpu.memref_squeeze %dma_start3A_1132 : memref<1x80xi32, #tpu.memory_space<vmem>> -> memref<80xi32, #tpu.memory_space<vmem>>
      %dma_start3A_1134 = arith.constant 0 : i32
      %dma_start3A_1135 = arith.constant 0 : i32
      %dma_start3A_1136 = tpu.memref_slice %arg12[%dma_start3A_1134, %dma_start3A_1135] : memref<10240x128xf32, #tpu.memory_space<vmem_shared>> -> memref<10240x128xf32, #tpu.memory_space<vmem_shared>>
      tpu.enqueue_indirect_dma source(%arg9 : memref<80x128xf32, #tpu.memory_space<vmem>>) target(%dma_start3A_1136 : memref<10240x128xf32, #tpu.memory_space<vmem_shared>>) offsets(%dma_start3A_1133 : memref<80xi32, #tpu.memory_space<vmem>>) semaphore(%arg16 : memref<!tpu.dma_semaphore, #tpu.memory_space<semaphore_mem>>) {add = true}
      %dma_wait3A_1137 = arith.constant 38 : i32
      %dma_wait3A_1138 = arith.constant 0 : i32
      %dma_wait3A_1139 = tpu.memref_slice %arg8[%dma_wait3A_1137, %dma_wait3A_1138] : memref<50x80xi32, #tpu.memory_space<vmem>> -> memref<1x80xi32, #tpu.memory_space<vmem>>
      %dma_wait3A_1140 = tpu.memref_squeeze %dma_wait3A_1139 : memref<1x80xi32, #tpu.memory_space<vmem>> -> memref<80xi32, #tpu.memory_space<vmem>>
      %dma_wait3A_1141 = arith.constant 0 : i32
      %dma_wait3A_1142 = arith.constant 0 : i32
      %dma_wait3A_1143 = tpu.memref_slice %arg12[%dma_wait3A_1141, %dma_wait3A_1142] : memref<10240x128xf32, #tpu.memory_space<vmem_shared>> -> memref<10240x128xf32, #tpu.memory_space<vmem_shared>>
      tpu.wait_indirect_dma semaphore(%arg18 : memref<!tpu.dma_semaphore, #tpu.memory_space<semaphore_mem>>) src(%arg11 : memref<80x128xf32, #tpu.memory_space<vmem>>) dst(%dma_wait3A_1143 : memref<10240x128xf32, #tpu.memory_space<vmem_shared>>)
      %dma_start3A_1144 = arith.constant 41 : i32
      %dma_start3A_1145 = arith.constant 0 : i32
      %dma_start3A_1146 = tpu.memref_slice %arg7[%dma_start3A_1144, %dma_start3A_1145] : memref<50x80xi32, #tpu.memory_space<vmem>> -> memref<1x80xi32, #tpu.memory_space<vmem>>
      %dma_start3A_1147 = tpu.memref_squeeze %dma_start3A_1146 : memref<1x80xi32, #tpu.memory_space<vmem>> -> memref<80xi32, #tpu.memory_space<vmem>>
      %dma_start3A_1148 = arith.constant 0 : i32
      %dma_start3A_1149 = arith.constant 0 : i32
      %dma_start3A_1150 = tpu.memref_slice %arg2[%dma_start3A_1148, %dma_start3A_1149] : memref<80000x128xf32, #tpu.memory_space<hbm>> -> memref<80000x128xf32, #tpu.memory_space<hbm>>
      tpu.enqueue_indirect_dma source(%dma_start3A_1150 : memref<80000x128xf32, #tpu.memory_space<hbm>>) target(%arg11 : memref<80x128xf32, #tpu.memory_space<vmem>>) offsets(%dma_start3A_1147 : memref<80xi32, #tpu.memory_space<vmem>>) semaphore(%arg15 : memref<!tpu.dma_semaphore, #tpu.memory_space<semaphore_mem>>)
      %dma_wait3A_1151 = arith.constant 40 : i32
      %dma_wait3A_1152 = arith.constant 0 : i32
      %dma_wait3A_1153 = tpu.memref_slice %arg7[%dma_wait3A_1151, %dma_wait3A_1152] : memref<50x80xi32, #tpu.memory_space<vmem>> -> memref<1x80xi32, #tpu.memory_space<vmem>>
      %dma_wait3A_1154 = tpu.memref_squeeze %dma_wait3A_1153 : memref<1x80xi32, #tpu.memory_space<vmem>> -> memref<80xi32, #tpu.memory_space<vmem>>
      %dma_wait3A_1155 = arith.constant 0 : i32
      %dma_wait3A_1156 = arith.constant 0 : i32
      %dma_wait3A_1157 = tpu.memref_slice %arg2[%dma_wait3A_1155, %dma_wait3A_1156] : memref<80000x128xf32, #tpu.memory_space<hbm>> -> memref<80000x128xf32, #tpu.memory_space<hbm>>
      tpu.wait_indirect_dma semaphore(%arg14 : memref<!tpu.dma_semaphore, #tpu.memory_space<semaphore_mem>>) src(%dma_wait3A_1157 : memref<80000x128xf32, #tpu.memory_space<hbm>>) dst(%arg10 : memref<80x128xf32, #tpu.memory_space<vmem>>)
      %dma_start3A_1158 = arith.constant 40 : i32
      %dma_start3A_1159 = arith.constant 0 : i32
      %dma_start3A_1160 = tpu.memref_slice %arg8[%dma_start3A_1158, %dma_start3A_1159] : memref<50x80xi32, #tpu.memory_space<vmem>> -> memref<1x80xi32, #tpu.memory_space<vmem>>
      %dma_start3A_1161 = tpu.memref_squeeze %dma_start3A_1160 : memref<1x80xi32, #tpu.memory_space<vmem>> -> memref<80xi32, #tpu.memory_space<vmem>>
      %dma_start3A_1162 = arith.constant 0 : i32
      %dma_start3A_1163 = arith.constant 0 : i32
      %dma_start3A_1164 = tpu.memref_slice %arg12[%dma_start3A_1162, %dma_start3A_1163] : memref<10240x128xf32, #tpu.memory_space<vmem_shared>> -> memref<10240x128xf32, #tpu.memory_space<vmem_shared>>
      tpu.enqueue_indirect_dma source(%arg10 : memref<80x128xf32, #tpu.memory_space<vmem>>) target(%dma_start3A_1164 : memref<10240x128xf32, #tpu.memory_space<vmem_shared>>) offsets(%dma_start3A_1161 : memref<80xi32, #tpu.memory_space<vmem>>) semaphore(%arg17 : memref<!tpu.dma_semaphore, #tpu.memory_space<semaphore_mem>>) {add = true}
      %dma_wait3A_1165 = arith.constant 39 : i32
      %dma_wait3A_1166 = arith.constant 0 : i32
      %dma_wait3A_1167 = tpu.memref_slice %arg8[%dma_wait3A_1165, %dma_wait3A_1166] : memref<50x80xi32, #tpu.memory_space<vmem>> -> memref<1x80xi32, #tpu.memory_space<vmem>>
      %dma_wait3A_1168 = tpu.memref_squeeze %dma_wait3A_1167 : memref<1x80xi32, #tpu.memory_space<vmem>> -> memref<80xi32, #tpu.memory_space<vmem>>
      %dma_wait3A_1169 = arith.constant 0 : i32
      %dma_wait3A_1170 = arith.constant 0 : i32
      %dma_wait3A_1171 = tpu.memref_slice %arg12[%dma_wait3A_1169, %dma_wait3A_1170] : memref<10240x128xf32, #tpu.memory_space<vmem_shared>> -> memref<10240x128xf32, #tpu.memory_space<vmem_shared>>
      tpu.wait_indirect_dma semaphore(%arg16 : memref<!tpu.dma_semaphore, #tpu.memory_space<semaphore_mem>>) src(%arg9 : memref<80x128xf32, #tpu.memory_space<vmem>>) dst(%dma_wait3A_1171 : memref<10240x128xf32, #tpu.memory_space<vmem_shared>>)
      %dma_start3A_1172 = arith.constant 42 : i32
      %dma_start3A_1173 = arith.constant 0 : i32
      %dma_start3A_1174 = tpu.memref_slice %arg7[%dma_start3A_1172, %dma_start3A_1173] : memref<50x80xi32, #tpu.memory_space<vmem>> -> memref<1x80xi32, #tpu.memory_space<vmem>>
      %dma_start3A_1175 = tpu.memref_squeeze %dma_start3A_1174 : memref<1x80xi32, #tpu.memory_space<vmem>> -> memref<80xi32, #tpu.memory_space<vmem>>
      %dma_start3A_1176 = arith.constant 0 : i32
      %dma_start3A_1177 = arith.constant 0 : i32
      %dma_start3A_1178 = tpu.memref_slice %arg2[%dma_start3A_1176, %dma_start3A_1177] : memref<80000x128xf32, #tpu.memory_space<hbm>> -> memref<80000x128xf32, #tpu.memory_space<hbm>>
      tpu.enqueue_indirect_dma source(%dma_start3A_1178 : memref<80000x128xf32, #tpu.memory_space<hbm>>) target(%arg9 : memref<80x128xf32, #tpu.memory_space<vmem>>) offsets(%dma_start3A_1175 : memref<80xi32, #tpu.memory_space<vmem>>) semaphore(%arg13 : memref<!tpu.dma_semaphore, #tpu.memory_space<semaphore_mem>>)
      %dma_wait3A_1179 = arith.constant 41 : i32
      %dma_wait3A_1180 = arith.constant 0 : i32
      %dma_wait3A_1181 = tpu.memref_slice %arg7[%dma_wait3A_1179, %dma_wait3A_1180] : memref<50x80xi32, #tpu.memory_space<vmem>> -> memref<1x80xi32, #tpu.memory_space<vmem>>
      %dma_wait3A_1182 = tpu.memref_squeeze %dma_wait3A_1181 : memref<1x80xi32, #tpu.memory_space<vmem>> -> memref<80xi32, #tpu.memory_space<vmem>>
      %dma_wait3A_1183 = arith.constant 0 : i32
      %dma_wait3A_1184 = arith.constant 0 : i32
      %dma_wait3A_1185 = tpu.memref_slice %arg2[%dma_wait3A_1183, %dma_wait3A_1184] : memref<80000x128xf32, #tpu.memory_space<hbm>> -> memref<80000x128xf32, #tpu.memory_space<hbm>>
      tpu.wait_indirect_dma semaphore(%arg15 : memref<!tpu.dma_semaphore, #tpu.memory_space<semaphore_mem>>) src(%dma_wait3A_1185 : memref<80000x128xf32, #tpu.memory_space<hbm>>) dst(%arg11 : memref<80x128xf32, #tpu.memory_space<vmem>>)
      %dma_start3A_1186 = arith.constant 41 : i32
      %dma_start3A_1187 = arith.constant 0 : i32
      %dma_start3A_1188 = tpu.memref_slice %arg8[%dma_start3A_1186, %dma_start3A_1187] : memref<50x80xi32, #tpu.memory_space<vmem>> -> memref<1x80xi32, #tpu.memory_space<vmem>>
      %dma_start3A_1189 = tpu.memref_squeeze %dma_start3A_1188 : memref<1x80xi32, #tpu.memory_space<vmem>> -> memref<80xi32, #tpu.memory_space<vmem>>
      %dma_start3A_1190 = arith.constant 0 : i32
      %dma_start3A_1191 = arith.constant 0 : i32
      %dma_start3A_1192 = tpu.memref_slice %arg12[%dma_start3A_1190, %dma_start3A_1191] : memref<10240x128xf32, #tpu.memory_space<vmem_shared>> -> memref<10240x128xf32, #tpu.memory_space<vmem_shared>>
      tpu.enqueue_indirect_dma source(%arg11 : memref<80x128xf32, #tpu.memory_space<vmem>>) target(%dma_start3A_1192 : memref<10240x128xf32, #tpu.memory_space<vmem_shared>>) offsets(%dma_start3A_1189 : memref<80xi32, #tpu.memory_space<vmem>>) semaphore(%arg18 : memref<!tpu.dma_semaphore, #tpu.memory_space<semaphore_mem>>) {add = true}
      %dma_wait3A_1193 = arith.constant 40 : i32
      %dma_wait3A_1194 = arith.constant 0 : i32
      %dma_wait3A_1195 = tpu.memref_slice %arg8[%dma_wait3A_1193, %dma_wait3A_1194] : memref<50x80xi32, #tpu.memory_space<vmem>> -> memref<1x80xi32, #tpu.memory_space<vmem>>
      %dma_wait3A_1196 = tpu.memref_squeeze %dma_wait3A_1195 : memref<1x80xi32, #tpu.memory_space<vmem>> -> memref<80xi32, #tpu.memory_space<vmem>>
      %dma_wait3A_1197 = arith.constant 0 : i32
      %dma_wait3A_1198 = arith.constant 0 : i32
      %dma_wait3A_1199 = tpu.memref_slice %arg12[%dma_wait3A_1197, %dma_wait3A_1198] : memref<10240x128xf32, #tpu.memory_space<vmem_shared>> -> memref<10240x128xf32, #tpu.memory_space<vmem_shared>>
      tpu.wait_indirect_dma semaphore(%arg17 : memref<!tpu.dma_semaphore, #tpu.memory_space<semaphore_mem>>) src(%arg10 : memref<80x128xf32, #tpu.memory_space<vmem>>) dst(%dma_wait3A_1199 : memref<10240x128xf32, #tpu.memory_space<vmem_shared>>)
      %dma_start3A_1200 = arith.constant 43 : i32
      %dma_start3A_1201 = arith.constant 0 : i32
      %dma_start3A_1202 = tpu.memref_slice %arg7[%dma_start3A_1200, %dma_start3A_1201] : memref<50x80xi32, #tpu.memory_space<vmem>> -> memref<1x80xi32, #tpu.memory_space<vmem>>
      %dma_start3A_1203 = tpu.memref_squeeze %dma_start3A_1202 : memref<1x80xi32, #tpu.memory_space<vmem>> -> memref<80xi32, #tpu.memory_space<vmem>>
      %dma_start3A_1204 = arith.constant 0 : i32
      %dma_start3A_1205 = arith.constant 0 : i32
      %dma_start3A_1206 = tpu.memref_slice %arg2[%dma_start3A_1204, %dma_start3A_1205] : memref<80000x128xf32, #tpu.memory_space<hbm>> -> memref<80000x128xf32, #tpu.memory_space<hbm>>
      tpu.enqueue_indirect_dma source(%dma_start3A_1206 : memref<80000x128xf32, #tpu.memory_space<hbm>>) target(%arg10 : memref<80x128xf32, #tpu.memory_space<vmem>>) offsets(%dma_start3A_1203 : memref<80xi32, #tpu.memory_space<vmem>>) semaphore(%arg14 : memref<!tpu.dma_semaphore, #tpu.memory_space<semaphore_mem>>)
      %dma_wait3A_1207 = arith.constant 42 : i32
      %dma_wait3A_1208 = arith.constant 0 : i32
      %dma_wait3A_1209 = tpu.memref_slice %arg7[%dma_wait3A_1207, %dma_wait3A_1208] : memref<50x80xi32, #tpu.memory_space<vmem>> -> memref<1x80xi32, #tpu.memory_space<vmem>>
      %dma_wait3A_1210 = tpu.memref_squeeze %dma_wait3A_1209 : memref<1x80xi32, #tpu.memory_space<vmem>> -> memref<80xi32, #tpu.memory_space<vmem>>
      %dma_wait3A_1211 = arith.constant 0 : i32
      %dma_wait3A_1212 = arith.constant 0 : i32
      %dma_wait3A_1213 = tpu.memref_slice %arg2[%dma_wait3A_1211, %dma_wait3A_1212] : memref<80000x128xf32, #tpu.memory_space<hbm>> -> memref<80000x128xf32, #tpu.memory_space<hbm>>
      tpu.wait_indirect_dma semaphore(%arg13 : memref<!tpu.dma_semaphore, #tpu.memory_space<semaphore_mem>>) src(%dma_wait3A_1213 : memref<80000x128xf32, #tpu.memory_space<hbm>>) dst(%arg9 : memref<80x128xf32, #tpu.memory_space<vmem>>)
      %dma_start3A_1214 = arith.constant 42 : i32
      %dma_start3A_1215 = arith.constant 0 : i32
      %dma_start3A_1216 = tpu.memref_slice %arg8[%dma_start3A_1214, %dma_start3A_1215] : memref<50x80xi32, #tpu.memory_space<vmem>> -> memref<1x80xi32, #tpu.memory_space<vmem>>
      %dma_start3A_1217 = tpu.memref_squeeze %dma_start3A_1216 : memref<1x80xi32, #tpu.memory_space<vmem>> -> memref<80xi32, #tpu.memory_space<vmem>>
      %dma_start3A_1218 = arith.constant 0 : i32
      %dma_start3A_1219 = arith.constant 0 : i32
      %dma_start3A_1220 = tpu.memref_slice %arg12[%dma_start3A_1218, %dma_start3A_1219] : memref<10240x128xf32, #tpu.memory_space<vmem_shared>> -> memref<10240x128xf32, #tpu.memory_space<vmem_shared>>
      tpu.enqueue_indirect_dma source(%arg9 : memref<80x128xf32, #tpu.memory_space<vmem>>) target(%dma_start3A_1220 : memref<10240x128xf32, #tpu.memory_space<vmem_shared>>) offsets(%dma_start3A_1217 : memref<80xi32, #tpu.memory_space<vmem>>) semaphore(%arg16 : memref<!tpu.dma_semaphore, #tpu.memory_space<semaphore_mem>>) {add = true}
      %dma_wait3A_1221 = arith.constant 41 : i32
      %dma_wait3A_1222 = arith.constant 0 : i32
      %dma_wait3A_1223 = tpu.memref_slice %arg8[%dma_wait3A_1221, %dma_wait3A_1222] : memref<50x80xi32, #tpu.memory_space<vmem>> -> memref<1x80xi32, #tpu.memory_space<vmem>>
      %dma_wait3A_1224 = tpu.memref_squeeze %dma_wait3A_1223 : memref<1x80xi32, #tpu.memory_space<vmem>> -> memref<80xi32, #tpu.memory_space<vmem>>
      %dma_wait3A_1225 = arith.constant 0 : i32
      %dma_wait3A_1226 = arith.constant 0 : i32
      %dma_wait3A_1227 = tpu.memref_slice %arg12[%dma_wait3A_1225, %dma_wait3A_1226] : memref<10240x128xf32, #tpu.memory_space<vmem_shared>> -> memref<10240x128xf32, #tpu.memory_space<vmem_shared>>
      tpu.wait_indirect_dma semaphore(%arg18 : memref<!tpu.dma_semaphore, #tpu.memory_space<semaphore_mem>>) src(%arg11 : memref<80x128xf32, #tpu.memory_space<vmem>>) dst(%dma_wait3A_1227 : memref<10240x128xf32, #tpu.memory_space<vmem_shared>>)
      %dma_start3A_1228 = arith.constant 44 : i32
      %dma_start3A_1229 = arith.constant 0 : i32
      %dma_start3A_1230 = tpu.memref_slice %arg7[%dma_start3A_1228, %dma_start3A_1229] : memref<50x80xi32, #tpu.memory_space<vmem>> -> memref<1x80xi32, #tpu.memory_space<vmem>>
      %dma_start3A_1231 = tpu.memref_squeeze %dma_start3A_1230 : memref<1x80xi32, #tpu.memory_space<vmem>> -> memref<80xi32, #tpu.memory_space<vmem>>
      %dma_start3A_1232 = arith.constant 0 : i32
      %dma_start3A_1233 = arith.constant 0 : i32
      %dma_start3A_1234 = tpu.memref_slice %arg2[%dma_start3A_1232, %dma_start3A_1233] : memref<80000x128xf32, #tpu.memory_space<hbm>> -> memref<80000x128xf32, #tpu.memory_space<hbm>>
      tpu.enqueue_indirect_dma source(%dma_start3A_1234 : memref<80000x128xf32, #tpu.memory_space<hbm>>) target(%arg11 : memref<80x128xf32, #tpu.memory_space<vmem>>) offsets(%dma_start3A_1231 : memref<80xi32, #tpu.memory_space<vmem>>) semaphore(%arg15 : memref<!tpu.dma_semaphore, #tpu.memory_space<semaphore_mem>>)
      %dma_wait3A_1235 = arith.constant 43 : i32
      %dma_wait3A_1236 = arith.constant 0 : i32
      %dma_wait3A_1237 = tpu.memref_slice %arg7[%dma_wait3A_1235, %dma_wait3A_1236] : memref<50x80xi32, #tpu.memory_space<vmem>> -> memref<1x80xi32, #tpu.memory_space<vmem>>
      %dma_wait3A_1238 = tpu.memref_squeeze %dma_wait3A_1237 : memref<1x80xi32, #tpu.memory_space<vmem>> -> memref<80xi32, #tpu.memory_space<vmem>>
      %dma_wait3A_1239 = arith.constant 0 : i32
      %dma_wait3A_1240 = arith.constant 0 : i32
      %dma_wait3A_1241 = tpu.memref_slice %arg2[%dma_wait3A_1239, %dma_wait3A_1240] : memref<80000x128xf32, #tpu.memory_space<hbm>> -> memref<80000x128xf32, #tpu.memory_space<hbm>>
      tpu.wait_indirect_dma semaphore(%arg14 : memref<!tpu.dma_semaphore, #tpu.memory_space<semaphore_mem>>) src(%dma_wait3A_1241 : memref<80000x128xf32, #tpu.memory_space<hbm>>) dst(%arg10 : memref<80x128xf32, #tpu.memory_space<vmem>>)
      %dma_start3A_1242 = arith.constant 43 : i32
      %dma_start3A_1243 = arith.constant 0 : i32
      %dma_start3A_1244 = tpu.memref_slice %arg8[%dma_start3A_1242, %dma_start3A_1243] : memref<50x80xi32, #tpu.memory_space<vmem>> -> memref<1x80xi32, #tpu.memory_space<vmem>>
      %dma_start3A_1245 = tpu.memref_squeeze %dma_start3A_1244 : memref<1x80xi32, #tpu.memory_space<vmem>> -> memref<80xi32, #tpu.memory_space<vmem>>
      %dma_start3A_1246 = arith.constant 0 : i32
      %dma_start3A_1247 = arith.constant 0 : i32
      %dma_start3A_1248 = tpu.memref_slice %arg12[%dma_start3A_1246, %dma_start3A_1247] : memref<10240x128xf32, #tpu.memory_space<vmem_shared>> -> memref<10240x128xf32, #tpu.memory_space<vmem_shared>>
      tpu.enqueue_indirect_dma source(%arg10 : memref<80x128xf32, #tpu.memory_space<vmem>>) target(%dma_start3A_1248 : memref<10240x128xf32, #tpu.memory_space<vmem_shared>>) offsets(%dma_start3A_1245 : memref<80xi32, #tpu.memory_space<vmem>>) semaphore(%arg17 : memref<!tpu.dma_semaphore, #tpu.memory_space<semaphore_mem>>) {add = true}
      %dma_wait3A_1249 = arith.constant 42 : i32
      %dma_wait3A_1250 = arith.constant 0 : i32
      %dma_wait3A_1251 = tpu.memref_slice %arg8[%dma_wait3A_1249, %dma_wait3A_1250] : memref<50x80xi32, #tpu.memory_space<vmem>> -> memref<1x80xi32, #tpu.memory_space<vmem>>
      %dma_wait3A_1252 = tpu.memref_squeeze %dma_wait3A_1251 : memref<1x80xi32, #tpu.memory_space<vmem>> -> memref<80xi32, #tpu.memory_space<vmem>>
      %dma_wait3A_1253 = arith.constant 0 : i32
      %dma_wait3A_1254 = arith.constant 0 : i32
      %dma_wait3A_1255 = tpu.memref_slice %arg12[%dma_wait3A_1253, %dma_wait3A_1254] : memref<10240x128xf32, #tpu.memory_space<vmem_shared>> -> memref<10240x128xf32, #tpu.memory_space<vmem_shared>>
      tpu.wait_indirect_dma semaphore(%arg16 : memref<!tpu.dma_semaphore, #tpu.memory_space<semaphore_mem>>) src(%arg9 : memref<80x128xf32, #tpu.memory_space<vmem>>) dst(%dma_wait3A_1255 : memref<10240x128xf32, #tpu.memory_space<vmem_shared>>)
      %dma_start3A_1256 = arith.constant 45 : i32
      %dma_start3A_1257 = arith.constant 0 : i32
      %dma_start3A_1258 = tpu.memref_slice %arg7[%dma_start3A_1256, %dma_start3A_1257] : memref<50x80xi32, #tpu.memory_space<vmem>> -> memref<1x80xi32, #tpu.memory_space<vmem>>
      %dma_start3A_1259 = tpu.memref_squeeze %dma_start3A_1258 : memref<1x80xi32, #tpu.memory_space<vmem>> -> memref<80xi32, #tpu.memory_space<vmem>>
      %dma_start3A_1260 = arith.constant 0 : i32
      %dma_start3A_1261 = arith.constant 0 : i32
      %dma_start3A_1262 = tpu.memref_slice %arg2[%dma_start3A_1260, %dma_start3A_1261] : memref<80000x128xf32, #tpu.memory_space<hbm>> -> memref<80000x128xf32, #tpu.memory_space<hbm>>
      tpu.enqueue_indirect_dma source(%dma_start3A_1262 : memref<80000x128xf32, #tpu.memory_space<hbm>>) target(%arg9 : memref<80x128xf32, #tpu.memory_space<vmem>>) offsets(%dma_start3A_1259 : memref<80xi32, #tpu.memory_space<vmem>>) semaphore(%arg13 : memref<!tpu.dma_semaphore, #tpu.memory_space<semaphore_mem>>)
      %dma_wait3A_1263 = arith.constant 44 : i32
      %dma_wait3A_1264 = arith.constant 0 : i32
      %dma_wait3A_1265 = tpu.memref_slice %arg7[%dma_wait3A_1263, %dma_wait3A_1264] : memref<50x80xi32, #tpu.memory_space<vmem>> -> memref<1x80xi32, #tpu.memory_space<vmem>>
      %dma_wait3A_1266 = tpu.memref_squeeze %dma_wait3A_1265 : memref<1x80xi32, #tpu.memory_space<vmem>> -> memref<80xi32, #tpu.memory_space<vmem>>
      %dma_wait3A_1267 = arith.constant 0 : i32
      %dma_wait3A_1268 = arith.constant 0 : i32
      %dma_wait3A_1269 = tpu.memref_slice %arg2[%dma_wait3A_1267, %dma_wait3A_1268] : memref<80000x128xf32, #tpu.memory_space<hbm>> -> memref<80000x128xf32, #tpu.memory_space<hbm>>
      tpu.wait_indirect_dma semaphore(%arg15 : memref<!tpu.dma_semaphore, #tpu.memory_space<semaphore_mem>>) src(%dma_wait3A_1269 : memref<80000x128xf32, #tpu.memory_space<hbm>>) dst(%arg11 : memref<80x128xf32, #tpu.memory_space<vmem>>)
      %dma_start3A_1270 = arith.constant 44 : i32
      %dma_start3A_1271 = arith.constant 0 : i32
      %dma_start3A_1272 = tpu.memref_slice %arg8[%dma_start3A_1270, %dma_start3A_1271] : memref<50x80xi32, #tpu.memory_space<vmem>> -> memref<1x80xi32, #tpu.memory_space<vmem>>
      %dma_start3A_1273 = tpu.memref_squeeze %dma_start3A_1272 : memref<1x80xi32, #tpu.memory_space<vmem>> -> memref<80xi32, #tpu.memory_space<vmem>>
      %dma_start3A_1274 = arith.constant 0 : i32
      %dma_start3A_1275 = arith.constant 0 : i32
      %dma_start3A_1276 = tpu.memref_slice %arg12[%dma_start3A_1274, %dma_start3A_1275] : memref<10240x128xf32, #tpu.memory_space<vmem_shared>> -> memref<10240x128xf32, #tpu.memory_space<vmem_shared>>
      tpu.enqueue_indirect_dma source(%arg11 : memref<80x128xf32, #tpu.memory_space<vmem>>) target(%dma_start3A_1276 : memref<10240x128xf32, #tpu.memory_space<vmem_shared>>) offsets(%dma_start3A_1273 : memref<80xi32, #tpu.memory_space<vmem>>) semaphore(%arg18 : memref<!tpu.dma_semaphore, #tpu.memory_space<semaphore_mem>>) {add = true}
      %dma_wait3A_1277 = arith.constant 43 : i32
      %dma_wait3A_1278 = arith.constant 0 : i32
      %dma_wait3A_1279 = tpu.memref_slice %arg8[%dma_wait3A_1277, %dma_wait3A_1278] : memref<50x80xi32, #tpu.memory_space<vmem>> -> memref<1x80xi32, #tpu.memory_space<vmem>>
      %dma_wait3A_1280 = tpu.memref_squeeze %dma_wait3A_1279 : memref<1x80xi32, #tpu.memory_space<vmem>> -> memref<80xi32, #tpu.memory_space<vmem>>
      %dma_wait3A_1281 = arith.constant 0 : i32
      %dma_wait3A_1282 = arith.constant 0 : i32
      %dma_wait3A_1283 = tpu.memref_slice %arg12[%dma_wait3A_1281, %dma_wait3A_1282] : memref<10240x128xf32, #tpu.memory_space<vmem_shared>> -> memref<10240x128xf32, #tpu.memory_space<vmem_shared>>
      tpu.wait_indirect_dma semaphore(%arg17 : memref<!tpu.dma_semaphore, #tpu.memory_space<semaphore_mem>>) src(%arg10 : memref<80x128xf32, #tpu.memory_space<vmem>>) dst(%dma_wait3A_1283 : memref<10240x128xf32, #tpu.memory_space<vmem_shared>>)
      %dma_start3A_1284 = arith.constant 46 : i32
      %dma_start3A_1285 = arith.constant 0 : i32
      %dma_start3A_1286 = tpu.memref_slice %arg7[%dma_start3A_1284, %dma_start3A_1285] : memref<50x80xi32, #tpu.memory_space<vmem>> -> memref<1x80xi32, #tpu.memory_space<vmem>>
      %dma_start3A_1287 = tpu.memref_squeeze %dma_start3A_1286 : memref<1x80xi32, #tpu.memory_space<vmem>> -> memref<80xi32, #tpu.memory_space<vmem>>
      %dma_start3A_1288 = arith.constant 0 : i32
      %dma_start3A_1289 = arith.constant 0 : i32
      %dma_start3A_1290 = tpu.memref_slice %arg2[%dma_start3A_1288, %dma_start3A_1289] : memref<80000x128xf32, #tpu.memory_space<hbm>> -> memref<80000x128xf32, #tpu.memory_space<hbm>>
      tpu.enqueue_indirect_dma source(%dma_start3A_1290 : memref<80000x128xf32, #tpu.memory_space<hbm>>) target(%arg10 : memref<80x128xf32, #tpu.memory_space<vmem>>) offsets(%dma_start3A_1287 : memref<80xi32, #tpu.memory_space<vmem>>) semaphore(%arg14 : memref<!tpu.dma_semaphore, #tpu.memory_space<semaphore_mem>>)
      %dma_wait3A_1291 = arith.constant 45 : i32
      %dma_wait3A_1292 = arith.constant 0 : i32
      %dma_wait3A_1293 = tpu.memref_slice %arg7[%dma_wait3A_1291, %dma_wait3A_1292] : memref<50x80xi32, #tpu.memory_space<vmem>> -> memref<1x80xi32, #tpu.memory_space<vmem>>
      %dma_wait3A_1294 = tpu.memref_squeeze %dma_wait3A_1293 : memref<1x80xi32, #tpu.memory_space<vmem>> -> memref<80xi32, #tpu.memory_space<vmem>>
      %dma_wait3A_1295 = arith.constant 0 : i32
      %dma_wait3A_1296 = arith.constant 0 : i32
      %dma_wait3A_1297 = tpu.memref_slice %arg2[%dma_wait3A_1295, %dma_wait3A_1296] : memref<80000x128xf32, #tpu.memory_space<hbm>> -> memref<80000x128xf32, #tpu.memory_space<hbm>>
      tpu.wait_indirect_dma semaphore(%arg13 : memref<!tpu.dma_semaphore, #tpu.memory_space<semaphore_mem>>) src(%dma_wait3A_1297 : memref<80000x128xf32, #tpu.memory_space<hbm>>) dst(%arg9 : memref<80x128xf32, #tpu.memory_space<vmem>>)
      %dma_start3A_1298 = arith.constant 45 : i32
      %dma_start3A_1299 = arith.constant 0 : i32
      %dma_start3A_1300 = tpu.memref_slice %arg8[%dma_start3A_1298, %dma_start3A_1299] : memref<50x80xi32, #tpu.memory_space<vmem>> -> memref<1x80xi32, #tpu.memory_space<vmem>>
      %dma_start3A_1301 = tpu.memref_squeeze %dma_start3A_1300 : memref<1x80xi32, #tpu.memory_space<vmem>> -> memref<80xi32, #tpu.memory_space<vmem>>
      %dma_start3A_1302 = arith.constant 0 : i32
      %dma_start3A_1303 = arith.constant 0 : i32
      %dma_start3A_1304 = tpu.memref_slice %arg12[%dma_start3A_1302, %dma_start3A_1303] : memref<10240x128xf32, #tpu.memory_space<vmem_shared>> -> memref<10240x128xf32, #tpu.memory_space<vmem_shared>>
      tpu.enqueue_indirect_dma source(%arg9 : memref<80x128xf32, #tpu.memory_space<vmem>>) target(%dma_start3A_1304 : memref<10240x128xf32, #tpu.memory_space<vmem_shared>>) offsets(%dma_start3A_1301 : memref<80xi32, #tpu.memory_space<vmem>>) semaphore(%arg16 : memref<!tpu.dma_semaphore, #tpu.memory_space<semaphore_mem>>) {add = true}
      %dma_wait3A_1305 = arith.constant 44 : i32
      %dma_wait3A_1306 = arith.constant 0 : i32
      %dma_wait3A_1307 = tpu.memref_slice %arg8[%dma_wait3A_1305, %dma_wait3A_1306] : memref<50x80xi32, #tpu.memory_space<vmem>> -> memref<1x80xi32, #tpu.memory_space<vmem>>
      %dma_wait3A_1308 = tpu.memref_squeeze %dma_wait3A_1307 : memref<1x80xi32, #tpu.memory_space<vmem>> -> memref<80xi32, #tpu.memory_space<vmem>>
      %dma_wait3A_1309 = arith.constant 0 : i32
      %dma_wait3A_1310 = arith.constant 0 : i32
      %dma_wait3A_1311 = tpu.memref_slice %arg12[%dma_wait3A_1309, %dma_wait3A_1310] : memref<10240x128xf32, #tpu.memory_space<vmem_shared>> -> memref<10240x128xf32, #tpu.memory_space<vmem_shared>>
      tpu.wait_indirect_dma semaphore(%arg18 : memref<!tpu.dma_semaphore, #tpu.memory_space<semaphore_mem>>) src(%arg11 : memref<80x128xf32, #tpu.memory_space<vmem>>) dst(%dma_wait3A_1311 : memref<10240x128xf32, #tpu.memory_space<vmem_shared>>)
      %dma_start3A_1312 = arith.constant 47 : i32
      %dma_start3A_1313 = arith.constant 0 : i32
      %dma_start3A_1314 = tpu.memref_slice %arg7[%dma_start3A_1312, %dma_start3A_1313] : memref<50x80xi32, #tpu.memory_space<vmem>> -> memref<1x80xi32, #tpu.memory_space<vmem>>
      %dma_start3A_1315 = tpu.memref_squeeze %dma_start3A_1314 : memref<1x80xi32, #tpu.memory_space<vmem>> -> memref<80xi32, #tpu.memory_space<vmem>>
      %dma_start3A_1316 = arith.constant 0 : i32
      %dma_start3A_1317 = arith.constant 0 : i32
      %dma_start3A_1318 = tpu.memref_slice %arg2[%dma_start3A_1316, %dma_start3A_1317] : memref<80000x128xf32, #tpu.memory_space<hbm>> -> memref<80000x128xf32, #tpu.memory_space<hbm>>
      tpu.enqueue_indirect_dma source(%dma_start3A_1318 : memref<80000x128xf32, #tpu.memory_space<hbm>>) target(%arg11 : memref<80x128xf32, #tpu.memory_space<vmem>>) offsets(%dma_start3A_1315 : memref<80xi32, #tpu.memory_space<vmem>>) semaphore(%arg15 : memref<!tpu.dma_semaphore, #tpu.memory_space<semaphore_mem>>)
      %dma_wait3A_1319 = arith.constant 46 : i32
      %dma_wait3A_1320 = arith.constant 0 : i32
      %dma_wait3A_1321 = tpu.memref_slice %arg7[%dma_wait3A_1319, %dma_wait3A_1320] : memref<50x80xi32, #tpu.memory_space<vmem>> -> memref<1x80xi32, #tpu.memory_space<vmem>>
      %dma_wait3A_1322 = tpu.memref_squeeze %dma_wait3A_1321 : memref<1x80xi32, #tpu.memory_space<vmem>> -> memref<80xi32, #tpu.memory_space<vmem>>
      %dma_wait3A_1323 = arith.constant 0 : i32
      %dma_wait3A_1324 = arith.constant 0 : i32
      %dma_wait3A_1325 = tpu.memref_slice %arg2[%dma_wait3A_1323, %dma_wait3A_1324] : memref<80000x128xf32, #tpu.memory_space<hbm>> -> memref<80000x128xf32, #tpu.memory_space<hbm>>
      tpu.wait_indirect_dma semaphore(%arg14 : memref<!tpu.dma_semaphore, #tpu.memory_space<semaphore_mem>>) src(%dma_wait3A_1325 : memref<80000x128xf32, #tpu.memory_space<hbm>>) dst(%arg10 : memref<80x128xf32, #tpu.memory_space<vmem>>)
      %dma_start3A_1326 = arith.constant 46 : i32
      %dma_start3A_1327 = arith.constant 0 : i32
      %dma_start3A_1328 = tpu.memref_slice %arg8[%dma_start3A_1326, %dma_start3A_1327] : memref<50x80xi32, #tpu.memory_space<vmem>> -> memref<1x80xi32, #tpu.memory_space<vmem>>
      %dma_start3A_1329 = tpu.memref_squeeze %dma_start3A_1328 : memref<1x80xi32, #tpu.memory_space<vmem>> -> memref<80xi32, #tpu.memory_space<vmem>>
      %dma_start3A_1330 = arith.constant 0 : i32
      %dma_start3A_1331 = arith.constant 0 : i32
      %dma_start3A_1332 = tpu.memref_slice %arg12[%dma_start3A_1330, %dma_start3A_1331] : memref<10240x128xf32, #tpu.memory_space<vmem_shared>> -> memref<10240x128xf32, #tpu.memory_space<vmem_shared>>
      tpu.enqueue_indirect_dma source(%arg10 : memref<80x128xf32, #tpu.memory_space<vmem>>) target(%dma_start3A_1332 : memref<10240x128xf32, #tpu.memory_space<vmem_shared>>) offsets(%dma_start3A_1329 : memref<80xi32, #tpu.memory_space<vmem>>) semaphore(%arg17 : memref<!tpu.dma_semaphore, #tpu.memory_space<semaphore_mem>>) {add = true}
      %dma_wait3A_1333 = arith.constant 45 : i32
      %dma_wait3A_1334 = arith.constant 0 : i32
      %dma_wait3A_1335 = tpu.memref_slice %arg8[%dma_wait3A_1333, %dma_wait3A_1334] : memref<50x80xi32, #tpu.memory_space<vmem>> -> memref<1x80xi32, #tpu.memory_space<vmem>>
      %dma_wait3A_1336 = tpu.memref_squeeze %dma_wait3A_1335 : memref<1x80xi32, #tpu.memory_space<vmem>> -> memref<80xi32, #tpu.memory_space<vmem>>
      %dma_wait3A_1337 = arith.constant 0 : i32
      %dma_wait3A_1338 = arith.constant 0 : i32
      %dma_wait3A_1339 = tpu.memref_slice %arg12[%dma_wait3A_1337, %dma_wait3A_1338] : memref<10240x128xf32, #tpu.memory_space<vmem_shared>> -> memref<10240x128xf32, #tpu.memory_space<vmem_shared>>
      tpu.wait_indirect_dma semaphore(%arg16 : memref<!tpu.dma_semaphore, #tpu.memory_space<semaphore_mem>>) src(%arg9 : memref<80x128xf32, #tpu.memory_space<vmem>>) dst(%dma_wait3A_1339 : memref<10240x128xf32, #tpu.memory_space<vmem_shared>>)
      %dma_start3A_1340 = arith.constant 48 : i32
      %dma_start3A_1341 = arith.constant 0 : i32
      %dma_start3A_1342 = tpu.memref_slice %arg7[%dma_start3A_1340, %dma_start3A_1341] : memref<50x80xi32, #tpu.memory_space<vmem>> -> memref<1x80xi32, #tpu.memory_space<vmem>>
      %dma_start3A_1343 = tpu.memref_squeeze %dma_start3A_1342 : memref<1x80xi32, #tpu.memory_space<vmem>> -> memref<80xi32, #tpu.memory_space<vmem>>
      %dma_start3A_1344 = arith.constant 0 : i32
      %dma_start3A_1345 = arith.constant 0 : i32
      %dma_start3A_1346 = tpu.memref_slice %arg2[%dma_start3A_1344, %dma_start3A_1345] : memref<80000x128xf32, #tpu.memory_space<hbm>> -> memref<80000x128xf32, #tpu.memory_space<hbm>>
      tpu.enqueue_indirect_dma source(%dma_start3A_1346 : memref<80000x128xf32, #tpu.memory_space<hbm>>) target(%arg9 : memref<80x128xf32, #tpu.memory_space<vmem>>) offsets(%dma_start3A_1343 : memref<80xi32, #tpu.memory_space<vmem>>) semaphore(%arg13 : memref<!tpu.dma_semaphore, #tpu.memory_space<semaphore_mem>>)
      %dma_wait3A_1347 = arith.constant 47 : i32
      %dma_wait3A_1348 = arith.constant 0 : i32
      %dma_wait3A_1349 = tpu.memref_slice %arg7[%dma_wait3A_1347, %dma_wait3A_1348] : memref<50x80xi32, #tpu.memory_space<vmem>> -> memref<1x80xi32, #tpu.memory_space<vmem>>
      %dma_wait3A_1350 = tpu.memref_squeeze %dma_wait3A_1349 : memref<1x80xi32, #tpu.memory_space<vmem>> -> memref<80xi32, #tpu.memory_space<vmem>>
      %dma_wait3A_1351 = arith.constant 0 : i32
      %dma_wait3A_1352 = arith.constant 0 : i32
      %dma_wait3A_1353 = tpu.memref_slice %arg2[%dma_wait3A_1351, %dma_wait3A_1352] : memref<80000x128xf32, #tpu.memory_space<hbm>> -> memref<80000x128xf32, #tpu.memory_space<hbm>>
      tpu.wait_indirect_dma semaphore(%arg15 : memref<!tpu.dma_semaphore, #tpu.memory_space<semaphore_mem>>) src(%dma_wait3A_1353 : memref<80000x128xf32, #tpu.memory_space<hbm>>) dst(%arg11 : memref<80x128xf32, #tpu.memory_space<vmem>>)
      %dma_start3A_1354 = arith.constant 47 : i32
      %dma_start3A_1355 = arith.constant 0 : i32
      %dma_start3A_1356 = tpu.memref_slice %arg8[%dma_start3A_1354, %dma_start3A_1355] : memref<50x80xi32, #tpu.memory_space<vmem>> -> memref<1x80xi32, #tpu.memory_space<vmem>>
      %dma_start3A_1357 = tpu.memref_squeeze %dma_start3A_1356 : memref<1x80xi32, #tpu.memory_space<vmem>> -> memref<80xi32, #tpu.memory_space<vmem>>
      %dma_start3A_1358 = arith.constant 0 : i32
      %dma_start3A_1359 = arith.constant 0 : i32
      %dma_start3A_1360 = tpu.memref_slice %arg12[%dma_start3A_1358, %dma_start3A_1359] : memref<10240x128xf32, #tpu.memory_space<vmem_shared>> -> memref<10240x128xf32, #tpu.memory_space<vmem_shared>>
      tpu.enqueue_indirect_dma source(%arg11 : memref<80x128xf32, #tpu.memory_space<vmem>>) target(%dma_start3A_1360 : memref<10240x128xf32, #tpu.memory_space<vmem_shared>>) offsets(%dma_start3A_1357 : memref<80xi32, #tpu.memory_space<vmem>>) semaphore(%arg18 : memref<!tpu.dma_semaphore, #tpu.memory_space<semaphore_mem>>) {add = true}
      %dma_wait3A_1361 = arith.constant 46 : i32
      %dma_wait3A_1362 = arith.constant 0 : i32
      %dma_wait3A_1363 = tpu.memref_slice %arg8[%dma_wait3A_1361, %dma_wait3A_1362] : memref<50x80xi32, #tpu.memory_space<vmem>> -> memref<1x80xi32, #tpu.memory_space<vmem>>
      %dma_wait3A_1364 = tpu.memref_squeeze %dma_wait3A_1363 : memref<1x80xi32, #tpu.memory_space<vmem>> -> memref<80xi32, #tpu.memory_space<vmem>>
      %dma_wait3A_1365 = arith.constant 0 : i32
      %dma_wait3A_1366 = arith.constant 0 : i32
      %dma_wait3A_1367 = tpu.memref_slice %arg12[%dma_wait3A_1365, %dma_wait3A_1366] : memref<10240x128xf32, #tpu.memory_space<vmem_shared>> -> memref<10240x128xf32, #tpu.memory_space<vmem_shared>>
      tpu.wait_indirect_dma semaphore(%arg17 : memref<!tpu.dma_semaphore, #tpu.memory_space<semaphore_mem>>) src(%arg10 : memref<80x128xf32, #tpu.memory_space<vmem>>) dst(%dma_wait3A_1367 : memref<10240x128xf32, #tpu.memory_space<vmem_shared>>)
      %dma_start3A_1368 = arith.constant 49 : i32
      %dma_start3A_1369 = arith.constant 0 : i32
      %dma_start3A_1370 = tpu.memref_slice %arg7[%dma_start3A_1368, %dma_start3A_1369] : memref<50x80xi32, #tpu.memory_space<vmem>> -> memref<1x80xi32, #tpu.memory_space<vmem>>
      %dma_start3A_1371 = tpu.memref_squeeze %dma_start3A_1370 : memref<1x80xi32, #tpu.memory_space<vmem>> -> memref<80xi32, #tpu.memory_space<vmem>>
      %dma_start3A_1372 = arith.constant 0 : i32
      %dma_start3A_1373 = arith.constant 0 : i32
      %dma_start3A_1374 = tpu.memref_slice %arg2[%dma_start3A_1372, %dma_start3A_1373] : memref<80000x128xf32, #tpu.memory_space<hbm>> -> memref<80000x128xf32, #tpu.memory_space<hbm>>
      tpu.enqueue_indirect_dma source(%dma_start3A_1374 : memref<80000x128xf32, #tpu.memory_space<hbm>>) target(%arg10 : memref<80x128xf32, #tpu.memory_space<vmem>>) offsets(%dma_start3A_1371 : memref<80xi32, #tpu.memory_space<vmem>>) semaphore(%arg14 : memref<!tpu.dma_semaphore, #tpu.memory_space<semaphore_mem>>)
      %dma_wait3A_1375 = arith.constant 48 : i32
      %dma_wait3A_1376 = arith.constant 0 : i32
      %dma_wait3A_1377 = tpu.memref_slice %arg7[%dma_wait3A_1375, %dma_wait3A_1376] : memref<50x80xi32, #tpu.memory_space<vmem>> -> memref<1x80xi32, #tpu.memory_space<vmem>>
      %dma_wait3A_1378 = tpu.memref_squeeze %dma_wait3A_1377 : memref<1x80xi32, #tpu.memory_space<vmem>> -> memref<80xi32, #tpu.memory_space<vmem>>
      %dma_wait3A_1379 = arith.constant 0 : i32
      %dma_wait3A_1380 = arith.constant 0 : i32
      %dma_wait3A_1381 = tpu.memref_slice %arg2[%dma_wait3A_1379, %dma_wait3A_1380] : memref<80000x128xf32, #tpu.memory_space<hbm>> -> memref<80000x128xf32, #tpu.memory_space<hbm>>
      tpu.wait_indirect_dma semaphore(%arg13 : memref<!tpu.dma_semaphore, #tpu.memory_space<semaphore_mem>>) src(%dma_wait3A_1381 : memref<80000x128xf32, #tpu.memory_space<hbm>>) dst(%arg9 : memref<80x128xf32, #tpu.memory_space<vmem>>)
      %dma_start3A_1382 = arith.constant 48 : i32
      %dma_start3A_1383 = arith.constant 0 : i32
      %dma_start3A_1384 = tpu.memref_slice %arg8[%dma_start3A_1382, %dma_start3A_1383] : memref<50x80xi32, #tpu.memory_space<vmem>> -> memref<1x80xi32, #tpu.memory_space<vmem>>
      %dma_start3A_1385 = tpu.memref_squeeze %dma_start3A_1384 : memref<1x80xi32, #tpu.memory_space<vmem>> -> memref<80xi32, #tpu.memory_space<vmem>>
      %dma_start3A_1386 = arith.constant 0 : i32
      %dma_start3A_1387 = arith.constant 0 : i32
      %dma_start3A_1388 = tpu.memref_slice %arg12[%dma_start3A_1386, %dma_start3A_1387] : memref<10240x128xf32, #tpu.memory_space<vmem_shared>> -> memref<10240x128xf32, #tpu.memory_space<vmem_shared>>
      tpu.enqueue_indirect_dma source(%arg9 : memref<80x128xf32, #tpu.memory_space<vmem>>) target(%dma_start3A_1388 : memref<10240x128xf32, #tpu.memory_space<vmem_shared>>) offsets(%dma_start3A_1385 : memref<80xi32, #tpu.memory_space<vmem>>) semaphore(%arg16 : memref<!tpu.dma_semaphore, #tpu.memory_space<semaphore_mem>>) {add = true}
      %dma_wait3A_1389 = arith.constant 49 : i32
      %dma_wait3A_1390 = arith.constant 0 : i32
      %dma_wait3A_1391 = tpu.memref_slice %arg7[%dma_wait3A_1389, %dma_wait3A_1390] : memref<50x80xi32, #tpu.memory_space<vmem>> -> memref<1x80xi32, #tpu.memory_space<vmem>>
      %dma_wait3A_1392 = tpu.memref_squeeze %dma_wait3A_1391 : memref<1x80xi32, #tpu.memory_space<vmem>> -> memref<80xi32, #tpu.memory_space<vmem>>
      %dma_wait3A_1393 = arith.constant 0 : i32
      %dma_wait3A_1394 = arith.constant 0 : i32
      %dma_wait3A_1395 = tpu.memref_slice %arg2[%dma_wait3A_1393, %dma_wait3A_1394] : memref<80000x128xf32, #tpu.memory_space<hbm>> -> memref<80000x128xf32, #tpu.memory_space<hbm>>
      tpu.wait_indirect_dma semaphore(%arg14 : memref<!tpu.dma_semaphore, #tpu.memory_space<semaphore_mem>>) src(%dma_wait3A_1395 : memref<80000x128xf32, #tpu.memory_space<hbm>>) dst(%arg10 : memref<80x128xf32, #tpu.memory_space<vmem>>)
      %dma_start3A_1396 = arith.constant 49 : i32
      %dma_start3A_1397 = arith.constant 0 : i32
      %dma_start3A_1398 = tpu.memref_slice %arg8[%dma_start3A_1396, %dma_start3A_1397] : memref<50x80xi32, #tpu.memory_space<vmem>> -> memref<1x80xi32, #tpu.memory_space<vmem>>
      %dma_start3A_1399 = tpu.memref_squeeze %dma_start3A_1398 : memref<1x80xi32, #tpu.memory_space<vmem>> -> memref<80xi32, #tpu.memory_space<vmem>>
      %dma_start3A_1400 = arith.constant 0 : i32
      %dma_start3A_1401 = arith.constant 0 : i32
      %dma_start3A_1402 = tpu.memref_slice %arg12[%dma_start3A_1400, %dma_start3A_1401] : memref<10240x128xf32, #tpu.memory_space<vmem_shared>> -> memref<10240x128xf32, #tpu.memory_space<vmem_shared>>
      tpu.enqueue_indirect_dma source(%arg10 : memref<80x128xf32, #tpu.memory_space<vmem>>) target(%dma_start3A_1402 : memref<10240x128xf32, #tpu.memory_space<vmem_shared>>) offsets(%dma_start3A_1399 : memref<80xi32, #tpu.memory_space<vmem>>) semaphore(%arg17 : memref<!tpu.dma_semaphore, #tpu.memory_space<semaphore_mem>>) {add = true}
      %dma_wait3A_1403 = arith.constant 47 : i32
      %dma_wait3A_1404 = arith.constant 0 : i32
      %dma_wait3A_1405 = tpu.memref_slice %arg8[%dma_wait3A_1403, %dma_wait3A_1404] : memref<50x80xi32, #tpu.memory_space<vmem>> -> memref<1x80xi32, #tpu.memory_space<vmem>>
      %dma_wait3A_1406 = tpu.memref_squeeze %dma_wait3A_1405 : memref<1x80xi32, #tpu.memory_space<vmem>> -> memref<80xi32, #tpu.memory_space<vmem>>
      %dma_wait3A_1407 = arith.constant 0 : i32
      %dma_wait3A_1408 = arith.constant 0 : i32
      %dma_wait3A_1409 = tpu.memref_slice %arg12[%dma_wait3A_1407, %dma_wait3A_1408] : memref<10240x128xf32, #tpu.memory_space<vmem_shared>> -> memref<10240x128xf32, #tpu.memory_space<vmem_shared>>
      tpu.wait_indirect_dma semaphore(%arg18 : memref<!tpu.dma_semaphore, #tpu.memory_space<semaphore_mem>>) src(%arg11 : memref<80x128xf32, #tpu.memory_space<vmem>>) dst(%dma_wait3A_1409 : memref<10240x128xf32, #tpu.memory_space<vmem_shared>>)
      %dma_wait3A_1410 = arith.constant 48 : i32
      %dma_wait3A_1411 = arith.constant 0 : i32
      %dma_wait3A_1412 = tpu.memref_slice %arg8[%dma_wait3A_1410, %dma_wait3A_1411] : memref<50x80xi32, #tpu.memory_space<vmem>> -> memref<1x80xi32, #tpu.memory_space<vmem>>
      %dma_wait3A_1413 = tpu.memref_squeeze %dma_wait3A_1412 : memref<1x80xi32, #tpu.memory_space<vmem>> -> memref<80xi32, #tpu.memory_space<vmem>>
      %dma_wait3A_1414 = arith.constant 0 : i32
      %dma_wait3A_1415 = arith.constant 0 : i32
      %dma_wait3A_1416 = tpu.memref_slice %arg12[%dma_wait3A_1414, %dma_wait3A_1415] : memref<10240x128xf32, #tpu.memory_space<vmem_shared>> -> memref<10240x128xf32, #tpu.memory_space<vmem_shared>>
      tpu.wait_indirect_dma semaphore(%arg16 : memref<!tpu.dma_semaphore, #tpu.memory_space<semaphore_mem>>) src(%arg9 : memref<80x128xf32, #tpu.memory_space<vmem>>) dst(%dma_wait3A_1416 : memref<10240x128xf32, #tpu.memory_space<vmem_shared>>)
      %dma_wait3A_1417 = arith.constant 49 : i32
      %dma_wait3A_1418 = arith.constant 0 : i32
      %dma_wait3A_1419 = tpu.memref_slice %arg8[%dma_wait3A_1417, %dma_wait3A_1418] : memref<50x80xi32, #tpu.memory_space<vmem>> -> memref<1x80xi32, #tpu.memory_space<vmem>>
      %dma_wait3A_1420 = tpu.memref_squeeze %dma_wait3A_1419 : memref<1x80xi32, #tpu.memory_space<vmem>> -> memref<80xi32, #tpu.memory_space<vmem>>
      %dma_wait3A_1421 = arith.constant 0 : i32
      %dma_wait3A_1422 = arith.constant 0 : i32
      %dma_wait3A_1423 = tpu.memref_slice %arg12[%dma_wait3A_1421, %dma_wait3A_1422] : memref<10240x128xf32, #tpu.memory_space<vmem_shared>> -> memref<10240x128xf32, #tpu.memory_space<vmem_shared>>
      tpu.wait_indirect_dma semaphore(%arg17 : memref<!tpu.dma_semaphore, #tpu.memory_space<semaphore_mem>>) src(%arg10 : memref<80x128xf32, #tpu.memory_space<vmem>>) dst(%dma_wait3A_1423 : memref<10240x128xf32, #tpu.memory_space<vmem_shared>>)
      %scan3A_1424 = arith.constant 0 : i32
      scf.yield %scan3A_1424 : i32
    }
    %scan3A_12 = arith.constant 5 : i32
    %barrier3A_13 = arith.constant 0 : index
    tpu.barrier barrier_id(%barrier3A_13)
    %lt3A_14 = arith.constant 15 : i32
    %lt3A_15 = arith.cmpi slt, %arg1, %lt3A_14 : i32
    %convert_element_type3A_16 = arith.extui %lt3A_15 : i1 to i32
    %cond3A_17 = arith.constant 0 : i32
    %cond3A_18 = arith.cmpi ne, %convert_element_type3A_16, %cond3A_17 : i32
    scf.if %cond3A_18 {
      "tpu.region"() ({
        %run_scoped3A = tpu.sem_alloc : memref<!tpu.dma_semaphore, #tpu.memory_space<semaphore_mem>>
        %dma_start3A = arith.constant 0 : i32
        %dma_start3A_24 = tpu.memref_slice %arg6[%mul3A_0, %dma_start3A] : memref<10000x128xf32, #tpu.memory_space<hbm>> -> memref<640x128xf32, #tpu.memory_space<hbm>>
        %dma_start3A_25 = arith.constant 0 : i32
        %dma_start3A_26 = tpu.memref_slice %arg12[%mul3A_0, %dma_start3A_25] : memref<10240x128xf32, #tpu.memory_space<vmem_shared>> -> memref<640x128xf32, #tpu.memory_space<vmem_shared>>
        tpu.enqueue_dma source(%dma_start3A_26 : memref<640x128xf32, #tpu.memory_space<vmem_shared>>) target(%dma_start3A_24 : memref<640x128xf32, #tpu.memory_space<hbm>>) target_semaphore(%run_scoped3A : memref<!tpu.dma_semaphore, #tpu.memory_space<semaphore_mem>>)
        %dma_wait3A = arith.constant 0 : i32
        %dma_wait3A_27 = tpu.memref_slice %arg6[%mul3A_0, %dma_wait3A] : memref<10000x128xf32, #tpu.memory_space<hbm>> -> memref<640x128xf32, #tpu.memory_space<hbm>>
        %dma_wait3A_28 = arith.constant 0 : i32
        %dma_wait3A_29 = tpu.memref_slice %arg12[%mul3A_0, %dma_wait3A_28] : memref<10240x128xf32, #tpu.memory_space<vmem_shared>> -> memref<640x128xf32, #tpu.memory_space<vmem_shared>>
        tpu.wait_dma2 semaphore(%run_scoped3A : memref<!tpu.dma_semaphore, #tpu.memory_space<semaphore_mem>>) src(%dma_wait3A_29 : memref<640x128xf32, #tpu.memory_space<vmem_shared>>) dst(%dma_wait3A_27 : memref<640x128xf32, #tpu.memory_space<hbm>>)
        tpu.yield
      }) : () -> ()
    } else {
    }
    %eq3A_19 = arith.constant 15 : i32
    %eq3A_20 = arith.cmpi eq, %arg1, %eq3A_19 : i32
    %convert_element_type3A_21 = arith.extui %eq3A_20 : i1 to i32
    %cond3A_22 = arith.constant 0 : i32
    %cond3A_23 = arith.cmpi ne, %convert_element_type3A_21, %cond3A_22 : i32
    scf.if %cond3A_23 {
      "tpu.region"() ({
        %run_scoped3A = tpu.sem_alloc : memref<!tpu.dma_semaphore, #tpu.memory_space<semaphore_mem>>
        %dma_start3A = arith.constant 0 : i32
        %dma_start3A_24 = tpu.memref_slice %arg6[%mul3A_0, %dma_start3A] : memref<10000x128xf32, #tpu.memory_space<hbm>> -> memref<400x128xf32, #tpu.memory_space<hbm>>
        %dma_start3A_25 = arith.constant 0 : i32
        %dma_start3A_26 = tpu.memref_slice %arg12[%mul3A_0, %dma_start3A_25] : memref<10240x128xf32, #tpu.memory_space<vmem_shared>> -> memref<400x128xf32, #tpu.memory_space<vmem_shared>>
        tpu.enqueue_dma source(%dma_start3A_26 : memref<400x128xf32, #tpu.memory_space<vmem_shared>>) target(%dma_start3A_24 : memref<400x128xf32, #tpu.memory_space<hbm>>) target_semaphore(%run_scoped3A : memref<!tpu.dma_semaphore, #tpu.memory_space<semaphore_mem>>)
        %dma_wait3A = arith.constant 0 : i32
        %dma_wait3A_27 = tpu.memref_slice %arg6[%mul3A_0, %dma_wait3A] : memref<10000x128xf32, #tpu.memory_space<hbm>> -> memref<400x128xf32, #tpu.memory_space<hbm>>
        %dma_wait3A_28 = arith.constant 0 : i32
        %dma_wait3A_29 = tpu.memref_slice %arg12[%mul3A_0, %dma_wait3A_28] : memref<10240x128xf32, #tpu.memory_space<vmem_shared>> -> memref<400x128xf32, #tpu.memory_space<vmem_shared>>
        tpu.wait_dma2 semaphore(%run_scoped3A : memref<!tpu.dma_semaphore, #tpu.memory_space<semaphore_mem>>) src(%dma_wait3A_29 : memref<400x128xf32, #tpu.memory_space<vmem_shared>>) dst(%dma_wait3A_27 : memref<400x128xf32, #tpu.memory_space<hbm>>)
        tpu.yield
      }) : () -> ()
    } else {
    }
    return
  }
}

module attributes {stable_mosaic.version = 14 : i64} {
  func.func @_mm_body(%arg0: i32, %arg1: i32, %arg2: memref<1000x128xf32, #tpu.memory_space<vmem>>, %arg3: memref<1x128x128xf32, #tpu.memory_space<vmem>>, %arg4: memref<1x1000x128xf32, #tpu.memory_space<vmem>>) attributes {dimension_semantics = [#tpu.dimension_semantics<arbitrary>, #tpu.dimension_semantics<arbitrary>], iteration_bounds = array<i64: 10, 8>, scalar_prefetch = 0 : i64, scratch_operands = 0 : i64, tpu.core_type = #tpu.core_type<tc>, window_params = [{transform_indices = @transform_0, window_bounds = array<i64: 1000, 128>}, {transform_indices = @transform_1, window_bounds = array<i64: 1, 128, 128>}, {transform_indices = @transform_2, window_bounds = array<i64: 1, 1000, 128>}]} {
    %get3A = arith.constant 0 : index
    %get3A_0 = arith.constant 0 : index
    %get3A_1 = vector.load %arg2[%get3A, %get3A_0] : memref<1000x128xf32, #tpu.memory_space<vmem>>, vector<1000x128xf32>
    %get3A_2 = arith.constant 0 : index
    %get3A_3 = arith.constant 0 : index
    %get3A_4 = arith.constant 0 : index
    %get3A_5 = vector.load %arg3[%get3A_2, %get3A_3, %get3A_4] : memref<1x128x128xf32, #tpu.memory_space<vmem>>, vector<1x128x128xf32>
    %get3A_6 = vector.shape_cast %get3A_5 : vector<1x128x128xf32> to vector<128x128xf32>
    %dot_general3A = arith.constant dense<0.000000e+00> : vector<1000x128xf32>
    %dot_general3A_7 = tpu.matmul %get3A_1, %get3A_6, %dot_general3A {dimension_numbers = #tpu.dot_dimension_numbers<[1], [0], [0], [1], [0, 0, 1, 1], [], []>, transpose_lhs_hint = false} : vector<1000x128xf32>, vector<128x128xf32>, vector<1000x128xf32> -> vector<1000x128xf32>
    %swap3A = arith.constant 0 : index
    %swap3A_8 = arith.constant 0 : index
    %swap3A_9 = arith.constant 0 : index
    %swap3A_10 = vector.load %arg4[%swap3A, %swap3A_8, %swap3A_9] : memref<1x1000x128xf32, #tpu.memory_space<vmem>>, vector<1x1000x128xf32>
    %swap3A_11 = vector.shape_cast %swap3A_10 : vector<1x1000x128xf32> to vector<1000x128xf32>
    %swap3A_12 = vector.shape_cast %dot_general3A_7 : vector<1000x128xf32> to vector<1x1000x128xf32>
    tpu.vector_store %arg4[%swap3A, %swap3A_8, %swap3A_9], %swap3A_12 {strides = array<i32>} : memref<1x1000x128xf32, #tpu.memory_space<vmem>>, vector<1x1000x128xf32>,
    return
  }
  func.func @transform_0(%arg0: i32, %arg1: i32) -> (i32, i32) {
    %c0_i32 = arith.constant 0 : i32
    %c0_i32_0 = arith.constant 0 : i32
    return %arg0, %c0_i32 : i32, i32
  }
  func.func @transform_1(%arg0: i32, %arg1: i32) -> (i32, i32, i32) {
    %c0_i32 = arith.constant 0 : i32
    %c0_i32_0 = arith.constant 0 : i32
    %c0_i32_1 = arith.constant 0 : i32
    return %arg1, %c0_i32, %c0_i32_0 : i32, i32, i32
  }
  func.func @transform_2(%arg0: i32, %arg1: i32) -> (i32, i32, i32) {
    %c0_i32 = arith.constant 0 : i32
    %c0_i32_0 = arith.constant 0 : i32
    return %arg1, %arg0, %c0_i32 : i32, i32, i32
  }
}

</mosaic_0001>

<sc_bundles>
// kernel: kernel.4.cloned.1.call-start
scs
__scs_entry_jumppad:
0x0: {  	(pc) =	sbr.rel $0x88, $3  }
0x1: {  	(tag) =	ssettag $0x0;
	lr =	simm.s32 $0x1  }
0x2: {  	[smem:$0x3F9D] =	sst lr;
	_ =	strace $0xD0000000  }
0x3: {  	_ = 	snop  }
0x4: {  	_ = 	snop  }
0x5: {  	_ = 	snop  }
0x6: {  	_ = 	snop  }
0x7: {  	_ = 	snop  }
__scs_overlays_trampoline_lowered:
0x8: {  	[smem:$0x3FAC] =	sst s0  }
0x9: {  	[smem:$0x3FAD] =	sst s1  }
0xa: {  	[smem:$0x3FAE] =	sst s2  }
0xb: {  	[smem:$0x3FAF] =	sst s3  }
0xc: {  	[smem:$0x3FB0] =	sst s4  }
0xd: {  	[smem:$0x3FB1] =	sst s5  }
0xe: {  	[smem:$0x3FB2] =	sst s6  }
0xf: {  	[smem:$0x3FB3] =	sst s7  }
0x10: {  	[smem:$0x3FB4] =	sst s8  }
0x11: {  	[smem:$0x3FB5] =	sst s9;
	s0 =	simm.s32 @!p0 $0x0  }
0x12: {  	s1 =	sld [smem:$0x3F9B];
	s0 =	simm.s32 @p0 $0x1  }
0x13: {  	[smem:$0x3FB6] =	sst s0;
	s0 =	simm.s32 @!p1 $0x0  }
0x14: {  	s2 =	sld [smem:$0x3F9A];
	s0 =	simm.s32 @p1 $0x1  }
0x15: {  	[smem:$0x3FB7] =	sst s0;
	s0 =	simm.s32 @!p2 $0x0  }
0x16: {  	s3 =	sld [smem:$0x3FDB];
	s0 =	simm.s32 @p2 $0x1  }
0x17: {  	s4 =	simm.s32 $0x1BF5;
	[smem:$0x3FB9] =	sst s0  }
0x18: {  	s0 =	sld [smem:$0x3F9C];
	_ =	swait.ge [sflag:s4], $0x0  }
0x19: {  	s7 =	sld [smem:$0x3F9D]  }
0x1a: {  	s8 =	sadd.s32 $0xFFFFE003, lr  }
0x1b: {  	s9 =	sadd.s32 $0xFFFFFEF7, lr;
	s5 =	simm.s32 $0xFFFFFFFF;
	p2 =	slt.u32 s8, $0xFFFFF086  }
0x1c: {  	p1 =	slt.u32 s9, $0xF7A;
	s5 =	simm.s32 @!p2 $0x0  }
0x1d: {  	s5 =	simm.s32 @p1 $0x1;
	p0 =	seq.s32 s7, s2  }
0x1e: {  	s7 =	smul.u32 @!p0 $0xF7A, s2;
	p2 =	seq.s32 @!p0 s5, $0x0  }
0x1f: {  	s9 =	smul.u32 $0xF7A, s1;
	s8 =	simm.s32 @!p0 $0x1BF5;
	p2 =	por !p2, p0  }
0x20: {  	[sflag:s8] =	ssyncset.s32 @!p0 $0xFFFFF086;
	s6 =	sadd.s32 @!p0 s3, s7;
	s7 =	simm.s32 @!p0 $0x108  }
0x21: {  	s3 =	sadd.s32 s3, s9;
	s6 =	sadd.s32 @!p0 $0x88, s6;
	s7 =	simm.s32 @p2 $0x1082  }
0x22: {  	[simem:s7], [sflag:s8] =	dma.local @!p0 [hbm:s6], $0xF7A  }
0x23: {  	s9 =	sor.u32 $0xD0000000, s2;
	s6 =	simm.s32 $0x108;
	_ =	swait.ge @!p0 [sflag:s8], $0x0  }
0x24: {  	s3 =	sadd.s32 $0x88, s3;
	s6 =	simm.s32 @!p1 $0x1082;
	[sflag:s4] =	ssyncset.s32 $0xFFFFF086  }
0x25: {  	[simem:s6], [sflag:s4] =	dma.local [hbm:s3], $0xF7A  }
0x26: {  	[smem:$0x3F9D] =	sst s1;
	(tag) =	ssettag s2;
	_ =	strace s9  }
0x27: {  	s1 =	sld [smem:$0x3FAD]  }
0x28: {  	s2 =	sld [smem:$0x3FAE]  }
0x29: {  	s4 =	sld [smem:$0x3FB0]  }
0x2a: {  	p0 =	seq.s32 s5, $0x0;
	s5 =	sld [smem:$0x3FB1]  }
0x2b: {  	s6 =	sld [smem:$0x3FB2]  }
0x2c: {  	s7 =	sld [smem:$0x3FB3]  }
0x2d: {  	s3 =	simm.s32 $0x108;
	s8 =	sld [smem:$0x3FB4]  }
0x2e: {  	s3 =	simm.s32 @!p0 $0x1082;
	s9 =	sld [smem:$0x3FB5]  }
0x2f: {  	lr =	sadd.s32 s0, s3;
	s0 =	sld [smem:$0x3FAC]  }
0x30: {  	s3 =	sld [smem:$0x3FAF]  }
0x31: {  	[smem:$0x3FB8] =	sst s10  }
0x32: {  	s10 =	sld [smem:$0x3FB6];
	_ =	sdelay $0x3  }
0x33: {  	p0 =	seq.s32 s10, $0x1;
	s10 =	sld [smem:$0x3FB8];
	_ =	sdelay $0x3  }
0x34: {  	[smem:$0x3FB8] =	sst s10  }
0x35: {  	s10 =	sld [smem:$0x3FB7];
	_ =	sdelay $0x3  }
0x36: {  	p1 =	seq.s32 s10, $0x1;
	s10 =	sld [smem:$0x3FB8];
	_ =	sdelay $0x3  }
0x37: {  	[smem:$0x3FB8] =	sst s10  }
0x38: {  	s10 =	sld [smem:$0x3FB9]  }
0x39: {  	_ = 	snop;
	(pc) =	sbr.ind lr, $3  }
0x3a: {  	_ = 	snop  }
0x3b: {  	_ = 	snop  }
0x3c: {  	p2 =	seq.s32 s10, $0x1;
	s10 =	sld [smem:$0x3FB8]  }
0x3d: {  	_ =	shalt  }
0x3e: {  	_ =	shalt  }
0x3f: {  	_ =	shalt  }
0x40: {  	_ =	shalt  }
0x41: {  	_ =	shalt  }
0x42: {  	_ =	shalt  }
0x43: {  	_ =	shalt  }
0x44: {  	_ =	shalt  }
0x45: {  	_ =	shalt  }
0x46: {  	_ =	shalt  }
0x47: {  	_ =	shalt  }
0x48: {  	_ =	shalt  }
0x49: {  	_ =	shalt  }
0x4a: {  	_ =	shalt  }
0x4b: {  	_ =	shalt  }
0x4c: {  	_ =	shalt  }
0x4d: {  	_ =	shalt  }
0x4e: {  	_ =	shalt  }
0x4f: {  	_ =	shalt  }
0x50: {  	_ =	shalt  }
0x51: {  	_ =	shalt  }
0x52: {  	_ =	shalt  }
0x53: {  	_ =	shalt  }
0x54: {  	_ =	shalt  }
0x55: {  	_ =	shalt  }
0x56: {  	_ =	shalt  }
0x57: {  	_ =	shalt  }
0x58: {  	_ =	shalt  }
0x59: {  	_ =	shalt  }
0x5a: {  	_ =	shalt  }
0x5b: {  	_ =	shalt  }
0x5c: {  	_ =	shalt  }
0x5d: {  	_ =	shalt  }
0x5e: {  	_ =	shalt  }
0x5f: {  	_ =	shalt  }
0x60: {  	_ =	shalt  }
0x61: {  	_ =	shalt  }
0x62: {  	_ =	shalt  }
0x63: {  	_ =	shalt  }
0x64: {  	_ =	shalt  }
0x65: {  	_ =	shalt  }
0x66: {  	_ =	shalt  }
0x67: {  	_ =	shalt  }
0x68: {  	_ =	shalt  }
0x69: {  	_ =	shalt  }
0x6a: {  	_ =	shalt  }
0x6b: {  	_ =	shalt  }
0x6c: {  	_ =	shalt  }
0x6d: {  	_ =	shalt  }
0x6e: {  	_ =	shalt  }
0x6f: {  	_ =	shalt  }
0x70: {  	_ =	shalt  }
0x71: {  	_ =	shalt  }
0x72: {  	_ =	shalt  }
0x73: {  	_ =	shalt  }
0x74: {  	_ =	shalt  }
0x75: {  	_ =	shalt  }
0x76: {  	_ =	shalt  }
0x77: {  	_ =	shalt  }
0x78: {  	_ =	shalt  }
0x79: {  	_ =	shalt  }
0x7a: {  	_ =	shalt  }
0x7b: {  	_ =	shalt  }
0x7c: {  	_ =	shalt  }
0x7d: {  	_ =	shalt  }
0x7e: {  	_ =	shalt  }
0x7f: {  	_ =	shalt  }
0x80: {  	_ =	shalt  }
0x81: {  	_ =	shalt  }
0x82: {  	_ =	shalt  }
0x83: {  	_ =	shalt  }
0x84: {  	_ =	shalt  }
0x85: {  	_ =	shalt  }
0x86: {  	_ =	shalt  }
0x87: {  	_ =	shalt  }
.Lfunc_end0:
.L_simem_size_0:
called_computation_lowered:
.L_overlay_start_0:
0x88: {  	s0 =	sld [smem:$0x3FD9]  }
0x89: {  	s1 =	sld [smem:$0x3FFE];
	_ =	sdelay $0x3  }
0x8a: {  	s0 =	sadd.s32 s1, s0  }
0x8b: {  	[smem:$0x3FC4] =	sst s0  }
0x8c: {  	_ = 	snop  }
0x8d: {  	s0 =	sld [smem:$0x3FC9]  }
0x8e: {  	s16 =	sld [smem:$0x3FD0];
	(tm) =	ssettm $0x1  }
0x8f: {  	s2 =	sld [smem:$0x3FFB];
	_ =	sdelay $0x3  }
0x90: {  	_ =	strace s2  }
0x91: {  	s2 =	sld [smem:$0x3FFC];
	_ =	sdelay $0x3  }
0x92: {  	_ =	strace s2  }
0x93: {  	s2 =	sld [smem:$0x3FFD];
	_ =	sdelay $0x3  }
0x94: {  	_ =	strace s2  }
0x95: {  	_ =	strace $0x8FFFFFFF  }
0x96: {  	s17 =	sld [smem:$0x3FDB];
	_ =	sdelay $0x1  }
0x97: {  	s3 =	simm.s32 $_scs_section_size  }
0x98: {  	s4 =	simm.s32 $_size__tile_overlayer_lowered;
	s5 =	simm.s32 $_tile_overlayer_lowered  }
0x99: {  	s20 =	simm.s32 $0x1BFF;
	s19 =	sshll.u32 s5, $0x1;
	s2 =	sadd.s32 s3, s17  }
0x9a: {  	s6 =	simm.s32 $0x0;
	s18 =	sshll.u32 s4, $0x1;
	s4 =	sadd.s32 s19, s2  }
0x9b: {  	[timem:s6], [sflag:s20] =	dma.local [hbm:s4], s18  }
0x9c: {  	_ =	swait.ge [sflag:s20], s18  }
0x9d: {  	s3 =	ssub.s32 $0x0, s18;
	[sflag:s20] =	ssyncset.done $0x0  }
0x9e: {  	[sflag:s20] =	ssyncadd.s32 s3;
	_ =	sdelay $0x1  }
0x9f: {  	s21 =	simm.s32 $0x1B8B  }
0xa0: {  	_ =	swait.ge [sflag:s21], $0x1  }
0xa1: {  	[sflag:s21] =	ssyncset.done $0x0  }
0xa2: {  	s23 =	simm.s32 $0x1B8E;
	s22 =	sld [smem:$0x3FFE];
	[sflag:s21] =	ssyncadd.s32 $0xFFFFFFFF  }
0xa3: {  	s24 =	simm.s32 $execute0_lowered;
	[smem:$0x3FD2] =	sst s23  }
0xa4: {  	s4 =	sshll.u32 s24, $0x1;
	_ =	strace $0x80000046;
	[dreg:$0x1] =	wrdreg $0xFFFFFFFF  }
0xa5: {  	s25 =	simm.s32 $_size_execute0_lowered;
	s2 =	sadd.s32 s2, s4;
	[dreg:$0x0] =	wrdreg $0x0  }
0xa6: {  	s4 =	sshll.u32 s25, $0x1;
	[dreg:$0x2] =	wrdreg s2  }
0xa7: {  	[dreg:$0x3] =	wrdreg s4  }
0xa8: {  	[dreg:$0x4] =	wrdreg $0xC0  }
0xa9: {  	_ =	task [dreg:s6], $0x5FFFF  }
0xaa: {  	[dreg:$0x1] =	wrdreg $0xFFFFFFFF  }
0xab: {  	[dreg:$0x0] =	wrdreg $0x60  }
0xac: {  	[dreg:$0x2] =	wrdreg s22  }
0xad: {  	[dreg:$0x3] =	wrdreg s0  }
0xae: {  	[dreg:$0x4] =	wrdreg s16  }
0xaf: {  	[dreg:$0x5] =	wrdreg $0xB0000  }
0xb0: {  	[dreg:$0x6] =	wrdreg $0x9  }
0xb1: {  	_ =	task.clear_ibuf [dreg:s6], $0x7FFFF;
	_ =	strace $0x90000046  }
0xb2: {  	s26 =	simm.s32 $0x9;
	_ =	strace $0x80000048  }
0xb3: {  	_ =	swait.ge [sflag:s26], $0x1  }
0xb4: {  	[sflag:s26] =	ssyncadd.s32 $0xFFFFFFFF  }
0xb5: {  	_ =	strace $0x90000048  }
0xb6: {  	_ =	sfence  }
0xb7: {  	s28 =	sld [smem:$0x0];
	_ =	sdelay $0x1  }
0xb8: {  	s29 =	srdreg.scid  }
0xb9: {  	s30 =	sshll.u32 s29, $0xD;
	s31 =	sshrl.u32 s29, $0x2  }
0xba: {  	s1 =	sand.u32 $0x1, s29;
	s2 =	sand.u32 $0x4000, s30;
	s0 =	sadd.s32 s31, s28  }
0xbb: {  	s1 =	sor.u32 s2, s1;
	s0 =	sshll.u32 s0, $0x11  }
0xbc: {  	s0 =	sor.u32 s0, s1  }
0xbd: {  	s0 =	sadd.s32 $0x8F2B, s0  }
0xbe: {  	[sflag:s0] =	ssyncadd.remote.s32 $0x1  }
0xbf: {  	_ =	sfence.sel $0xFFFF  }
0xc0: {  	[dreg:$0x0] =	wrdreg $0xFFFFFFFF;
	(pc) =	sbr.abs _section_cstart, $3  }
0xc1: {  	[dreg:$0x1] =	wrdreg $0xFFFFFFFF  }
0xc2: {  	_ =	task.clear_ibuf [dreg:s6], $0x2FFFF;
	_ =	strace $0x9FFFFFFF  }
0xc3: {  	(tm) =	ssettm $0x7FFFFFFF  }
tec
execute0_lowered:
.L_overlay_start_1:
0x0: {  	(tag) =	ssettag $0x1  }
0x1: {  	s0 =	rddreg [dreg:$0x0]  }
0x2: {  	s5 =	rddreg [dreg:$0x1]  }
0x3: {  	s2 =	rddreg [dreg:$0x2]  }
0x4: {  	s3 =	rddreg [dreg:$0x3];
	s17 =	simm.s32 $0x0;
	s1 =	stileid.u32  }
0x5: {  	[smem:$0x7FF] =	sst s17;
	p0 =	seq.s32 s1, $0xF;
	s4 =	sadd.s32 $0x12C000, s3  }
0x6: {  	s12 =	smul.u32 $0x50000, s1;
	_ =	strace $0x80000047;
	s7 =	sshrl.u32 @p0 s4, $0x3  }
0x7: {  	s6 =	sadd.s32 @p0 $0x25800, s5;
	s4 =	simm.s32 @p0 $0x1FC7;
	[smem:$0x7BC] =	sst s7  }
0x8: {  	[spmem:s7], [sflag:s4] =	dma.local @p0 [hbm:s6], $0x1900  }
0x9: {  	s6 =	simm.s32 @p0 $0x7  }
0xa: {  	s13 =	sshrl.u32 s12, $0x2;
	_ =	swait.ge @p0 [sflag:s6], $0x1900  }
0xb: {  	s4 =	smul.u32 $0x2800, s1;
	s7 =	sadd.s32 s13, s3;
	[sflag:s6] =	ssyncset.done @p0 $0x0  }
0xc: {  	s7 =	sshrl.u32 @!p0 s7, $0x3;
	[sflag:s6] =	ssyncadd.s32 @p0 $0xFFFFE700;
	s6 =	sshll.u32 @!p0 s1, $0x6  }
0xd: {  	[smem:$0x7BE] =	sst s7;
	s6 =	sor.u32 @!p0 $0x1C07, s6  }
0xe: {  	s5 =	sadd.s32 @!p0 s5, s4;
	[smem:$0x7BD] =	sst s6  }
0xf: {  	[spmem:s7], [sflag:s6] =	dma.local @!p0 [hbm:s5], $0x2800  }
0x10: {  	s5 =	simm.s32 @!p0 $0x7  }
0x11: {  	_ =	swait.ge @!p0 [sflag:s5], $0x2800  }
0x12: {  	s14 =	smul.u32 $0x1180, s1;
	[sflag:s5] =	ssyncset.done @!p0 $0x0  }
0x13: {  	s15 =	sadd.s32 $0x800, s0;
	[sflag:s5] =	ssyncadd.s32 @!p0 $0xFFFFD800  }
0x14: {  	s16 =	sadd.s32 $0x12000, s0;
	s7 =	sadd.s32 s14, s15;
	[bflag:$0x0] =	sbarrier.arrive $0xFFFF  }
0x15: {  	s5 =	sadd.s32 s14, s16;
	[dreg:$0x5] =	wrdreg s7  }
0x16: {  	s18 =	simm.s32 $0x80;
	[dreg:$0x6] =	wrdreg s5  }
0x17: {  	s19 =	simm.s32 $0x100;
	[dreg:$0x7] =	wrdreg s18  }
0x18: {  	s20 =	simm.s32 $0x1C80;
	[dreg:$0x8] =	wrdreg s19  }
0x19: {  	s21 =	simm.s32 $0x180;
	[dreg:$0x9] =	wrdreg s20  }
0x1a: {  	s22 =	simm.s32 $0x1D00;
	[dreg:$0xa] =	wrdreg s21  }
0x1b: {  	s23 =	simm.s32 $0x200;
	[dreg:$0xb] =	wrdreg s22  }
0x1c: {  	s24 =	simm.s32 $0x1D80;
	[dreg:$0xc] =	wrdreg s23  }
0x1d: {  	s25 =	simm.s32 $0x280;
	[dreg:$0xd] =	wrdreg s24  }
0x1e: {  	s26 =	simm.s32 $0x1E00;
	[dreg:$0xe] =	wrdreg s25  }
0x1f: {  	s1 =	simm.s32 $0x300;
	[dreg:$0xf] =	wrdreg s26  }
0x20: {  	s6 =	simm.s32 $0x1E80;
	[dreg:$0x10] =	wrdreg s1  }
0x21: {  	s8 =	simm.s32 $0x1F00;
	[dreg:$0x11] =	wrdreg s6  }
0x22: {  	s9 =	simm.s32 $0x400;
	[dreg:$0x13] =	wrdreg s8  }
0x23: {  	s10 =	simm.s32 $0x1F80;
	[dreg:$0x14] =	wrdreg s9  }
0x24: {  	s11 =	simm.s32 $0x480;
	[dreg:$0x15] =	wrdreg s10  }
0x25: {  	s12 =	simm.s32 $0x2000;
	[dreg:$0x16] =	wrdreg s11  }
0x26: {  	s13 =	simm.s32 $0x500;
	[dreg:$0x17] =	wrdreg s12  }
0x27: {  	s14 =	simm.s32 $0x2080;
	[dreg:$0x18] =	wrdreg s13  }
0x28: {  	s15 =	simm.s32 $0x580;
	[dreg:$0x19] =	wrdreg s14  }
0x29: {  	s16 =	simm.s32 $0x2100;
	[dreg:$0x1a] =	wrdreg s15  }
0x2a: {  	s7 =	simm.s32 $0x380;
	[dreg:$0x1b] =	wrdreg s16  }
0x2b: {  	s18 =	simm.s32 $0x600;
	[dreg:$0x12] =	wrdreg s7  }
0x2c: {  	s19 =	simm.s32 $0x2180;
	[dreg:$0x1c] =	wrdreg s18  }
0x2d: {  	s20 =	simm.s32 $0x680;
	[dreg:$0x1d] =	wrdreg s19  }
0x2e: {  	s21 =	simm.s32 $0x2200;
	[dreg:$0x1e] =	wrdreg s20  }
0x2f: {  	s22 =	simm.s32 $0x700;
	[dreg:$0x1f] =	wrdreg s21  }
0x30: {  	s23 =	simm.s32 $0x2280;
	[smem:$0x7BF] =	sst s22  }
0x31: {  	s24 =	simm.s32 $0x780;
	[smem:$0x7C0] =	sst s23  }
0x32: {  	s25 =	simm.s32 $0x2300;
	[smem:$0x7C1] =	sst s24  }
0x33: {  	s26 =	simm.s32 $0x800;
	[smem:$0x7C2] =	sst s25  }
0x34: {  	s1 =	simm.s32 $0x2380;
	[smem:$0x7C3] =	sst s26  }
0x35: {  	s6 =	simm.s32 $0x880;
	[smem:$0x7C4] =	sst s1  }
0x36: {  	s8 =	simm.s32 $0x900;
	[smem:$0x7C5] =	sst s6  }
0x37: {  	s9 =	simm.s32 $0x2480;
	[smem:$0x7C7] =	sst s8  }
0x38: {  	s10 =	simm.s32 $0x980;
	[smem:$0x7C8] =	sst s9  }
0x39: {  	s11 =	simm.s32 $0x2500;
	[smem:$0x7C9] =	sst s10  }
0x3a: {  	s12 =	simm.s32 $0xA00;
	[smem:$0x7CA] =	sst s11  }
0x3b: {  	s13 =	simm.s32 $0x2580;
	[smem:$0x7CB] =	sst s12  }
0x3c: {  	s14 =	simm.s32 $0xA80;
	[smem:$0x7CC] =	sst s13  }
0x3d: {  	s15 =	simm.s32 $0x2600;
	[smem:$0x7CD] =	sst s14  }
0x3e: {  	s16 =	simm.s32 $0xB00;
	[smem:$0x7CE] =	sst s15  }
0x3f: {  	s7 =	simm.s32 $0x2400;
	[smem:$0x7CF] =	sst s16  }
0x40: {  	s18 =	simm.s32 $0x2680;
	[smem:$0x7C6] =	sst s7  }
0x41: {  	s19 =	simm.s32 $0xB80;
	[smem:$0x7D0] =	sst s18  }
0x42: {  	s20 =	simm.s32 $0x2700;
	[smem:$0x7D1] =	sst s19  }
0x43: {  	s21 =	simm.s32 $0xC00;
	[smem:$0x7D2] =	sst s20  }
0x44: {  	s22 =	simm.s32 $0x2780;
	[smem:$0x7D3] =	sst s21  }
0x45: {  	s23 =	simm.s32 $0xC80;
	[smem:$0x7D4] =	sst s22  }
0x46: {  	s24 =	simm.s32 $0x2800;
	[smem:$0x7D5] =	sst s23  }
0x47: {  	s25 =	simm.s32 $0xD00;
	[smem:$0x7D6] =	sst s24  }
0x48: {  	s26 =	simm.s32 $0x2880;
	[smem:$0x7D7] =	sst s25  }
0x49: {  	s1 =	simm.s32 $0xD80;
	[smem:$0x7D8] =	sst s26  }
0x4a: {  	s6 =	simm.s32 $0x2900;
	[smem:$0x7D9] =	sst s1  }
0x4b: {  	s8 =	simm.s32 $0x2980;
	[smem:$0x7DA] =	sst s6  }
0x4c: {  	s9 =	simm.s32 $0xE80;
	[smem:$0x7DC] =	sst s8  }
0x4d: {  	s10 =	simm.s32 $0x2A00;
	[smem:$0x7DD] =	sst s9  }
0x4e: {  	s11 =	simm.s32 $0xF00;
	[smem:$0x7DE] =	sst s10  }
0x4f: {  	s12 =	simm.s32 $0x2A80;
	[smem:$0x7DF] =	sst s11  }
0x50: {  	s13 =	simm.s32 $0xF80;
	[smem:$0x7E0] =	sst s12  }
0x51: {  	s14 =	simm.s32 $0x2B00;
	[smem:$0x7E1] =	sst s13  }
0x52: {  	s15 =	simm.s32 $0x1000;
	[smem:$0x7E2] =	sst s14  }
0x53: {  	s16 =	simm.s32 $0x2B80;
	[smem:$0x7E3] =	sst s15  }
0x54: {  	s7 =	simm.s32 $0xE00;
	[smem:$0x7E4] =	sst s16  }
0x55: {  	s18 =	simm.s32 $0x1080;
	[smem:$0x7DB] =	sst s7  }
0x56: {  	s19 =	simm.s32 $0x2C00;
	[smem:$0x7E5] =	sst s18  }
0x57: {  	s20 =	simm.s32 $0x1100;
	[smem:$0x7E6] =	sst s19  }
0x58: {  	s21 =	simm.s32 $0x2C80;
	[smem:$0x7E7] =	sst s20  }
0x59: {  	s22 =	simm.s32 $0x1180;
	[smem:$0x7E8] =	sst s21  }
0x5a: {  	s23 =	simm.s32 $0x2D00;
	[smem:$0x7E9] =	sst s22  }
0x5b: {  	s24 =	simm.s32 $0x1200;
	[smem:$0x7EA] =	sst s23  }
0x5c: {  	s25 =	simm.s32 $0x2D80;
	[smem:$0x7EB] =	sst s24  }
0x5d: {  	s26 =	simm.s32 $0x1280;
	[smem:$0x7EC] =	sst s25  }
0x5e: {  	s1 =	simm.s32 $0x2E00;
	[smem:$0x7ED] =	sst s26  }
0x5f: {  	s6 =	simm.s32 $0x1300;
	[smem:$0x7EE] =	sst s1  }
0x60: {  	s8 =	simm.s32 $0x1380;
	[smem:$0x7EF] =	sst s6  }
0x61: {  	s9 =	simm.s32 $0x2F00;
	[smem:$0x7F1] =	sst s8  }
0x62: {  	s10 =	simm.s32 $0x1400;
	[smem:$0x7F2] =	sst s9  }
0x63: {  	s11 =	simm.s32 $0x2F80;
	[smem:$0x7F3] =	sst s10  }
0x64: {  	s12 =	simm.s32 $0x1480;
	[smem:$0x7F4] =	sst s11  }
0x65: {  	s13 =	simm.s32 $0x3000;
	[smem:$0x7F5] =	sst s12  }
0x66: {  	s14 =	simm.s32 $0x1500;
	[smem:$0x7F6] =	sst s13  }
0x67: {  	s15 =	simm.s32 $0x3080;
	[smem:$0x7F7] =	sst s14  }
0x68: {  	[smem:$0x7F8] =	sst s15  }
0x69: {  	s16 =	simm.s32 $0x1580;
	s18 =	rddreg [dreg:$0x6]  }
0x6a: {  	s7 =	simm.s32 $0x2E80;
	[smem:$0x7F9] =	sst s16  }
0x6b: {  	s20 =	simm.s32 $0x3100;
	[smem:$0x7F0] =	sst s7  }
0x6c: {  	s21 =	simm.s32 $0x1600;
	[smem:$0x7FA] =	sst s20  }
0x6d: {  	s19 =	simm.s32 $0x7;
	[smem:$0x7FB] =	sst s21;
	s22 =	sadd.s32 $0x0, s18  }
0x6e: {  	[tilespmem:s17], [sflag:$0x7] =	stream.linear.gather [hbm4b:s22+s17], $0x1900, $0x38;
	[tilespmem:$0x1F000] =	vst v63  }
0x6f: {  	_ =	swait.ge [sflag:s19], $0x1900  }
0x70: {  	s23 =	rddreg [dreg:$0x5];
	[sflag:s19] =	ssyncset.done $0x0  }
0x71: {  	s18 =	simm.s32 $0x1C00;
	[sflag:s19] =	ssyncadd.s32 $0xFFFFE700;
	s5 =	sadd.s32 $0x0, s23  }
0x72: {  	[tilespmem:s18], [sflag:$0x7] =	stream.linear.gather [hbm4b:s5+s17], $0x1900, $0x38;
	[tilespmem:$0x1F000] =	vst v63  }
0x73: {  	_ =	swait.ge [sflag:s19], $0x1900  }
0x74: {  	s9 =	sadd.s32 $0x23800, s0;
	[sflag:s19] =	ssyncset.done $0x0  }
0x75: {  	s6 =	simm.s32 $0x50;
	s7 =	simm.s32 $0x3800;
	[sflag:s19] =	ssyncadd.s32 $0xFFFFE700  }
0x76: {  	[tilespmem:s7], [sflag:$0x1] =	stream.indirect.gather [hbm4b:s9+s6], $0x80, s17, s6, $0xb8;
	[tilespmem:$0x1F000] =	vst v63  }
0x77: {  	s8 =	simm.s32 $0x6000;
	s10 =	simm.s32 $0x1;
	s24 =	rddreg [dreg:$0x7]  }
0x78: {  	[tilespmem:s8], [sflag:$0x2] =	stream.indirect.gather [hbm4b:s9+s6], $0x80, s24, s6, $0xb8;
	[tilespmem:$0x1F000] =	vst v63  }
0x79: {  	_ =	swait.ge [sflag:s10], $0x2800  }
0x7a: {  	[sflag:s10] =	ssyncset.done $0x0  }
0x7b: {  	[sflag:s10] =	ssyncadd.s32 $0xFFFFD800  }
0x7c: {  	[spmem:s3] =	stream.indirect.scatter.add.f32 [tilespmem:s7], [sflag:$0x4], $0x80, s18, s6, $0xb8;
	[tilespmem:$0x1F000] =	vst v63  }
0x7d: {  	s14 =	simm.s32 $0x8800;
	s12 =	simm.s32 $0x2;
	s25 =	rddreg [dreg:$0x8]  }
0x7e: {  	[tilespmem:s14], [sflag:$0x3] =	stream.indirect.gather [hbm4b:s9+s6], $0x80, s25, s6, $0xb8;
	[tilespmem:$0x1F000] =	vst v63  }
0x7f: {  	_ =	swait.ge [sflag:s12], $0x2800  }
0x80: {  	[sflag:s12] =	ssyncset.done $0x0  }
0x81: {  	s11 =	simm.s32 $0x4;
	s26 =	rddreg [dreg:$0x9];
	[sflag:s12] =	ssyncadd.s32 $0xFFFFD800  }
0x82: {  	[spmem:s3] =	stream.indirect.scatter.add.f32 [tilespmem:s8], [sflag:$0x5], $0x80, s26, s6, $0xb8;
	[tilespmem:$0x1F000] =	vst v63  }
0x83: {  	_ =	swait.ge [sflag:s11], $0x2800  }
0x84: {  	[sflag:s11] =	ssyncset.done $0x0  }
0x85: {  	s15 =	simm.s32 $0x3;
	s1 =	rddreg [dreg:$0xa];
	[sflag:s11] =	ssyncadd.s32 $0xFFFFD800  }
0x86: {  	[tilespmem:s7], [sflag:$0x1] =	stream.indirect.gather [hbm4b:s9+s6], $0x80, s1, s6, $0xb8;
	[tilespmem:$0x1F000] =	vst v63  }
0x87: {  	_ =	swait.ge [sflag:s15], $0x2800  }
0x88: {  	[sflag:s15] =	ssyncset.done $0x0  }
0x89: {  	s13 =	simm.s32 $0x5;
	s5 =	rddreg [dreg:$0xb];
	[sflag:s15] =	ssyncadd.s32 $0xFFFFD800  }
0x8a: {  	[spmem:s3] =	stream.indirect.scatter.add.f32 [tilespmem:s14], [sflag:$0x6], $0x80, s5, s6, $0xb8;
	[tilespmem:$0x1F000] =	vst v63  }
0x8b: {  	_ =	swait.ge [sflag:s13], $0x2800  }
0x8c: {  	[sflag:s13] =	ssyncset.done $0x0  }
0x8d: {  	s16 =	rddreg [dreg:$0xc];
	[sflag:s13] =	ssyncadd.s32 $0xFFFFD800  }
0x8e: {  	[tilespmem:s8], [sflag:$0x2] =	stream.indirect.gather [hbm4b:s9+s6], $0x80, s16, s6, $0xb8;
	[tilespmem:$0x1F000] =	vst v63  }
0x8f: {  	_ =	swait.ge [sflag:s10], $0x2800  }
0x90: {  	[sflag:s10] =	ssyncset.done $0x0  }
0x91: {  	s16 =	simm.s32 $0x6;
	s20 =	rddreg [dreg:$0xd];
	[sflag:s10] =	ssyncadd.s32 $0xFFFFD800  }
0x92: {  	[spmem:s3] =	stream.indirect.scatter.add.f32 [tilespmem:s7], [sflag:$0x4], $0x80, s20, s6, $0xb8;
	[tilespmem:$0x1F000] =	vst v63  }
0x93: {  	_ =	swait.ge [sflag:s16], $0x2800  }
0x94: {  	[sflag:s16] =	ssyncset.done $0x0  }
0x95: {  	s21 =	rddreg [dreg:$0xe];
	[sflag:s16] =	ssyncadd.s32 $0xFFFFD800  }
0x96: {  	[tilespmem:s14], [sflag:$0x3] =	stream.indirect.gather [hbm4b:s9+s6], $0x80, s21, s6, $0xb8;
	[tilespmem:$0x1F000] =	vst v63  }
0x97: {  	_ =	swait.ge [sflag:s12], $0x2800  }
0x98: {  	[sflag:s12] =	ssyncset.done $0x0  }
0x99: {  	s22 =	rddreg [dreg:$0xf];
	[sflag:s12] =	ssyncadd.s32 $0xFFFFD800  }
0x9a: {  	[spmem:s3] =	stream.indirect.scatter.add.f32 [tilespmem:s8], [sflag:$0x5], $0x80, s22, s6, $0xb8;
	[tilespmem:$0x1F000] =	vst v63  }
0x9b: {  	_ =	swait.ge [sflag:s11], $0x2800  }
0x9c: {  	[sflag:s11] =	ssyncset.done $0x0  }
0x9d: {  	s23 =	rddreg [dreg:$0x10];
	[sflag:s11] =	ssyncadd.s32 $0xFFFFD800  }
0x9e: {  	[tilespmem:s7], [sflag:$0x1] =	stream.indirect.gather [hbm4b:s9+s6], $0x80, s23, s6, $0xb8;
	[tilespmem:$0x1F000] =	vst v63  }
0x9f: {  	_ =	swait.ge [sflag:s15], $0x2800  }
0xa0: {  	[sflag:s15] =	ssyncset.done $0x0  }
0xa1: {  	s24 =	rddreg [dreg:$0x11];
	[sflag:s15] =	ssyncadd.s32 $0xFFFFD800  }
0xa2: {  	[spmem:s3] =	stream.indirect.scatter.add.f32 [tilespmem:s14], [sflag:$0x6], $0x80, s24, s6, $0xb8;
	[tilespmem:$0x1F000] =	vst v63  }
0xa3: {  	_ =	swait.ge [sflag:s13], $0x2800  }
0xa4: {  	[sflag:s13] =	ssyncset.done $0x0  }
0xa5: {  	s25 =	rddreg [dreg:$0x12];
	[sflag:s13] =	ssyncadd.s32 $0xFFFFD800  }
0xa6: {  	[tilespmem:s8], [sflag:$0x2] =	stream.indirect.gather [hbm4b:s9+s6], $0x80, s25, s6, $0xb8;
	[tilespmem:$0x1F000] =	vst v63  }
0xa7: {  	_ =	swait.ge [sflag:s10], $0x2800  }
0xa8: {  	[sflag:s10] =	ssyncset.done $0x0  }
0xa9: {  	s26 =	rddreg [dreg:$0x13];
	[sflag:s10] =	ssyncadd.s32 $0xFFFFD800  }
0xaa: {  	[spmem:s3] =	stream.indirect.scatter.add.f32 [tilespmem:s7], [sflag:$0x4], $0x80, s26, s6, $0xb8;
	[tilespmem:$0x1F000] =	vst v63  }
0xab: {  	_ =	swait.ge [sflag:s16], $0x2800  }
0xac: {  	[sflag:s16] =	ssyncset.done $0x0  }
0xad: {  	s1 =	rddreg [dreg:$0x14];
	[sflag:s16] =	ssyncadd.s32 $0xFFFFD800  }
0xae: {  	[tilespmem:s14], [sflag:$0x3] =	stream.indirect.gather [hbm4b:s9+s6], $0x80, s1, s6, $0xb8;
	[tilespmem:$0x1F000] =	vst v63  }
0xaf: {  	_ =	swait.ge [sflag:s12], $0x2800  }
0xb0: {  	[sflag:s12] =	ssyncset.done $0x0  }
0xb1: {  	s5 =	rddreg [dreg:$0x15];
	[sflag:s12] =	ssyncadd.s32 $0xFFFFD800  }
0xb2: {  	[spmem:s3] =	stream.indirect.scatter.add.f32 [tilespmem:s8], [sflag:$0x5], $0x80, s5, s6, $0xb8;
	[tilespmem:$0x1F000] =	vst v63  }
0xb3: {  	_ =	swait.ge [sflag:s11], $0x2800  }
0xb4: {  	[sflag:s11] =	ssyncset.done $0x0  }
0xb5: {  	s20 =	rddreg [dreg:$0x16];
	[sflag:s11] =	ssyncadd.s32 $0xFFFFD800  }
0xb6: {  	[tilespmem:s7], [sflag:$0x1] =	stream.indirect.gather [hbm4b:s9+s6], $0x80, s20, s6, $0xb8;
	[tilespmem:$0x1F000] =	vst v63  }
0xb7: {  	_ =	swait.ge [sflag:s15], $0x2800  }
0xb8: {  	[sflag:s15] =	ssyncset.done $0x0  }
0xb9: {  	s21 =	rddreg [dreg:$0x17];
	[sflag:s15] =	ssyncadd.s32 $0xFFFFD800  }
0xba: {  	[spmem:s3] =	stream.indirect.scatter.add.f32 [tilespmem:s14], [sflag:$0x6], $0x80, s21, s6, $0xb8;
	[tilespmem:$0x1F000] =	vst v63  }
0xbb: {  	_ =	swait.ge [sflag:s13], $0x2800  }
0xbc: {  	[sflag:s13] =	ssyncset.done $0x0  }
0xbd: {  	s22 =	rddreg [dreg:$0x18];
	[sflag:s13] =	ssyncadd.s32 $0xFFFFD800  }
0xbe: {  	[tilespmem:s8], [sflag:$0x2] =	stream.indirect.gather [hbm4b:s9+s6], $0x80, s22, s6, $0xb8;
	[tilespmem:$0x1F000] =	vst v63  }
0xbf: {  	_ =	swait.ge [sflag:s10], $0x2800  }
0xc0: {  	[sflag:s10] =	ssyncset.done $0x0  }
0xc1: {  	s23 =	rddreg [dreg:$0x19];
	[sflag:s10] =	ssyncadd.s32 $0xFFFFD800  }
0xc2: {  	[spmem:s3] =	stream.indirect.scatter.add.f32 [tilespmem:s7], [sflag:$0x4], $0x80, s23, s6, $0xb8;
	[tilespmem:$0x1F000] =	vst v63  }
0xc3: {  	_ =	swait.ge [sflag:s16], $0x2800  }
0xc4: {  	[sflag:s16] =	ssyncset.done $0x0  }
0xc5: {  	s24 =	rddreg [dreg:$0x1a];
	[sflag:s16] =	ssyncadd.s32 $0xFFFFD800  }
0xc6: {  	[tilespmem:s14], [sflag:$0x3] =	stream.indirect.gather [hbm4b:s9+s6], $0x80, s24, s6, $0xb8;
	[tilespmem:$0x1F000] =	vst v63  }
0xc7: {  	_ =	swait.ge [sflag:s12], $0x2800  }
0xc8: {  	[sflag:s12] =	ssyncset.done $0x0  }
0xc9: {  	s25 =	rddreg [dreg:$0x1b];
	[sflag:s12] =	ssyncadd.s32 $0xFFFFD800  }
0xca: {  	[spmem:s3] =	stream.indirect.scatter.add.f32 [tilespmem:s8], [sflag:$0x5], $0x80, s25, s6, $0xb8;
	[tilespmem:$0x1F000] =	vst v63  }
0xcb: {  	_ =	swait.ge [sflag:s11], $0x2800  }
0xcc: {  	[sflag:s11] =	ssyncset.done $0x0  }
0xcd: {  	s26 =	rddreg [dreg:$0x1c];
	[sflag:s11] =	ssyncadd.s32 $0xFFFFD800  }
0xce: {  	[tilespmem:s7], [sflag:$0x1] =	stream.indirect.gather [hbm4b:s9+s6], $0x80, s26, s6, $0xb8;
	[tilespmem:$0x1F000] =	vst v63  }
0xcf: {  	_ =	swait.ge [sflag:s15], $0x2800  }
0xd0: {  	[sflag:s15] =	ssyncset.done $0x0  }
0xd1: {  	s1 =	rddreg [dreg:$0x1d];
	[sflag:s15] =	ssyncadd.s32 $0xFFFFD800  }
0xd2: {  	[spmem:s3] =	stream.indirect.scatter.add.f32 [tilespmem:s14], [sflag:$0x6], $0x80, s1, s6, $0xb8;
	[tilespmem:$0x1F000] =	vst v63  }
0xd3: {  	_ =	swait.ge [sflag:s13], $0x2800  }
0xd4: {  	[sflag:s13] =	ssyncset.done $0x0  }
0xd5: {  	s5 =	rddreg [dreg:$0x1e];
	[sflag:s13] =	ssyncadd.s32 $0xFFFFD800  }
0xd6: {  	[tilespmem:s8], [sflag:$0x2] =	stream.indirect.gather [hbm4b:s9+s6], $0x80, s5, s6, $0xb8;
	[tilespmem:$0x1F000] =	vst v63  }
0xd7: {  	_ =	swait.ge [sflag:s10], $0x2800  }
0xd8: {  	[sflag:s10] =	ssyncset.done $0x0  }
0xd9: {  	s20 =	rddreg [dreg:$0x1f];
	[sflag:s10] =	ssyncadd.s32 $0xFFFFD800  }
0xda: {  	[spmem:s3] =	stream.indirect.scatter.add.f32 [tilespmem:s7], [sflag:$0x4], $0x80, s20, s6, $0xb8;
	[tilespmem:$0x1F000] =	vst v63  }
0xdb: {  	_ =	swait.ge [sflag:s16], $0x2800  }
0xdc: {  	s21 =	sld [smem:$0x7BF]  }
0xdd: {  	[sflag:s16] =	ssyncset.done $0x0  }
0xde: {  	[sflag:s16] =	ssyncadd.s32 $0xFFFFD800  }
0xdf: {  	[tilespmem:s14], [sflag:$0x3] =	stream.indirect.gather [hbm4b:s9+s6], $0x80, s21, s6, $0xb8;
	[tilespmem:$0x1F000] =	vst v63  }
0xe0: {  	_ =	swait.ge [sflag:s12], $0x2800  }
0xe1: {  	s22 =	sld [smem:$0x7C0]  }
0xe2: {  	[sflag:s12] =	ssyncset.done $0x0  }
0xe3: {  	[sflag:s12] =	ssyncadd.s32 $0xFFFFD800  }
0xe4: {  	[spmem:s3] =	stream.indirect.scatter.add.f32 [tilespmem:s8], [sflag:$0x5], $0x80, s22, s6, $0xb8;
	[tilespmem:$0x1F000] =	vst v63  }
0xe5: {  	_ =	swait.ge [sflag:s11], $0x2800  }
0xe6: {  	s23 =	sld [smem:$0x7C1]  }
0xe7: {  	[sflag:s11] =	ssyncset.done $0x0  }
0xe8: {  	[sflag:s11] =	ssyncadd.s32 $0xFFFFD800  }
0xe9: {  	[tilespmem:s7], [sflag:$0x1] =	stream.indirect.gather [hbm4b:s9+s6], $0x80, s23, s6, $0xb8;
	[tilespmem:$0x1F000] =	vst v63  }
0xea: {  	_ =	swait.ge [sflag:s15], $0x2800  }
0xeb: {  	s24 =	sld [smem:$0x7C2]  }
0xec: {  	[sflag:s15] =	ssyncset.done $0x0  }
0xed: {  	[sflag:s15] =	ssyncadd.s32 $0xFFFFD800  }
0xee: {  	[spmem:s3] =	stream.indirect.scatter.add.f32 [tilespmem:s14], [sflag:$0x6], $0x80, s24, s6, $0xb8;
	[tilespmem:$0x1F000] =	vst v63  }
0xef: {  	_ =	swait.ge [sflag:s13], $0x2800  }
0xf0: {  	s25 =	sld [smem:$0x7C3]  }
0xf1: {  	[sflag:s13] =	ssyncset.done $0x0  }
0xf2: {  	[sflag:s13] =	ssyncadd.s32 $0xFFFFD800  }
0xf3: {  	[tilespmem:s8], [sflag:$0x2] =	stream.indirect.gather [hbm4b:s9+s6], $0x80, s25, s6, $0xb8;
	[tilespmem:$0x1F000] =	vst v63  }
0xf4: {  	_ =	swait.ge [sflag:s10], $0x2800  }
0xf5: {  	s26 =	sld [smem:$0x7C4]  }
0xf6: {  	[sflag:s10] =	ssyncset.done $0x0  }
0xf7: {  	[sflag:s10] =	ssyncadd.s32 $0xFFFFD800  }
0xf8: {  	[spmem:s3] =	stream.indirect.scatter.add.f32 [tilespmem:s7], [sflag:$0x4], $0x80, s26, s6, $0xb8;
	[tilespmem:$0x1F000] =	vst v63  }
0xf9: {  	_ =	swait.ge [sflag:s16], $0x2800  }
0xfa: {  	s1 =	sld [smem:$0x7C5]  }
0xfb: {  	[sflag:s16] =	ssyncset.done $0x0  }
0xfc: {  	[sflag:s16] =	ssyncadd.s32 $0xFFFFD800  }
0xfd: {  	[tilespmem:s14], [sflag:$0x3] =	stream.indirect.gather [hbm4b:s9+s6], $0x80, s1, s6, $0xb8;
	[tilespmem:$0x1F000] =	vst v63  }
0xfe: {  	_ =	swait.ge [sflag:s12], $0x2800  }
0xff: {  	s5 =	sld [smem:$0x7C6]  }
0x100: {  	[sflag:s12] =	ssyncset.done $0x0  }
0x101: {  	[sflag:s12] =	ssyncadd.s32 $0xFFFFD800  }
0x102: {  	[spmem:s3] =	stream.indirect.scatter.add.f32 [tilespmem:s8], [sflag:$0x5], $0x80, s5, s6, $0xb8;
	[tilespmem:$0x1F000] =	vst v63  }
0x103: {  	_ =	swait.ge [sflag:s11], $0x2800  }
0x104: {  	s20 =	sld [smem:$0x7C7]  }
0x105: {  	[sflag:s11] =	ssyncset.done $0x0  }
0x106: {  	[sflag:s11] =	ssyncadd.s32 $0xFFFFD800  }
0x107: {  	[tilespmem:s7], [sflag:$0x1] =	stream.indirect.gather [hbm4b:s9+s6], $0x80, s20, s6, $0xb8;
	[tilespmem:$0x1F000] =	vst v63  }
0x108: {  	_ =	swait.ge [sflag:s15], $0x2800  }
0x109: {  	s21 =	sld [smem:$0x7C8]  }
0x10a: {  	[sflag:s15] =	ssyncset.done $0x0  }
0x10b: {  	[sflag:s15] =	ssyncadd.s32 $0xFFFFD800  }
0x10c: {  	[spmem:s3] =	stream.indirect.scatter.add.f32 [tilespmem:s14], [sflag:$0x6], $0x80, s21, s6, $0xb8;
	[tilespmem:$0x1F000] =	vst v63  }
0x10d: {  	_ =	swait.ge [sflag:s13], $0x2800  }
0x10e: {  	s22 =	sld [smem:$0x7C9]  }
0x10f: {  	[sflag:s13] =	ssyncset.done $0x0  }
0x110: {  	[sflag:s13] =	ssyncadd.s32 $0xFFFFD800  }
0x111: {  	[tilespmem:s8], [sflag:$0x2] =	stream.indirect.gather [hbm4b:s9+s6], $0x80, s22, s6, $0xb8;
	[tilespmem:$0x1F000] =	vst v63  }
0x112: {  	_ =	swait.ge [sflag:s10], $0x2800  }
0x113: {  	s23 =	sld [smem:$0x7CA]  }
0x114: {  	[sflag:s10] =	ssyncset.done $0x0  }
0x115: {  	[sflag:s10] =	ssyncadd.s32 $0xFFFFD800  }
0x116: {  	[spmem:s3] =	stream.indirect.scatter.add.f32 [tilespmem:s7], [sflag:$0x4], $0x80, s23, s6, $0xb8;
	[tilespmem:$0x1F000] =	vst v63  }
0x117: {  	_ =	swait.ge [sflag:s16], $0x2800  }
0x118: {  	s24 =	sld [smem:$0x7CB]  }
0x119: {  	[sflag:s16] =	ssyncset.done $0x0  }
0x11a: {  	[sflag:s16] =	ssyncadd.s32 $0xFFFFD800  }
0x11b: {  	[tilespmem:s14], [sflag:$0x3] =	stream.indirect.gather [hbm4b:s9+s6], $0x80, s24, s6, $0xb8;
	[tilespmem:$0x1F000] =	vst v63  }
0x11c: {  	_ =	swait.ge [sflag:s12], $0x2800  }
0x11d: {  	s25 =	sld [smem:$0x7CC]  }
0x11e: {  	[sflag:s12] =	ssyncset.done $0x0  }
0x11f: {  	[sflag:s12] =	ssyncadd.s32 $0xFFFFD800  }
0x120: {  	[spmem:s3] =	stream.indirect.scatter.add.f32 [tilespmem:s8], [sflag:$0x5], $0x80, s25, s6, $0xb8;
	[tilespmem:$0x1F000] =	vst v63  }
0x121: {  	_ =	swait.ge [sflag:s11], $0x2800  }
0x122: {  	s26 =	sld [smem:$0x7CD]  }
0x123: {  	[sflag:s11] =	ssyncset.done $0x0  }
0x124: {  	[sflag:s11] =	ssyncadd.s32 $0xFFFFD800  }
0x125: {  	[tilespmem:s7], [sflag:$0x1] =	stream.indirect.gather [hbm4b:s9+s6], $0x80, s26, s6, $0xb8;
	[tilespmem:$0x1F000] =	vst v63  }
0x126: {  	_ =	swait.ge [sflag:s15], $0x2800  }
0x127: {  	s1 =	sld [smem:$0x7CE]  }
0x128: {  	[sflag:s15] =	ssyncset.done $0x0  }
0x129: {  	[sflag:s15] =	ssyncadd.s32 $0xFFFFD800  }
0x12a: {  	[spmem:s3] =	stream.indirect.scatter.add.f32 [tilespmem:s14], [sflag:$0x6], $0x80, s1, s6, $0xb8;
	[tilespmem:$0x1F000] =	vst v63  }
0x12b: {  	_ =	swait.ge [sflag:s13], $0x2800  }
0x12c: {  	s5 =	sld [smem:$0x7CF]  }
0x12d: {  	[sflag:s13] =	ssyncset.done $0x0  }
0x12e: {  	[sflag:s13] =	ssyncadd.s32 $0xFFFFD800  }
0x12f: {  	[tilespmem:s8], [sflag:$0x2] =	stream.indirect.gather [hbm4b:s9+s6], $0x80, s5, s6, $0xb8;
	[tilespmem:$0x1F000] =	vst v63  }
0x130: {  	_ =	swait.ge [sflag:s10], $0x2800  }
0x131: {  	s20 =	sld [smem:$0x7D0]  }
0x132: {  	[sflag:s10] =	ssyncset.done $0x0  }
0x133: {  	[sflag:s10] =	ssyncadd.s32 $0xFFFFD800  }
0x134: {  	[spmem:s3] =	stream.indirect.scatter.add.f32 [tilespmem:s7], [sflag:$0x4], $0x80, s20, s6, $0xb8;
	[tilespmem:$0x1F000] =	vst v63  }
0x135: {  	_ =	swait.ge [sflag:s16], $0x2800  }
0x136: {  	s21 =	sld [smem:$0x7D1]  }
0x137: {  	[sflag:s16] =	ssyncset.done $0x0  }
0x138: {  	[sflag:s16] =	ssyncadd.s32 $0xFFFFD800  }
0x139: {  	[tilespmem:s14], [sflag:$0x3] =	stream.indirect.gather [hbm4b:s9+s6], $0x80, s21, s6, $0xb8;
	[tilespmem:$0x1F000] =	vst v63  }
0x13a: {  	_ =	swait.ge [sflag:s12], $0x2800  }
0x13b: {  	s22 =	sld [smem:$0x7D2]  }
0x13c: {  	[sflag:s12] =	ssyncset.done $0x0  }
0x13d: {  	[sflag:s12] =	ssyncadd.s32 $0xFFFFD800  }
0x13e: {  	[spmem:s3] =	stream.indirect.scatter.add.f32 [tilespmem:s8], [sflag:$0x5], $0x80, s22, s6, $0xb8;
	[tilespmem:$0x1F000] =	vst v63  }
0x13f: {  	_ =	swait.ge [sflag:s11], $0x2800  }
0x140: {  	s23 =	sld [smem:$0x7D3]  }
0x141: {  	[sflag:s11] =	ssyncset.done $0x0  }
0x142: {  	[sflag:s11] =	ssyncadd.s32 $0xFFFFD800  }
0x143: {  	[tilespmem:s7], [sflag:$0x1] =	stream.indirect.gather [hbm4b:s9+s6], $0x80, s23, s6, $0xb8;
	[tilespmem:$0x1F000] =	vst v63  }
0x144: {  	_ =	swait.ge [sflag:s15], $0x2800  }
0x145: {  	s24 =	sld [smem:$0x7D4]  }
0x146: {  	[sflag:s15] =	ssyncset.done $0x0  }
0x147: {  	[sflag:s15] =	ssyncadd.s32 $0xFFFFD800  }
0x148: {  	[spmem:s3] =	stream.indirect.scatter.add.f32 [tilespmem:s14], [sflag:$0x6], $0x80, s24, s6, $0xb8;
	[tilespmem:$0x1F000] =	vst v63  }
0x149: {  	_ =	swait.ge [sflag:s13], $0x2800  }
0x14a: {  	s25 =	sld [smem:$0x7D5]  }
0x14b: {  	[sflag:s13] =	ssyncset.done $0x0  }
0x14c: {  	[sflag:s13] =	ssyncadd.s32 $0xFFFFD800  }
0x14d: {  	[tilespmem:s8], [sflag:$0x2] =	stream.indirect.gather [hbm4b:s9+s6], $0x80, s25, s6, $0xb8;
	[tilespmem:$0x1F000] =	vst v63  }
0x14e: {  	_ =	swait.ge [sflag:s10], $0x2800  }
0x14f: {  	s26 =	sld [smem:$0x7D6]  }
0x150: {  	[sflag:s10] =	ssyncset.done $0x0  }
0x151: {  	[sflag:s10] =	ssyncadd.s32 $0xFFFFD800  }
0x152: {  	[spmem:s3] =	stream.indirect.scatter.add.f32 [tilespmem:s7], [sflag:$0x4], $0x80, s26, s6, $0xb8;
	[tilespmem:$0x1F000] =	vst v63  }
0x153: {  	_ =	swait.ge [sflag:s16], $0x2800  }
0x154: {  	s1 =	sld [smem:$0x7D7]  }
0x155: {  	[sflag:s16] =	ssyncset.done $0x0  }
0x156: {  	[sflag:s16] =	ssyncadd.s32 $0xFFFFD800  }
0x157: {  	[tilespmem:s14], [sflag:$0x3] =	stream.indirect.gather [hbm4b:s9+s6], $0x80, s1, s6, $0xb8;
	[tilespmem:$0x1F000] =	vst v63  }
0x158: {  	_ =	swait.ge [sflag:s12], $0x2800  }
0x159: {  	s5 =	sld [smem:$0x7D8]  }
0x15a: {  	[sflag:s12] =	ssyncset.done $0x0  }
0x15b: {  	[sflag:s12] =	ssyncadd.s32 $0xFFFFD800  }
0x15c: {  	[spmem:s3] =	stream.indirect.scatter.add.f32 [tilespmem:s8], [sflag:$0x5], $0x80, s5, s6, $0xb8;
	[tilespmem:$0x1F000] =	vst v63  }
0x15d: {  	_ =	swait.ge [sflag:s11], $0x2800  }
0x15e: {  	s20 =	sld [smem:$0x7D9]  }
0x15f: {  	[sflag:s11] =	ssyncset.done $0x0  }
0x160: {  	[sflag:s11] =	ssyncadd.s32 $0xFFFFD800  }
0x161: {  	[tilespmem:s7], [sflag:$0x1] =	stream.indirect.gather [hbm4b:s9+s6], $0x80, s20, s6, $0xb8;
	[tilespmem:$0x1F000] =	vst v63  }
0x162: {  	_ =	swait.ge [sflag:s15], $0x2800  }
0x163: {  	s21 =	sld [smem:$0x7DA]  }
0x164: {  	[sflag:s15] =	ssyncset.done $0x0  }
0x165: {  	[sflag:s15] =	ssyncadd.s32 $0xFFFFD800  }
0x166: {  	[spmem:s3] =	stream.indirect.scatter.add.f32 [tilespmem:s14], [sflag:$0x6], $0x80, s21, s6, $0xb8;
	[tilespmem:$0x1F000] =	vst v63  }
0x167: {  	_ =	swait.ge [sflag:s13], $0x2800  }
0x168: {  	s22 =	sld [smem:$0x7DB]  }
0x169: {  	[sflag:s13] =	ssyncset.done $0x0  }
0x16a: {  	[sflag:s13] =	ssyncadd.s32 $0xFFFFD800  }
0x16b: {  	[tilespmem:s8], [sflag:$0x2] =	stream.indirect.gather [hbm4b:s9+s6], $0x80, s22, s6, $0xb8;
	[tilespmem:$0x1F000] =	vst v63  }
0x16c: {  	_ =	swait.ge [sflag:s10], $0x2800  }
0x16d: {  	s23 =	sld [smem:$0x7DC]  }
0x16e: {  	[sflag:s10] =	ssyncset.done $0x0  }
0x16f: {  	[sflag:s10] =	ssyncadd.s32 $0xFFFFD800  }
0x170: {  	[spmem:s3] =	stream.indirect.scatter.add.f32 [tilespmem:s7], [sflag:$0x4], $0x80, s23, s6, $0xb8;
	[tilespmem:$0x1F000] =	vst v63  }
0x171: {  	_ =	swait.ge [sflag:s16], $0x2800  }
0x172: {  	s24 =	sld [smem:$0x7DD]  }
0x173: {  	[sflag:s16] =	ssyncset.done $0x0  }
0x174: {  	[sflag:s16] =	ssyncadd.s32 $0xFFFFD800  }
0x175: {  	[tilespmem:s14], [sflag:$0x3] =	stream.indirect.gather [hbm4b:s9+s6], $0x80, s24, s6, $0xb8;
	[tilespmem:$0x1F000] =	vst v63  }
0x176: {  	_ =	swait.ge [sflag:s12], $0x2800  }
0x177: {  	s25 =	sld [smem:$0x7DE]  }
0x178: {  	[sflag:s12] =	ssyncset.done $0x0  }
0x179: {  	[sflag:s12] =	ssyncadd.s32 $0xFFFFD800  }
0x17a: {  	[spmem:s3] =	stream.indirect.scatter.add.f32 [tilespmem:s8], [sflag:$0x5], $0x80, s25, s6, $0xb8;
	[tilespmem:$0x1F000] =	vst v63  }
0x17b: {  	_ =	swait.ge [sflag:s11], $0x2800  }
0x17c: {  	s26 =	sld [smem:$0x7DF]  }
0x17d: {  	[sflag:s11] =	ssyncset.done $0x0  }
0x17e: {  	[sflag:s11] =	ssyncadd.s32 $0xFFFFD800  }
0x17f: {  	[tilespmem:s7], [sflag:$0x1] =	stream.indirect.gather [hbm4b:s9+s6], $0x80, s26, s6, $0xb8;
	[tilespmem:$0x1F000] =	vst v63  }
0x180: {  	_ =	swait.ge [sflag:s15], $0x2800  }
0x181: {  	s1 =	sld [smem:$0x7E0]  }
0x182: {  	[sflag:s15] =	ssyncset.done $0x0  }
0x183: {  	[sflag:s15] =	ssyncadd.s32 $0xFFFFD800  }
0x184: {  	[spmem:s3] =	stream.indirect.scatter.add.f32 [tilespmem:s14], [sflag:$0x6], $0x80, s1, s6, $0xb8;
	[tilespmem:$0x1F000] =	vst v63  }
0x185: {  	_ =	swait.ge [sflag:s13], $0x2800  }
0x186: {  	s5 =	sld [smem:$0x7E1]  }
0x187: {  	[sflag:s13] =	ssyncset.done $0x0  }
0x188: {  	[sflag:s13] =	ssyncadd.s32 $0xFFFFD800  }
0x189: {  	[tilespmem:s8], [sflag:$0x2] =	stream.indirect.gather [hbm4b:s9+s6], $0x80, s5, s6, $0xb8;
	[tilespmem:$0x1F000] =	vst v63  }
0x18a: {  	_ =	swait.ge [sflag:s10], $0x2800  }
0x18b: {  	s20 =	sld [smem:$0x7E2]  }
0x18c: {  	[sflag:s10] =	ssyncset.done $0x0  }
0x18d: {  	[sflag:s10] =	ssyncadd.s32 $0xFFFFD800  }
0x18e: {  	[spmem:s3] =	stream.indirect.scatter.add.f32 [tilespmem:s7], [sflag:$0x4], $0x80, s20, s6, $0xb8;
	[tilespmem:$0x1F000] =	vst v63  }
0x18f: {  	_ =	swait.ge [sflag:s16], $0x2800  }
0x190: {  	s21 =	sld [smem:$0x7E3]  }
0x191: {  	[sflag:s16] =	ssyncset.done $0x0  }
0x192: {  	[sflag:s16] =	ssyncadd.s32 $0xFFFFD800  }
0x193: {  	[tilespmem:s14], [sflag:$0x3] =	stream.indirect.gather [hbm4b:s9+s6], $0x80, s21, s6, $0xb8;
	[tilespmem:$0x1F000] =	vst v63  }
0x194: {  	_ =	swait.ge [sflag:s12], $0x2800  }
0x195: {  	s22 =	sld [smem:$0x7E4]  }
0x196: {  	[sflag:s12] =	ssyncset.done $0x0  }
0x197: {  	[sflag:s12] =	ssyncadd.s32 $0xFFFFD800  }
0x198: {  	[spmem:s3] =	stream.indirect.scatter.add.f32 [tilespmem:s8], [sflag:$0x5], $0x80, s22, s6, $0xb8;
	[tilespmem:$0x1F000] =	vst v63  }
0x199: {  	_ =	swait.ge [sflag:s11], $0x2800  }
0x19a: {  	s23 =	sld [smem:$0x7E5]  }
0x19b: {  	[sflag:s11] =	ssyncset.done $0x0  }
0x19c: {  	[sflag:s11] =	ssyncadd.s32 $0xFFFFD800  }
0x19d: {  	[tilespmem:s7], [sflag:$0x1] =	stream.indirect.gather [hbm4b:s9+s6], $0x80, s23, s6, $0xb8;
	[tilespmem:$0x1F000] =	vst v63  }
0x19e: {  	_ =	swait.ge [sflag:s15], $0x2800  }
0x19f: {  	s24 =	sld [smem:$0x7E6]  }
0x1a0: {  	[sflag:s15] =	ssyncset.done $0x0  }
0x1a1: {  	[sflag:s15] =	ssyncadd.s32 $0xFFFFD800  }
0x1a2: {  	[spmem:s3] =	stream.indirect.scatter.add.f32 [tilespmem:s14], [sflag:$0x6], $0x80, s24, s6, $0xb8;
	[tilespmem:$0x1F000] =	vst v63  }
0x1a3: {  	_ =	swait.ge [sflag:s13], $0x2800  }
0x1a4: {  	s25 =	sld [smem:$0x7E7]  }
0x1a5: {  	[sflag:s13] =	ssyncset.done $0x0  }
0x1a6: {  	[sflag:s13] =	ssyncadd.s32 $0xFFFFD800  }
0x1a7: {  	[tilespmem:s8], [sflag:$0x2] =	stream.indirect.gather [hbm4b:s9+s6], $0x80, s25, s6, $0xb8;
	[tilespmem:$0x1F000] =	vst v63  }
0x1a8: {  	_ =	swait.ge [sflag:s10], $0x2800  }
0x1a9: {  	s26 =	sld [smem:$0x7E8]  }
0x1aa: {  	[sflag:s10] =	ssyncset.done $0x0  }
0x1ab: {  	[sflag:s10] =	ssyncadd.s32 $0xFFFFD800  }
0x1ac: {  	[spmem:s3] =	stream.indirect.scatter.add.f32 [tilespmem:s7], [sflag:$0x4], $0x80, s26, s6, $0xb8;
	[tilespmem:$0x1F000] =	vst v63  }
0x1ad: {  	_ =	swait.ge [sflag:s16], $0x2800  }
0x1ae: {  	s1 =	sld [smem:$0x7E9]  }
0x1af: {  	[sflag:s16] =	ssyncset.done $0x0  }
0x1b0: {  	[sflag:s16] =	ssyncadd.s32 $0xFFFFD800  }
0x1b1: {  	[tilespmem:s14], [sflag:$0x3] =	stream.indirect.gather [hbm4b:s9+s6], $0x80, s1, s6, $0xb8;
	[tilespmem:$0x1F000] =	vst v63  }
0x1b2: {  	_ =	swait.ge [sflag:s12], $0x2800  }
0x1b3: {  	s5 =	sld [smem:$0x7EA]  }
0x1b4: {  	[sflag:s12] =	ssyncset.done $0x0  }
0x1b5: {  	[sflag:s12] =	ssyncadd.s32 $0xFFFFD800  }
0x1b6: {  	[spmem:s3] =	stream.indirect.scatter.add.f32 [tilespmem:s8], [sflag:$0x5], $0x80, s5, s6, $0xb8;
	[tilespmem:$0x1F000] =	vst v63  }
0x1b7: {  	_ =	swait.ge [sflag:s11], $0x2800  }
0x1b8: {  	s20 =	sld [smem:$0x7EB]  }
0x1b9: {  	[sflag:s11] =	ssyncset.done $0x0  }
0x1ba: {  	[sflag:s11] =	ssyncadd.s32 $0xFFFFD800  }
0x1bb: {  	[tilespmem:s7], [sflag:$0x1] =	stream.indirect.gather [hbm4b:s9+s6], $0x80, s20, s6, $0xb8;
	[tilespmem:$0x1F000] =	vst v63  }
0x1bc: {  	_ =	swait.ge [sflag:s15], $0x2800  }
0x1bd: {  	s21 =	sld [smem:$0x7EC]  }
0x1be: {  	[sflag:s15] =	ssyncset.done $0x0  }
0x1bf: {  	[sflag:s15] =	ssyncadd.s32 $0xFFFFD800  }
0x1c0: {  	[spmem:s3] =	stream.indirect.scatter.add.f32 [tilespmem:s14], [sflag:$0x6], $0x80, s21, s6, $0xb8;
	[tilespmem:$0x1F000] =	vst v63  }
0x1c1: {  	_ =	swait.ge [sflag:s13], $0x2800  }
0x1c2: {  	s22 =	sld [smem:$0x7ED]  }
0x1c3: {  	[sflag:s13] =	ssyncset.done $0x0  }
0x1c4: {  	[sflag:s13] =	ssyncadd.s32 $0xFFFFD800  }
0x1c5: {  	[tilespmem:s8], [sflag:$0x2] =	stream.indirect.gather [hbm4b:s9+s6], $0x80, s22, s6, $0xb8;
	[tilespmem:$0x1F000] =	vst v63  }
0x1c6: {  	_ =	swait.ge [sflag:s10], $0x2800  }
0x1c7: {  	s23 =	sld [smem:$0x7EE]  }
0x1c8: {  	[sflag:s10] =	ssyncset.done $0x0  }
0x1c9: {  	[sflag:s10] =	ssyncadd.s32 $0xFFFFD800  }
0x1ca: {  	[spmem:s3] =	stream.indirect.scatter.add.f32 [tilespmem:s7], [sflag:$0x4], $0x80, s23, s6, $0xb8;
	[tilespmem:$0x1F000] =	vst v63  }
0x1cb: {  	_ =	swait.ge [sflag:s16], $0x2800  }
0x1cc: {  	s24 =	sld [smem:$0x7EF]  }
0x1cd: {  	[sflag:s16] =	ssyncset.done $0x0  }
0x1ce: {  	[sflag:s16] =	ssyncadd.s32 $0xFFFFD800  }
0x1cf: {  	[tilespmem:s14], [sflag:$0x3] =	stream.indirect.gather [hbm4b:s9+s6], $0x80, s24, s6, $0xb8;
	[tilespmem:$0x1F000] =	vst v63  }
0x1d0: {  	_ =	swait.ge [sflag:s12], $0x2800  }
0x1d1: {  	s25 =	sld [smem:$0x7F0]  }
0x1d2: {  	[sflag:s12] =	ssyncset.done $0x0  }
0x1d3: {  	[sflag:s12] =	ssyncadd.s32 $0xFFFFD800  }
0x1d4: {  	[spmem:s3] =	stream.indirect.scatter.add.f32 [tilespmem:s8], [sflag:$0x5], $0x80, s25, s6, $0xb8;
	[tilespmem:$0x1F000] =	vst v63  }
0x1d5: {  	_ =	swait.ge [sflag:s11], $0x2800  }
0x1d6: {  	s26 =	sld [smem:$0x7F1]  }
0x1d7: {  	[sflag:s11] =	ssyncset.done $0x0  }
0x1d8: {  	[sflag:s11] =	ssyncadd.s32 $0xFFFFD800  }
0x1d9: {  	[tilespmem:s7], [sflag:$0x1] =	stream.indirect.gather [hbm4b:s9+s6], $0x80, s26, s6, $0xb8;
	[tilespmem:$0x1F000] =	vst v63  }
0x1da: {  	_ =	swait.ge [sflag:s15], $0x2800  }
0x1db: {  	s1 =	sld [smem:$0x7F2]  }
0x1dc: {  	[sflag:s15] =	ssyncset.done $0x0  }
0x1dd: {  	[sflag:s15] =	ssyncadd.s32 $0xFFFFD800  }
0x1de: {  	[spmem:s3] =	stream.indirect.scatter.add.f32 [tilespmem:s14], [sflag:$0x6], $0x80, s1, s6, $0xb8;
	[tilespmem:$0x1F000] =	vst v63  }
0x1df: {  	_ =	swait.ge [sflag:s13], $0x2800  }
0x1e0: {  	s5 =	sld [smem:$0x7F3]  }
0x1e1: {  	[sflag:s13] =	ssyncset.done $0x0  }
0x1e2: {  	[sflag:s13] =	ssyncadd.s32 $0xFFFFD800  }
0x1e3: {  	[tilespmem:s8], [sflag:$0x2] =	stream.indirect.gather [hbm4b:s9+s6], $0x80, s5, s6, $0xb8;
	[tilespmem:$0x1F000] =	vst v63  }
0x1e4: {  	_ =	swait.ge [sflag:s10], $0x2800  }
0x1e5: {  	s20 =	sld [smem:$0x7F4]  }
0x1e6: {  	[sflag:s10] =	ssyncset.done $0x0  }
0x1e7: {  	[sflag:s10] =	ssyncadd.s32 $0xFFFFD800  }
0x1e8: {  	[spmem:s3] =	stream.indirect.scatter.add.f32 [tilespmem:s7], [sflag:$0x4], $0x80, s20, s6, $0xb8;
	[tilespmem:$0x1F000] =	vst v63  }
0x1e9: {  	_ =	swait.ge [sflag:s16], $0x2800  }
0x1ea: {  	s21 =	sld [smem:$0x7F5]  }
0x1eb: {  	[sflag:s16] =	ssyncset.done $0x0  }
0x1ec: {  	[sflag:s16] =	ssyncadd.s32 $0xFFFFD800  }
0x1ed: {  	[tilespmem:s14], [sflag:$0x3] =	stream.indirect.gather [hbm4b:s9+s6], $0x80, s21, s6, $0xb8;
	[tilespmem:$0x1F000] =	vst v63  }
0x1ee: {  	_ =	swait.ge [sflag:s12], $0x2800  }
0x1ef: {  	s22 =	sld [smem:$0x7F6]  }
0x1f0: {  	[sflag:s12] =	ssyncset.done $0x0  }
0x1f1: {  	[sflag:s12] =	ssyncadd.s32 $0xFFFFD800  }
0x1f2: {  	[spmem:s3] =	stream.indirect.scatter.add.f32 [tilespmem:s8], [sflag:$0x5], $0x80, s22, s6, $0xb8;
	[tilespmem:$0x1F000] =	vst v63  }
0x1f3: {  	_ =	swait.ge [sflag:s11], $0x2800  }
0x1f4: {  	s23 =	sld [smem:$0x7F7]  }
0x1f5: {  	[sflag:s11] =	ssyncset.done $0x0  }
0x1f6: {  	[sflag:s11] =	ssyncadd.s32 $0xFFFFD800  }
0x1f7: {  	[tilespmem:s7], [sflag:$0x1] =	stream.indirect.gather [hbm4b:s9+s6], $0x80, s23, s6, $0xb8;
	[tilespmem:$0x1F000] =	vst v63  }
0x1f8: {  	_ =	swait.ge [sflag:s15], $0x2800  }
0x1f9: {  	s24 =	sld [smem:$0x7F8]  }
0x1fa: {  	[sflag:s15] =	ssyncset.done $0x0  }
0x1fb: {  	[sflag:s15] =	ssyncadd.s32 $0xFFFFD800  }
0x1fc: {  	[spmem:s3] =	stream.indirect.scatter.add.f32 [tilespmem:s14], [sflag:$0x6], $0x80, s24, s6, $0xb8;
	[tilespmem:$0x1F000] =	vst v63  }
0x1fd: {  	_ =	swait.ge [sflag:s13], $0x2800  }
0x1fe: {  	s25 =	sld [smem:$0x7F9]  }
0x1ff: {  	[sflag:s13] =	ssyncset.done $0x0  }
0x200: {  	[sflag:s13] =	ssyncadd.s32 $0xFFFFD800  }
0x201: {  	[tilespmem:s8], [sflag:$0x2] =	stream.indirect.gather [hbm4b:s9+s6], $0x80, s25, s6, $0xb8;
	[tilespmem:$0x1F000] =	vst v63  }
0x202: {  	_ =	swait.ge [sflag:s10], $0x2800  }
0x203: {  	s26 =	sld [smem:$0x7FA]  }
0x204: {  	[sflag:s10] =	ssyncset.done $0x0  }
0x205: {  	[sflag:s10] =	ssyncadd.s32 $0xFFFFD800  }
0x206: {  	[spmem:s3] =	stream.indirect.scatter.add.f32 [tilespmem:s7], [sflag:$0x4], $0x80, s26, s6, $0xb8;
	[tilespmem:$0x1F000] =	vst v63  }
0x207: {  	_ =	swait.ge [sflag:s16], $0x2800  }
0x208: {  	s1 =	sld [smem:$0x7FB]  }
0x209: {  	[sflag:s16] =	ssyncset.done $0x0  }
0x20a: {  	[sflag:s16] =	ssyncadd.s32 $0xFFFFD800  }
0x20b: {  	[tilespmem:s14], [sflag:$0x3] =	stream.indirect.gather [hbm4b:s9+s6], $0x80, s1, s6, $0xb8;
	[tilespmem:$0x1F000] =	vst v63  }
0x20c: {  	_ =	swait.ge [sflag:s12], $0x2800  }
0x20d: {  	[sflag:s12] =	ssyncset.done $0x0  }
0x20e: {  	s20 =	simm.s32 $0x3180;
	[sflag:s12] =	ssyncadd.s32 $0xFFFFD800  }
0x20f: {  	[spmem:s3] =	stream.indirect.scatter.add.f32 [tilespmem:s8], [sflag:$0x5], $0x80, s20, s6, $0xb8;
	[tilespmem:$0x1F000] =	vst v63  }
0x210: {  	_ =	swait.ge [sflag:s11], $0x2800  }
0x211: {  	[sflag:s11] =	ssyncset.done $0x0  }
0x212: {  	s21 =	simm.s32 $0x1680;
	[sflag:s11] =	ssyncadd.s32 $0xFFFFD800  }
0x213: {  	[tilespmem:s7], [sflag:$0x1] =	stream.indirect.gather [hbm4b:s9+s6], $0x80, s21, s6, $0xb8;
	[tilespmem:$0x1F000] =	vst v63  }
0x214: {  	_ =	swait.ge [sflag:s15], $0x2800  }
0x215: {  	[sflag:s15] =	ssyncset.done $0x0  }
0x216: {  	s22 =	simm.s32 $0x3200;
	[sflag:s15] =	ssyncadd.s32 $0xFFFFD800  }
0x217: {  	[spmem:s3] =	stream.indirect.scatter.add.f32 [tilespmem:s14], [sflag:$0x6], $0x80, s22, s6, $0xb8;
	[tilespmem:$0x1F000] =	vst v63  }
0x218: {  	_ =	swait.ge [sflag:s13], $0x2800  }
0x219: {  	[sflag:s13] =	ssyncset.done $0x0  }
0x21a: {  	s23 =	simm.s32 $0x1700;
	[sflag:s13] =	ssyncadd.s32 $0xFFFFD800  }
0x21b: {  	[tilespmem:s8], [sflag:$0x2] =	stream.indirect.gather [hbm4b:s9+s6], $0x80, s23, s6, $0xb8;
	[tilespmem:$0x1F000] =	vst v63  }
0x21c: {  	_ =	swait.ge [sflag:s10], $0x2800  }
0x21d: {  	[sflag:s10] =	ssyncset.done $0x0  }
0x21e: {  	s25 =	simm.s32 $0x3280;
	[sflag:s10] =	ssyncadd.s32 $0xFFFFD800  }
0x21f: {  	[spmem:s3] =	stream.indirect.scatter.add.f32 [tilespmem:s7], [sflag:$0x4], $0x80, s25, s6, $0xb8;
	[tilespmem:$0x1F000] =	vst v63  }
0x220: {  	_ =	swait.ge [sflag:s16], $0x2800  }
0x221: {  	[sflag:s16] =	ssyncset.done $0x0  }
0x222: {  	s26 =	simm.s32 $0x1780;
	[sflag:s16] =	ssyncadd.s32 $0xFFFFD800  }
0x223: {  	[tilespmem:s14], [sflag:$0x3] =	stream.indirect.gather [hbm4b:s9+s6], $0x80, s26, s6, $0xb8;
	[tilespmem:$0x1F000] =	vst v63  }
0x224: {  	_ =	swait.ge [sflag:s12], $0x2800  }
0x225: {  	[sflag:s12] =	ssyncset.done $0x0  }
0x226: {  	s28 =	simm.s32 $0x3300;
	[sflag:s12] =	ssyncadd.s32 $0xFFFFD800  }
0x227: {  	[spmem:s3] =	stream.indirect.scatter.add.f32 [tilespmem:s8], [sflag:$0x5], $0x80, s28, s6, $0xb8;
	[tilespmem:$0x1F000] =	vst v63  }
0x228: {  	_ =	swait.ge [sflag:s11], $0x2800  }
0x229: {  	[sflag:s11] =	ssyncset.done $0x0  }
0x22a: {  	s29 =	simm.s32 $0x1800;
	[sflag:s11] =	ssyncadd.s32 $0xFFFFD800  }
0x22b: {  	[tilespmem:s7], [sflag:$0x1] =	stream.indirect.gather [hbm4b:s9+s6], $0x80, s29, s6, $0xb8;
	[tilespmem:$0x1F000] =	vst v63  }
0x22c: {  	_ =	swait.ge [sflag:s15], $0x2800  }
0x22d: {  	[sflag:s15] =	ssyncset.done $0x0  }
0x22e: {  	s30 =	simm.s32 $0x3380;
	[sflag:s15] =	ssyncadd.s32 $0xFFFFD800  }
0x22f: {  	[spmem:s3] =	stream.indirect.scatter.add.f32 [tilespmem:s14], [sflag:$0x6], $0x80, s30, s6, $0xb8;
	[tilespmem:$0x1F000] =	vst v63  }
0x230: {  	_ =	swait.ge [sflag:s13], $0x2800  }
0x231: {  	[sflag:s13] =	ssyncset.done $0x0  }
0x232: {  	s0 =	simm.s32 $0x1880;
	[sflag:s13] =	ssyncadd.s32 $0xFFFFD800  }
0x233: {  	[tilespmem:s8], [sflag:$0x2] =	stream.indirect.gather [hbm4b:s9+s6], $0x80, s0, s6, $0xb8;
	[tilespmem:$0x1F000] =	vst v63  }
0x234: {  	_ =	swait.ge [sflag:s10], $0x2800  }
0x235: {  	[sflag:s10] =	ssyncset.done $0x0  }
0x236: {  	s24 =	simm.s32 $0x3400;
	[sflag:s10] =	ssyncadd.s32 $0xFFFFD800  }
0x237: {  	[spmem:s3] =	stream.indirect.scatter.add.f32 [tilespmem:s7], [sflag:$0x4], $0x80, s24, s6, $0xb8;
	[tilespmem:$0x1F000] =	vst v63  }
0x238: {  	_ =	swait.ge [sflag:s12], $0x2800  }
0x239: {  	[sflag:s12] =	ssyncset.done $0x0  }
0x23a: {  	s31 =	simm.s32 $0x3480;
	[sflag:s12] =	ssyncadd.s32 $0xFFFFD800  }
0x23b: {  	[spmem:s3] =	stream.indirect.scatter.add.f32 [tilespmem:s8], [sflag:$0x5], $0x80, s31, s6, $0xb8;
	[tilespmem:$0x1F000] =	vst v63  }
0x23c: {  	_ =	swait.ge [sflag:s16], $0x2800  }
0x23d: {  	[sflag:s16] =	ssyncset.done $0x0  }
0x23e: {  	[sflag:s16] =	ssyncadd.s32 $0xFFFFD800  }
0x23f: {  	_ =	swait.ge [sflag:s11], $0x2800  }
0x240: {  	[sflag:s11] =	ssyncset.done $0x0  }
0x241: {  	[sflag:s11] =	ssyncadd.s32 $0xFFFFD800  }
0x242: {  	s4 =	sadd.s32 s2, s4;
	_ =	swait.ge [sflag:s13], $0x2800  }
0x243: {  	s5 =	sadd.s32 $0x25800, s2;
	[smem:$0x7FC] =	sst s4  }
0x244: {  	s2 =	simm.s32 $0x380;
	[smem:$0x7FD] =	sst s5  }
0x245: {  	[sflag:s13] =	ssyncset.done $0x0;
	s4 =	simm.s32 $0x700;
	s5 =	rddreg [dreg:$0x6]  }
.LBB2_1:
0x246: {  	[sflag:s13] =	ssyncadd.s32 $0xFFFFD800;
	s5 =	sadd.s32 s2, s5  }
0x247: {  	[tilespmem:s17], [sflag:$0x7] =	stream.linear.gather [hbm4b:s5+s17], $0x1900, $0x38;
	[tilespmem:$0x1F000] =	vst v63  }
0x248: {  	_ =	swait.ge [sflag:s19], $0x1900  }
0x249: {  	s5 =	rddreg [dreg:$0x5];
	[sflag:s19] =	ssyncset.done $0x0  }
0x24a: {  	[sflag:s19] =	ssyncadd.s32 $0xFFFFE700;
	s5 =	sadd.s32 s2, s5  }
0x24b: {  	[tilespmem:s18], [sflag:$0x7] =	stream.linear.gather [hbm4b:s5+s17], $0x1900, $0x38;
	[tilespmem:$0x1F000] =	vst v63  }
0x24c: {  	_ =	swait.ge [sflag:s19], $0x1900  }
0x24d: {  	[sflag:s19] =	ssyncset.done $0x0  }
0x24e: {  	[sflag:s19] =	ssyncadd.s32 $0xFFFFE700  }
0x24f: {  	[tilespmem:s7], [sflag:$0x1] =	stream.indirect.gather [hbm4b:s9+s6], $0x80, s17, s6, $0xb8;
	[tilespmem:$0x1F000] =	vst v63  }
0x250: {  	s5 =	rddreg [dreg:$0x7]  }
0x251: {  	[tilespmem:s8], [sflag:$0x2] =	stream.indirect.gather [hbm4b:s9+s6], $0x80, s5, s6, $0xb8;
	[tilespmem:$0x1F000] =	vst v63  }
0x252: {  	_ =	swait.ge [sflag:s10], $0x2800  }
0x253: {  	[sflag:s10] =	ssyncset.done $0x0  }
0x254: {  	[sflag:s10] =	ssyncadd.s32 $0xFFFFD800  }
0x255: {  	[spmem:s3] =	stream.indirect.scatter.add.f32 [tilespmem:s7], [sflag:$0x4], $0x80, s18, s6, $0xb8;
	[tilespmem:$0x1F000] =	vst v63  }
0x256: {  	s5 =	rddreg [dreg:$0x8]  }
0x257: {  	[tilespmem:s14], [sflag:$0x3] =	stream.indirect.gather [hbm4b:s9+s6], $0x80, s5, s6, $0xb8;
	[tilespmem:$0x1F000] =	vst v63  }
0x258: {  	_ =	swait.ge [sflag:s12], $0x2800  }
0x259: {  	[sflag:s12] =	ssyncset.done $0x0  }
0x25a: {  	s5 =	rddreg [dreg:$0x9];
	[sflag:s12] =	ssyncadd.s32 $0xFFFFD800  }
0x25b: {  	[spmem:s3] =	stream.indirect.scatter.add.f32 [tilespmem:s8], [sflag:$0x5], $0x80, s5, s6, $0xb8;
	[tilespmem:$0x1F000] =	vst v63  }
0x25c: {  	_ =	swait.ge [sflag:s11], $0x2800  }
0x25d: {  	[sflag:s11] =	ssyncset.done $0x0  }
0x25e: {  	s5 =	rddreg [dreg:$0xa];
	[sflag:s11] =	ssyncadd.s32 $0xFFFFD800  }
0x25f: {  	[tilespmem:s7], [sflag:$0x1] =	stream.indirect.gather [hbm4b:s9+s6], $0x80, s5, s6, $0xb8;
	[tilespmem:$0x1F000] =	vst v63  }
0x260: {  	_ =	swait.ge [sflag:s15], $0x2800  }
0x261: {  	[sflag:s15] =	ssyncset.done $0x0  }
0x262: {  	s5 =	rddreg [dreg:$0xb];
	[sflag:s15] =	ssyncadd.s32 $0xFFFFD800  }
0x263: {  	[spmem:s3] =	stream.indirect.scatter.add.f32 [tilespmem:s14], [sflag:$0x6], $0x80, s5, s6, $0xb8;
	[tilespmem:$0x1F000] =	vst v63  }
0x264: {  	_ =	swait.ge [sflag:s13], $0x2800  }
0x265: {  	[sflag:s13] =	ssyncset.done $0x0  }
0x266: {  	s5 =	rddreg [dreg:$0xc];
	[sflag:s13] =	ssyncadd.s32 $0xFFFFD800  }
0x267: {  	[tilespmem:s8], [sflag:$0x2] =	stream.indirect.gather [hbm4b:s9+s6], $0x80, s5, s6, $0xb8;
	[tilespmem:$0x1F000] =	vst v63  }
0x268: {  	_ =	swait.ge [sflag:s10], $0x2800  }
0x269: {  	[sflag:s10] =	ssyncset.done $0x0  }
0x26a: {  	s5 =	rddreg [dreg:$0xd];
	[sflag:s10] =	ssyncadd.s32 $0xFFFFD800  }
0x26b: {  	[spmem:s3] =	stream.indirect.scatter.add.f32 [tilespmem:s7], [sflag:$0x4], $0x80, s5, s6, $0xb8;
	[tilespmem:$0x1F000] =	vst v63  }
0x26c: {  	_ =	swait.ge [sflag:s16], $0x2800  }
0x26d: {  	[sflag:s16] =	ssyncset.done $0x0  }
0x26e: {  	s5 =	rddreg [dreg:$0xe];
	[sflag:s16] =	ssyncadd.s32 $0xFFFFD800  }
0x26f: {  	[tilespmem:s14], [sflag:$0x3] =	stream.indirect.gather [hbm4b:s9+s6], $0x80, s5, s6, $0xb8;
	[tilespmem:$0x1F000] =	vst v63  }
0x270: {  	_ =	swait.ge [sflag:s12], $0x2800  }
0x271: {  	[sflag:s12] =	ssyncset.done $0x0  }
0x272: {  	s5 =	rddreg [dreg:$0xf];
	[sflag:s12] =	ssyncadd.s32 $0xFFFFD800  }
0x273: {  	[spmem:s3] =	stream.indirect.scatter.add.f32 [tilespmem:s8], [sflag:$0x5], $0x80, s5, s6, $0xb8;
	[tilespmem:$0x1F000] =	vst v63  }
0x274: {  	_ =	swait.ge [sflag:s11], $0x2800  }
0x275: {  	[sflag:s11] =	ssyncset.done $0x0  }
0x276: {  	s5 =	rddreg [dreg:$0x10];
	[sflag:s11] =	ssyncadd.s32 $0xFFFFD800  }
0x277: {  	[tilespmem:s7], [sflag:$0x1] =	stream.indirect.gather [hbm4b:s9+s6], $0x80, s5, s6, $0xb8;
	[tilespmem:$0x1F000] =	vst v63  }
0x278: {  	_ =	swait.ge [sflag:s15], $0x2800  }
0x279: {  	[sflag:s15] =	ssyncset.done $0x0  }
0x27a: {  	s5 =	rddreg [dreg:$0x11];
	[sflag:s15] =	ssyncadd.s32 $0xFFFFD800  }
0x27b: {  	[spmem:s3] =	stream.indirect.scatter.add.f32 [tilespmem:s14], [sflag:$0x6], $0x80, s5, s6, $0xb8;
	[tilespmem:$0x1F000] =	vst v63  }
0x27c: {  	_ =	swait.ge [sflag:s13], $0x2800  }
0x27d: {  	[sflag:s13] =	ssyncset.done $0x0  }
0x27e: {  	s5 =	rddreg [dreg:$0x12];
	[sflag:s13] =	ssyncadd.s32 $0xFFFFD800  }
0x27f: {  	[tilespmem:s8], [sflag:$0x2] =	stream.indirect.gather [hbm4b:s9+s6], $0x80, s5, s6, $0xb8;
	[tilespmem:$0x1F000] =	vst v63  }
0x280: {  	_ =	swait.ge [sflag:s10], $0x2800  }
0x281: {  	[sflag:s10] =	ssyncset.done $0x0  }
0x282: {  	s5 =	rddreg [dreg:$0x13];
	[sflag:s10] =	ssyncadd.s32 $0xFFFFD800  }
0x283: {  	[spmem:s3] =	stream.indirect.scatter.add.f32 [tilespmem:s7], [sflag:$0x4], $0x80, s5, s6, $0xb8;
	[tilespmem:$0x1F000] =	vst v63  }
0x284: {  	_ =	swait.ge [sflag:s16], $0x2800  }
0x285: {  	[sflag:s16] =	ssyncset.done $0x0  }
0x286: {  	s5 =	rddreg [dreg:$0x14];
	[sflag:s16] =	ssyncadd.s32 $0xFFFFD800  }
0x287: {  	[tilespmem:s14], [sflag:$0x3] =	stream.indirect.gather [hbm4b:s9+s6], $0x80, s5, s6, $0xb8;
	[tilespmem:$0x1F000] =	vst v63  }
0x288: {  	_ =	swait.ge [sflag:s12], $0x2800  }
0x289: {  	[sflag:s12] =	ssyncset.done $0x0  }
0x28a: {  	s5 =	rddreg [dreg:$0x15];
	[sflag:s12] =	ssyncadd.s32 $0xFFFFD800  }
0x28b: {  	[spmem:s3] =	stream.indirect.scatter.add.f32 [tilespmem:s8], [sflag:$0x5], $0x80, s5, s6, $0xb8;
	[tilespmem:$0x1F000] =	vst v63  }
0x28c: {  	_ =	swait.ge [sflag:s11], $0x2800  }
0x28d: {  	[sflag:s11] =	ssyncset.done $0x0  }
0x28e: {  	s5 =	rddreg [dreg:$0x16];
	[sflag:s11] =	ssyncadd.s32 $0xFFFFD800  }
0x28f: {  	[tilespmem:s7], [sflag:$0x1] =	stream.indirect.gather [hbm4b:s9+s6], $0x80, s5, s6, $0xb8;
	[tilespmem:$0x1F000] =	vst v63  }
0x290: {  	_ =	swait.ge [sflag:s15], $0x2800  }
0x291: {  	[sflag:s15] =	ssyncset.done $0x0  }
0x292: {  	s5 =	rddreg [dreg:$0x17];
	[sflag:s15] =	ssyncadd.s32 $0xFFFFD800  }
0x293: {  	[spmem:s3] =	stream.indirect.scatter.add.f32 [tilespmem:s14], [sflag:$0x6], $0x80, s5, s6, $0xb8;
	[tilespmem:$0x1F000] =	vst v63  }
0x294: {  	_ =	swait.ge [sflag:s13], $0x2800  }
0x295: {  	[sflag:s13] =	ssyncset.done $0x0  }
0x296: {  	s5 =	rddreg [dreg:$0x18];
	[sflag:s13] =	ssyncadd.s32 $0xFFFFD800  }
0x297: {  	[tilespmem:s8], [sflag:$0x2] =	stream.indirect.gather [hbm4b:s9+s6], $0x80, s5, s6, $0xb8;
	[tilespmem:$0x1F000] =	vst v63  }
0x298: {  	_ =	swait.ge [sflag:s10], $0x2800  }
0x299: {  	[sflag:s10] =	ssyncset.done $0x0  }
0x29a: {  	s5 =	rddreg [dreg:$0x19];
	[sflag:s10] =	ssyncadd.s32 $0xFFFFD800  }
0x29b: {  	[spmem:s3] =	stream.indirect.scatter.add.f32 [tilespmem:s7], [sflag:$0x4], $0x80, s5, s6, $0xb8;
	[tilespmem:$0x1F000] =	vst v63  }
0x29c: {  	_ =	swait.ge [sflag:s16], $0x2800  }
0x29d: {  	[sflag:s16] =	ssyncset.done $0x0  }
0x29e: {  	s5 =	rddreg [dreg:$0x1a];
	[sflag:s16] =	ssyncadd.s32 $0xFFFFD800  }
0x29f: {  	[tilespmem:s14], [sflag:$0x3] =	stream.indirect.gather [hbm4b:s9+s6], $0x80, s5, s6, $0xb8;
	[tilespmem:$0x1F000] =	vst v63  }
0x2a0: {  	_ =	swait.ge [sflag:s12], $0x2800  }
0x2a1: {  	[sflag:s12] =	ssyncset.done $0x0  }
0x2a2: {  	s5 =	rddreg [dreg:$0x1b];
	[sflag:s12] =	ssyncadd.s32 $0xFFFFD800  }
0x2a3: {  	[spmem:s3] =	stream.indirect.scatter.add.f32 [tilespmem:s8], [sflag:$0x5], $0x80, s5, s6, $0xb8;
	[tilespmem:$0x1F000] =	vst v63  }
0x2a4: {  	_ =	swait.ge [sflag:s11], $0x2800  }
0x2a5: {  	[sflag:s11] =	ssyncset.done $0x0  }
0x2a6: {  	s5 =	rddreg [dreg:$0x1c];
	[sflag:s11] =	ssyncadd.s32 $0xFFFFD800  }
0x2a7: {  	[tilespmem:s7], [sflag:$0x1] =	stream.indirect.gather [hbm4b:s9+s6], $0x80, s5, s6, $0xb8;
	[tilespmem:$0x1F000] =	vst v63  }
0x2a8: {  	_ =	swait.ge [sflag:s15], $0x2800  }
0x2a9: {  	[sflag:s15] =	ssyncset.done $0x0  }
0x2aa: {  	s5 =	rddreg [dreg:$0x1d];
	[sflag:s15] =	ssyncadd.s32 $0xFFFFD800  }
0x2ab: {  	[spmem:s3] =	stream.indirect.scatter.add.f32 [tilespmem:s14], [sflag:$0x6], $0x80, s5, s6, $0xb8;
	[tilespmem:$0x1F000] =	vst v63  }
0x2ac: {  	_ =	swait.ge [sflag:s13], $0x2800  }
0x2ad: {  	[sflag:s13] =	ssyncset.done $0x0  }
0x2ae: {  	s5 =	rddreg [dreg:$0x1e];
	[sflag:s13] =	ssyncadd.s32 $0xFFFFD800  }
0x2af: {  	[tilespmem:s8], [sflag:$0x2] =	stream.indirect.gather [hbm4b:s9+s6], $0x80, s5, s6, $0xb8;
	[tilespmem:$0x1F000] =	vst v63  }
0x2b0: {  	_ =	swait.ge [sflag:s10], $0x2800  }
0x2b1: {  	[sflag:s10] =	ssyncset.done $0x0  }
0x2b2: {  	s5 =	rddreg [dreg:$0x1f];
	[sflag:s10] =	ssyncadd.s32 $0xFFFFD800  }
0x2b3: {  	[spmem:s3] =	stream.indirect.scatter.add.f32 [tilespmem:s7], [sflag:$0x4], $0x80, s5, s6, $0xb8;
	[tilespmem:$0x1F000] =	vst v63  }
0x2b4: {  	_ =	swait.ge [sflag:s16], $0x2800  }
0x2b5: {  	s5 =	sld [smem:$0x7BF]  }
0x2b6: {  	[sflag:s16] =	ssyncset.done $0x0  }
0x2b7: {  	[sflag:s16] =	ssyncadd.s32 $0xFFFFD800  }
0x2b8: {  	[tilespmem:s14], [sflag:$0x3] =	stream.indirect.gather [hbm4b:s9+s6], $0x80, s5, s6, $0xb8;
	[tilespmem:$0x1F000] =	vst v63  }
0x2b9: {  	_ =	swait.ge [sflag:s12], $0x2800  }
0x2ba: {  	s5 =	sld [smem:$0x7C0]  }
0x2bb: {  	[sflag:s12] =	ssyncset.done $0x0  }
0x2bc: {  	[sflag:s12] =	ssyncadd.s32 $0xFFFFD800  }
0x2bd: {  	[spmem:s3] =	stream.indirect.scatter.add.f32 [tilespmem:s8], [sflag:$0x5], $0x80, s5, s6, $0xb8;
	[tilespmem:$0x1F000] =	vst v63  }
0x2be: {  	_ =	swait.ge [sflag:s11], $0x2800  }
0x2bf: {  	s5 =	sld [smem:$0x7C1]  }
0x2c0: {  	[sflag:s11] =	ssyncset.done $0x0  }
0x2c1: {  	[sflag:s11] =	ssyncadd.s32 $0xFFFFD800  }
0x2c2: {  	[tilespmem:s7], [sflag:$0x1] =	stream.indirect.gather [hbm4b:s9+s6], $0x80, s5, s6, $0xb8;
	[tilespmem:$0x1F000] =	vst v63  }
0x2c3: {  	_ =	swait.ge [sflag:s15], $0x2800  }
0x2c4: {  	s5 =	sld [smem:$0x7C2]  }
0x2c5: {  	[sflag:s15] =	ssyncset.done $0x0  }
0x2c6: {  	[sflag:s15] =	ssyncadd.s32 $0xFFFFD800  }
0x2c7: {  	[spmem:s3] =	stream.indirect.scatter.add.f32 [tilespmem:s14], [sflag:$0x6], $0x80, s5, s6, $0xb8;
	[tilespmem:$0x1F000] =	vst v63  }
0x2c8: {  	_ =	swait.ge [sflag:s13], $0x2800  }
0x2c9: {  	s5 =	sld [smem:$0x7C3]  }
0x2ca: {  	[sflag:s13] =	ssyncset.done $0x0  }
0x2cb: {  	[sflag:s13] =	ssyncadd.s32 $0xFFFFD800  }
0x2cc: {  	[tilespmem:s8], [sflag:$0x2] =	stream.indirect.gather [hbm4b:s9+s6], $0x80, s5, s6, $0xb8;
	[tilespmem:$0x1F000] =	vst v63  }
0x2cd: {  	_ =	swait.ge [sflag:s10], $0x2800  }
0x2ce: {  	s5 =	sld [smem:$0x7C4]  }
0x2cf: {  	[sflag:s10] =	ssyncset.done $0x0  }
0x2d0: {  	[sflag:s10] =	ssyncadd.s32 $0xFFFFD800  }
0x2d1: {  	[spmem:s3] =	stream.indirect.scatter.add.f32 [tilespmem:s7], [sflag:$0x4], $0x80, s5, s6, $0xb8;
	[tilespmem:$0x1F000] =	vst v63  }
0x2d2: {  	_ =	swait.ge [sflag:s16], $0x2800  }
0x2d3: {  	s5 =	sld [smem:$0x7C5]  }
0x2d4: {  	[sflag:s16] =	ssyncset.done $0x0  }
0x2d5: {  	[sflag:s16] =	ssyncadd.s32 $0xFFFFD800  }
0x2d6: {  	[tilespmem:s14], [sflag:$0x3] =	stream.indirect.gather [hbm4b:s9+s6], $0x80, s5, s6, $0xb8;
	[tilespmem:$0x1F000] =	vst v63  }
0x2d7: {  	_ =	swait.ge [sflag:s12], $0x2800  }
0x2d8: {  	s5 =	sld [smem:$0x7C6]  }
0x2d9: {  	[sflag:s12] =	ssyncset.done $0x0  }
0x2da: {  	[sflag:s12] =	ssyncadd.s32 $0xFFFFD800  }
0x2db: {  	[spmem:s3] =	stream.indirect.scatter.add.f32 [tilespmem:s8], [sflag:$0x5], $0x80, s5, s6, $0xb8;
	[tilespmem:$0x1F000] =	vst v63  }
0x2dc: {  	_ =	swait.ge [sflag:s11], $0x2800  }
0x2dd: {  	s5 =	sld [smem:$0x7C7]  }
0x2de: {  	[sflag:s11] =	ssyncset.done $0x0  }
0x2df: {  	[sflag:s11] =	ssyncadd.s32 $0xFFFFD800  }
0x2e0: {  	[tilespmem:s7], [sflag:$0x1] =	stream.indirect.gather [hbm4b:s9+s6], $0x80, s5, s6, $0xb8;
	[tilespmem:$0x1F000] =	vst v63  }
0x2e1: {  	_ =	swait.ge [sflag:s15], $0x2800  }
0x2e2: {  	s5 =	sld [smem:$0x7C8]  }
0x2e3: {  	[sflag:s15] =	ssyncset.done $0x0  }
0x2e4: {  	[sflag:s15] =	ssyncadd.s32 $0xFFFFD800  }
0x2e5: {  	[spmem:s3] =	stream.indirect.scatter.add.f32 [tilespmem:s14], [sflag:$0x6], $0x80, s5, s6, $0xb8;
	[tilespmem:$0x1F000] =	vst v63  }
0x2e6: {  	_ =	swait.ge [sflag:s13], $0x2800  }
0x2e7: {  	s5 =	sld [smem:$0x7C9]  }
0x2e8: {  	[sflag:s13] =	ssyncset.done $0x0  }
0x2e9: {  	[sflag:s13] =	ssyncadd.s32 $0xFFFFD800  }
0x2ea: {  	[tilespmem:s8], [sflag:$0x2] =	stream.indirect.gather [hbm4b:s9+s6], $0x80, s5, s6, $0xb8;
	[tilespmem:$0x1F000] =	vst v63  }
0x2eb: {  	_ =	swait.ge [sflag:s10], $0x2800  }
0x2ec: {  	s5 =	sld [smem:$0x7CA]  }
0x2ed: {  	[sflag:s10] =	ssyncset.done $0x0  }
0x2ee: {  	[sflag:s10] =	ssyncadd.s32 $0xFFFFD800  }
0x2ef: {  	[spmem:s3] =	stream.indirect.scatter.add.f32 [tilespmem:s7], [sflag:$0x4], $0x80, s5, s6, $0xb8;
	[tilespmem:$0x1F000] =	vst v63  }
0x2f0: {  	_ =	swait.ge [sflag:s16], $0x2800  }
0x2f1: {  	s5 =	sld [smem:$0x7CB]  }
0x2f2: {  	[sflag:s16] =	ssyncset.done $0x0  }
0x2f3: {  	[sflag:s16] =	ssyncadd.s32 $0xFFFFD800  }
0x2f4: {  	[tilespmem:s14], [sflag:$0x3] =	stream.indirect.gather [hbm4b:s9+s6], $0x80, s5, s6, $0xb8;
	[tilespmem:$0x1F000] =	vst v63  }
0x2f5: {  	_ =	swait.ge [sflag:s12], $0x2800  }
0x2f6: {  	s5 =	sld [smem:$0x7CC]  }
0x2f7: {  	[sflag:s12] =	ssyncset.done $0x0  }
0x2f8: {  	[sflag:s12] =	ssyncadd.s32 $0xFFFFD800  }
0x2f9: {  	[spmem:s3] =	stream.indirect.scatter.add.f32 [tilespmem:s8], [sflag:$0x5], $0x80, s5, s6, $0xb8;
	[tilespmem:$0x1F000] =	vst v63  }
0x2fa: {  	_ =	swait.ge [sflag:s11], $0x2800  }
0x2fb: {  	s5 =	sld [smem:$0x7CD]  }
0x2fc: {  	[sflag:s11] =	ssyncset.done $0x0  }
0x2fd: {  	[sflag:s11] =	ssyncadd.s32 $0xFFFFD800  }
0x2fe: {  	[tilespmem:s7], [sflag:$0x1] =	stream.indirect.gather [hbm4b:s9+s6], $0x80, s5, s6, $0xb8;
	[tilespmem:$0x1F000] =	vst v63  }
0x2ff: {  	_ =	swait.ge [sflag:s15], $0x2800  }
0x300: {  	s5 =	sld [smem:$0x7CE]  }
0x301: {  	[sflag:s15] =	ssyncset.done $0x0  }
0x302: {  	[sflag:s15] =	ssyncadd.s32 $0xFFFFD800  }
0x303: {  	[spmem:s3] =	stream.indirect.scatter.add.f32 [tilespmem:s14], [sflag:$0x6], $0x80, s5, s6, $0xb8;
	[tilespmem:$0x1F000] =	vst v63  }
0x304: {  	_ =	swait.ge [sflag:s13], $0x2800  }
0x305: {  	s5 =	sld [smem:$0x7CF]  }
0x306: {  	[sflag:s13] =	ssyncset.done $0x0  }
0x307: {  	[sflag:s13] =	ssyncadd.s32 $0xFFFFD800  }
0x308: {  	[tilespmem:s8], [sflag:$0x2] =	stream.indirect.gather [hbm4b:s9+s6], $0x80, s5, s6, $0xb8;
	[tilespmem:$0x1F000] =	vst v63  }
0x309: {  	_ =	swait.ge [sflag:s10], $0x2800  }
0x30a: {  	s5 =	sld [smem:$0x7D0]  }
0x30b: {  	[sflag:s10] =	ssyncset.done $0x0  }
0x30c: {  	[sflag:s10] =	ssyncadd.s32 $0xFFFFD800  }
0x30d: {  	[spmem:s3] =	stream.indirect.scatter.add.f32 [tilespmem:s7], [sflag:$0x4], $0x80, s5, s6, $0xb8;
	[tilespmem:$0x1F000] =	vst v63  }
0x30e: {  	_ =	swait.ge [sflag:s16], $0x2800  }
0x30f: {  	s5 =	sld [smem:$0x7D1]  }
0x310: {  	[sflag:s16] =	ssyncset.done $0x0  }
0x311: {  	[sflag:s16] =	ssyncadd.s32 $0xFFFFD800  }
0x312: {  	[tilespmem:s14], [sflag:$0x3] =	stream.indirect.gather [hbm4b:s9+s6], $0x80, s5, s6, $0xb8;
	[tilespmem:$0x1F000] =	vst v63  }
0x313: {  	_ =	swait.ge [sflag:s12], $0x2800  }
0x314: {  	s5 =	sld [smem:$0x7D2]  }
0x315: {  	[sflag:s12] =	ssyncset.done $0x0  }
0x316: {  	[sflag:s12] =	ssyncadd.s32 $0xFFFFD800  }
0x317: {  	[spmem:s3] =	stream.indirect.scatter.add.f32 [tilespmem:s8], [sflag:$0x5], $0x80, s5, s6, $0xb8;
	[tilespmem:$0x1F000] =	vst v63  }
0x318: {  	_ =	swait.ge [sflag:s11], $0x2800  }
0x319: {  	s5 =	sld [smem:$0x7D3]  }
0x31a: {  	[sflag:s11] =	ssyncset.done $0x0  }
0x31b: {  	[sflag:s11] =	ssyncadd.s32 $0xFFFFD800  }
0x31c: {  	[tilespmem:s7], [sflag:$0x1] =	stream.indirect.gather [hbm4b:s9+s6], $0x80, s5, s6, $0xb8;
	[tilespmem:$0x1F000] =	vst v63  }
0x31d: {  	_ =	swait.ge [sflag:s15], $0x2800  }
0x31e: {  	s5 =	sld [smem:$0x7D4]  }
0x31f: {  	[sflag:s15] =	ssyncset.done $0x0  }
0x320: {  	[sflag:s15] =	ssyncadd.s32 $0xFFFFD800  }
0x321: {  	[spmem:s3] =	stream.indirect.scatter.add.f32 [tilespmem:s14], [sflag:$0x6], $0x80, s5, s6, $0xb8;
	[tilespmem:$0x1F000] =	vst v63  }
0x322: {  	_ =	swait.ge [sflag:s13], $0x2800  }
0x323: {  	s5 =	sld [smem:$0x7D5]  }
0x324: {  	[sflag:s13] =	ssyncset.done $0x0  }
0x325: {  	[sflag:s13] =	ssyncadd.s32 $0xFFFFD800  }
0x326: {  	[tilespmem:s8], [sflag:$0x2] =	stream.indirect.gather [hbm4b:s9+s6], $0x80, s5, s6, $0xb8;
	[tilespmem:$0x1F000] =	vst v63  }
0x327: {  	_ =	swait.ge [sflag:s10], $0x2800  }
0x328: {  	s5 =	sld [smem:$0x7D6]  }
0x329: {  	[sflag:s10] =	ssyncset.done $0x0  }
0x32a: {  	[sflag:s10] =	ssyncadd.s32 $0xFFFFD800  }
0x32b: {  	[spmem:s3] =	stream.indirect.scatter.add.f32 [tilespmem:s7], [sflag:$0x4], $0x80, s5, s6, $0xb8;
	[tilespmem:$0x1F000] =	vst v63  }
0x32c: {  	_ =	swait.ge [sflag:s16], $0x2800  }
0x32d: {  	s5 =	sld [smem:$0x7D7]  }
0x32e: {  	[sflag:s16] =	ssyncset.done $0x0  }
0x32f: {  	[sflag:s16] =	ssyncadd.s32 $0xFFFFD800  }
0x330: {  	[tilespmem:s14], [sflag:$0x3] =	stream.indirect.gather [hbm4b:s9+s6], $0x80, s5, s6, $0xb8;
	[tilespmem:$0x1F000] =	vst v63  }
0x331: {  	_ =	swait.ge [sflag:s12], $0x2800  }
0x332: {  	s5 =	sld [smem:$0x7D8]  }
0x333: {  	[sflag:s12] =	ssyncset.done $0x0  }
0x334: {  	[sflag:s12] =	ssyncadd.s32 $0xFFFFD800  }
0x335: {  	[spmem:s3] =	stream.indirect.scatter.add.f32 [tilespmem:s8], [sflag:$0x5], $0x80, s5, s6, $0xb8;
	[tilespmem:$0x1F000] =	vst v63  }
0x336: {  	_ =	swait.ge [sflag:s11], $0x2800  }
0x337: {  	s5 =	sld [smem:$0x7D9]  }
0x338: {  	[sflag:s11] =	ssyncset.done $0x0  }
0x339: {  	[sflag:s11] =	ssyncadd.s32 $0xFFFFD800  }
0x33a: {  	[tilespmem:s7], [sflag:$0x1] =	stream.indirect.gather [hbm4b:s9+s6], $0x80, s5, s6, $0xb8;
	[tilespmem:$0x1F000] =	vst v63  }
0x33b: {  	_ =	swait.ge [sflag:s15], $0x2800  }
0x33c: {  	s5 =	sld [smem:$0x7DA]  }
0x33d: {  	[sflag:s15] =	ssyncset.done $0x0  }
0x33e: {  	[sflag:s15] =	ssyncadd.s32 $0xFFFFD800  }
0x33f: {  	[spmem:s3] =	stream.indirect.scatter.add.f32 [tilespmem:s14], [sflag:$0x6], $0x80, s5, s6, $0xb8;
	[tilespmem:$0x1F000] =	vst v63  }
0x340: {  	_ =	swait.ge [sflag:s13], $0x2800  }
0x341: {  	s5 =	sld [smem:$0x7DB]  }
0x342: {  	[sflag:s13] =	ssyncset.done $0x0  }
0x343: {  	[sflag:s13] =	ssyncadd.s32 $0xFFFFD800  }
0x344: {  	[tilespmem:s8], [sflag:$0x2] =	stream.indirect.gather [hbm4b:s9+s6], $0x80, s5, s6, $0xb8;
	[tilespmem:$0x1F000] =	vst v63  }
0x345: {  	_ =	swait.ge [sflag:s10], $0x2800  }
0x346: {  	s5 =	sld [smem:$0x7DC]  }
0x347: {  	[sflag:s10] =	ssyncset.done $0x0  }
0x348: {  	[sflag:s10] =	ssyncadd.s32 $0xFFFFD800  }
0x349: {  	[spmem:s3] =	stream.indirect.scatter.add.f32 [tilespmem:s7], [sflag:$0x4], $0x80, s5, s6, $0xb8;
	[tilespmem:$0x1F000] =	vst v63  }
0x34a: {  	_ =	swait.ge [sflag:s16], $0x2800  }
0x34b: {  	s5 =	sld [smem:$0x7DD]  }
0x34c: {  	[sflag:s16] =	ssyncset.done $0x0  }
0x34d: {  	[sflag:s16] =	ssyncadd.s32 $0xFFFFD800  }
0x34e: {  	[tilespmem:s14], [sflag:$0x3] =	stream.indirect.gather [hbm4b:s9+s6], $0x80, s5, s6, $0xb8;
	[tilespmem:$0x1F000] =	vst v63  }
0x34f: {  	_ =	swait.ge [sflag:s12], $0x2800  }
0x350: {  	s5 =	sld [smem:$0x7DE]  }
0x351: {  	[sflag:s12] =	ssyncset.done $0x0  }
0x352: {  	[sflag:s12] =	ssyncadd.s32 $0xFFFFD800  }
0x353: {  	[spmem:s3] =	stream.indirect.scatter.add.f32 [tilespmem:s8], [sflag:$0x5], $0x80, s5, s6, $0xb8;
	[tilespmem:$0x1F000] =	vst v63  }
0x354: {  	_ =	swait.ge [sflag:s11], $0x2800  }
0x355: {  	s5 =	sld [smem:$0x7DF]  }
0x356: {  	[sflag:s11] =	ssyncset.done $0x0  }
0x357: {  	[sflag:s11] =	ssyncadd.s32 $0xFFFFD800  }
0x358: {  	[tilespmem:s7], [sflag:$0x1] =	stream.indirect.gather [hbm4b:s9+s6], $0x80, s5, s6, $0xb8;
	[tilespmem:$0x1F000] =	vst v63  }
0x359: {  	_ =	swait.ge [sflag:s15], $0x2800  }
0x35a: {  	s5 =	sld [smem:$0x7E0]  }
0x35b: {  	[sflag:s15] =	ssyncset.done $0x0  }
0x35c: {  	[sflag:s15] =	ssyncadd.s32 $0xFFFFD800  }
0x35d: {  	[spmem:s3] =	stream.indirect.scatter.add.f32 [tilespmem:s14], [sflag:$0x6], $0x80, s5, s6, $0xb8;
	[tilespmem:$0x1F000] =	vst v63  }
0x35e: {  	_ =	swait.ge [sflag:s13], $0x2800  }
0x35f: {  	s5 =	sld [smem:$0x7E1]  }
0x360: {  	[sflag:s13] =	ssyncset.done $0x0  }
0x361: {  	[sflag:s13] =	ssyncadd.s32 $0xFFFFD800  }
0x362: {  	[tilespmem:s8], [sflag:$0x2] =	stream.indirect.gather [hbm4b:s9+s6], $0x80, s5, s6, $0xb8;
	[tilespmem:$0x1F000] =	vst v63  }
0x363: {  	_ =	swait.ge [sflag:s10], $0x2800  }
0x364: {  	s5 =	sld [smem:$0x7E2]  }
0x365: {  	[sflag:s10] =	ssyncset.done $0x0  }
0x366: {  	[sflag:s10] =	ssyncadd.s32 $0xFFFFD800  }
0x367: {  	[spmem:s3] =	stream.indirect.scatter.add.f32 [tilespmem:s7], [sflag:$0x4], $0x80, s5, s6, $0xb8;
	[tilespmem:$0x1F000] =	vst v63  }
0x368: {  	_ =	swait.ge [sflag:s16], $0x2800  }
0x369: {  	s5 =	sld [smem:$0x7E3]  }
0x36a: {  	[sflag:s16] =	ssyncset.done $0x0  }
0x36b: {  	[sflag:s16] =	ssyncadd.s32 $0xFFFFD800  }
0x36c: {  	[tilespmem:s14], [sflag:$0x3] =	stream.indirect.gather [hbm4b:s9+s6], $0x80, s5, s6, $0xb8;
	[tilespmem:$0x1F000] =	vst v63  }
0x36d: {  	_ =	swait.ge [sflag:s12], $0x2800  }
0x36e: {  	s5 =	sld [smem:$0x7E4]  }
0x36f: {  	[sflag:s12] =	ssyncset.done $0x0  }
0x370: {  	[sflag:s12] =	ssyncadd.s32 $0xFFFFD800  }
0x371: {  	[spmem:s3] =	stream.indirect.scatter.add.f32 [tilespmem:s8], [sflag:$0x5], $0x80, s5, s6, $0xb8;
	[tilespmem:$0x1F000] =	vst v63  }
0x372: {  	_ =	swait.ge [sflag:s11], $0x2800  }
0x373: {  	s5 =	sld [smem:$0x7E5]  }
0x374: {  	[sflag:s11] =	ssyncset.done $0x0  }
0x375: {  	[sflag:s11] =	ssyncadd.s32 $0xFFFFD800  }
0x376: {  	[tilespmem:s7], [sflag:$0x1] =	stream.indirect.gather [hbm4b:s9+s6], $0x80, s5, s6, $0xb8;
	[tilespmem:$0x1F000] =	vst v63  }
0x377: {  	_ =	swait.ge [sflag:s15], $0x2800  }
0x378: {  	s5 =	sld [smem:$0x7E6]  }
0x379: {  	[sflag:s15] =	ssyncset.done $0x0  }
0x37a: {  	[sflag:s15] =	ssyncadd.s32 $0xFFFFD800  }
0x37b: {  	[spmem:s3] =	stream.indirect.scatter.add.f32 [tilespmem:s14], [sflag:$0x6], $0x80, s5, s6, $0xb8;
	[tilespmem:$0x1F000] =	vst v63  }
0x37c: {  	_ =	swait.ge [sflag:s13], $0x2800  }
0x37d: {  	s5 =	sld [smem:$0x7E7]  }
0x37e: {  	[sflag:s13] =	ssyncset.done $0x0  }
0x37f: {  	[sflag:s13] =	ssyncadd.s32 $0xFFFFD800  }
0x380: {  	[tilespmem:s8], [sflag:$0x2] =	stream.indirect.gather [hbm4b:s9+s6], $0x80, s5, s6, $0xb8;
	[tilespmem:$0x1F000] =	vst v63  }
0x381: {  	_ =	swait.ge [sflag:s10], $0x2800  }
0x382: {  	s5 =	sld [smem:$0x7E8]  }
0x383: {  	[sflag:s10] =	ssyncset.done $0x0  }
0x384: {  	[sflag:s10] =	ssyncadd.s32 $0xFFFFD800  }
0x385: {  	[spmem:s3] =	stream.indirect.scatter.add.f32 [tilespmem:s7], [sflag:$0x4], $0x80, s5, s6, $0xb8;
	[tilespmem:$0x1F000] =	vst v63  }
0x386: {  	_ =	swait.ge [sflag:s16], $0x2800  }
0x387: {  	s5 =	sld [smem:$0x7E9]  }
0x388: {  	[sflag:s16] =	ssyncset.done $0x0  }
0x389: {  	[sflag:s16] =	ssyncadd.s32 $0xFFFFD800  }
0x38a: {  	[tilespmem:s14], [sflag:$0x3] =	stream.indirect.gather [hbm4b:s9+s6], $0x80, s5, s6, $0xb8;
	[tilespmem:$0x1F000] =	vst v63  }
0x38b: {  	_ =	swait.ge [sflag:s12], $0x2800  }
0x38c: {  	s5 =	sld [smem:$0x7EA]  }
0x38d: {  	[sflag:s12] =	ssyncset.done $0x0  }
0x38e: {  	[sflag:s12] =	ssyncadd.s32 $0xFFFFD800  }
0x38f: {  	[spmem:s3] =	stream.indirect.scatter.add.f32 [tilespmem:s8], [sflag:$0x5], $0x80, s5, s6, $0xb8;
	[tilespmem:$0x1F000] =	vst v63  }
0x390: {  	_ =	swait.ge [sflag:s11], $0x2800  }
0x391: {  	s5 =	sld [smem:$0x7EB]  }
0x392: {  	[sflag:s11] =	ssyncset.done $0x0  }
0x393: {  	[sflag:s11] =	ssyncadd.s32 $0xFFFFD800  }
0x394: {  	[tilespmem:s7], [sflag:$0x1] =	stream.indirect.gather [hbm4b:s9+s6], $0x80, s5, s6, $0xb8;
	[tilespmem:$0x1F000] =	vst v63  }
0x395: {  	_ =	swait.ge [sflag:s15], $0x2800  }
0x396: {  	s5 =	sld [smem:$0x7EC]  }
0x397: {  	[sflag:s15] =	ssyncset.done $0x0  }
0x398: {  	[sflag:s15] =	ssyncadd.s32 $0xFFFFD800  }
0x399: {  	[spmem:s3] =	stream.indirect.scatter.add.f32 [tilespmem:s14], [sflag:$0x6], $0x80, s5, s6, $0xb8;
	[tilespmem:$0x1F000] =	vst v63  }
0x39a: {  	_ =	swait.ge [sflag:s13], $0x2800  }
0x39b: {  	s5 =	sld [smem:$0x7ED]  }
0x39c: {  	[sflag:s13] =	ssyncset.done $0x0  }
0x39d: {  	[sflag:s13] =	ssyncadd.s32 $0xFFFFD800  }
0x39e: {  	[tilespmem:s8], [sflag:$0x2] =	stream.indirect.gather [hbm4b:s9+s6], $0x80, s5, s6, $0xb8;
	[tilespmem:$0x1F000] =	vst v63  }
0x39f: {  	_ =	swait.ge [sflag:s10], $0x2800  }
0x3a0: {  	s5 =	sld [smem:$0x7EE]  }
0x3a1: {  	[sflag:s10] =	ssyncset.done $0x0  }
0x3a2: {  	[sflag:s10] =	ssyncadd.s32 $0xFFFFD800  }
0x3a3: {  	[spmem:s3] =	stream.indirect.scatter.add.f32 [tilespmem:s7], [sflag:$0x4], $0x80, s5, s6, $0xb8;
	[tilespmem:$0x1F000] =	vst v63  }
0x3a4: {  	_ =	swait.ge [sflag:s16], $0x2800  }
0x3a5: {  	s5 =	sld [smem:$0x7EF]  }
0x3a6: {  	[sflag:s16] =	ssyncset.done $0x0  }
0x3a7: {  	[sflag:s16] =	ssyncadd.s32 $0xFFFFD800  }
0x3a8: {  	[tilespmem:s14], [sflag:$0x3] =	stream.indirect.gather [hbm4b:s9+s6], $0x80, s5, s6, $0xb8;
	[tilespmem:$0x1F000] =	vst v63  }
0x3a9: {  	_ =	swait.ge [sflag:s12], $0x2800  }
0x3aa: {  	s5 =	sld [smem:$0x7F0]  }
0x3ab: {  	[sflag:s12] =	ssyncset.done $0x0  }
0x3ac: {  	[sflag:s12] =	ssyncadd.s32 $0xFFFFD800  }
0x3ad: {  	[spmem:s3] =	stream.indirect.scatter.add.f32 [tilespmem:s8], [sflag:$0x5], $0x80, s5, s6, $0xb8;
	[tilespmem:$0x1F000] =	vst v63  }
0x3ae: {  	_ =	swait.ge [sflag:s11], $0x2800  }
0x3af: {  	s5 =	sld [smem:$0x7F1]  }
0x3b0: {  	[sflag:s11] =	ssyncset.done $0x0  }
0x3b1: {  	[sflag:s11] =	ssyncadd.s32 $0xFFFFD800  }
0x3b2: {  	[tilespmem:s7], [sflag:$0x1] =	stream.indirect.gather [hbm4b:s9+s6], $0x80, s5, s6, $0xb8;
	[tilespmem:$0x1F000] =	vst v63  }
0x3b3: {  	_ =	swait.ge [sflag:s15], $0x2800  }
0x3b4: {  	s5 =	sld [smem:$0x7F2]  }
0x3b5: {  	[sflag:s15] =	ssyncset.done $0x0  }
0x3b6: {  	[sflag:s15] =	ssyncadd.s32 $0xFFFFD800  }
0x3b7: {  	[spmem:s3] =	stream.indirect.scatter.add.f32 [tilespmem:s14], [sflag:$0x6], $0x80, s5, s6, $0xb8;
	[tilespmem:$0x1F000] =	vst v63  }
0x3b8: {  	_ =	swait.ge [sflag:s13], $0x2800  }
0x3b9: {  	s5 =	sld [smem:$0x7F3]  }
0x3ba: {  	[sflag:s13] =	ssyncset.done $0x0  }
0x3bb: {  	[sflag:s13] =	ssyncadd.s32 $0xFFFFD800  }
0x3bc: {  	[tilespmem:s8], [sflag:$0x2] =	stream.indirect.gather [hbm4b:s9+s6], $0x80, s5, s6, $0xb8;
	[tilespmem:$0x1F000] =	vst v63  }
0x3bd: {  	_ =	swait.ge [sflag:s10], $0x2800  }
0x3be: {  	s5 =	sld [smem:$0x7F4]  }
0x3bf: {  	[sflag:s10] =	ssyncset.done $0x0  }
0x3c0: {  	[sflag:s10] =	ssyncadd.s32 $0xFFFFD800  }
0x3c1: {  	[spmem:s3] =	stream.indirect.scatter.add.f32 [tilespmem:s7], [sflag:$0x4], $0x80, s5, s6, $0xb8;
	[tilespmem:$0x1F000] =	vst v63  }
0x3c2: {  	_ =	swait.ge [sflag:s16], $0x2800  }
0x3c3: {  	s5 =	sld [smem:$0x7F5]  }
0x3c4: {  	[sflag:s16] =	ssyncset.done $0x0  }
0x3c5: {  	[sflag:s16] =	ssyncadd.s32 $0xFFFFD800  }
0x3c6: {  	[tilespmem:s14], [sflag:$0x3] =	stream.indirect.gather [hbm4b:s9+s6], $0x80, s5, s6, $0xb8;
	[tilespmem:$0x1F000] =	vst v63  }
0x3c7: {  	_ =	swait.ge [sflag:s12], $0x2800  }
0x3c8: {  	s5 =	sld [smem:$0x7F6]  }
0x3c9: {  	[sflag:s12] =	ssyncset.done $0x0  }
0x3ca: {  	[sflag:s12] =	ssyncadd.s32 $0xFFFFD800  }
0x3cb: {  	[spmem:s3] =	stream.indirect.scatter.add.f32 [tilespmem:s8], [sflag:$0x5], $0x80, s5, s6, $0xb8;
	[tilespmem:$0x1F000] =	vst v63  }
0x3cc: {  	_ =	swait.ge [sflag:s11], $0x2800  }
0x3cd: {  	s5 =	sld [smem:$0x7F7]  }
0x3ce: {  	[sflag:s11] =	ssyncset.done $0x0  }
0x3cf: {  	[sflag:s11] =	ssyncadd.s32 $0xFFFFD800  }
0x3d0: {  	[tilespmem:s7], [sflag:$0x1] =	stream.indirect.gather [hbm4b:s9+s6], $0x80, s5, s6, $0xb8;
	[tilespmem:$0x1F000] =	vst v63  }
0x3d1: {  	_ =	swait.ge [sflag:s15], $0x2800  }
0x3d2: {  	s5 =	sld [smem:$0x7F8]  }
0x3d3: {  	[sflag:s15] =	ssyncset.done $0x0  }
0x3d4: {  	[sflag:s15] =	ssyncadd.s32 $0xFFFFD800  }
0x3d5: {  	[spmem:s3] =	stream.indirect.scatter.add.f32 [tilespmem:s14], [sflag:$0x6], $0x80, s5, s6, $0xb8;
	[tilespmem:$0x1F000] =	vst v63  }
0x3d6: {  	_ =	swait.ge [sflag:s13], $0x2800  }
0x3d7: {  	s5 =	sld [smem:$0x7F9]  }
0x3d8: {  	[sflag:s13] =	ssyncset.done $0x0  }
0x3d9: {  	[sflag:s13] =	ssyncadd.s32 $0xFFFFD800  }
0x3da: {  	[tilespmem:s8], [sflag:$0x2] =	stream.indirect.gather [hbm4b:s9+s6], $0x80, s5, s6, $0xb8;
	[tilespmem:$0x1F000] =	vst v63  }
0x3db: {  	_ =	swait.ge [sflag:s10], $0x2800  }
0x3dc: {  	s5 =	sld [smem:$0x7FA]  }
0x3dd: {  	[sflag:s10] =	ssyncset.done $0x0  }
0x3de: {  	[sflag:s10] =	ssyncadd.s32 $0xFFFFD800  }
0x3df: {  	[spmem:s3] =	stream.indirect.scatter.add.f32 [tilespmem:s7], [sflag:$0x4], $0x80, s5, s6, $0xb8;
	[tilespmem:$0x1F000] =	vst v63  }
0x3e0: {  	_ =	swait.ge [sflag:s16], $0x2800  }
0x3e1: {  	s5 =	sld [smem:$0x7FB]  }
0x3e2: {  	[sflag:s16] =	ssyncset.done $0x0  }
0x3e3: {  	[sflag:s16] =	ssyncadd.s32 $0xFFFFD800  }
0x3e4: {  	[tilespmem:s14], [sflag:$0x3] =	stream.indirect.gather [hbm4b:s9+s6], $0x80, s5, s6, $0xb8;
	[tilespmem:$0x1F000] =	vst v63  }
0x3e5: {  	_ =	swait.ge [sflag:s12], $0x2800  }
0x3e6: {  	[sflag:s12] =	ssyncset.done $0x0  }
0x3e7: {  	[sflag:s12] =	ssyncadd.s32 $0xFFFFD800  }
0x3e8: {  	[spmem:s3] =	stream.indirect.scatter.add.f32 [tilespmem:s8], [sflag:$0x5], $0x80, s20, s6, $0xb8;
	[tilespmem:$0x1F000] =	vst v63  }
0x3e9: {  	_ =	swait.ge [sflag:s11], $0x2800  }
0x3ea: {  	[sflag:s11] =	ssyncset.done $0x0  }
0x3eb: {  	[sflag:s11] =	ssyncadd.s32 $0xFFFFD800  }
0x3ec: {  	[tilespmem:s7], [sflag:$0x1] =	stream.indirect.gather [hbm4b:s9+s6], $0x80, s21, s6, $0xb8;
	[tilespmem:$0x1F000] =	vst v63  }
0x3ed: {  	_ =	swait.ge [sflag:s15], $0x2800  }
0x3ee: {  	[sflag:s15] =	ssyncset.done $0x0  }
0x3ef: {  	[sflag:s15] =	ssyncadd.s32 $0xFFFFD800  }
0x3f0: {  	[spmem:s3] =	stream.indirect.scatter.add.f32 [tilespmem:s14], [sflag:$0x6], $0x80, s22, s6, $0xb8;
	[tilespmem:$0x1F000] =	vst v63  }
0x3f1: {  	_ =	swait.ge [sflag:s13], $0x2800  }
0x3f2: {  	[sflag:s13] =	ssyncset.done $0x0  }
0x3f3: {  	[sflag:s13] =	ssyncadd.s32 $0xFFFFD800  }
0x3f4: {  	[tilespmem:s8], [sflag:$0x2] =	stream.indirect.gather [hbm4b:s9+s6], $0x80, s23, s6, $0xb8;
	[tilespmem:$0x1F000] =	vst v63  }
0x3f5: {  	_ =	swait.ge [sflag:s10], $0x2800  }
0x3f6: {  	[sflag:s10] =	ssyncset.done $0x0  }
0x3f7: {  	[sflag:s10] =	ssyncadd.s32 $0xFFFFD800  }
0x3f8: {  	[spmem:s3] =	stream.indirect.scatter.add.f32 [tilespmem:s7], [sflag:$0x4], $0x80, s25, s6, $0xb8;
	[tilespmem:$0x1F000] =	vst v63  }
0x3f9: {  	_ =	swait.ge [sflag:s16], $0x2800  }
0x3fa: {  	[sflag:s16] =	ssyncset.done $0x0  }
0x3fb: {  	[sflag:s16] =	ssyncadd.s32 $0xFFFFD800  }
0x3fc: {  	[tilespmem:s14], [sflag:$0x3] =	stream.indirect.gather [hbm4b:s9+s6], $0x80, s26, s6, $0xb8;
	[tilespmem:$0x1F000] =	vst v63  }
0x3fd: {  	_ =	swait.ge [sflag:s12], $0x2800  }
0x3fe: {  	[sflag:s12] =	ssyncset.done $0x0  }
0x3ff: {  	[sflag:s12] =	ssyncadd.s32 $0xFFFFD800  }
0x400: {  	[spmem:s3] =	stream.indirect.scatter.add.f32 [tilespmem:s8], [sflag:$0x5], $0x80, s28, s6, $0xb8;
	[tilespmem:$0x1F000] =	vst v63  }
0x401: {  	_ =	swait.ge [sflag:s11], $0x2800  }
0x402: {  	[sflag:s11] =	ssyncset.done $0x0  }
0x403: {  	[sflag:s11] =	ssyncadd.s32 $0xFFFFD800  }
0x404: {  	[tilespmem:s7], [sflag:$0x1] =	stream.indirect.gather [hbm4b:s9+s6], $0x80, s29, s6, $0xb8;
	[tilespmem:$0x1F000] =	vst v63  }
0x405: {  	_ =	swait.ge [sflag:s15], $0x2800  }
0x406: {  	[sflag:s15] =	ssyncset.done $0x0  }
0x407: {  	[sflag:s15] =	ssyncadd.s32 $0xFFFFD800  }
0x408: {  	[spmem:s3] =	stream.indirect.scatter.add.f32 [tilespmem:s14], [sflag:$0x6], $0x80, s30, s6, $0xb8;
	[tilespmem:$0x1F000] =	vst v63  }
0x409: {  	_ =	swait.ge [sflag:s13], $0x2800  }
0x40a: {  	[sflag:s13] =	ssyncset.done $0x0  }
0x40b: {  	[sflag:s13] =	ssyncadd.s32 $0xFFFFD800  }
0x40c: {  	[tilespmem:s8], [sflag:$0x2] =	stream.indirect.gather [hbm4b:s9+s6], $0x80, s0, s6, $0xb8;
	[tilespmem:$0x1F000] =	vst v63  }
0x40d: {  	_ =	swait.ge [sflag:s10], $0x2800  }
0x40e: {  	[sflag:s10] =	ssyncset.done $0x0  }
0x40f: {  	[sflag:s10] =	ssyncadd.s32 $0xFFFFD800  }
0x410: {  	[spmem:s3] =	stream.indirect.scatter.add.f32 [tilespmem:s7], [sflag:$0x4], $0x80, s24, s6, $0xb8;
	[tilespmem:$0x1F000] =	vst v63  }
0x411: {  	_ =	swait.ge [sflag:s12], $0x2800  }
0x412: {  	[sflag:s12] =	ssyncset.done $0x0  }
0x413: {  	[sflag:s12] =	ssyncadd.s32 $0xFFFFD800  }
0x414: {  	[spmem:s3] =	stream.indirect.scatter.add.f32 [tilespmem:s8], [sflag:$0x5], $0x80, s31, s6, $0xb8;
	[tilespmem:$0x1F000] =	vst v63  }
0x415: {  	_ =	swait.ge [sflag:s16], $0x2800  }
0x416: {  	[sflag:s16] =	ssyncset.done $0x0  }
0x417: {  	p1 =	sne.s32 s4, $0xE00;
	[sflag:s16] =	ssyncadd.s32 $0xFFFFD800  }
.Ltmp0:
0x418: {  	_ =	swait.ge [sflag:s11], $0x2800;
	(pc) =	sbr.rel @p1 .LBB2_1-.Ltmp0, $4  }
0x419: {  	[sflag:s11] =	ssyncset.done $0x0  }
0x41a: {  	[sflag:s11] =	ssyncadd.s32 $0xFFFFD800  }
0x41b: {  	s1 =	smov.u32 s4;
	s4 =	sadd.s32 $0x380, s4;
	_ =	swait.ge [sflag:s13], $0x2800  }
0x41c: {  	s2 =	smov.u32 s1;
	s5 =	rddreg [dreg:$0x6];
	[sflag:s13] =	ssyncset.done $0x0  }
0x41d: {  	[sflag:s13] =	ssyncadd.s32 $0xFFFFD800;
	s1 =	sadd.s32 s2, s5  }
0x41e: {  	[tilespmem:s17], [sflag:$0x7] =	stream.linear.gather [hbm4b:s1+s17], $0x1900, $0x38;
	[tilespmem:$0x1F000] =	vst v63  }
0x41f: {  	_ =	swait.ge [sflag:s19], $0x1900  }
0x420: {  	s4 =	rddreg [dreg:$0x5];
	[sflag:s19] =	ssyncset.done $0x0  }
0x421: {  	s1 =	sadd.s32 s2, s4;
	[sflag:s19] =	ssyncadd.s32 $0xFFFFE700  }
0x422: {  	[tilespmem:s18], [sflag:$0x7] =	stream.linear.gather [hbm4b:s1+s17], $0x1900, $0x38;
	[tilespmem:$0x1F000] =	vst v63  }
0x423: {  	_ =	swait.ge [sflag:s19], $0x1900  }
0x424: {  	[sflag:s19] =	ssyncset.done $0x0  }
0x425: {  	[sflag:s19] =	ssyncadd.s32 $0xFFFFE700  }
0x426: {  	[tilespmem:s7], [sflag:$0x1] =	stream.indirect.gather [hbm4b:s9+s6], $0x80, s17, s6, $0xb8;
	[tilespmem:$0x1F000] =	vst v63  }
0x427: {  	s5 =	rddreg [dreg:$0x7]  }
0x428: {  	[tilespmem:s8], [sflag:$0x2] =	stream.indirect.gather [hbm4b:s9+s6], $0x80, s5, s6, $0xb8;
	[tilespmem:$0x1F000] =	vst v63  }
0x429: {  	_ =	swait.ge [sflag:s10], $0x2800  }
0x42a: {  	[sflag:s10] =	ssyncset.done $0x0  }
0x42b: {  	[sflag:s10] =	ssyncadd.s32 $0xFFFFD800  }
0x42c: {  	[spmem:s3] =	stream.indirect.scatter.add.f32 [tilespmem:s7], [sflag:$0x4], $0x80, s18, s6, $0xb8;
	[tilespmem:$0x1F000] =	vst v63  }
0x42d: {  	s19 =	rddreg [dreg:$0x8]  }
0x42e: {  	[tilespmem:s14], [sflag:$0x3] =	stream.indirect.gather [hbm4b:s9+s6], $0x80, s19, s6, $0xb8;
	[tilespmem:$0x1F000] =	vst v63  }
0x42f: {  	_ =	swait.ge [sflag:s12], $0x2800  }
0x430: {  	[sflag:s12] =	ssyncset.done $0x0  }
0x431: {  	s2 =	rddreg [dreg:$0x9];
	[sflag:s12] =	ssyncadd.s32 $0xFFFFD800  }
0x432: {  	[spmem:s3] =	stream.indirect.scatter.add.f32 [tilespmem:s8], [sflag:$0x5], $0x80, s2, s6, $0xb8;
	[tilespmem:$0x1F000] =	vst v63  }
0x433: {  	_ =	swait.ge [sflag:s11], $0x2800  }
0x434: {  	[sflag:s11] =	ssyncset.done $0x0  }
0x435: {  	s4 =	rddreg [dreg:$0xa];
	[sflag:s11] =	ssyncadd.s32 $0xFFFFD800  }
0x436: {  	[tilespmem:s7], [sflag:$0x1] =	stream.indirect.gather [hbm4b:s9+s6], $0x80, s4, s6, $0xb8;
	[tilespmem:$0x1F000] =	vst v63  }
0x437: {  	_ =	swait.ge [sflag:s15], $0x2800  }
0x438: {  	[sflag:s15] =	ssyncset.done $0x0  }
0x439: {  	s5 =	rddreg [dreg:$0xb];
	[sflag:s15] =	ssyncadd.s32 $0xFFFFD800  }
0x43a: {  	[spmem:s3] =	stream.indirect.scatter.add.f32 [tilespmem:s14], [sflag:$0x6], $0x80, s5, s6, $0xb8;
	[tilespmem:$0x1F000] =	vst v63  }
0x43b: {  	_ =	swait.ge [sflag:s13], $0x2800  }
0x43c: {  	[sflag:s13] =	ssyncset.done $0x0  }
0x43d: {  	s17 =	rddreg [dreg:$0xc];
	[sflag:s13] =	ssyncadd.s32 $0xFFFFD800  }
0x43e: {  	[tilespmem:s8], [sflag:$0x2] =	stream.indirect.gather [hbm4b:s9+s6], $0x80, s17, s6, $0xb8;
	[tilespmem:$0x1F000] =	vst v63  }
0x43f: {  	_ =	swait.ge [sflag:s10], $0x2800  }
0x440: {  	[sflag:s10] =	ssyncset.done $0x0  }
0x441: {  	s18 =	rddreg [dreg:$0xd];
	[sflag:s10] =	ssyncadd.s32 $0xFFFFD800  }
0x442: {  	[spmem:s3] =	stream.indirect.scatter.add.f32 [tilespmem:s7], [sflag:$0x4], $0x80, s18, s6, $0xb8;
	[tilespmem:$0x1F000] =	vst v63  }
0x443: {  	_ =	swait.ge [sflag:s16], $0x2800  }
0x444: {  	[sflag:s16] =	ssyncset.done $0x0  }
0x445: {  	s19 =	rddreg [dreg:$0xe];
	[sflag:s16] =	ssyncadd.s32 $0xFFFFD800  }
0x446: {  	[tilespmem:s14], [sflag:$0x3] =	stream.indirect.gather [hbm4b:s9+s6], $0x80, s19, s6, $0xb8;
	[tilespmem:$0x1F000] =	vst v63  }
0x447: {  	_ =	swait.ge [sflag:s12], $0x2800  }
0x448: {  	[sflag:s12] =	ssyncset.done $0x0  }
0x449: {  	s2 =	rddreg [dreg:$0xf];
	[sflag:s12] =	ssyncadd.s32 $0xFFFFD800  }
0x44a: {  	[spmem:s3] =	stream.indirect.scatter.add.f32 [tilespmem:s8], [sflag:$0x5], $0x80, s2, s6, $0xb8;
	[tilespmem:$0x1F000] =	vst v63  }
0x44b: {  	_ =	swait.ge [sflag:s11], $0x2800  }
0x44c: {  	[sflag:s11] =	ssyncset.done $0x0  }
0x44d: {  	s4 =	rddreg [dreg:$0x10];
	[sflag:s11] =	ssyncadd.s32 $0xFFFFD800  }
0x44e: {  	[tilespmem:s7], [sflag:$0x1] =	stream.indirect.gather [hbm4b:s9+s6], $0x80, s4, s6, $0xb8;
	[tilespmem:$0x1F000] =	vst v63  }
0x44f: {  	_ =	swait.ge [sflag:s15], $0x2800  }
0x450: {  	[sflag:s15] =	ssyncset.done $0x0  }
0x451: {  	s5 =	rddreg [dreg:$0x11];
	[sflag:s15] =	ssyncadd.s32 $0xFFFFD800  }
0x452: {  	[spmem:s3] =	stream.indirect.scatter.add.f32 [tilespmem:s14], [sflag:$0x6], $0x80, s5, s6, $0xb8;
	[tilespmem:$0x1F000] =	vst v63  }
0x453: {  	_ =	swait.ge [sflag:s13], $0x2800  }
0x454: {  	[sflag:s13] =	ssyncset.done $0x0  }
0x455: {  	s17 =	rddreg [dreg:$0x12];
	[sflag:s13] =	ssyncadd.s32 $0xFFFFD800  }
0x456: {  	[tilespmem:s8], [sflag:$0x2] =	stream.indirect.gather [hbm4b:s9+s6], $0x80, s17, s6, $0xb8;
	[tilespmem:$0x1F000] =	vst v63  }
0x457: {  	_ =	swait.ge [sflag:s10], $0x2800  }
0x458: {  	[sflag:s10] =	ssyncset.done $0x0  }
0x459: {  	s18 =	rddreg [dreg:$0x13];
	[sflag:s10] =	ssyncadd.s32 $0xFFFFD800  }
0x45a: {  	[spmem:s3] =	stream.indirect.scatter.add.f32 [tilespmem:s7], [sflag:$0x4], $0x80, s18, s6, $0xb8;
	[tilespmem:$0x1F000] =	vst v63  }
0x45b: {  	_ =	swait.ge [sflag:s16], $0x2800  }
0x45c: {  	[sflag:s16] =	ssyncset.done $0x0  }
0x45d: {  	s19 =	rddreg [dreg:$0x14];
	[sflag:s16] =	ssyncadd.s32 $0xFFFFD800  }
0x45e: {  	[tilespmem:s14], [sflag:$0x3] =	stream.indirect.gather [hbm4b:s9+s6], $0x80, s19, s6, $0xb8;
	[tilespmem:$0x1F000] =	vst v63  }
0x45f: {  	_ =	swait.ge [sflag:s12], $0x2800  }
0x460: {  	[sflag:s12] =	ssyncset.done $0x0  }
0x461: {  	s2 =	rddreg [dreg:$0x15];
	[sflag:s12] =	ssyncadd.s32 $0xFFFFD800  }
0x462: {  	[spmem:s3] =	stream.indirect.scatter.add.f32 [tilespmem:s8], [sflag:$0x5], $0x80, s2, s6, $0xb8;
	[tilespmem:$0x1F000] =	vst v63  }
0x463: {  	_ =	swait.ge [sflag:s11], $0x2800  }
0x464: {  	[sflag:s11] =	ssyncset.done $0x0  }
0x465: {  	s4 =	rddreg [dreg:$0x16];
	[sflag:s11] =	ssyncadd.s32 $0xFFFFD800  }
0x466: {  	[tilespmem:s7], [sflag:$0x1] =	stream.indirect.gather [hbm4b:s9+s6], $0x80, s4, s6, $0xb8;
	[tilespmem:$0x1F000] =	vst v63  }
0x467: {  	_ =	swait.ge [sflag:s15], $0x2800  }
0x468: {  	[sflag:s15] =	ssyncset.done $0x0  }
0x469: {  	s5 =	rddreg [dreg:$0x17];
	[sflag:s15] =	ssyncadd.s32 $0xFFFFD800  }
0x46a: {  	[spmem:s3] =	stream.indirect.scatter.add.f32 [tilespmem:s14], [sflag:$0x6], $0x80, s5, s6, $0xb8;
	[tilespmem:$0x1F000] =	vst v63  }
0x46b: {  	_ =	swait.ge [sflag:s13], $0x2800  }
0x46c: {  	[sflag:s13] =	ssyncset.done $0x0  }
0x46d: {  	s17 =	rddreg [dreg:$0x18];
	[sflag:s13] =	ssyncadd.s32 $0xFFFFD800  }
0x46e: {  	[tilespmem:s8], [sflag:$0x2] =	stream.indirect.gather [hbm4b:s9+s6], $0x80, s17, s6, $0xb8;
	[tilespmem:$0x1F000] =	vst v63  }
0x46f: {  	_ =	swait.ge [sflag:s10], $0x2800  }
0x470: {  	[sflag:s10] =	ssyncset.done $0x0  }
0x471: {  	s18 =	rddreg [dreg:$0x19];
	[sflag:s10] =	ssyncadd.s32 $0xFFFFD800  }
0x472: {  	[spmem:s3] =	stream.indirect.scatter.add.f32 [tilespmem:s7], [sflag:$0x4], $0x80, s18, s6, $0xb8;
	[tilespmem:$0x1F000] =	vst v63  }
0x473: {  	_ =	swait.ge [sflag:s16], $0x2800  }
0x474: {  	[sflag:s16] =	ssyncset.done $0x0  }
0x475: {  	s19 =	rddreg [dreg:$0x1a];
	[sflag:s16] =	ssyncadd.s32 $0xFFFFD800  }
0x476: {  	[tilespmem:s14], [sflag:$0x3] =	stream.indirect.gather [hbm4b:s9+s6], $0x80, s19, s6, $0xb8;
	[tilespmem:$0x1F000] =	vst v63  }
0x477: {  	_ =	swait.ge [sflag:s12], $0x2800  }
0x478: {  	[sflag:s12] =	ssyncset.done $0x0  }
0x479: {  	s2 =	rddreg [dreg:$0x1b];
	[sflag:s12] =	ssyncadd.s32 $0xFFFFD800  }
0x47a: {  	[spmem:s3] =	stream.indirect.scatter.add.f32 [tilespmem:s8], [sflag:$0x5], $0x80, s2, s6, $0xb8;
	[tilespmem:$0x1F000] =	vst v63  }
0x47b: {  	_ =	swait.ge [sflag:s11], $0x2800  }
0x47c: {  	[sflag:s11] =	ssyncset.done $0x0  }
0x47d: {  	s4 =	rddreg [dreg:$0x1c];
	[sflag:s11] =	ssyncadd.s32 $0xFFFFD800  }
0x47e: {  	[tilespmem:s7], [sflag:$0x1] =	stream.indirect.gather [hbm4b:s9+s6], $0x80, s4, s6, $0xb8;
	[tilespmem:$0x1F000] =	vst v63  }
0x47f: {  	_ =	swait.ge [sflag:s15], $0x2800  }
0x480: {  	[sflag:s15] =	ssyncset.done $0x0  }
0x481: {  	s5 =	rddreg [dreg:$0x1d];
	[sflag:s15] =	ssyncadd.s32 $0xFFFFD800  }
0x482: {  	[spmem:s3] =	stream.indirect.scatter.add.f32 [tilespmem:s14], [sflag:$0x6], $0x80, s5, s6, $0xb8;
	[tilespmem:$0x1F000] =	vst v63  }
0x483: {  	_ =	swait.ge [sflag:s13], $0x2800  }
0x484: {  	[sflag:s13] =	ssyncset.done $0x0  }
0x485: {  	s17 =	rddreg [dreg:$0x1e];
	[sflag:s13] =	ssyncadd.s32 $0xFFFFD800  }
0x486: {  	[tilespmem:s8], [sflag:$0x2] =	stream.indirect.gather [hbm4b:s9+s6], $0x80, s17, s6, $0xb8;
	[tilespmem:$0x1F000] =	vst v63  }
0x487: {  	_ =	swait.ge [sflag:s10], $0x2800  }
0x488: {  	[sflag:s10] =	ssyncset.done $0x0  }
0x489: {  	s18 =	rddreg [dreg:$0x1f];
	[sflag:s10] =	ssyncadd.s32 $0xFFFFD800  }
0x48a: {  	[spmem:s3] =	stream.indirect.scatter.add.f32 [tilespmem:s7], [sflag:$0x4], $0x80, s18, s6, $0xb8;
	[tilespmem:$0x1F000] =	vst v63  }
0x48b: {  	_ =	swait.ge [sflag:s16], $0x2800  }
0x48c: {  	s19 =	sld [smem:$0x7BF]  }
0x48d: {  	[sflag:s16] =	ssyncset.done $0x0  }
0x48e: {  	[sflag:s16] =	ssyncadd.s32 $0xFFFFD800  }
0x48f: {  	[tilespmem:s14], [sflag:$0x3] =	stream.indirect.gather [hbm4b:s9+s6], $0x80, s19, s6, $0xb8;
	[tilespmem:$0x1F000] =	vst v63  }
0x490: {  	_ =	swait.ge [sflag:s12], $0x2800  }
0x491: {  	s2 =	sld [smem:$0x7C0]  }
0x492: {  	[sflag:s12] =	ssyncset.done $0x0  }
0x493: {  	[sflag:s12] =	ssyncadd.s32 $0xFFFFD800  }
0x494: {  	[spmem:s3] =	stream.indirect.scatter.add.f32 [tilespmem:s8], [sflag:$0x5], $0x80, s2, s6, $0xb8;
	[tilespmem:$0x1F000] =	vst v63  }
0x495: {  	_ =	swait.ge [sflag:s11], $0x2800  }
0x496: {  	s4 =	sld [smem:$0x7C1]  }
0x497: {  	[sflag:s11] =	ssyncset.done $0x0  }
0x498: {  	[sflag:s11] =	ssyncadd.s32 $0xFFFFD800  }
0x499: {  	[tilespmem:s7], [sflag:$0x1] =	stream.indirect.gather [hbm4b:s9+s6], $0x80, s4, s6, $0xb8;
	[tilespmem:$0x1F000] =	vst v63  }
0x49a: {  	_ =	swait.ge [sflag:s15], $0x2800  }
0x49b: {  	s5 =	sld [smem:$0x7C2]  }
0x49c: {  	[sflag:s15] =	ssyncset.done $0x0  }
0x49d: {  	[sflag:s15] =	ssyncadd.s32 $0xFFFFD800  }
0x49e: {  	[spmem:s3] =	stream.indirect.scatter.add.f32 [tilespmem:s14], [sflag:$0x6], $0x80, s5, s6, $0xb8;
	[tilespmem:$0x1F000] =	vst v63  }
0x49f: {  	_ =	swait.ge [sflag:s13], $0x2800  }
0x4a0: {  	s17 =	sld [smem:$0x7C3]  }
0x4a1: {  	[sflag:s13] =	ssyncset.done $0x0  }
0x4a2: {  	[sflag:s13] =	ssyncadd.s32 $0xFFFFD800  }
0x4a3: {  	[tilespmem:s8], [sflag:$0x2] =	stream.indirect.gather [hbm4b:s9+s6], $0x80, s17, s6, $0xb8;
	[tilespmem:$0x1F000] =	vst v63  }
0x4a4: {  	_ =	swait.ge [sflag:s10], $0x2800  }
0x4a5: {  	s18 =	sld [smem:$0x7C4]  }
0x4a6: {  	[sflag:s10] =	ssyncset.done $0x0  }
0x4a7: {  	[sflag:s10] =	ssyncadd.s32 $0xFFFFD800  }
0x4a8: {  	[spmem:s3] =	stream.indirect.scatter.add.f32 [tilespmem:s7], [sflag:$0x4], $0x80, s18, s6, $0xb8;
	[tilespmem:$0x1F000] =	vst v63  }
0x4a9: {  	_ =	swait.ge [sflag:s16], $0x2800  }
0x4aa: {  	s19 =	sld [smem:$0x7C5]  }
0x4ab: {  	[sflag:s16] =	ssyncset.done $0x0  }
0x4ac: {  	[sflag:s16] =	ssyncadd.s32 $0xFFFFD800  }
0x4ad: {  	[tilespmem:s14], [sflag:$0x3] =	stream.indirect.gather [hbm4b:s9+s6], $0x80, s19, s6, $0xb8;
	[tilespmem:$0x1F000] =	vst v63  }
0x4ae: {  	_ =	swait.ge [sflag:s12], $0x2800  }
0x4af: {  	s2 =	sld [smem:$0x7C6]  }
0x4b0: {  	[sflag:s12] =	ssyncset.done $0x0  }
0x4b1: {  	[sflag:s12] =	ssyncadd.s32 $0xFFFFD800  }
0x4b2: {  	[spmem:s3] =	stream.indirect.scatter.add.f32 [tilespmem:s8], [sflag:$0x5], $0x80, s2, s6, $0xb8;
	[tilespmem:$0x1F000] =	vst v63  }
0x4b3: {  	_ =	swait.ge [sflag:s11], $0x2800  }
0x4b4: {  	s4 =	sld [smem:$0x7C7]  }
0x4b5: {  	[sflag:s11] =	ssyncset.done $0x0  }
0x4b6: {  	[sflag:s11] =	ssyncadd.s32 $0xFFFFD800  }
0x4b7: {  	[tilespmem:s7], [sflag:$0x1] =	stream.indirect.gather [hbm4b:s9+s6], $0x80, s4, s6, $0xb8;
	[tilespmem:$0x1F000] =	vst v63  }
0x4b8: {  	_ =	swait.ge [sflag:s15], $0x2800  }
0x4b9: {  	s5 =	sld [smem:$0x7C8]  }
0x4ba: {  	[sflag:s15] =	ssyncset.done $0x0  }
0x4bb: {  	[sflag:s15] =	ssyncadd.s32 $0xFFFFD800  }
0x4bc: {  	[spmem:s3] =	stream.indirect.scatter.add.f32 [tilespmem:s14], [sflag:$0x6], $0x80, s5, s6, $0xb8;
	[tilespmem:$0x1F000] =	vst v63  }
0x4bd: {  	_ =	swait.ge [sflag:s13], $0x2800  }
0x4be: {  	s17 =	sld [smem:$0x7C9]  }
0x4bf: {  	[sflag:s13] =	ssyncset.done $0x0  }
0x4c0: {  	[sflag:s13] =	ssyncadd.s32 $0xFFFFD800  }
0x4c1: {  	[tilespmem:s8], [sflag:$0x2] =	stream.indirect.gather [hbm4b:s9+s6], $0x80, s17, s6, $0xb8;
	[tilespmem:$0x1F000] =	vst v63  }
0x4c2: {  	_ =	swait.ge [sflag:s10], $0x2800  }
0x4c3: {  	s18 =	sld [smem:$0x7CA]  }
0x4c4: {  	[sflag:s10] =	ssyncset.done $0x0  }
0x4c5: {  	[sflag:s10] =	ssyncadd.s32 $0xFFFFD800  }
0x4c6: {  	[spmem:s3] =	stream.indirect.scatter.add.f32 [tilespmem:s7], [sflag:$0x4], $0x80, s18, s6, $0xb8;
	[tilespmem:$0x1F000] =	vst v63  }
0x4c7: {  	_ =	swait.ge [sflag:s16], $0x2800  }
0x4c8: {  	s19 =	sld [smem:$0x7CB]  }
0x4c9: {  	[sflag:s16] =	ssyncset.done $0x0  }
0x4ca: {  	[sflag:s16] =	ssyncadd.s32 $0xFFFFD800  }
0x4cb: {  	[tilespmem:s14], [sflag:$0x3] =	stream.indirect.gather [hbm4b:s9+s6], $0x80, s19, s6, $0xb8;
	[tilespmem:$0x1F000] =	vst v63  }
0x4cc: {  	_ =	swait.ge [sflag:s12], $0x2800  }
0x4cd: {  	s2 =	sld [smem:$0x7CC]  }
0x4ce: {  	[sflag:s12] =	ssyncset.done $0x0  }
0x4cf: {  	[sflag:s12] =	ssyncadd.s32 $0xFFFFD800  }
0x4d0: {  	[spmem:s3] =	stream.indirect.scatter.add.f32 [tilespmem:s8], [sflag:$0x5], $0x80, s2, s6, $0xb8;
	[tilespmem:$0x1F000] =	vst v63  }
0x4d1: {  	_ =	swait.ge [sflag:s11], $0x2800  }
0x4d2: {  	s4 =	sld [smem:$0x7CD]  }
0x4d3: {  	[sflag:s11] =	ssyncset.done $0x0  }
0x4d4: {  	[sflag:s11] =	ssyncadd.s32 $0xFFFFD800  }
0x4d5: {  	[tilespmem:s7], [sflag:$0x1] =	stream.indirect.gather [hbm4b:s9+s6], $0x80, s4, s6, $0xb8;
	[tilespmem:$0x1F000] =	vst v63  }
0x4d6: {  	_ =	swait.ge [sflag:s15], $0x2800  }
0x4d7: {  	s5 =	sld [smem:$0x7CE]  }
0x4d8: {  	[sflag:s15] =	ssyncset.done $0x0  }
0x4d9: {  	[sflag:s15] =	ssyncadd.s32 $0xFFFFD800  }
0x4da: {  	[spmem:s3] =	stream.indirect.scatter.add.f32 [tilespmem:s14], [sflag:$0x6], $0x80, s5, s6, $0xb8;
	[tilespmem:$0x1F000] =	vst v63  }
0x4db: {  	_ =	swait.ge [sflag:s13], $0x2800  }
0x4dc: {  	s17 =	sld [smem:$0x7CF]  }
0x4dd: {  	[sflag:s13] =	ssyncset.done $0x0  }
0x4de: {  	[sflag:s13] =	ssyncadd.s32 $0xFFFFD800  }
0x4df: {  	[tilespmem:s8], [sflag:$0x2] =	stream.indirect.gather [hbm4b:s9+s6], $0x80, s17, s6, $0xb8;
	[tilespmem:$0x1F000] =	vst v63  }
0x4e0: {  	_ =	swait.ge [sflag:s10], $0x2800  }
0x4e1: {  	s18 =	sld [smem:$0x7D0]  }
0x4e2: {  	[sflag:s10] =	ssyncset.done $0x0  }
0x4e3: {  	[sflag:s10] =	ssyncadd.s32 $0xFFFFD800  }
0x4e4: {  	[spmem:s3] =	stream.indirect.scatter.add.f32 [tilespmem:s7], [sflag:$0x4], $0x80, s18, s6, $0xb8;
	[tilespmem:$0x1F000] =	vst v63  }
0x4e5: {  	_ =	swait.ge [sflag:s16], $0x2800  }
0x4e6: {  	s19 =	sld [smem:$0x7D1]  }
0x4e7: {  	[sflag:s16] =	ssyncset.done $0x0  }
0x4e8: {  	[sflag:s16] =	ssyncadd.s32 $0xFFFFD800  }
0x4e9: {  	[tilespmem:s14], [sflag:$0x3] =	stream.indirect.gather [hbm4b:s9+s6], $0x80, s19, s6, $0xb8;
	[tilespmem:$0x1F000] =	vst v63  }
0x4ea: {  	_ =	swait.ge [sflag:s12], $0x2800  }
0x4eb: {  	s2 =	sld [smem:$0x7D2]  }
0x4ec: {  	[sflag:s12] =	ssyncset.done $0x0  }
0x4ed: {  	[sflag:s12] =	ssyncadd.s32 $0xFFFFD800  }
0x4ee: {  	[spmem:s3] =	stream.indirect.scatter.add.f32 [tilespmem:s8], [sflag:$0x5], $0x80, s2, s6, $0xb8;
	[tilespmem:$0x1F000] =	vst v63  }
0x4ef: {  	_ =	swait.ge [sflag:s11], $0x2800  }
0x4f0: {  	s4 =	sld [smem:$0x7D3]  }
0x4f1: {  	[sflag:s11] =	ssyncset.done $0x0  }
0x4f2: {  	[sflag:s11] =	ssyncadd.s32 $0xFFFFD800  }
0x4f3: {  	[tilespmem:s7], [sflag:$0x1] =	stream.indirect.gather [hbm4b:s9+s6], $0x80, s4, s6, $0xb8;
	[tilespmem:$0x1F000] =	vst v63  }
0x4f4: {  	_ =	swait.ge [sflag:s15], $0x2800  }
0x4f5: {  	s5 =	sld [smem:$0x7D4]  }
0x4f6: {  	[sflag:s15] =	ssyncset.done $0x0  }
0x4f7: {  	[sflag:s15] =	ssyncadd.s32 $0xFFFFD800  }
0x4f8: {  	[spmem:s3] =	stream.indirect.scatter.add.f32 [tilespmem:s14], [sflag:$0x6], $0x80, s5, s6, $0xb8;
	[tilespmem:$0x1F000] =	vst v63  }
0x4f9: {  	_ =	swait.ge [sflag:s13], $0x2800  }
0x4fa: {  	s17 =	sld [smem:$0x7D5]  }
0x4fb: {  	[sflag:s13] =	ssyncset.done $0x0  }
0x4fc: {  	[sflag:s13] =	ssyncadd.s32 $0xFFFFD800  }
0x4fd: {  	[tilespmem:s8], [sflag:$0x2] =	stream.indirect.gather [hbm4b:s9+s6], $0x80, s17, s6, $0xb8;
	[tilespmem:$0x1F000] =	vst v63  }
0x4fe: {  	_ =	swait.ge [sflag:s10], $0x2800  }
0x4ff: {  	s18 =	sld [smem:$0x7D6]  }
0x500: {  	[sflag:s10] =	ssyncset.done $0x0  }
0x501: {  	[sflag:s10] =	ssyncadd.s32 $0xFFFFD800  }
0x502: {  	[spmem:s3] =	stream.indirect.scatter.add.f32 [tilespmem:s7], [sflag:$0x4], $0x80, s18, s6, $0xb8;
	[tilespmem:$0x1F000] =	vst v63  }
0x503: {  	_ =	swait.ge [sflag:s16], $0x2800  }
0x504: {  	s19 =	sld [smem:$0x7D7]  }
0x505: {  	[sflag:s16] =	ssyncset.done $0x0  }
0x506: {  	[sflag:s16] =	ssyncadd.s32 $0xFFFFD800  }
0x507: {  	[tilespmem:s14], [sflag:$0x3] =	stream.indirect.gather [hbm4b:s9+s6], $0x80, s19, s6, $0xb8;
	[tilespmem:$0x1F000] =	vst v63  }
0x508: {  	_ =	swait.ge [sflag:s12], $0x2800  }
0x509: {  	s2 =	sld [smem:$0x7D8]  }
0x50a: {  	[sflag:s12] =	ssyncset.done $0x0  }
0x50b: {  	[sflag:s12] =	ssyncadd.s32 $0xFFFFD800  }
0x50c: {  	[spmem:s3] =	stream.indirect.scatter.add.f32 [tilespmem:s8], [sflag:$0x5], $0x80, s2, s6, $0xb8;
	[tilespmem:$0x1F000] =	vst v63  }
0x50d: {  	_ =	swait.ge [sflag:s11], $0x2800  }
0x50e: {  	s4 =	sld [smem:$0x7D9]  }
0x50f: {  	[sflag:s11] =	ssyncset.done $0x0  }
0x510: {  	[sflag:s11] =	ssyncadd.s32 $0xFFFFD800  }
0x511: {  	[tilespmem:s7], [sflag:$0x1] =	stream.indirect.gather [hbm4b:s9+s6], $0x80, s4, s6, $0xb8;
	[tilespmem:$0x1F000] =	vst v63  }
0x512: {  	_ =	swait.ge [sflag:s15], $0x2800  }
0x513: {  	s5 =	sld [smem:$0x7DA]  }
0x514: {  	[sflag:s15] =	ssyncset.done $0x0  }
0x515: {  	[sflag:s15] =	ssyncadd.s32 $0xFFFFD800  }
0x516: {  	[spmem:s3] =	stream.indirect.scatter.add.f32 [tilespmem:s14], [sflag:$0x6], $0x80, s5, s6, $0xb8;
	[tilespmem:$0x1F000] =	vst v63  }
0x517: {  	_ =	swait.ge [sflag:s13], $0x2800  }
0x518: {  	s17 =	sld [smem:$0x7DB]  }
0x519: {  	[sflag:s13] =	ssyncset.done $0x0  }
0x51a: {  	[sflag:s13] =	ssyncadd.s32 $0xFFFFD800  }
0x51b: {  	[tilespmem:s8], [sflag:$0x2] =	stream.indirect.gather [hbm4b:s9+s6], $0x80, s17, s6, $0xb8;
	[tilespmem:$0x1F000] =	vst v63  }
0x51c: {  	_ =	swait.ge [sflag:s10], $0x2800  }
0x51d: {  	s18 =	sld [smem:$0x7DC]  }
0x51e: {  	[sflag:s10] =	ssyncset.done $0x0  }
0x51f: {  	[sflag:s10] =	ssyncadd.s32 $0xFFFFD800  }
0x520: {  	[spmem:s3] =	stream.indirect.scatter.add.f32 [tilespmem:s7], [sflag:$0x4], $0x80, s18, s6, $0xb8;
	[tilespmem:$0x1F000] =	vst v63  }
0x521: {  	_ =	swait.ge [sflag:s16], $0x2800  }
0x522: {  	s19 =	sld [smem:$0x7DD]  }
0x523: {  	[sflag:s16] =	ssyncset.done $0x0  }
0x524: {  	[sflag:s16] =	ssyncadd.s32 $0xFFFFD800  }
0x525: {  	[tilespmem:s14], [sflag:$0x3] =	stream.indirect.gather [hbm4b:s9+s6], $0x80, s19, s6, $0xb8;
	[tilespmem:$0x1F000] =	vst v63  }
0x526: {  	_ =	swait.ge [sflag:s12], $0x2800  }
0x527: {  	s2 =	sld [smem:$0x7DE]  }
0x528: {  	[sflag:s12] =	ssyncset.done $0x0  }
0x529: {  	[sflag:s12] =	ssyncadd.s32 $0xFFFFD800  }
0x52a: {  	[spmem:s3] =	stream.indirect.scatter.add.f32 [tilespmem:s8], [sflag:$0x5], $0x80, s2, s6, $0xb8;
	[tilespmem:$0x1F000] =	vst v63  }
0x52b: {  	_ =	swait.ge [sflag:s11], $0x2800  }
0x52c: {  	s4 =	sld [smem:$0x7DF]  }
0x52d: {  	[sflag:s11] =	ssyncset.done $0x0  }
0x52e: {  	[sflag:s11] =	ssyncadd.s32 $0xFFFFD800  }
0x52f: {  	[tilespmem:s7], [sflag:$0x1] =	stream.indirect.gather [hbm4b:s9+s6], $0x80, s4, s6, $0xb8;
	[tilespmem:$0x1F000] =	vst v63  }
0x530: {  	_ =	swait.ge [sflag:s15], $0x2800  }
0x531: {  	s5 =	sld [smem:$0x7E0]  }
0x532: {  	[sflag:s15] =	ssyncset.done $0x0  }
0x533: {  	[sflag:s15] =	ssyncadd.s32 $0xFFFFD800  }
0x534: {  	[spmem:s3] =	stream.indirect.scatter.add.f32 [tilespmem:s14], [sflag:$0x6], $0x80, s5, s6, $0xb8;
	[tilespmem:$0x1F000] =	vst v63  }
0x535: {  	_ =	swait.ge [sflag:s13], $0x2800  }
0x536: {  	s17 =	sld [smem:$0x7E1]  }
0x537: {  	[sflag:s13] =	ssyncset.done $0x0  }
0x538: {  	[sflag:s13] =	ssyncadd.s32 $0xFFFFD800  }
0x539: {  	[tilespmem:s8], [sflag:$0x2] =	stream.indirect.gather [hbm4b:s9+s6], $0x80, s17, s6, $0xb8;
	[tilespmem:$0x1F000] =	vst v63  }
0x53a: {  	_ =	swait.ge [sflag:s10], $0x2800  }
0x53b: {  	s18 =	sld [smem:$0x7E2]  }
0x53c: {  	[sflag:s10] =	ssyncset.done $0x0  }
0x53d: {  	[sflag:s10] =	ssyncadd.s32 $0xFFFFD800  }
0x53e: {  	[spmem:s3] =	stream.indirect.scatter.add.f32 [tilespmem:s7], [sflag:$0x4], $0x80, s18, s6, $0xb8;
	[tilespmem:$0x1F000] =	vst v63  }
0x53f: {  	_ =	swait.ge [sflag:s16], $0x2800  }
0x540: {  	s19 =	sld [smem:$0x7E3]  }
0x541: {  	[sflag:s16] =	ssyncset.done $0x0  }
0x542: {  	[sflag:s16] =	ssyncadd.s32 $0xFFFFD800  }
0x543: {  	[tilespmem:s14], [sflag:$0x3] =	stream.indirect.gather [hbm4b:s9+s6], $0x80, s19, s6, $0xb8;
	[tilespmem:$0x1F000] =	vst v63  }
0x544: {  	_ =	swait.ge [sflag:s12], $0x2800  }
0x545: {  	s2 =	sld [smem:$0x7E4]  }
0x546: {  	[sflag:s12] =	ssyncset.done $0x0  }
0x547: {  	[sflag:s12] =	ssyncadd.s32 $0xFFFFD800  }
0x548: {  	[spmem:s3] =	stream.indirect.scatter.add.f32 [tilespmem:s8], [sflag:$0x5], $0x80, s2, s6, $0xb8;
	[tilespmem:$0x1F000] =	vst v63  }
0x549: {  	_ =	swait.ge [sflag:s11], $0x2800  }
0x54a: {  	s4 =	sld [smem:$0x7E5]  }
0x54b: {  	[sflag:s11] =	ssyncset.done $0x0  }
0x54c: {  	[sflag:s11] =	ssyncadd.s32 $0xFFFFD800  }
0x54d: {  	[tilespmem:s7], [sflag:$0x1] =	stream.indirect.gather [hbm4b:s9+s6], $0x80, s4, s6, $0xb8;
	[tilespmem:$0x1F000] =	vst v63  }
0x54e: {  	_ =	swait.ge [sflag:s15], $0x2800  }
0x54f: {  	s5 =	sld [smem:$0x7E6]  }
0x550: {  	[sflag:s15] =	ssyncset.done $0x0  }
0x551: {  	[sflag:s15] =	ssyncadd.s32 $0xFFFFD800  }
0x552: {  	[spmem:s3] =	stream.indirect.scatter.add.f32 [tilespmem:s14], [sflag:$0x6], $0x80, s5, s6, $0xb8;
	[tilespmem:$0x1F000] =	vst v63  }
0x553: {  	_ =	swait.ge [sflag:s13], $0x2800  }
0x554: {  	s17 =	sld [smem:$0x7E7]  }
0x555: {  	[sflag:s13] =	ssyncset.done $0x0  }
0x556: {  	[sflag:s13] =	ssyncadd.s32 $0xFFFFD800  }
0x557: {  	[tilespmem:s8], [sflag:$0x2] =	stream.indirect.gather [hbm4b:s9+s6], $0x80, s17, s6, $0xb8;
	[tilespmem:$0x1F000] =	vst v63  }
0x558: {  	_ =	swait.ge [sflag:s10], $0x2800  }
0x559: {  	s18 =	sld [smem:$0x7E8]  }
0x55a: {  	[sflag:s10] =	ssyncset.done $0x0  }
0x55b: {  	[sflag:s10] =	ssyncadd.s32 $0xFFFFD800  }
0x55c: {  	[spmem:s3] =	stream.indirect.scatter.add.f32 [tilespmem:s7], [sflag:$0x4], $0x80, s18, s6, $0xb8;
	[tilespmem:$0x1F000] =	vst v63  }
0x55d: {  	_ =	swait.ge [sflag:s16], $0x2800  }
0x55e: {  	s19 =	sld [smem:$0x7E9]  }
0x55f: {  	[sflag:s16] =	ssyncset.done $0x0  }
0x560: {  	[sflag:s16] =	ssyncadd.s32 $0xFFFFD800  }
0x561: {  	[tilespmem:s14], [sflag:$0x3] =	stream.indirect.gather [hbm4b:s9+s6], $0x80, s19, s6, $0xb8;
	[tilespmem:$0x1F000] =	vst v63  }
0x562: {  	_ =	swait.ge [sflag:s12], $0x2800  }
0x563: {  	s2 =	sld [smem:$0x7EA]  }
0x564: {  	[sflag:s12] =	ssyncset.done $0x0  }
0x565: {  	[sflag:s12] =	ssyncadd.s32 $0xFFFFD800  }
0x566: {  	[spmem:s3] =	stream.indirect.scatter.add.f32 [tilespmem:s8], [sflag:$0x5], $0x80, s2, s6, $0xb8;
	[tilespmem:$0x1F000] =	vst v63  }
0x567: {  	_ =	swait.ge [sflag:s11], $0x2800  }
0x568: {  	s4 =	sld [smem:$0x7EB]  }
0x569: {  	[sflag:s11] =	ssyncset.done $0x0  }
0x56a: {  	[sflag:s11] =	ssyncadd.s32 $0xFFFFD800  }
0x56b: {  	[tilespmem:s7], [sflag:$0x1] =	stream.indirect.gather [hbm4b:s9+s6], $0x80, s4, s6, $0xb8;
	[tilespmem:$0x1F000] =	vst v63  }
0x56c: {  	_ =	swait.ge [sflag:s15], $0x2800  }
0x56d: {  	s5 =	sld [smem:$0x7EC]  }
0x56e: {  	[sflag:s15] =	ssyncset.done $0x0  }
0x56f: {  	[sflag:s15] =	ssyncadd.s32 $0xFFFFD800  }
0x570: {  	[spmem:s3] =	stream.indirect.scatter.add.f32 [tilespmem:s14], [sflag:$0x6], $0x80, s5, s6, $0xb8;
	[tilespmem:$0x1F000] =	vst v63  }
0x571: {  	_ =	swait.ge [sflag:s13], $0x2800  }
0x572: {  	s17 =	sld [smem:$0x7ED]  }
0x573: {  	[sflag:s13] =	ssyncset.done $0x0  }
0x574: {  	[sflag:s13] =	ssyncadd.s32 $0xFFFFD800  }
0x575: {  	[tilespmem:s8], [sflag:$0x2] =	stream.indirect.gather [hbm4b:s9+s6], $0x80, s17, s6, $0xb8;
	[tilespmem:$0x1F000] =	vst v63  }
0x576: {  	_ =	swait.ge [sflag:s10], $0x2800  }
0x577: {  	s18 =	sld [smem:$0x7EE]  }
0x578: {  	[sflag:s10] =	ssyncset.done $0x0  }
0x579: {  	[sflag:s10] =	ssyncadd.s32 $0xFFFFD800  }
0x57a: {  	[spmem:s3] =	stream.indirect.scatter.add.f32 [tilespmem:s7], [sflag:$0x4], $0x80, s18, s6, $0xb8;
	[tilespmem:$0x1F000] =	vst v63  }
0x57b: {  	_ =	swait.ge [sflag:s16], $0x2800  }
0x57c: {  	s19 =	sld [smem:$0x7EF]  }
0x57d: {  	[sflag:s16] =	ssyncset.done $0x0  }
0x57e: {  	[sflag:s16] =	ssyncadd.s32 $0xFFFFD800  }
0x57f: {  	[tilespmem:s14], [sflag:$0x3] =	stream.indirect.gather [hbm4b:s9+s6], $0x80, s19, s6, $0xb8;
	[tilespmem:$0x1F000] =	vst v63  }
0x580: {  	_ =	swait.ge [sflag:s12], $0x2800  }
0x581: {  	s2 =	sld [smem:$0x7F0]  }
0x582: {  	[sflag:s12] =	ssyncset.done $0x0  }
0x583: {  	[sflag:s12] =	ssyncadd.s32 $0xFFFFD800  }
0x584: {  	[spmem:s3] =	stream.indirect.scatter.add.f32 [tilespmem:s8], [sflag:$0x5], $0x80, s2, s6, $0xb8;
	[tilespmem:$0x1F000] =	vst v63  }
0x585: {  	_ =	swait.ge [sflag:s11], $0x2800  }
0x586: {  	s4 =	sld [smem:$0x7F1]  }
0x587: {  	[sflag:s11] =	ssyncset.done $0x0  }
0x588: {  	[sflag:s11] =	ssyncadd.s32 $0xFFFFD800  }
0x589: {  	[tilespmem:s7], [sflag:$0x1] =	stream.indirect.gather [hbm4b:s9+s6], $0x80, s4, s6, $0xb8;
	[tilespmem:$0x1F000] =	vst v63  }
0x58a: {  	_ =	swait.ge [sflag:s15], $0x2800  }
0x58b: {  	s5 =	sld [smem:$0x7F2]  }
0x58c: {  	[sflag:s15] =	ssyncset.done $0x0  }
0x58d: {  	[sflag:s15] =	ssyncadd.s32 $0xFFFFD800  }
0x58e: {  	[spmem:s3] =	stream.indirect.scatter.add.f32 [tilespmem:s14], [sflag:$0x6], $0x80, s5, s6, $0xb8;
	[tilespmem:$0x1F000] =	vst v63  }
0x58f: {  	_ =	swait.ge [sflag:s13], $0x2800  }
0x590: {  	s17 =	sld [smem:$0x7F3]  }
0x591: {  	[sflag:s13] =	ssyncset.done $0x0  }
0x592: {  	[sflag:s13] =	ssyncadd.s32 $0xFFFFD800  }
0x593: {  	[tilespmem:s8], [sflag:$0x2] =	stream.indirect.gather [hbm4b:s9+s6], $0x80, s17, s6, $0xb8;
	[tilespmem:$0x1F000] =	vst v63  }
0x594: {  	_ =	swait.ge [sflag:s10], $0x2800  }
0x595: {  	s18 =	sld [smem:$0x7F4]  }
0x596: {  	[sflag:s10] =	ssyncset.done $0x0  }
0x597: {  	[sflag:s10] =	ssyncadd.s32 $0xFFFFD800  }
0x598: {  	[spmem:s3] =	stream.indirect.scatter.add.f32 [tilespmem:s7], [sflag:$0x4], $0x80, s18, s6, $0xb8;
	[tilespmem:$0x1F000] =	vst v63  }
0x599: {  	_ =	swait.ge [sflag:s16], $0x2800  }
0x59a: {  	s19 =	sld [smem:$0x7F5]  }
0x59b: {  	[sflag:s16] =	ssyncset.done $0x0  }
0x59c: {  	[sflag:s16] =	ssyncadd.s32 $0xFFFFD800  }
0x59d: {  	[tilespmem:s14], [sflag:$0x3] =	stream.indirect.gather [hbm4b:s9+s6], $0x80, s19, s6, $0xb8;
	[tilespmem:$0x1F000] =	vst v63  }
0x59e: {  	_ =	swait.ge [sflag:s12], $0x2800  }
0x59f: {  	s2 =	sld [smem:$0x7F6]  }
0x5a0: {  	[sflag:s12] =	ssyncset.done $0x0  }
0x5a1: {  	[sflag:s12] =	ssyncadd.s32 $0xFFFFD800  }
0x5a2: {  	[spmem:s3] =	stream.indirect.scatter.add.f32 [tilespmem:s8], [sflag:$0x5], $0x80, s2, s6, $0xb8;
	[tilespmem:$0x1F000] =	vst v63  }
0x5a3: {  	_ =	swait.ge [sflag:s11], $0x2800  }
0x5a4: {  	s4 =	sld [smem:$0x7F7]  }
0x5a5: {  	[sflag:s11] =	ssyncset.done $0x0  }
0x5a6: {  	[sflag:s11] =	ssyncadd.s32 $0xFFFFD800  }
0x5a7: {  	[tilespmem:s7], [sflag:$0x1] =	stream.indirect.gather [hbm4b:s9+s6], $0x80, s4, s6, $0xb8;
	[tilespmem:$0x1F000] =	vst v63  }
0x5a8: {  	_ =	swait.ge [sflag:s15], $0x2800  }
0x5a9: {  	s5 =	sld [smem:$0x7F8]  }
0x5aa: {  	[sflag:s15] =	ssyncset.done $0x0  }
0x5ab: {  	[sflag:s15] =	ssyncadd.s32 $0xFFFFD800  }
0x5ac: {  	[spmem:s3] =	stream.indirect.scatter.add.f32 [tilespmem:s14], [sflag:$0x6], $0x80, s5, s6, $0xb8;
	[tilespmem:$0x1F000] =	vst v63  }
0x5ad: {  	_ =	swait.ge [sflag:s13], $0x2800  }
0x5ae: {  	s17 =	sld [smem:$0x7F9]  }
0x5af: {  	[sflag:s13] =	ssyncset.done $0x0  }
0x5b0: {  	[sflag:s13] =	ssyncadd.s32 $0xFFFFD800  }
0x5b1: {  	[tilespmem:s8], [sflag:$0x2] =	stream.indirect.gather [hbm4b:s9+s6], $0x80, s17, s6, $0xb8;
	[tilespmem:$0x1F000] =	vst v63  }
0x5b2: {  	_ =	swait.ge [sflag:s10], $0x2800  }
0x5b3: {  	s18 =	sld [smem:$0x7FA]  }
0x5b4: {  	[sflag:s10] =	ssyncset.done $0x0  }
0x5b5: {  	[sflag:s10] =	ssyncadd.s32 $0xFFFFD800  }
0x5b6: {  	[spmem:s3] =	stream.indirect.scatter.add.f32 [tilespmem:s7], [sflag:$0x4], $0x80, s18, s6, $0xb8;
	[tilespmem:$0x1F000] =	vst v63  }
0x5b7: {  	_ =	swait.ge [sflag:s16], $0x2800  }
0x5b8: {  	s19 =	sld [smem:$0x7FB]  }
0x5b9: {  	[sflag:s16] =	ssyncset.done $0x0  }
0x5ba: {  	[sflag:s16] =	ssyncadd.s32 $0xFFFFD800  }
0x5bb: {  	[tilespmem:s14], [sflag:$0x3] =	stream.indirect.gather [hbm4b:s9+s6], $0x80, s19, s6, $0xb8;
	[tilespmem:$0x1F000] =	vst v63  }
0x5bc: {  	_ =	swait.ge [sflag:s12], $0x2800  }
0x5bd: {  	[sflag:s12] =	ssyncset.done $0x0  }
0x5be: {  	[sflag:s12] =	ssyncadd.s32 $0xFFFFD800  }
0x5bf: {  	[spmem:s3] =	stream.indirect.scatter.add.f32 [tilespmem:s8], [sflag:$0x5], $0x80, s20, s6, $0xb8;
	[tilespmem:$0x1F000] =	vst v63  }
0x5c0: {  	_ =	swait.ge [sflag:s11], $0x2800  }
0x5c1: {  	[sflag:s11] =	ssyncset.done $0x0  }
0x5c2: {  	[sflag:s11] =	ssyncadd.s32 $0xFFFFD800  }
0x5c3: {  	[tilespmem:s7], [sflag:$0x1] =	stream.indirect.gather [hbm4b:s9+s6], $0x80, s21, s6, $0xb8;
	[tilespmem:$0x1F000] =	vst v63  }
0x5c4: {  	_ =	swait.ge [sflag:s15], $0x2800  }
0x5c5: {  	[sflag:s15] =	ssyncset.done $0x0  }
0x5c6: {  	[sflag:s15] =	ssyncadd.s32 $0xFFFFD800  }
0x5c7: {  	[spmem:s3] =	stream.indirect.scatter.add.f32 [tilespmem:s14], [sflag:$0x6], $0x80, s22, s6, $0xb8;
	[tilespmem:$0x1F000] =	vst v63  }
0x5c8: {  	_ =	swait.ge [sflag:s13], $0x2800  }
0x5c9: {  	[sflag:s13] =	ssyncset.done $0x0  }
0x5ca: {  	[sflag:s13] =	ssyncadd.s32 $0xFFFFD800  }
0x5cb: {  	[tilespmem:s8], [sflag:$0x2] =	stream.indirect.gather [hbm4b:s9+s6], $0x80, s23, s6, $0xb8;
	[tilespmem:$0x1F000] =	vst v63  }
0x5cc: {  	_ =	swait.ge [sflag:s10], $0x2800  }
0x5cd: {  	[sflag:s10] =	ssyncset.done $0x0  }
0x5ce: {  	[sflag:s10] =	ssyncadd.s32 $0xFFFFD800  }
0x5cf: {  	[spmem:s3] =	stream.indirect.scatter.add.f32 [tilespmem:s7], [sflag:$0x4], $0x80, s25, s6, $0xb8;
	[tilespmem:$0x1F000] =	vst v63  }
0x5d0: {  	_ =	swait.ge [sflag:s16], $0x2800  }
0x5d1: {  	[sflag:s16] =	ssyncset.done $0x0  }
0x5d2: {  	[sflag:s16] =	ssyncadd.s32 $0xFFFFD800  }
0x5d3: {  	[tilespmem:s14], [sflag:$0x3] =	stream.indirect.gather [hbm4b:s9+s6], $0x80, s26, s6, $0xb8;
	[tilespmem:$0x1F000] =	vst v63  }
0x5d4: {  	_ =	swait.ge [sflag:s12], $0x2800  }
0x5d5: {  	[sflag:s12] =	ssyncset.done $0x0  }
0x5d6: {  	[sflag:s12] =	ssyncadd.s32 $0xFFFFD800  }
0x5d7: {  	[spmem:s3] =	stream.indirect.scatter.add.f32 [tilespmem:s8], [sflag:$0x5], $0x80, s28, s6, $0xb8;
	[tilespmem:$0x1F000] =	vst v63  }
0x5d8: {  	_ =	swait.ge [sflag:s11], $0x2800  }
0x5d9: {  	[sflag:s11] =	ssyncset.done $0x0  }
0x5da: {  	[sflag:s11] =	ssyncadd.s32 $0xFFFFD800  }
0x5db: {  	[tilespmem:s7], [sflag:$0x1] =	stream.indirect.gather [hbm4b:s9+s6], $0x80, s29, s6, $0xb8;
	[tilespmem:$0x1F000] =	vst v63  }
0x5dc: {  	_ =	swait.ge [sflag:s15], $0x2800  }
0x5dd: {  	[sflag:s15] =	ssyncset.done $0x0  }
0x5de: {  	[sflag:s15] =	ssyncadd.s32 $0xFFFFD800  }
0x5df: {  	[spmem:s3] =	stream.indirect.scatter.add.f32 [tilespmem:s14], [sflag:$0x6], $0x80, s30, s6, $0xb8;
	[tilespmem:$0x1F000] =	vst v63  }
0x5e0: {  	_ =	swait.ge [sflag:s13], $0x2800  }
0x5e1: {  	[sflag:s13] =	ssyncset.done $0x0  }
0x5e2: {  	[sflag:s13] =	ssyncadd.s32 $0xFFFFD800  }
0x5e3: {  	[tilespmem:s8], [sflag:$0x2] =	stream.indirect.gather [hbm4b:s9+s6], $0x80, s0, s6, $0xb8;
	[tilespmem:$0x1F000] =	vst v63  }
0x5e4: {  	_ =	swait.ge [sflag:s10], $0x2800  }
0x5e5: {  	[sflag:s10] =	ssyncset.done $0x0  }
0x5e6: {  	[sflag:s10] =	ssyncadd.s32 $0xFFFFD800  }
0x5e7: {  	[spmem:s3] =	stream.indirect.scatter.add.f32 [tilespmem:s7], [sflag:$0x4], $0x80, s24, s6, $0xb8;
	[tilespmem:$0x1F000] =	vst v63  }
0x5e8: {  	_ =	swait.ge [sflag:s12], $0x2800  }
0x5e9: {  	[sflag:s12] =	ssyncset.done $0x0  }
0x5ea: {  	[sflag:s12] =	ssyncadd.s32 $0xFFFFD800  }
0x5eb: {  	[spmem:s3] =	stream.indirect.scatter.add.f32 [tilespmem:s8], [sflag:$0x5], $0x80, s31, s6, $0xb8;
	[tilespmem:$0x1F000] =	vst v63  }
0x5ec: {  	_ =	swait.ge [sflag:s16], $0x2800  }
0x5ed: {  	[sflag:s16] =	ssyncset.done $0x0  }
0x5ee: {  	[sflag:s16] =	ssyncadd.s32 $0xFFFFD800  }
0x5ef: {  	_ =	swait.ge [sflag:s11], $0x2800  }
0x5f0: {  	[sflag:s11] =	ssyncset.done $0x0  }
0x5f1: {  	[sflag:s11] =	ssyncadd.s32 $0xFFFFD800  }
0x5f2: {  	_ =	swait.ge [sflag:s13], $0x2800  }
0x5f3: {  	[sflag:s13] =	ssyncset.done $0x0  }
0x5f4: {  	[sflag:s13] =	ssyncadd.s32 $0xFFFFD800  }
0x5f5: {  	[bflag:$0x0] =	sbarrier.arrive $0xFFFF  }
0x5f6: {  	s1 =	sld [smem:$0x7BC]  }
0x5f7: {  	s2 =	sld [smem:$0x7FD];
	_ =	sdelay $0x1  }
0x5f8: {  	s0 =	simm.s32 @p0 $0x1FC7  }
0x5f9: {  	[hbm:s2], [sflag:s0] =	dma.local @p0 [spmem:s1], $0x1900  }
0x5fa: {  	s0 =	simm.s32 @p0 $0x7  }
0x5fb: {  	_ =	swait.ge @p0 [sflag:s0], $0x1900  }
0x5fc: {  	s1 =	sld [smem:$0x7BE]  }
0x5fd: {  	[sflag:s0] =	ssyncset.done @p0 $0x0;
	s2 =	sld [smem:$0x7FC]  }
0x5fe: {  	[sflag:s0] =	ssyncadd.s32 @p0 $0xFFFFE700;
	s0 =	sld [smem:$0x7BD];
	_ =	sdelay $0x2  }
0x5ff: {  	[hbm:s2], [sflag:s0] =	dma.local @!p0 [spmem:s1], $0x2800  }
0x600: {  	s0 =	simm.s32 @!p0 $0x7  }
0x601: {  	_ =	swait.ge @!p0 [sflag:s0], $0x2800  }
0x602: {  	[sflag:s0] =	ssyncset.done @!p0 $0x0  }
0x603: {  	[sflag:s0] =	ssyncadd.s32 @!p0 $0xFFFFD800  }
0x604: {  	_ =	sfence.sel $0x180000  }
0x605: {  	[bflag:$0x0] =	sbarrier.arrive $0xFFFF  }
0x606: {  	_ =	strace $0x90000047  }
0x607: {  	s31 =	stileid.u32;
	[bflag:$0x2] =	sbarrier.arrive $0xFFFF  }
0x608: {  	p0 =	sne.s32 s31, $0x0;
	s0 =	rddreg [dreg:$0x4]  }
0x609: {  	s0 =	sadd.s32 @!p0 $0x100000, s0  }
0x60a: {  	[sflag:s0] =	ssyncadd.tile.s32 @!p0 $0x1;
	_ =	shalt  }
.Lfunc_end2:
_tile_overlayer_lowered:
.L_overlay_start_2:
0x60b: {  	(tag) =	ssettag $0x2  }
0x60c: {  	s0 =	rddreg [dreg:$0x0];
	s2 =	stileid.u32  }
0x60d: {  	s1 =	rddreg [dreg:$0x1];
	p0 =	sne.s32 s2, $0x0  }
0x60e: {  	s3 =	rddreg [dreg:$0x2];
	[bflag:$0x3] =	sbarrier.arrive $0xFFFF;
	s2 =	simm.s32 @!p0 $0x1C07  }
0x60f: {  	[timem:s3], [sflag:s2] =	dma.local @!p0 [hbm:s0], s1  }
0x610: {  	s0 =	simm.s32 @!p0 $0x7  }
0x611: {  	_ =	swait.ge @!p0 [sflag:s0], s1  }
0x612: {  	s1 =	ssub.s32 @!p0 $0x0, s1;
	[sflag:s0] =	ssyncset.done @!p0 $0x0  }
0x613: {  	[sflag:s0] =	ssyncadd.s32 @!p0 s1  }
0x614: {  	[bflag:$0x3] =	sbarrier.arrive $0xFFFF  }
0x615: {  	_ =	shalt  }

</sc_bundles>
